<compile_context>
chip_gen: v7x
topology: tpu7x:2x2x1
jax: 0.10.2.dev20260603
libtpu: 0.0.44.dev20260713+nightly
codegen_flags: <defaults>
</compile_context>

<pallas_src>
import functools
import numpy as np
import jax
import jax.numpy as jnp
from jax import lax
from jax.experimental import pallas as pl
from jax.experimental.pallas import tpu as pltpu
from jax.experimental.pallas import tpu_sc as plsc

_N = 10000
_E = 160000
_H = 64
_NRBF = 32
_CUT = 5.0
_EP = 163840
_EB = 1024
_NB = 1000
_NCHUNK = 80

_f32 = jnp.float32
_i32 = jnp.int32


def _prep_body(az_ref, emb_ref, wlt_ref, wrt_ref, czl_ref, czr_ref):
    az = az_ref[...]
    oh = (az == lax.broadcasted_iota(_i32, (_N, 100), 1)).astype(_f32)
    zi = jnp.dot(oh, emb_ref[...], preferred_element_type=_f32)
    czl_ref[...] = jnp.dot(zi, wlt_ref[...], preferred_element_type=_f32)
    czr_ref[...] = jnp.dot(zi, wrt_ref[...], preferred_element_type=_f32)


def _prep_call(az, emb, wlt, wrt):
    return pl.pallas_call(
        _prep_body,
        out_shape=[jax.ShapeDtypeStruct((_N, _H), _f32)] * 2,
    )(az, emb, wlt, wrt)


@functools.cache
def _sc_mesh():
    return plsc.VectorSubcoreMesh(core_axis_name="c", subcore_axis_name="s")


_GB = _EP // 32 // 128


@functools.cache
def _gather_kernel():
    @functools.partial(
        pl.kernel,
        mesh=_sc_mesh(),
        compiler_params=pltpu.CompilerParams(use_tc_tiling_on_sc=False),
        out_type=[jax.ShapeDtypeStruct((_EP, _H), _f32)] * 2,
        scratch_types=[
            pltpu.VMEM((_GB, 128), _i32),
            pltpu.VMEM((_GB, 128), _i32),
            pltpu.VMEM((4, 128, _H), _f32),
            pltpu.VMEM((4, 128, _H), _f32),
            pltpu.SemaphoreType.DMA((4,)),
            pltpu.SemaphoreType.DMA((4,)),
            pltpu.SemaphoreType.DMA((4,)),
            pltpu.SemaphoreType.DMA((4,)),
        ],
    )
    def gather_k(czl_hbm, czr_hbm, src_hbm, dst_hbm, ol_hbm, or_hbm,
                 isrc, idst, bl, br, sgl, sgr, swl, swr):
        wid = lax.axis_index("s") * 2 + lax.axis_index("c")
        base = wid * (_EP // 32)
        pltpu.sync_copy(src_hbm.at[pl.ds(wid * _GB, _GB), :], isrc)
        pltpu.sync_copy(dst_hbm.at[pl.ds(wid * _GB, _GB), :], idst)

        def fetch(i, b):
            pltpu.async_copy(czl_hbm.at[isrc.at[i]], bl.at[b], sgl.at[b])
            pltpu.async_copy(czr_hbm.at[idst.at[i]], br.at[b], sgr.at[b])

        def wait_fetch(i, b):
            pltpu.make_async_copy(czl_hbm.at[isrc.at[i]], bl.at[b], sgl.at[b]).wait()
            pltpu.make_async_copy(czr_hbm.at[idst.at[i]], br.at[b], sgr.at[b]).wait()

        def put(i, b):
            e0 = base + i * 128
            pltpu.async_copy(bl.at[b], ol_hbm.at[pl.ds(e0, 128)], swl.at[b])
            pltpu.async_copy(br.at[b], or_hbm.at[pl.ds(e0, 128)], swr.at[b])

        def wait_put(i, b):
            e0 = base + i * 128
            pltpu.make_async_copy(bl.at[b], ol_hbm.at[pl.ds(e0, 128)], swl.at[b]).wait()
            pltpu.make_async_copy(br.at[b], or_hbm.at[pl.ds(e0, 128)], swr.at[b]).wait()

        for b in range(4):
            fetch(b, b)

        def step(g, carry):
            for b in range(4):
                i = 4 * g + b
                wait_fetch(i, b)
                put(i, b)
                wait_put(i, b)

                @pl.when(i + 4 < _GB)
                def _next():
                    fetch(i + 4, b)
            return carry

        lax.fori_loop(0, _GB // 4, step, 0)

    return gather_k


def _gather_call(czl, czr, src2d, dst2d):
    return _gather_kernel()(czl, czr, src2d, dst2d)


_RBF_START = float(np.exp(-_CUT))
_RBF_MEANS = np.linspace(_RBF_START, 1.0, _NRBF, dtype=np.float32)[None, :]
_RBF_BETA = float(((2.0 / _NRBF) * (1.0 - _RBF_START)) ** -2)


def _edge_body(zl_ref, zr_ref, gt_ref, meansb_ref, wwide_ref, bwide_ref,
               bijr_ref, sel_ref, msg_ref, rfv_ref):
    gt = gt_ref[0]
    d = gt[0:1]
    inv = 1.0 / d
    rc = jnp.where(d < _CUT, 0.5 * (jnp.cos((np.pi / _CUT) * d) + 1.0), 0.0)
    v = gt[1:4] * inv
    rv = v * rc
    ft = jnp.concatenate(
        [rc, rv,
         rv[0:1] * v[0:1], rv[1:2] * v[1:2], rv[2:3] * v[2:3],
         rv[0:1] * v[1:2], rv[0:1] * v[2:3], rv[1:2] * v[2:3]], axis=0)
    xb = jnp.broadcast_to(jnp.exp(-d), (_NRBF, _EB))
    arg = xb - meansb_ref[...]
    rfvT = jnp.exp(-_RBF_BETA * arg * arg) * jnp.broadcast_to(rc, (_NRBF, _EB))
    rfv_ref[...] = rfvT.T
    dimn = (((0,), (0,)), ((), ()))
    projw = lax.dot_general(rfvT, wwide_ref[...], dimn,
                            preferred_element_type=_f32) + bwide_ref[...]
    zsb = zl_ref[...] + zr_ref[...] + bijr_ref[...]
    z2 = jnp.concatenate([zsb, zsb], axis=1)
    fth = ft.astype(jnp.bfloat16).astype(_f32)
    ftl = ft - fth
    fb = (lax.dot_general(fth, sel_ref[...], dimn, preferred_element_type=_f32)
          + lax.dot_general(ftl, sel_ref[...], dimn, preferred_element_type=_f32))
    msg = projw * fb
    for k in range(5):
        msg_ref[:, k * 128:(k + 1) * 128] = msg[:, k * 128:(k + 1) * 128] * z2


def _edge_call(zl, zr, geomt, meansb, wwide, bwide, bijr, selm):
    nblk = _EP // _EB
    full = lambda s: pl.BlockSpec(s, lambda i: tuple(0 for _ in s))
    return pl.pallas_call(
        _edge_body,
        grid=(nblk,),
        in_specs=[
            pl.BlockSpec((_EB, _H), lambda i: (i, 0)),
            pl.BlockSpec((_EB, _H), lambda i: (i, 0)),
            pl.BlockSpec((1, 4, _EB), lambda i: (i, 0, 0)),
            full((_NRBF, _EB)),
            full((_NRBF, 640)), full((1, 640)), full((1, _H)),
            full((10, 640)),
        ],
        out_specs=[
            pl.BlockSpec((_EB, 640), lambda i: (i, 0)),
            pl.BlockSpec((_EB, _NRBF), lambda i: (i, 0)),
        ],
        out_shape=[
            jax.ShapeDtypeStruct((_EP, 640), _f32),
            jax.ShapeDtypeStruct((_EP, _NRBF), _f32),
        ],
    )(zl, zr, geomt, meansb, wwide, bwide, bijr, selm)


@functools.cache
def _scatter_kernel():
    @functools.partial(
        pl.kernel,
        mesh=_sc_mesh(),
        compiler_params=pltpu.CompilerParams(use_tc_tiling_on_sc=False),
        out_type=jax.ShapeDtypeStruct((_N, 640), _f32),
        scratch_types=[
            pltpu.VMEM((_EP // 16 // 128, 128), _i32),
            pltpu.VMEM((4, 128, _NCHUNK), _f32),
            pltpu.VMEM((125, _NCHUNK), _f32),
            pltpu.VMEM_SHARED((_N, _NCHUNK), _f32),
            pltpu.SemaphoreType.DMA((4,)),
        ],
    )
    def scatter_k(msg_hbm, src_hbm, out_hbm, idx2d, mbuf, zbuf, acc_sp, sf):
        cid = lax.axis_index("c")
        sid = lax.axis_index("s")
        nblk = _EP // 16 // 128
        pltpu.sync_copy(src_hbm.at[pl.ds(sid * nblk, nblk), :], idx2d)

        def zrow(i, carry):
            def zcol(j, c2):
                zbuf[i, pl.ds(j * 16, 16)] = jnp.zeros((16,), _f32)
                return c2
            return lax.fori_loop(0, _NCHUNK // 16, zcol, carry)

        lax.fori_loop(0, 125, zrow, 0)

        for k in range(4):
            chunk = cid * 4 + k
            c0 = chunk * _NCHUNK

            def zacc(t, carry):
                pltpu.sync_copy(zbuf, acc_sp.at[pl.ds(sid * 625 + t * 125, 125), :])
                return carry

            lax.fori_loop(0, 5, zacc, 0)
            plsc.subcore_barrier()

            def fetch(i, b):
                e0 = sid * (_EP // 16) + i * 128
                pltpu.async_copy(msg_hbm.at[pl.ds(e0, 128), pl.ds(c0, _NCHUNK)],
                                 mbuf.at[b], sf.at[b])

            def wait_fetch(i, b):
                e0 = sid * (_EP // 16) + i * 128
                pltpu.make_async_copy(
                    msg_hbm.at[pl.ds(e0, 128), pl.ds(c0, _NCHUNK)],
                    mbuf.at[b], sf.at[b]).wait()

            for b in range(4):
                fetch(b, b)

            def step(g, carry):
                for b in range(4):
                    i = 4 * g + b
                    wait_fetch(i, b)
                    pltpu.sync_copy(mbuf.at[b], acc_sp.at[idx2d.at[i]], add=True)

                    @pl.when(i + 4 < nblk)
                    def _next():
                        fetch(i + 4, b)
                return carry

            lax.fori_loop(0, nblk // 4, step, 0)
            plsc.subcore_barrier()
            pltpu.sync_copy(acc_sp.at[pl.ds(sid * 625, 625), :],
                            out_hbm.at[pl.ds(sid * 625, 625), pl.ds(c0, _NCHUNK)])
            plsc.subcore_barrier()

    return scatter_k


def _scatter_call(msg, src_p):
    return _scatter_kernel()(msg, src_p)


def _slice_body(src_ref, out_ref):
    out_ref[...] = src_ref[...]


def _slice_call(rfv_p):
    sb = 1280
    return pl.pallas_call(
        _slice_body,
        grid=(_E // sb,),
        in_specs=[pl.BlockSpec((sb, _NRBF), lambda i: (i, 0))],
        out_specs=pl.BlockSpec((sb, _NRBF), lambda i: (i, 0)),
        out_shape=jax.ShapeDtypeStruct((_E, _NRBF), _f32),
    )(rfv_p)


def _node_body(acc_ref, ws0t_ref, bs0_ref, ws1t_ref, bs1_ref,
               wt0t_ref, wt1t_ref, wt2t_ref, lng_ref, lnb_ref, *out_refs):
    acc = acc_ref[...]
    cs = [acc[:, i * _H:(i + 1) * _H] for i in range(10)]
    sI, a0, a1, a2, q0, q1, q2, q3, q4, q5 = cs
    trq = q0 + q1 + q2
    norm = (3.0 * sI * sI + 2.0 * (a0 * a0 + a1 * a1 + a2 * a2)
            + q0 * q0 + q1 * q1 + q2 * q2
            + 2.0 * (q3 * q3 + q4 * q4 + q5 * q5) - trq * trq * (1.0 / 3.0))
    mu = jnp.mean(norm, axis=1, keepdims=True)
    var = jnp.mean((norm - mu) ** 2, axis=1, keepdims=True)
    ln = (norm - mu) * lax.rsqrt(var + 1e-5) * lng_ref[...] + lnb_ref[...]
    h1 = jnp.dot(ln, ws0t_ref[...], preferred_element_type=_f32) + bs0_ref[...]
    h1 = h1 * jax.nn.sigmoid(h1)
    h2 = jnp.dot(h1, ws1t_ref[...], preferred_element_type=_f32) + bs1_ref[...]
    h2 = h2 * jax.nn.sigmoid(h2)
    n0, n1, n2 = h2[:, :_H], h2[:, _H:2 * _H], h2[:, 2 * _H:]
    mm = lambda a, w: jnp.dot(a, w, preferred_element_type=_f32)
    sIp = mm(sI, wt0t_ref[...]) * n0
    a0p = mm(a0, wt1t_ref[...]) * n1
    a1p = mm(a1, wt1t_ref[...]) * n1
    a2p = mm(a2, wt1t_ref[...]) * n1
    q0p = mm(q0, wt2t_ref[...]) * n2
    q1p = mm(q1, wt2t_ref[...]) * n2
    q2p = mm(q2, wt2t_ref[...]) * n2
    q3p = mm(q3, wt2t_ref[...]) * n2
    q4p = mm(q4, wt2t_ref[...]) * n2
    q5p = mm(q5, wt2t_ref[...]) * n2
    tr3 = (q0p + q1p + q2p) * (1.0 / 3.0)
    vals = [sIp + q0p - tr3, q3p - a2p, q4p + a1p,
            q3p + a2p, sIp + q1p - tr3, q5p - a0p,
            q4p - a1p, q5p + a0p, sIp + q2p - tr3]
    for r, x in zip(out_refs, vals):
        r[...] = x


def _node_call(acc, ws0t, bs0, ws1t, bs1, wt0t, wt1t, wt2t, lng, lnb):
    nblk = _N // _NB
    full = lambda s: pl.BlockSpec(s, lambda i: (0, 0))
    return pl.pallas_call(
        _node_body,
        grid=(nblk,),
        in_specs=[
            pl.BlockSpec((_NB, 640), lambda i: (i, 0)),
            full((_H, 2 * _H)), full((1, 2 * _H)),
            full((2 * _H, 3 * _H)), full((1, 3 * _H)),
            full((_H, _H)), full((_H, _H)), full((_H, _H)),
            full((1, _H)), full((1, _H)),
        ],
        out_specs=[pl.BlockSpec((_NB, _H), lambda i: (i, 0))] * 9,
        out_shape=[jax.ShapeDtypeStruct((_N, _H), _f32)] * 9,
    )(acc, ws0t, bs0, ws1t, bs1, wt0t, wt1t, wt2t, lng, lnb)


def kernel(atomic_numbers, pair_indices, r_ij, d_ij, emb, W_ij, b_ij,
           W_I, b_I, W_A, b_A, W_S, b_S, Wt0, Wt1, Wt2, Ws0, bs0, Ws1, bs1,
           ln_g, ln_b):
    az = atomic_numbers.astype(_i32).reshape(_N, 1)
    src = pair_indices[0].astype(_i32)
    dst = pair_indices[1].astype(_i32)
    pad = _EP - _E
    src_p = jnp.concatenate([src, jnp.zeros((pad,), _i32)]).reshape(_EP // 128, 128)
    dst_p = jnp.concatenate([dst, jnp.zeros((pad,), _i32)]).reshape(_EP // 128, 128)
    geom = jnp.concatenate([d_ij.astype(_f32), r_ij.astype(_f32)], axis=1)
    geom_pad = jnp.concatenate(
        [jnp.full((pad, 1), 6.0, _f32), jnp.zeros((pad, 3), _f32)], axis=1)
    geom_p = jnp.concatenate([geom, geom_pad], axis=0)
    geomt = geom_p.T.reshape(4, _EP // _EB, _EB).transpose(1, 0, 2)

    wlt = W_ij[:, :_H].T
    wrt = W_ij[:, _H:].T
    czl, czr = _prep_call(az, emb, wlt, wrt)
    zl, zr = _gather_call(czl, czr, src_p, dst_p)

    row = lambda b: b.reshape(1, -1)
    meansb = jnp.broadcast_to(jnp.asarray(_RBF_MEANS).reshape(_NRBF, 1),
                              (_NRBF, _EB)) + jnp.zeros((_NRBF, _EB), _f32)
    wwide = jnp.concatenate([W_I.T] + [W_A.T] * 3 + [W_S.T] * 6, axis=1)
    bwide = jnp.concatenate([b_I] + [b_A] * 3 + [b_S] * 6).reshape(1, 640)
    selm = jnp.asarray(np.kron(np.eye(10, dtype=np.float32),
                               np.ones((1, _H), np.float32)))
    msg, rfv_p = _edge_call(zl, zr, geomt, meansb, wwide, bwide,
                            row(b_ij), selm)
    acc = _scatter_call(msg, src_p)

    perm = np.arange(3 * _H).reshape(_H, 3).T.reshape(-1)
    ws1p = Ws1[perm]
    bs1p = bs1[perm]
    outs = _node_call(acc, Ws0.T, row(bs0), ws1p.T, row(bs1p),
                      Wt0.T, Wt1.T, Wt2.T, row(ln_g), row(ln_b))
    X = jnp.stack(outs, axis=-1).reshape(_N, _H, 3, 3)
    rfv = _slice_call(rfv_p)
    return X, rfv[:, None, :]

# --- scband reference (transcript-rebuilt; emitter-appended) ---
"""Pipeline reference for scband-tensor-net-representation-23630910063039 (READ-ONLY COPY).

The authoritative reference and input builder live on the scoring server;
editing this copy changes nothing except your own understanding.
"""

import jax, jax.numpy as jnp
import numpy as np

N = 10000
E = 160000
H = 64
NRBF = 32
MAXZ = 100
CUT = 5.0
CUTLO = 0.0


def _linear_params(key, fan_in, fan_out, bias=True):
    k1, k2 = jax.random.split(key)
    bound = 1.0 / np.sqrt(fan_in)
    W = jax.random.uniform(k1, (fan_out, fan_in), minval=-bound, maxval=bound, dtype=jnp.float32)
    if bias:
        b = jax.random.uniform(k2, (fan_out,), minval=-bound, maxval=bound, dtype=jnp.float32)
        return W, b
    return W, None


def setup_inputs(seed: int = 0):
    key = jax.random.key(seed)
    ks = jax.random.split(key, 16)
    atomic_numbers = jax.random.randint(ks[0], (N,), 0, MAXZ)
    pair_indices = jax.random.randint(ks[1], (2, E), 0, N)
    r_ij = jax.random.normal(ks[2], (E, 3), dtype=jnp.float32)
    d_ij = jax.random.uniform(ks[3], (E, 1), minval=0.5, maxval=4.9, dtype=jnp.float32)
    emb = jax.random.normal(ks[4], (MAXZ, H), dtype=jnp.float32)
    W_ij, b_ij = _linear_params(ks[5], 2 * H, H)
    W_I, b_I = _linear_params(ks[6], NRBF, H)
    W_A, b_A = _linear_params(ks[7], NRBF, H)
    W_S, b_S = _linear_params(ks[8], NRBF, H)
    Wt0, _ = _linear_params(ks[9], H, H, bias=False)
    Wt1, _ = _linear_params(ks[10], H, H, bias=False)
    Wt2, _ = _linear_params(ks[11], H, H, bias=False)
    Ws0, bs0 = _linear_params(ks[12], H, 2 * H)
    Ws1, bs1 = _linear_params(ks[13], 2 * H, 3 * H)
    ln_g = jnp.ones((H,), dtype=jnp.float32)
    ln_b = jnp.zeros((H,), dtype=jnp.float32)
    return dict(atomic_numbers=atomic_numbers, pair_indices=pair_indices, r_ij=r_ij, d_ij=d_ij,
                emb=emb, W_ij=W_ij, b_ij=b_ij, W_I=W_I, b_I=b_I, W_A=W_A, b_A=b_A,
                W_S=W_S, b_S=b_S, Wt0=Wt0, Wt1=Wt1, Wt2=Wt2, Ws0=Ws0, bs0=bs0,
                Ws1=Ws1, bs1=bs1, ln_g=ln_g, ln_b=ln_b)


def _cosine_cutoff(d):
    return jnp.where(d < CUT, 0.5 * (jnp.cos(jnp.pi * d / CUT) + 1.0), 0.0)


def _rbf(d):
    start = np.exp(-(CUT - CUTLO))
    means = jnp.linspace(start, 1.0, NRBF)
    betas = ((2.0 / NRBF) * (1.0 - start)) ** -2
    alpha = 5.0 / (CUT - CUTLO)
    x = jnp.exp(alpha * (CUTLO - d))
    return jnp.exp(-betas * (x - means) ** 2)


def _silu(x):
    return x * jax.nn.sigmoid(x)


def reference(atomic_numbers, pair_indices, r_ij, d_ij, emb, W_ij, b_ij,
              W_I, b_I, W_A, b_A, W_S, b_S, Wt0, Wt1, Wt2, Ws0, bs0, Ws1, bs1,
              ln_g, ln_b):
    # atomic number message
    zi = jnp.take(emb, atomic_numbers, axis=0)                       # [N, H]
    idx = pair_indices.T.reshape(-1)                                 # [2E] interleaved (i0, j0, i1, j1, ...)
    z_ij = jnp.take(zi, idx, axis=0).reshape(-1, 2 * H) @ W_ij.T + b_ij  # [E, H]
    ane = z_ij[:, :, None, None]                                     # [E, H, 1, 1]

    r_norm = r_ij / d_ij                                             # [E, 3]
    rfv = _rbf(d_ij)                                                 # [E, NRBF]
    rcut = _cosine_cutoff(d_ij)                                      # [E, 1]
    rfv = (rfv * rcut)[:, None, :]                                   # [E, 1, NRBF]

    C = rcut.reshape(-1, 1, 1, 1) * ane                              # [E, H, 1, 1]
    eye = jnp.eye(3, dtype=r_ij.dtype)

    projI = (rfv @ W_I.T + b_I).transpose(0, 2, 1)[..., None]        # [E, H, 1, 1]
    projA = (rfv @ W_A.T + b_A).transpose(0, 2, 1)[..., None]
    projS = (rfv @ W_S.T + b_S).transpose(0, 2, 1)[..., None]

    v = r_norm
    zero = jnp.zeros(v.shape[0], dtype=v.dtype)
    skew = jnp.stack([zero, -v[:, 2], v[:, 1],
                      v[:, 2], zero, -v[:, 0],
                      -v[:, 1], v[:, 0], zero], axis=1).reshape(-1, 3, 3)
    outer = v[:, :, None] * v[:, None, :]
    trI = jnp.trace(outer, axis1=-2, axis2=-1) / 3.0
    sym = 0.5 * (outer + outer.transpose(0, 2, 1)) - trI[:, None, None] * eye

    Iij = projI * C * eye[None, None, :, :]                          # [E, H, 3, 3]
    Aij = projA * C * skew[:, None, :, :]
    Sij = projS * C * sym[:, None, :, :]

    src = pair_indices[0]
    I = jax.ops.segment_sum(Iij, src, num_segments=N)                # [N, H, 3, 3]
    A = jax.ops.segment_sum(Aij, src, num_segments=N)
    S = jax.ops.segment_sum(Sij, src, num_segments=N)

    T = I + A + S
    norm = (T ** 2).sum((-2, -1))                                    # [N, H] Frobenius norm^2
    mu = norm.mean(-1, keepdims=True)
    var = norm.var(-1, keepdims=True)
    norm = (norm - mu) / jnp.sqrt(var + 1e-5) * ln_g + ln_b
    norm = _silu(norm @ Ws0.T + bs0)
    norm = _silu(norm @ Ws1.T + bs1)
    norm = norm.reshape(-1, H, 3)

    I = jnp.einsum('nhij,gh->ngij', I, Wt0) * norm[..., 0][:, :, None, None]
    A = jnp.einsum('nhij,gh->ngij', A, Wt1) * norm[..., 1][:, :, None, None]
    S = jnp.einsum('nhij,gh->ngij', S, Wt2) * norm[..., 2][:, :, None, None]
    X = I + A + S
    return X, rfv

if __name__ == "__main__":
    import jax
    _d = setup_inputs()
    print(jax.jit(kernel)(*tuple(_d.values())))

</pallas_src>

<mosaic_0001>
#map = affine_map<(d0, d1) -> (0, 0)>
module attributes {stable_mosaic.version = 14 : i64} {
  func.func @gather_k(%arg0: i32, %arg1: i32, %arg2: memref<10000x64xf32, #tpu.memory_space<hbm>>, %arg3: memref<10000x64xf32, #tpu.memory_space<hbm>>, %arg4: memref<1280x128xi32, #tpu.memory_space<hbm>>, %arg5: memref<1280x128xi32, #tpu.memory_space<hbm>>, %arg6: memref<163840x64xf32, #tpu.memory_space<hbm>>, %arg7: memref<163840x64xf32, #tpu.memory_space<hbm>>, %arg8: memref<40x128xi32, #tpu.memory_space<vmem>>, %arg9: memref<40x128xi32, #tpu.memory_space<vmem>>, %arg10: memref<4x128x64xf32, #tpu.memory_space<vmem>>, %arg11: memref<4x128x64xf32, #tpu.memory_space<vmem>>, %arg12: memref<4x!tpu.dma_semaphore, #tpu.memory_space<semaphore_mem>>, %arg13: memref<4x!tpu.dma_semaphore, #tpu.memory_space<semaphore_mem>>, %arg14: memref<4x!tpu.dma_semaphore, #tpu.memory_space<semaphore_mem>>, %arg15: memref<4x!tpu.dma_semaphore, #tpu.memory_space<semaphore_mem>>) attributes {dimension_semantics = [#tpu.dimension_semantics<core_parallel>, #tpu.dimension_semantics<subcore_parallel>], iteration_bounds = array<i64: 2, 16>, scalar_prefetch = 0 : i64, scratch_operands = 8 : i64, tpu.core_type = #tpu.core_type<sc_vector_subcore>, window_params = [{transform_indices = #map}, {transform_indices = #map}, {transform_indices = #map}, {transform_indices = #map}, {transform_indices = #map}, {transform_indices = #map}]} {
    %mul3A = arith.constant 2 : i32
    %mul3A_0 = arith.muli %arg1, %mul3A : i32
    %add3A = arith.addi %mul3A_0, %arg0 : i32
    %mul3A_1 = arith.constant 5120 : i32
    %mul3A_2 = arith.muli %add3A, %mul3A_1 : i32
    %mul3A_3 = arith.constant 40 : i32
    %mul3A_4 = arith.muli %add3A, %mul3A_3 : i32
    "tpu.region"() ({
      %run_scoped3A = tpu.sem_alloc : memref<!tpu.dma_semaphore, #tpu.memory_space<semaphore_mem>>
      %dma_start3A_131 = arith.constant 0 : i32
      %dma_start3A_132 = tpu.memref_slice %arg4[%mul3A_4, %dma_start3A_131] : memref<1280x128xi32, #tpu.memory_space<hbm>> -> memref<40x128xi32, #tpu.memory_space<hbm>>
      %dma_start3A_133 = arith.constant 0 : i32
      %dma_start3A_134 = tpu.memref_slice %arg4[%mul3A_4, %dma_start3A_133] : memref<1280x128xi32, #tpu.memory_space<hbm>> -> memref<40x128xi32, #tpu.memory_space<hbm>>
      tpu.enqueue_dma source(%dma_start3A_134 : memref<40x128xi32, #tpu.memory_space<hbm>>) target(%arg8 : memref<40x128xi32, #tpu.memory_space<vmem>>) target_semaphore(%run_scoped3A : memref<!tpu.dma_semaphore, #tpu.memory_space<semaphore_mem>>)
      %dma_wait3A = arith.constant 0 : i32
      %dma_wait3A_135 = tpu.memref_slice %arg4[%mul3A_4, %dma_wait3A] : memref<1280x128xi32, #tpu.memory_space<hbm>> -> memref<40x128xi32, #tpu.memory_space<hbm>>
      %dma_wait3A_136 = arith.constant 0 : i32
      %dma_wait3A_137 = tpu.memref_slice %arg4[%mul3A_4, %dma_wait3A_136] : memref<1280x128xi32, #tpu.memory_space<hbm>> -> memref<40x128xi32, #tpu.memory_space<hbm>>
      tpu.wait_dma2 semaphore(%run_scoped3A : memref<!tpu.dma_semaphore, #tpu.memory_space<semaphore_mem>>) src(%dma_wait3A_137 : memref<40x128xi32, #tpu.memory_space<hbm>>) dst(%arg8 : memref<40x128xi32, #tpu.memory_space<vmem>>)
      tpu.yield
    }) : () -> ()
    %mul3A_5 = arith.constant 40 : i32
    %mul3A_6 = arith.muli %add3A, %mul3A_5 : i32
    "tpu.region"() ({
      %run_scoped3A = tpu.sem_alloc : memref<!tpu.dma_semaphore, #tpu.memory_space<semaphore_mem>>
      %dma_start3A_131 = arith.constant 0 : i32
      %dma_start3A_132 = tpu.memref_slice %arg5[%mul3A_6, %dma_start3A_131] : memref<1280x128xi32, #tpu.memory_space<hbm>> -> memref<40x128xi32, #tpu.memory_space<hbm>>
      %dma_start3A_133 = arith.constant 0 : i32
      %dma_start3A_134 = tpu.memref_slice %arg5[%mul3A_6, %dma_start3A_133] : memref<1280x128xi32, #tpu.memory_space<hbm>> -> memref<40x128xi32, #tpu.memory_space<hbm>>
      tpu.enqueue_dma source(%dma_start3A_134 : memref<40x128xi32, #tpu.memory_space<hbm>>) target(%arg9 : memref<40x128xi32, #tpu.memory_space<vmem>>) target_semaphore(%run_scoped3A : memref<!tpu.dma_semaphore, #tpu.memory_space<semaphore_mem>>)
      %dma_wait3A = arith.constant 0 : i32
      %dma_wait3A_135 = tpu.memref_slice %arg5[%mul3A_6, %dma_wait3A] : memref<1280x128xi32, #tpu.memory_space<hbm>> -> memref<40x128xi32, #tpu.memory_space<hbm>>
      %dma_wait3A_136 = arith.constant 0 : i32
      %dma_wait3A_137 = tpu.memref_slice %arg5[%mul3A_6, %dma_wait3A_136] : memref<1280x128xi32, #tpu.memory_space<hbm>> -> memref<40x128xi32, #tpu.memory_space<hbm>>
      tpu.wait_dma2 semaphore(%run_scoped3A : memref<!tpu.dma_semaphore, #tpu.memory_space<semaphore_mem>>) src(%dma_wait3A_137 : memref<40x128xi32, #tpu.memory_space<hbm>>) dst(%arg9 : memref<40x128xi32, #tpu.memory_space<vmem>>)
      tpu.yield
    }) : () -> ()
    %dma_start3A = arith.constant 0 : i32
    %dma_start3A_7 = arith.constant 0 : i32
    %dma_start3A_8 = arith.constant 0 : i32
    %dma_start3A_9 = arith.constant 0 : i32
    %dma_start3A_10 = arith.constant 0 : i32
    %dma_start3A_11 = tpu.memref_slice %arg10[%dma_start3A_7, %dma_start3A_9, %dma_start3A_10] : memref<4x128x64xf32, #tpu.memory_space<vmem>> -> memref<1x128x64xf32, #tpu.memory_space<vmem>>
    %dma_start3A_12 = tpu.memref_squeeze %dma_start3A_11 : memref<1x128x64xf32, #tpu.memory_space<vmem>> -> memref<128x64xf32, #tpu.memory_space<vmem>>
    %dma_start3A_13 = arith.constant 0 : i32
    %dma_start3A_14 = tpu.memref_slice %arg8[%dma_start3A, %dma_start3A_13] : memref<40x128xi32, #tpu.memory_space<vmem>> -> memref<1x128xi32, #tpu.memory_space<vmem>>
    %dma_start3A_15 = tpu.memref_squeeze %dma_start3A_14 : memref<1x128xi32, #tpu.memory_space<vmem>> -> memref<128xi32, #tpu.memory_space<vmem>>
    %dma_start3A_16 = arith.constant 0 : i32
    %dma_start3A_17 = arith.constant 0 : i32
    %dma_start3A_18 = tpu.memref_slice %arg2[%dma_start3A_16, %dma_start3A_17] : memref<10000x64xf32, #tpu.memory_space<hbm>> -> memref<10000x64xf32, #tpu.memory_space<hbm>>
    %dma_start3A_19 = tpu.memref_slice %arg12[%dma_start3A_8] : memref<4x!tpu.dma_semaphore, #tpu.memory_space<semaphore_mem>> -> memref<1x!tpu.dma_semaphore, #tpu.memory_space<semaphore_mem>>
    %dma_start3A_20 = tpu.memref_squeeze %dma_start3A_19 : memref<1x!tpu.dma_semaphore, #tpu.memory_space<semaphore_mem>> -> memref<!tpu.dma_semaphore, #tpu.memory_space<semaphore_mem>>
    tpu.enqueue_indirect_dma source(%dma_start3A_18 : memref<10000x64xf32, #tpu.memory_space<hbm>>) target(%dma_start3A_12 : memref<128x64xf32, #tpu.memory_space<vmem>>) offsets(%dma_start3A_15 : memref<128xi32, #tpu.memory_space<vmem>>) semaphore(%dma_start3A_20 : memref<!tpu.dma_semaphore, #tpu.memory_space<semaphore_mem>>)
    %dma_start3A_21 = arith.constant 0 : i32
    %dma_start3A_22 = arith.constant 0 : i32
    %dma_start3A_23 = arith.constant 0 : i32
    %dma_start3A_24 = arith.constant 0 : i32
    %dma_start3A_25 = arith.constant 0 : i32
    %dma_start3A_26 = tpu.memref_slice %arg11[%dma_start3A_22, %dma_start3A_24, %dma_start3A_25] : memref<4x128x64xf32, #tpu.memory_space<vmem>> -> memref<1x128x64xf32, #tpu.memory_space<vmem>>
    %dma_start3A_27 = tpu.memref_squeeze %dma_start3A_26 : memref<1x128x64xf32, #tpu.memory_space<vmem>> -> memref<128x64xf32, #tpu.memory_space<vmem>>
    %dma_start3A_28 = arith.constant 0 : i32
    %dma_start3A_29 = tpu.memref_slice %arg9[%dma_start3A_21, %dma_start3A_28] : memref<40x128xi32, #tpu.memory_space<vmem>> -> memref<1x128xi32, #tpu.memory_space<vmem>>
    %dma_start3A_30 = tpu.memref_squeeze %dma_start3A_29 : memref<1x128xi32, #tpu.memory_space<vmem>> -> memref<128xi32, #tpu.memory_space<vmem>>
    %dma_start3A_31 = arith.constant 0 : i32
    %dma_start3A_32 = arith.constant 0 : i32
    %dma_start3A_33 = tpu.memref_slice %arg3[%dma_start3A_31, %dma_start3A_32] : memref<10000x64xf32, #tpu.memory_space<hbm>> -> memref<10000x64xf32, #tpu.memory_space<hbm>>
    %dma_start3A_34 = tpu.memref_slice %arg13[%dma_start3A_23] : memref<4x!tpu.dma_semaphore, #tpu.memory_space<semaphore_mem>> -> memref<1x!tpu.dma_semaphore, #tpu.memory_space<semaphore_mem>>
    %dma_start3A_35 = tpu.memref_squeeze %dma_start3A_34 : memref<1x!tpu.dma_semaphore, #tpu.memory_space<semaphore_mem>> -> memref<!tpu.dma_semaphore, #tpu.memory_space<semaphore_mem>>
    tpu.enqueue_indirect_dma source(%dma_start3A_33 : memref<10000x64xf32, #tpu.memory_space<hbm>>) target(%dma_start3A_27 : memref<128x64xf32, #tpu.memory_space<vmem>>) offsets(%dma_start3A_30 : memref<128xi32, #tpu.memory_space<vmem>>) semaphore(%dma_start3A_35 : memref<!tpu.dma_semaphore, #tpu.memory_space<semaphore_mem>>)
    %dma_start3A_36 = arith.constant 1 : i32
    %dma_start3A_37 = arith.constant 1 : i32
    %dma_start3A_38 = arith.constant 1 : i32
    %dma_start3A_39 = arith.constant 0 : i32
    %dma_start3A_40 = arith.constant 0 : i32
    %dma_start3A_41 = tpu.memref_slice %arg10[%dma_start3A_37, %dma_start3A_39, %dma_start3A_40] : memref<4x128x64xf32, #tpu.memory_space<vmem>> -> memref<1x128x64xf32, #tpu.memory_space<vmem>>
    %dma_start3A_42 = tpu.memref_squeeze %dma_start3A_41 : memref<1x128x64xf32, #tpu.memory_space<vmem>> -> memref<128x64xf32, #tpu.memory_space<vmem>>
    %dma_start3A_43 = arith.constant 0 : i32
    %dma_start3A_44 = tpu.memref_slice %arg8[%dma_start3A_36, %dma_start3A_43] : memref<40x128xi32, #tpu.memory_space<vmem>> -> memref<1x128xi32, #tpu.memory_space<vmem>>
    %dma_start3A_45 = tpu.memref_squeeze %dma_start3A_44 : memref<1x128xi32, #tpu.memory_space<vmem>> -> memref<128xi32, #tpu.memory_space<vmem>>
    %dma_start3A_46 = arith.constant 0 : i32
    %dma_start3A_47 = arith.constant 0 : i32
    %dma_start3A_48 = tpu.memref_slice %arg2[%dma_start3A_46, %dma_start3A_47] : memref<10000x64xf32, #tpu.memory_space<hbm>> -> memref<10000x64xf32, #tpu.memory_space<hbm>>
    %dma_start3A_49 = tpu.memref_slice %arg12[%dma_start3A_38] : memref<4x!tpu.dma_semaphore, #tpu.memory_space<semaphore_mem>> -> memref<1x!tpu.dma_semaphore, #tpu.memory_space<semaphore_mem>>
    %dma_start3A_50 = tpu.memref_squeeze %dma_start3A_49 : memref<1x!tpu.dma_semaphore, #tpu.memory_space<semaphore_mem>> -> memref<!tpu.dma_semaphore, #tpu.memory_space<semaphore_mem>>
    tpu.enqueue_indirect_dma source(%dma_start3A_48 : memref<10000x64xf32, #tpu.memory_space<hbm>>) target(%dma_start3A_42 : memref<128x64xf32, #tpu.memory_space<vmem>>) offsets(%dma_start3A_45 : memref<128xi32, #tpu.memory_space<vmem>>) semaphore(%dma_start3A_50 : memref<!tpu.dma_semaphore, #tpu.memory_space<semaphore_mem>>)
    %dma_start3A_51 = arith.constant 1 : i32
    %dma_start3A_52 = arith.constant 1 : i32
    %dma_start3A_53 = arith.constant 1 : i32
    %dma_start3A_54 = arith.constant 0 : i32
    %dma_start3A_55 = arith.constant 0 : i32
    %dma_start3A_56 = tpu.memref_slice %arg11[%dma_start3A_52, %dma_start3A_54, %dma_start3A_55] : memref<4x128x64xf32, #tpu.memory_space<vmem>> -> memref<1x128x64xf32, #tpu.memory_space<vmem>>
    %dma_start3A_57 = tpu.memref_squeeze %dma_start3A_56 : memref<1x128x64xf32, #tpu.memory_space<vmem>> -> memref<128x64xf32, #tpu.memory_space<vmem>>
    %dma_start3A_58 = arith.constant 0 : i32
    %dma_start3A_59 = tpu.memref_slice %arg9[%dma_start3A_51, %dma_start3A_58] : memref<40x128xi32, #tpu.memory_space<vmem>> -> memref<1x128xi32, #tpu.memory_space<vmem>>
    %dma_start3A_60 = tpu.memref_squeeze %dma_start3A_59 : memref<1x128xi32, #tpu.memory_space<vmem>> -> memref<128xi32, #tpu.memory_space<vmem>>
    %dma_start3A_61 = arith.constant 0 : i32
    %dma_start3A_62 = arith.constant 0 : i32
    %dma_start3A_63 = tpu.memref_slice %arg3[%dma_start3A_61, %dma_start3A_62] : memref<10000x64xf32, #tpu.memory_space<hbm>> -> memref<10000x64xf32, #tpu.memory_space<hbm>>
    %dma_start3A_64 = tpu.memref_slice %arg13[%dma_start3A_53] : memref<4x!tpu.dma_semaphore, #tpu.memory_space<semaphore_mem>> -> memref<1x!tpu.dma_semaphore, #tpu.memory_space<semaphore_mem>>
    %dma_start3A_65 = tpu.memref_squeeze %dma_start3A_64 : memref<1x!tpu.dma_semaphore, #tpu.memory_space<semaphore_mem>> -> memref<!tpu.dma_semaphore, #tpu.memory_space<semaphore_mem>>
    tpu.enqueue_indirect_dma source(%dma_start3A_63 : memref<10000x64xf32, #tpu.memory_space<hbm>>) target(%dma_start3A_57 : memref<128x64xf32, #tpu.memory_space<vmem>>) offsets(%dma_start3A_60 : memref<128xi32, #tpu.memory_space<vmem>>) semaphore(%dma_start3A_65 : memref<!tpu.dma_semaphore, #tpu.memory_space<semaphore_mem>>)
    %dma_start3A_66 = arith.constant 2 : i32
    %dma_start3A_67 = arith.constant 2 : i32
    %dma_start3A_68 = arith.constant 2 : i32
    %dma_start3A_69 = arith.constant 0 : i32
    %dma_start3A_70 = arith.constant 0 : i32
    %dma_start3A_71 = tpu.memref_slice %arg10[%dma_start3A_67, %dma_start3A_69, %dma_start3A_70] : memref<4x128x64xf32, #tpu.memory_space<vmem>> -> memref<1x128x64xf32, #tpu.memory_space<vmem>>
    %dma_start3A_72 = tpu.memref_squeeze %dma_start3A_71 : memref<1x128x64xf32, #tpu.memory_space<vmem>> -> memref<128x64xf32, #tpu.memory_space<vmem>>
    %dma_start3A_73 = arith.constant 0 : i32
    %dma_start3A_74 = tpu.memref_slice %arg8[%dma_start3A_66, %dma_start3A_73] : memref<40x128xi32, #tpu.memory_space<vmem>> -> memref<1x128xi32, #tpu.memory_space<vmem>>
    %dma_start3A_75 = tpu.memref_squeeze %dma_start3A_74 : memref<1x128xi32, #tpu.memory_space<vmem>> -> memref<128xi32, #tpu.memory_space<vmem>>
    %dma_start3A_76 = arith.constant 0 : i32
    %dma_start3A_77 = arith.constant 0 : i32
    %dma_start3A_78 = tpu.memref_slice %arg2[%dma_start3A_76, %dma_start3A_77] : memref<10000x64xf32, #tpu.memory_space<hbm>> -> memref<10000x64xf32, #tpu.memory_space<hbm>>
    %dma_start3A_79 = tpu.memref_slice %arg12[%dma_start3A_68] : memref<4x!tpu.dma_semaphore, #tpu.memory_space<semaphore_mem>> -> memref<1x!tpu.dma_semaphore, #tpu.memory_space<semaphore_mem>>
    %dma_start3A_80 = tpu.memref_squeeze %dma_start3A_79 : memref<1x!tpu.dma_semaphore, #tpu.memory_space<semaphore_mem>> -> memref<!tpu.dma_semaphore, #tpu.memory_space<semaphore_mem>>
    tpu.enqueue_indirect_dma source(%dma_start3A_78 : memref<10000x64xf32, #tpu.memory_space<hbm>>) target(%dma_start3A_72 : memref<128x64xf32, #tpu.memory_space<vmem>>) offsets(%dma_start3A_75 : memref<128xi32, #tpu.memory_space<vmem>>) semaphore(%dma_start3A_80 : memref<!tpu.dma_semaphore, #tpu.memory_space<semaphore_mem>>)
    %dma_start3A_81 = arith.constant 2 : i32
    %dma_start3A_82 = arith.constant 2 : i32
    %dma_start3A_83 = arith.constant 2 : i32
    %dma_start3A_84 = arith.constant 0 : i32
    %dma_start3A_85 = arith.constant 0 : i32
    %dma_start3A_86 = tpu.memref_slice %arg11[%dma_start3A_82, %dma_start3A_84, %dma_start3A_85] : memref<4x128x64xf32, #tpu.memory_space<vmem>> -> memref<1x128x64xf32, #tpu.memory_space<vmem>>
    %dma_start3A_87 = tpu.memref_squeeze %dma_start3A_86 : memref<1x128x64xf32, #tpu.memory_space<vmem>> -> memref<128x64xf32, #tpu.memory_space<vmem>>
    %dma_start3A_88 = arith.constant 0 : i32
    %dma_start3A_89 = tpu.memref_slice %arg9[%dma_start3A_81, %dma_start3A_88] : memref<40x128xi32, #tpu.memory_space<vmem>> -> memref<1x128xi32, #tpu.memory_space<vmem>>
    %dma_start3A_90 = tpu.memref_squeeze %dma_start3A_89 : memref<1x128xi32, #tpu.memory_space<vmem>> -> memref<128xi32, #tpu.memory_space<vmem>>
    %dma_start3A_91 = arith.constant 0 : i32
    %dma_start3A_92 = arith.constant 0 : i32
    %dma_start3A_93 = tpu.memref_slice %arg3[%dma_start3A_91, %dma_start3A_92] : memref<10000x64xf32, #tpu.memory_space<hbm>> -> memref<10000x64xf32, #tpu.memory_space<hbm>>
    %dma_start3A_94 = tpu.memref_slice %arg13[%dma_start3A_83] : memref<4x!tpu.dma_semaphore, #tpu.memory_space<semaphore_mem>> -> memref<1x!tpu.dma_semaphore, #tpu.memory_space<semaphore_mem>>
    %dma_start3A_95 = tpu.memref_squeeze %dma_start3A_94 : memref<1x!tpu.dma_semaphore, #tpu.memory_space<semaphore_mem>> -> memref<!tpu.dma_semaphore, #tpu.memory_space<semaphore_mem>>
    tpu.enqueue_indirect_dma source(%dma_start3A_93 : memref<10000x64xf32, #tpu.memory_space<hbm>>) target(%dma_start3A_87 : memref<128x64xf32, #tpu.memory_space<vmem>>) offsets(%dma_start3A_90 : memref<128xi32, #tpu.memory_space<vmem>>) semaphore(%dma_start3A_95 : memref<!tpu.dma_semaphore, #tpu.memory_space<semaphore_mem>>)
    %dma_start3A_96 = arith.constant 3 : i32
    %dma_start3A_97 = arith.constant 3 : i32
    %dma_start3A_98 = arith.constant 3 : i32
    %dma_start3A_99 = arith.constant 0 : i32
    %dma_start3A_100 = arith.constant 0 : i32
    %dma_start3A_101 = tpu.memref_slice %arg10[%dma_start3A_97, %dma_start3A_99, %dma_start3A_100] : memref<4x128x64xf32, #tpu.memory_space<vmem>> -> memref<1x128x64xf32, #tpu.memory_space<vmem>>
    %dma_start3A_102 = tpu.memref_squeeze %dma_start3A_101 : memref<1x128x64xf32, #tpu.memory_space<vmem>> -> memref<128x64xf32, #tpu.memory_space<vmem>>
    %dma_start3A_103 = arith.constant 0 : i32
    %dma_start3A_104 = tpu.memref_slice %arg8[%dma_start3A_96, %dma_start3A_103] : memref<40x128xi32, #tpu.memory_space<vmem>> -> memref<1x128xi32, #tpu.memory_space<vmem>>
    %dma_start3A_105 = tpu.memref_squeeze %dma_start3A_104 : memref<1x128xi32, #tpu.memory_space<vmem>> -> memref<128xi32, #tpu.memory_space<vmem>>
    %dma_start3A_106 = arith.constant 0 : i32
    %dma_start3A_107 = arith.constant 0 : i32
    %dma_start3A_108 = tpu.memref_slice %arg2[%dma_start3A_106, %dma_start3A_107] : memref<10000x64xf32, #tpu.memory_space<hbm>> -> memref<10000x64xf32, #tpu.memory_space<hbm>>
    %dma_start3A_109 = tpu.memref_slice %arg12[%dma_start3A_98] : memref<4x!tpu.dma_semaphore, #tpu.memory_space<semaphore_mem>> -> memref<1x!tpu.dma_semaphore, #tpu.memory_space<semaphore_mem>>
    %dma_start3A_110 = tpu.memref_squeeze %dma_start3A_109 : memref<1x!tpu.dma_semaphore, #tpu.memory_space<semaphore_mem>> -> memref<!tpu.dma_semaphore, #tpu.memory_space<semaphore_mem>>
    tpu.enqueue_indirect_dma source(%dma_start3A_108 : memref<10000x64xf32, #tpu.memory_space<hbm>>) target(%dma_start3A_102 : memref<128x64xf32, #tpu.memory_space<vmem>>) offsets(%dma_start3A_105 : memref<128xi32, #tpu.memory_space<vmem>>) semaphore(%dma_start3A_110 : memref<!tpu.dma_semaphore, #tpu.memory_space<semaphore_mem>>)
    %dma_start3A_111 = arith.constant 3 : i32
    %dma_start3A_112 = arith.constant 3 : i32
    %dma_start3A_113 = arith.constant 3 : i32
    %dma_start3A_114 = arith.constant 0 : i32
    %dma_start3A_115 = arith.constant 0 : i32
    %dma_start3A_116 = tpu.memref_slice %arg11[%dma_start3A_112, %dma_start3A_114, %dma_start3A_115] : memref<4x128x64xf32, #tpu.memory_space<vmem>> -> memref<1x128x64xf32, #tpu.memory_space<vmem>>
    %dma_start3A_117 = tpu.memref_squeeze %dma_start3A_116 : memref<1x128x64xf32, #tpu.memory_space<vmem>> -> memref<128x64xf32, #tpu.memory_space<vmem>>
    %dma_start3A_118 = arith.constant 0 : i32
    %dma_start3A_119 = tpu.memref_slice %arg9[%dma_start3A_111, %dma_start3A_118] : memref<40x128xi32, #tpu.memory_space<vmem>> -> memref<1x128xi32, #tpu.memory_space<vmem>>
    %dma_start3A_120 = tpu.memref_squeeze %dma_start3A_119 : memref<1x128xi32, #tpu.memory_space<vmem>> -> memref<128xi32, #tpu.memory_space<vmem>>
    %dma_start3A_121 = arith.constant 0 : i32
    %dma_start3A_122 = arith.constant 0 : i32
    %dma_start3A_123 = tpu.memref_slice %arg3[%dma_start3A_121, %dma_start3A_122] : memref<10000x64xf32, #tpu.memory_space<hbm>> -> memref<10000x64xf32, #tpu.memory_space<hbm>>
    %dma_start3A_124 = tpu.memref_slice %arg13[%dma_start3A_113] : memref<4x!tpu.dma_semaphore, #tpu.memory_space<semaphore_mem>> -> memref<1x!tpu.dma_semaphore, #tpu.memory_space<semaphore_mem>>
    %dma_start3A_125 = tpu.memref_squeeze %dma_start3A_124 : memref<1x!tpu.dma_semaphore, #tpu.memory_space<semaphore_mem>> -> memref<!tpu.dma_semaphore, #tpu.memory_space<semaphore_mem>>
    tpu.enqueue_indirect_dma source(%dma_start3A_123 : memref<10000x64xf32, #tpu.memory_space<hbm>>) target(%dma_start3A_117 : memref<128x64xf32, #tpu.memory_space<vmem>>) offsets(%dma_start3A_120 : memref<128xi32, #tpu.memory_space<vmem>>) semaphore(%dma_start3A_125 : memref<!tpu.dma_semaphore, #tpu.memory_space<semaphore_mem>>)
    %scan3A = arith.constant 0 : i32
    %scan3A_126 = arith.constant 0 : i32
    %scan3A_127 = arith.constant 10 : i32
    %scan3A_128 = arith.addi %scan3A_126, %scan3A_127 : i32
    %scan3A_129 = arith.constant 1 : i32
    scf.for %scan3A_131 = %scan3A_126 to %scan3A_128 step %scan3A_129  : i32 {
      %mul3A_132 = arith.constant 4 : i32
      %mul3A_133 = arith.muli %mul3A_132, %scan3A_131 : i32
      %add3A_134 = arith.constant 0 : i32
      %add3A_135 = arith.addi %mul3A_133, %add3A_134 : i32
      %dma_wait3A = arith.constant 0 : i32
      %dma_wait3A_136 = arith.constant 0 : i32
      %dma_wait3A_137 = arith.constant 0 : i32
      %dma_wait3A_138 = arith.constant 0 : i32
      %dma_wait3A_139 = tpu.memref_slice %arg10[%dma_wait3A, %dma_wait3A_137, %dma_wait3A_138] : memref<4x128x64xf32, #tpu.memory_space<vmem>> -> memref<1x128x64xf32, #tpu.memory_space<vmem>>
      %dma_wait3A_140 = tpu.memref_squeeze %dma_wait3A_139 : memref<1x128x64xf32, #tpu.memory_space<vmem>> -> memref<128x64xf32, #tpu.memory_space<vmem>>
      %dma_wait3A_141 = arith.constant 0 : i32
      %dma_wait3A_142 = tpu.memref_slice %arg8[%add3A_135, %dma_wait3A_141] : memref<40x128xi32, #tpu.memory_space<vmem>> -> memref<1x128xi32, #tpu.memory_space<vmem>>
      %dma_wait3A_143 = tpu.memref_squeeze %dma_wait3A_142 : memref<1x128xi32, #tpu.memory_space<vmem>> -> memref<128xi32, #tpu.memory_space<vmem>>
      %dma_wait3A_144 = arith.constant 0 : i32
      %dma_wait3A_145 = arith.constant 0 : i32
      %dma_wait3A_146 = tpu.memref_slice %arg2[%dma_wait3A_144, %dma_wait3A_145] : memref<10000x64xf32, #tpu.memory_space<hbm>> -> memref<10000x64xf32, #tpu.memory_space<hbm>>
      %dma_wait3A_147 = tpu.memref_slice %arg12[%dma_wait3A_136] : memref<4x!tpu.dma_semaphore, #tpu.memory_space<semaphore_mem>> -> memref<1x!tpu.dma_semaphore, #tpu.memory_space<semaphore_mem>>
      %dma_wait3A_148 = tpu.memref_squeeze %dma_wait3A_147 : memref<1x!tpu.dma_semaphore, #tpu.memory_space<semaphore_mem>> -> memref<!tpu.dma_semaphore, #tpu.memory_space<semaphore_mem>>
      tpu.wait_indirect_dma semaphore(%dma_wait3A_148 : memref<!tpu.dma_semaphore, #tpu.memory_space<semaphore_mem>>) src(%dma_wait3A_146 : memref<10000x64xf32, #tpu.memory_space<hbm>>) dst(%dma_wait3A_140 : memref<128x64xf32, #tpu.memory_space<vmem>>)
      %dma_wait3A_149 = arith.constant 0 : i32
      %dma_wait3A_150 = arith.constant 0 : i32
      %dma_wait3A_151 = arith.constant 0 : i32
      %dma_wait3A_152 = arith.constant 0 : i32
      %dma_wait3A_153 = tpu.memref_slice %arg11[%dma_wait3A_149, %dma_wait3A_151, %dma_wait3A_152] : memref<4x128x64xf32, #tpu.memory_space<vmem>> -> memref<1x128x64xf32, #tpu.memory_space<vmem>>
      %dma_wait3A_154 = tpu.memref_squeeze %dma_wait3A_153 : memref<1x128x64xf32, #tpu.memory_space<vmem>> -> memref<128x64xf32, #tpu.memory_space<vmem>>
      %dma_wait3A_155 = arith.constant 0 : i32
      %dma_wait3A_156 = tpu.memref_slice %arg9[%add3A_135, %dma_wait3A_155] : memref<40x128xi32, #tpu.memory_space<vmem>> -> memref<1x128xi32, #tpu.memory_space<vmem>>
      %dma_wait3A_157 = tpu.memref_squeeze %dma_wait3A_156 : memref<1x128xi32, #tpu.memory_space<vmem>> -> memref<128xi32, #tpu.memory_space<vmem>>
      %dma_wait3A_158 = arith.constant 0 : i32
      %dma_wait3A_159 = arith.constant 0 : i32
      %dma_wait3A_160 = tpu.memref_slice %arg3[%dma_wait3A_158, %dma_wait3A_159] : memref<10000x64xf32, #tpu.memory_space<hbm>> -> memref<10000x64xf32, #tpu.memory_space<hbm>>
      %dma_wait3A_161 = tpu.memref_slice %arg13[%dma_wait3A_150] : memref<4x!tpu.dma_semaphore, #tpu.memory_space<semaphore_mem>> -> memref<1x!tpu.dma_semaphore, #tpu.memory_space<semaphore_mem>>
      %dma_wait3A_162 = tpu.memref_squeeze %dma_wait3A_161 : memref<1x!tpu.dma_semaphore, #tpu.memory_space<semaphore_mem>> -> memref<!tpu.dma_semaphore, #tpu.memory_space<semaphore_mem>>
      tpu.wait_indirect_dma semaphore(%dma_wait3A_162 : memref<!tpu.dma_semaphore, #tpu.memory_space<semaphore_mem>>) src(%dma_wait3A_160 : memref<10000x64xf32, #tpu.memory_space<hbm>>) dst(%dma_wait3A_154 : memref<128x64xf32, #tpu.memory_space<vmem>>)
      %mul3A_163 = arith.constant 128 : i32
      %mul3A_164 = arith.muli %add3A_135, %mul3A_163 : i32
      %add3A_165 = arith.addi %mul3A_2, %mul3A_164 : i32
      %dma_start3A_166 = arith.constant 0 : i32
      %dma_start3A_167 = arith.constant 0 : i32
      %dma_start3A_168 = arith.constant 0 : i32
      %dma_start3A_169 = arith.constant 0 : i32
      %dma_start3A_170 = tpu.memref_slice %arg10[%dma_start3A_166, %dma_start3A_168, %dma_start3A_169] : memref<4x128x64xf32, #tpu.memory_space<vmem>> -> memref<1x128x64xf32, #tpu.memory_space<vmem>>
      %dma_start3A_171 = tpu.memref_squeeze %dma_start3A_170 : memref<1x128x64xf32, #tpu.memory_space<vmem>> -> memref<128x64xf32, #tpu.memory_space<vmem>>
      %dma_start3A_172 = arith.constant 0 : i32
      %dma_start3A_173 = tpu.memref_slice %arg6[%add3A_165, %dma_start3A_172] : memref<163840x64xf32, #tpu.memory_space<hbm>> -> memref<128x64xf32, #tpu.memory_space<hbm>>
      %dma_start3A_174 = tpu.memref_slice %arg14[%dma_start3A_167] : memref<4x!tpu.dma_semaphore, #tpu.memory_space<semaphore_mem>> -> memref<1x!tpu.dma_semaphore, #tpu.memory_space<semaphore_mem>>
      %dma_start3A_175 = tpu.memref_squeeze %dma_start3A_174 : memref<1x!tpu.dma_semaphore, #tpu.memory_space<semaphore_mem>> -> memref<!tpu.dma_semaphore, #tpu.memory_space<semaphore_mem>>
      %dma_start3A_176 = arith.constant 0 : i32
      %dma_start3A_177 = tpu.memref_slice %arg6[%add3A_165, %dma_start3A_176] : memref<163840x64xf32, #tpu.memory_space<hbm>> -> memref<128x64xf32, #tpu.memory_space<hbm>>
      %dma_start3A_178 = arith.constant 0 : i32
      %dma_start3A_179 = arith.constant 0 : i32
      %dma_start3A_180 = tpu.memref_slice %arg10[%dma_start3A_166, %dma_start3A_178, %dma_start3A_179] : memref<4x128x64xf32, #tpu.memory_space<vmem>> -> memref<1x128x64xf32, #tpu.memory_space<vmem>>
      %dma_start3A_181 = tpu.memref_squeeze %dma_start3A_180 : memref<1x128x64xf32, #tpu.memory_space<vmem>> -> memref<128x64xf32, #tpu.memory_space<vmem>>
      tpu.enqueue_dma source(%dma_start3A_181 : memref<128x64xf32, #tpu.memory_space<vmem>>) target(%dma_start3A_177 : memref<128x64xf32, #tpu.memory_space<hbm>>) target_semaphore(%dma_start3A_175 : memref<!tpu.dma_semaphore, #tpu.memory_space<semaphore_mem>>)
      %dma_start3A_182 = arith.constant 0 : i32
      %dma_start3A_183 = arith.constant 0 : i32
      %dma_start3A_184 = arith.constant 0 : i32
      %dma_start3A_185 = arith.constant 0 : i32
      %dma_start3A_186 = tpu.memref_slice %arg11[%dma_start3A_182, %dma_start3A_184, %dma_start3A_185] : memref<4x128x64xf32, #tpu.memory_space<vmem>> -> memref<1x128x64xf32, #tpu.memory_space<vmem>>
      %dma_start3A_187 = tpu.memref_squeeze %dma_start3A_186 : memref<1x128x64xf32, #tpu.memory_space<vmem>> -> memref<128x64xf32, #tpu.memory_space<vmem>>
      %dma_start3A_188 = arith.constant 0 : i32
      %dma_start3A_189 = tpu.memref_slice %arg7[%add3A_165, %dma_start3A_188] : memref<163840x64xf32, #tpu.memory_space<hbm>> -> memref<128x64xf32, #tpu.memory_space<hbm>>
      %dma_start3A_190 = tpu.memref_slice %arg15[%dma_start3A_183] : memref<4x!tpu.dma_semaphore, #tpu.memory_space<semaphore_mem>> -> memref<1x!tpu.dma_semaphore, #tpu.memory_space<semaphore_mem>>
      %dma_start3A_191 = tpu.memref_squeeze %dma_start3A_190 : memref<1x!tpu.dma_semaphore, #tpu.memory_space<semaphore_mem>> -> memref<!tpu.dma_semaphore, #tpu.memory_space<semaphore_mem>>
      %dma_start3A_192 = arith.constant 0 : i32
      %dma_start3A_193 = tpu.memref_slice %arg7[%add3A_165, %dma_start3A_192] : memref<163840x64xf32, #tpu.memory_space<hbm>> -> memref<128x64xf32, #tpu.memory_space<hbm>>
      %dma_start3A_194 = arith.constant 0 : i32
      %dma_start3A_195 = arith.constant 0 : i32
      %dma_start3A_196 = tpu.memref_slice %arg11[%dma_start3A_182, %dma_start3A_194, %dma_start3A_195] : memref<4x128x64xf32, #tpu.memory_space<vmem>> -> memref<1x128x64xf32, #tpu.memory_space<vmem>>
      %dma_start3A_197 = tpu.memref_squeeze %dma_start3A_196 : memref<1x128x64xf32, #tpu.memory_space<vmem>> -> memref<128x64xf32, #tpu.memory_space<vmem>>
      tpu.enqueue_dma source(%dma_start3A_197 : memref<128x64xf32, #tpu.memory_space<vmem>>) target(%dma_start3A_193 : memref<128x64xf32, #tpu.memory_space<hbm>>) target_semaphore(%dma_start3A_191 : memref<!tpu.dma_semaphore, #tpu.memory_space<semaphore_mem>>)
      %mul3A_198 = arith.constant 128 : i32
      %mul3A_199 = arith.muli %add3A_135, %mul3A_198 : i32
      %add3A_200 = arith.addi %mul3A_2, %mul3A_199 : i32
      %dma_wait3A_201 = arith.constant 0 : i32
      %dma_wait3A_202 = arith.constant 0 : i32
      %dma_wait3A_203 = arith.constant 0 : i32
      %dma_wait3A_204 = arith.constant 0 : i32
      %dma_wait3A_205 = tpu.memref_slice %arg10[%dma_wait3A_201, %dma_wait3A_203, %dma_wait3A_204] : memref<4x128x64xf32, #tpu.memory_space<vmem>> -> memref<1x128x64xf32, #tpu.memory_space<vmem>>
      %dma_wait3A_206 = tpu.memref_squeeze %dma_wait3A_205 : memref<1x128x64xf32, #tpu.memory_space<vmem>> -> memref<128x64xf32, #tpu.memory_space<vmem>>
      %dma_wait3A_207 = arith.constant 0 : i32
      %dma_wait3A_208 = tpu.memref_slice %arg6[%add3A_200, %dma_wait3A_207] : memref<163840x64xf32, #tpu.memory_space<hbm>> -> memref<128x64xf32, #tpu.memory_space<hbm>>
      %dma_wait3A_209 = tpu.memref_slice %arg14[%dma_wait3A_202] : memref<4x!tpu.dma_semaphore, #tpu.memory_space<semaphore_mem>> -> memref<1x!tpu.dma_semaphore, #tpu.memory_space<semaphore_mem>>
      %dma_wait3A_210 = tpu.memref_squeeze %dma_wait3A_209 : memref<1x!tpu.dma_semaphore, #tpu.memory_space<semaphore_mem>> -> memref<!tpu.dma_semaphore, #tpu.memory_space<semaphore_mem>>
      %dma_wait3A_211 = arith.constant 0 : i32
      %dma_wait3A_212 = tpu.memref_slice %arg6[%add3A_200, %dma_wait3A_211] : memref<163840x64xf32, #tpu.memory_space<hbm>> -> memref<128x64xf32, #tpu.memory_space<hbm>>
      %dma_wait3A_213 = arith.constant 0 : i32
      %dma_wait3A_214 = arith.constant 0 : i32
      %dma_wait3A_215 = tpu.memref_slice %arg10[%dma_wait3A_201, %dma_wait3A_213, %dma_wait3A_214] : memref<4x128x64xf32, #tpu.memory_space<vmem>> -> memref<1x128x64xf32, #tpu.memory_space<vmem>>
      %dma_wait3A_216 = tpu.memref_squeeze %dma_wait3A_215 : memref<1x128x64xf32, #tpu.memory_space<vmem>> -> memref<128x64xf32, #tpu.memory_space<vmem>>
      tpu.wait_dma2 semaphore(%dma_wait3A_210 : memref<!tpu.dma_semaphore, #tpu.memory_space<semaphore_mem>>) src(%dma_wait3A_216 : memref<128x64xf32, #tpu.memory_space<vmem>>) dst(%dma_wait3A_212 : memref<128x64xf32, #tpu.memory_space<hbm>>)
      %dma_wait3A_217 = arith.constant 0 : i32
      %dma_wait3A_218 = arith.constant 0 : i32
      %dma_wait3A_219 = arith.constant 0 : i32
      %dma_wait3A_220 = arith.constant 0 : i32
      %dma_wait3A_221 = tpu.memref_slice %arg11[%dma_wait3A_217, %dma_wait3A_219, %dma_wait3A_220] : memref<4x128x64xf32, #tpu.memory_space<vmem>> -> memref<1x128x64xf32, #tpu.memory_space<vmem>>
      %dma_wait3A_222 = tpu.memref_squeeze %dma_wait3A_221 : memref<1x128x64xf32, #tpu.memory_space<vmem>> -> memref<128x64xf32, #tpu.memory_space<vmem>>
      %dma_wait3A_223 = arith.constant 0 : i32
      %dma_wait3A_224 = tpu.memref_slice %arg7[%add3A_200, %dma_wait3A_223] : memref<163840x64xf32, #tpu.memory_space<hbm>> -> memref<128x64xf32, #tpu.memory_space<hbm>>
      %dma_wait3A_225 = tpu.memref_slice %arg15[%dma_wait3A_218] : memref<4x!tpu.dma_semaphore, #tpu.memory_space<semaphore_mem>> -> memref<1x!tpu.dma_semaphore, #tpu.memory_space<semaphore_mem>>
      %dma_wait3A_226 = tpu.memref_squeeze %dma_wait3A_225 : memref<1x!tpu.dma_semaphore, #tpu.memory_space<semaphore_mem>> -> memref<!tpu.dma_semaphore, #tpu.memory_space<semaphore_mem>>
      %dma_wait3A_227 = arith.constant 0 : i32
      %dma_wait3A_228 = tpu.memref_slice %arg7[%add3A_200, %dma_wait3A_227] : memref<163840x64xf32, #tpu.memory_space<hbm>> -> memref<128x64xf32, #tpu.memory_space<hbm>>
      %dma_wait3A_229 = arith.constant 0 : i32
      %dma_wait3A_230 = arith.constant 0 : i32
      %dma_wait3A_231 = tpu.memref_slice %arg11[%dma_wait3A_217, %dma_wait3A_229, %dma_wait3A_230] : memref<4x128x64xf32, #tpu.memory_space<vmem>> -> memref<1x128x64xf32, #tpu.memory_space<vmem>>
      %dma_wait3A_232 = tpu.memref_squeeze %dma_wait3A_231 : memref<1x128x64xf32, #tpu.memory_space<vmem>> -> memref<128x64xf32, #tpu.memory_space<vmem>>
      tpu.wait_dma2 semaphore(%dma_wait3A_226 : memref<!tpu.dma_semaphore, #tpu.memory_space<semaphore_mem>>) src(%dma_wait3A_232 : memref<128x64xf32, #tpu.memory_space<vmem>>) dst(%dma_wait3A_228 : memref<128x64xf32, #tpu.memory_space<hbm>>)
      %add3A_233 = arith.constant 4 : i32
      %add3A_234 = arith.addi %add3A_135, %add3A_233 : i32
      %lt3A = arith.constant 40 : i32
      %lt3A_235 = arith.cmpi slt, %add3A_234, %lt3A : i32
      %convert_element_type3A = arith.extui %lt3A_235 : i1 to i32
      %cond3A = arith.constant 0 : i32
      %cond3A_236 = arith.cmpi ne, %convert_element_type3A, %cond3A : i32
      scf.if %cond3A_236 {
        %add3A_564 = arith.constant 4 : i32
        %add3A_565 = arith.addi %add3A_135, %add3A_564 : i32
        %dma_start3A_566 = arith.constant 0 : i32
        %dma_start3A_567 = arith.constant 0 : i32
        %dma_start3A_568 = arith.constant 0 : i32
        %dma_start3A_569 = arith.constant 0 : i32
        %dma_start3A_570 = tpu.memref_slice %arg10[%dma_start3A_566, %dma_start3A_568, %dma_start3A_569] : memref<4x128x64xf32, #tpu.memory_space<vmem>> -> memref<1x128x64xf32, #tpu.memory_space<vmem>>
        %dma_start3A_571 = tpu.memref_squeeze %dma_start3A_570 : memref<1x128x64xf32, #tpu.memory_space<vmem>> -> memref<128x64xf32, #tpu.memory_space<vmem>>
        %dma_start3A_572 = arith.constant 0 : i32
        %dma_start3A_573 = tpu.memref_slice %arg8[%add3A_565, %dma_start3A_572] : memref<40x128xi32, #tpu.memory_space<vmem>> -> memref<1x128xi32, #tpu.memory_space<vmem>>
        %dma_start3A_574 = tpu.memref_squeeze %dma_start3A_573 : memref<1x128xi32, #tpu.memory_space<vmem>> -> memref<128xi32, #tpu.memory_space<vmem>>
        %dma_start3A_575 = arith.constant 0 : i32
        %dma_start3A_576 = arith.constant 0 : i32
        %dma_start3A_577 = tpu.memref_slice %arg2[%dma_start3A_575, %dma_start3A_576] : memref<10000x64xf32, #tpu.memory_space<hbm>> -> memref<10000x64xf32, #tpu.memory_space<hbm>>
        %dma_start3A_578 = tpu.memref_slice %arg12[%dma_start3A_567] : memref<4x!tpu.dma_semaphore, #tpu.memory_space<semaphore_mem>> -> memref<1x!tpu.dma_semaphore, #tpu.memory_space<semaphore_mem>>
        %dma_start3A_579 = tpu.memref_squeeze %dma_start3A_578 : memref<1x!tpu.dma_semaphore, #tpu.memory_space<semaphore_mem>> -> memref<!tpu.dma_semaphore, #tpu.memory_space<semaphore_mem>>
        tpu.enqueue_indirect_dma source(%dma_start3A_577 : memref<10000x64xf32, #tpu.memory_space<hbm>>) target(%dma_start3A_571 : memref<128x64xf32, #tpu.memory_space<vmem>>) offsets(%dma_start3A_574 : memref<128xi32, #tpu.memory_space<vmem>>) semaphore(%dma_start3A_579 : memref<!tpu.dma_semaphore, #tpu.memory_space<semaphore_mem>>)
        %dma_start3A_580 = arith.constant 0 : i32
        %dma_start3A_581 = arith.constant 0 : i32
        %dma_start3A_582 = arith.constant 0 : i32
        %dma_start3A_583 = arith.constant 0 : i32
        %dma_start3A_584 = tpu.memref_slice %arg11[%dma_start3A_580, %dma_start3A_582, %dma_start3A_583] : memref<4x128x64xf32, #tpu.memory_space<vmem>> -> memref<1x128x64xf32, #tpu.memory_space<vmem>>
        %dma_start3A_585 = tpu.memref_squeeze %dma_start3A_584 : memref<1x128x64xf32, #tpu.memory_space<vmem>> -> memref<128x64xf32, #tpu.memory_space<vmem>>
        %dma_start3A_586 = arith.constant 0 : i32
        %dma_start3A_587 = tpu.memref_slice %arg9[%add3A_565, %dma_start3A_586] : memref<40x128xi32, #tpu.memory_space<vmem>> -> memref<1x128xi32, #tpu.memory_space<vmem>>
        %dma_start3A_588 = tpu.memref_squeeze %dma_start3A_587 : memref<1x128xi32, #tpu.memory_space<vmem>> -> memref<128xi32, #tpu.memory_space<vmem>>
        %dma_start3A_589 = arith.constant 0 : i32
        %dma_start3A_590 = arith.constant 0 : i32
        %dma_start3A_591 = tpu.memref_slice %arg3[%dma_start3A_589, %dma_start3A_590] : memref<10000x64xf32, #tpu.memory_space<hbm>> -> memref<10000x64xf32, #tpu.memory_space<hbm>>
        %dma_start3A_592 = tpu.memref_slice %arg13[%dma_start3A_581] : memref<4x!tpu.dma_semaphore, #tpu.memory_space<semaphore_mem>> -> memref<1x!tpu.dma_semaphore, #tpu.memory_space<semaphore_mem>>
        %dma_start3A_593 = tpu.memref_squeeze %dma_start3A_592 : memref<1x!tpu.dma_semaphore, #tpu.memory_space<semaphore_mem>> -> memref<!tpu.dma_semaphore, #tpu.memory_space<semaphore_mem>>
        tpu.enqueue_indirect_dma source(%dma_start3A_591 : memref<10000x64xf32, #tpu.memory_space<hbm>>) target(%dma_start3A_585 : memref<128x64xf32, #tpu.memory_space<vmem>>) offsets(%dma_start3A_588 : memref<128xi32, #tpu.memory_space<vmem>>) semaphore(%dma_start3A_593 : memref<!tpu.dma_semaphore, #tpu.memory_space<semaphore_mem>>)
      } else {
      }
      %mul3A_237 = arith.constant 4 : i32
      %mul3A_238 = arith.muli %mul3A_237, %scan3A_131 : i32
      %add3A_239 = arith.constant 1 : i32
      %add3A_240 = arith.addi %mul3A_238, %add3A_239 : i32
      %dma_wait3A_241 = arith.constant 1 : i32
      %dma_wait3A_242 = arith.constant 1 : i32
      %dma_wait3A_243 = arith.constant 0 : i32
      %dma_wait3A_244 = arith.constant 0 : i32
      %dma_wait3A_245 = tpu.memref_slice %arg10[%dma_wait3A_241, %dma_wait3A_243, %dma_wait3A_244] : memref<4x128x64xf32, #tpu.memory_space<vmem>> -> memref<1x128x64xf32, #tpu.memory_space<vmem>>
      %dma_wait3A_246 = tpu.memref_squeeze %dma_wait3A_245 : memref<1x128x64xf32, #tpu.memory_space<vmem>> -> memref<128x64xf32, #tpu.memory_space<vmem>>
      %dma_wait3A_247 = arith.constant 0 : i32
      %dma_wait3A_248 = tpu.memref_slice %arg8[%add3A_240, %dma_wait3A_247] : memref<40x128xi32, #tpu.memory_space<vmem>> -> memref<1x128xi32, #tpu.memory_space<vmem>>
      %dma_wait3A_249 = tpu.memref_squeeze %dma_wait3A_248 : memref<1x128xi32, #tpu.memory_space<vmem>> -> memref<128xi32, #tpu.memory_space<vmem>>
      %dma_wait3A_250 = arith.constant 0 : i32
      %dma_wait3A_251 = arith.constant 0 : i32
      %dma_wait3A_252 = tpu.memref_slice %arg2[%dma_wait3A_250, %dma_wait3A_251] : memref<10000x64xf32, #tpu.memory_space<hbm>> -> memref<10000x64xf32, #tpu.memory_space<hbm>>
      %dma_wait3A_253 = tpu.memref_slice %arg12[%dma_wait3A_242] : memref<4x!tpu.dma_semaphore, #tpu.memory_space<semaphore_mem>> -> memref<1x!tpu.dma_semaphore, #tpu.memory_space<semaphore_mem>>
      %dma_wait3A_254 = tpu.memref_squeeze %dma_wait3A_253 : memref<1x!tpu.dma_semaphore, #tpu.memory_space<semaphore_mem>> -> memref<!tpu.dma_semaphore, #tpu.memory_space<semaphore_mem>>
      tpu.wait_indirect_dma semaphore(%dma_wait3A_254 : memref<!tpu.dma_semaphore, #tpu.memory_space<semaphore_mem>>) src(%dma_wait3A_252 : memref<10000x64xf32, #tpu.memory_space<hbm>>) dst(%dma_wait3A_246 : memref<128x64xf32, #tpu.memory_space<vmem>>)
      %dma_wait3A_255 = arith.constant 1 : i32
      %dma_wait3A_256 = arith.constant 1 : i32
      %dma_wait3A_257 = arith.constant 0 : i32
      %dma_wait3A_258 = arith.constant 0 : i32
      %dma_wait3A_259 = tpu.memref_slice %arg11[%dma_wait3A_255, %dma_wait3A_257, %dma_wait3A_258] : memref<4x128x64xf32, #tpu.memory_space<vmem>> -> memref<1x128x64xf32, #tpu.memory_space<vmem>>
      %dma_wait3A_260 = tpu.memref_squeeze %dma_wait3A_259 : memref<1x128x64xf32, #tpu.memory_space<vmem>> -> memref<128x64xf32, #tpu.memory_space<vmem>>
      %dma_wait3A_261 = arith.constant 0 : i32
      %dma_wait3A_262 = tpu.memref_slice %arg9[%add3A_240, %dma_wait3A_261] : memref<40x128xi32, #tpu.memory_space<vmem>> -> memref<1x128xi32, #tpu.memory_space<vmem>>
      %dma_wait3A_263 = tpu.memref_squeeze %dma_wait3A_262 : memref<1x128xi32, #tpu.memory_space<vmem>> -> memref<128xi32, #tpu.memory_space<vmem>>
      %dma_wait3A_264 = arith.constant 0 : i32
      %dma_wait3A_265 = arith.constant 0 : i32
      %dma_wait3A_266 = tpu.memref_slice %arg3[%dma_wait3A_264, %dma_wait3A_265] : memref<10000x64xf32, #tpu.memory_space<hbm>> -> memref<10000x64xf32, #tpu.memory_space<hbm>>
      %dma_wait3A_267 = tpu.memref_slice %arg13[%dma_wait3A_256] : memref<4x!tpu.dma_semaphore, #tpu.memory_space<semaphore_mem>> -> memref<1x!tpu.dma_semaphore, #tpu.memory_space<semaphore_mem>>
      %dma_wait3A_268 = tpu.memref_squeeze %dma_wait3A_267 : memref<1x!tpu.dma_semaphore, #tpu.memory_space<semaphore_mem>> -> memref<!tpu.dma_semaphore, #tpu.memory_space<semaphore_mem>>
      tpu.wait_indirect_dma semaphore(%dma_wait3A_268 : memref<!tpu.dma_semaphore, #tpu.memory_space<semaphore_mem>>) src(%dma_wait3A_266 : memref<10000x64xf32, #tpu.memory_space<hbm>>) dst(%dma_wait3A_260 : memref<128x64xf32, #tpu.memory_space<vmem>>)
      %mul3A_269 = arith.constant 128 : i32
      %mul3A_270 = arith.muli %add3A_240, %mul3A_269 : i32
      %add3A_271 = arith.addi %mul3A_2, %mul3A_270 : i32
      %dma_start3A_272 = arith.constant 1 : i32
      %dma_start3A_273 = arith.constant 1 : i32
      %dma_start3A_274 = arith.constant 0 : i32
      %dma_start3A_275 = arith.constant 0 : i32
      %dma_start3A_276 = tpu.memref_slice %arg10[%dma_start3A_272, %dma_start3A_274, %dma_start3A_275] : memref<4x128x64xf32, #tpu.memory_space<vmem>> -> memref<1x128x64xf32, #tpu.memory_space<vmem>>
      %dma_start3A_277 = tpu.memref_squeeze %dma_start3A_276 : memref<1x128x64xf32, #tpu.memory_space<vmem>> -> memref<128x64xf32, #tpu.memory_space<vmem>>
      %dma_start3A_278 = arith.constant 0 : i32
      %dma_start3A_279 = tpu.memref_slice %arg6[%add3A_271, %dma_start3A_278] : memref<163840x64xf32, #tpu.memory_space<hbm>> -> memref<128x64xf32, #tpu.memory_space<hbm>>
      %dma_start3A_280 = tpu.memref_slice %arg14[%dma_start3A_273] : memref<4x!tpu.dma_semaphore, #tpu.memory_space<semaphore_mem>> -> memref<1x!tpu.dma_semaphore, #tpu.memory_space<semaphore_mem>>
      %dma_start3A_281 = tpu.memref_squeeze %dma_start3A_280 : memref<1x!tpu.dma_semaphore, #tpu.memory_space<semaphore_mem>> -> memref<!tpu.dma_semaphore, #tpu.memory_space<semaphore_mem>>
      %dma_start3A_282 = arith.constant 0 : i32
      %dma_start3A_283 = tpu.memref_slice %arg6[%add3A_271, %dma_start3A_282] : memref<163840x64xf32, #tpu.memory_space<hbm>> -> memref<128x64xf32, #tpu.memory_space<hbm>>
      %dma_start3A_284 = arith.constant 0 : i32
      %dma_start3A_285 = arith.constant 0 : i32
      %dma_start3A_286 = tpu.memref_slice %arg10[%dma_start3A_272, %dma_start3A_284, %dma_start3A_285] : memref<4x128x64xf32, #tpu.memory_space<vmem>> -> memref<1x128x64xf32, #tpu.memory_space<vmem>>
      %dma_start3A_287 = tpu.memref_squeeze %dma_start3A_286 : memref<1x128x64xf32, #tpu.memory_space<vmem>> -> memref<128x64xf32, #tpu.memory_space<vmem>>
      tpu.enqueue_dma source(%dma_start3A_287 : memref<128x64xf32, #tpu.memory_space<vmem>>) target(%dma_start3A_283 : memref<128x64xf32, #tpu.memory_space<hbm>>) target_semaphore(%dma_start3A_281 : memref<!tpu.dma_semaphore, #tpu.memory_space<semaphore_mem>>)
      %dma_start3A_288 = arith.constant 1 : i32
      %dma_start3A_289 = arith.constant 1 : i32
      %dma_start3A_290 = arith.constant 0 : i32
      %dma_start3A_291 = arith.constant 0 : i32
      %dma_start3A_292 = tpu.memref_slice %arg11[%dma_start3A_288, %dma_start3A_290, %dma_start3A_291] : memref<4x128x64xf32, #tpu.memory_space<vmem>> -> memref<1x128x64xf32, #tpu.memory_space<vmem>>
      %dma_start3A_293 = tpu.memref_squeeze %dma_start3A_292 : memref<1x128x64xf32, #tpu.memory_space<vmem>> -> memref<128x64xf32, #tpu.memory_space<vmem>>
      %dma_start3A_294 = arith.constant 0 : i32
      %dma_start3A_295 = tpu.memref_slice %arg7[%add3A_271, %dma_start3A_294] : memref<163840x64xf32, #tpu.memory_space<hbm>> -> memref<128x64xf32, #tpu.memory_space<hbm>>
      %dma_start3A_296 = tpu.memref_slice %arg15[%dma_start3A_289] : memref<4x!tpu.dma_semaphore, #tpu.memory_space<semaphore_mem>> -> memref<1x!tpu.dma_semaphore, #tpu.memory_space<semaphore_mem>>
      %dma_start3A_297 = tpu.memref_squeeze %dma_start3A_296 : memref<1x!tpu.dma_semaphore, #tpu.memory_space<semaphore_mem>> -> memref<!tpu.dma_semaphore, #tpu.memory_space<semaphore_mem>>
      %dma_start3A_298 = arith.constant 0 : i32
      %dma_start3A_299 = tpu.memref_slice %arg7[%add3A_271, %dma_start3A_298] : memref<163840x64xf32, #tpu.memory_space<hbm>> -> memref<128x64xf32, #tpu.memory_space<hbm>>
      %dma_start3A_300 = arith.constant 0 : i32
      %dma_start3A_301 = arith.constant 0 : i32
      %dma_start3A_302 = tpu.memref_slice %arg11[%dma_start3A_288, %dma_start3A_300, %dma_start3A_301] : memref<4x128x64xf32, #tpu.memory_space<vmem>> -> memref<1x128x64xf32, #tpu.memory_space<vmem>>
      %dma_start3A_303 = tpu.memref_squeeze %dma_start3A_302 : memref<1x128x64xf32, #tpu.memory_space<vmem>> -> memref<128x64xf32, #tpu.memory_space<vmem>>
      tpu.enqueue_dma source(%dma_start3A_303 : memref<128x64xf32, #tpu.memory_space<vmem>>) target(%dma_start3A_299 : memref<128x64xf32, #tpu.memory_space<hbm>>) target_semaphore(%dma_start3A_297 : memref<!tpu.dma_semaphore, #tpu.memory_space<semaphore_mem>>)
      %mul3A_304 = arith.constant 128 : i32
      %mul3A_305 = arith.muli %add3A_240, %mul3A_304 : i32
      %add3A_306 = arith.addi %mul3A_2, %mul3A_305 : i32
      %dma_wait3A_307 = arith.constant 1 : i32
      %dma_wait3A_308 = arith.constant 1 : i32
      %dma_wait3A_309 = arith.constant 0 : i32
      %dma_wait3A_310 = arith.constant 0 : i32
      %dma_wait3A_311 = tpu.memref_slice %arg10[%dma_wait3A_307, %dma_wait3A_309, %dma_wait3A_310] : memref<4x128x64xf32, #tpu.memory_space<vmem>> -> memref<1x128x64xf32, #tpu.memory_space<vmem>>
      %dma_wait3A_312 = tpu.memref_squeeze %dma_wait3A_311 : memref<1x128x64xf32, #tpu.memory_space<vmem>> -> memref<128x64xf32, #tpu.memory_space<vmem>>
      %dma_wait3A_313 = arith.constant 0 : i32
      %dma_wait3A_314 = tpu.memref_slice %arg6[%add3A_306, %dma_wait3A_313] : memref<163840x64xf32, #tpu.memory_space<hbm>> -> memref<128x64xf32, #tpu.memory_space<hbm>>
      %dma_wait3A_315 = tpu.memref_slice %arg14[%dma_wait3A_308] : memref<4x!tpu.dma_semaphore, #tpu.memory_space<semaphore_mem>> -> memref<1x!tpu.dma_semaphore, #tpu.memory_space<semaphore_mem>>
      %dma_wait3A_316 = tpu.memref_squeeze %dma_wait3A_315 : memref<1x!tpu.dma_semaphore, #tpu.memory_space<semaphore_mem>> -> memref<!tpu.dma_semaphore, #tpu.memory_space<semaphore_mem>>
      %dma_wait3A_317 = arith.constant 0 : i32
      %dma_wait3A_318 = tpu.memref_slice %arg6[%add3A_306, %dma_wait3A_317] : memref<163840x64xf32, #tpu.memory_space<hbm>> -> memref<128x64xf32, #tpu.memory_space<hbm>>
      %dma_wait3A_319 = arith.constant 0 : i32
      %dma_wait3A_320 = arith.constant 0 : i32
      %dma_wait3A_321 = tpu.memref_slice %arg10[%dma_wait3A_307, %dma_wait3A_319, %dma_wait3A_320] : memref<4x128x64xf32, #tpu.memory_space<vmem>> -> memref<1x128x64xf32, #tpu.memory_space<vmem>>
      %dma_wait3A_322 = tpu.memref_squeeze %dma_wait3A_321 : memref<1x128x64xf32, #tpu.memory_space<vmem>> -> memref<128x64xf32, #tpu.memory_space<vmem>>
      tpu.wait_dma2 semaphore(%dma_wait3A_316 : memref<!tpu.dma_semaphore, #tpu.memory_space<semaphore_mem>>) src(%dma_wait3A_322 : memref<128x64xf32, #tpu.memory_space<vmem>>) dst(%dma_wait3A_318 : memref<128x64xf32, #tpu.memory_space<hbm>>)
      %dma_wait3A_323 = arith.constant 1 : i32
      %dma_wait3A_324 = arith.constant 1 : i32
      %dma_wait3A_325 = arith.constant 0 : i32
      %dma_wait3A_326 = arith.constant 0 : i32
      %dma_wait3A_327 = tpu.memref_slice %arg11[%dma_wait3A_323, %dma_wait3A_325, %dma_wait3A_326] : memref<4x128x64xf32, #tpu.memory_space<vmem>> -> memref<1x128x64xf32, #tpu.memory_space<vmem>>
      %dma_wait3A_328 = tpu.memref_squeeze %dma_wait3A_327 : memref<1x128x64xf32, #tpu.memory_space<vmem>> -> memref<128x64xf32, #tpu.memory_space<vmem>>
      %dma_wait3A_329 = arith.constant 0 : i32
      %dma_wait3A_330 = tpu.memref_slice %arg7[%add3A_306, %dma_wait3A_329] : memref<163840x64xf32, #tpu.memory_space<hbm>> -> memref<128x64xf32, #tpu.memory_space<hbm>>
      %dma_wait3A_331 = tpu.memref_slice %arg15[%dma_wait3A_324] : memref<4x!tpu.dma_semaphore, #tpu.memory_space<semaphore_mem>> -> memref<1x!tpu.dma_semaphore, #tpu.memory_space<semaphore_mem>>
      %dma_wait3A_332 = tpu.memref_squeeze %dma_wait3A_331 : memref<1x!tpu.dma_semaphore, #tpu.memory_space<semaphore_mem>> -> memref<!tpu.dma_semaphore, #tpu.memory_space<semaphore_mem>>
      %dma_wait3A_333 = arith.constant 0 : i32
      %dma_wait3A_334 = tpu.memref_slice %arg7[%add3A_306, %dma_wait3A_333] : memref<163840x64xf32, #tpu.memory_space<hbm>> -> memref<128x64xf32, #tpu.memory_space<hbm>>
      %dma_wait3A_335 = arith.constant 0 : i32
      %dma_wait3A_336 = arith.constant 0 : i32
      %dma_wait3A_337 = tpu.memref_slice %arg11[%dma_wait3A_323, %dma_wait3A_335, %dma_wait3A_336] : memref<4x128x64xf32, #tpu.memory_space<vmem>> -> memref<1x128x64xf32, #tpu.memory_space<vmem>>
      %dma_wait3A_338 = tpu.memref_squeeze %dma_wait3A_337 : memref<1x128x64xf32, #tpu.memory_space<vmem>> -> memref<128x64xf32, #tpu.memory_space<vmem>>
      tpu.wait_dma2 semaphore(%dma_wait3A_332 : memref<!tpu.dma_semaphore, #tpu.memory_space<semaphore_mem>>) src(%dma_wait3A_338 : memref<128x64xf32, #tpu.memory_space<vmem>>) dst(%dma_wait3A_334 : memref<128x64xf32, #tpu.memory_space<hbm>>)
      %add3A_339 = arith.constant 4 : i32
      %add3A_340 = arith.addi %add3A_240, %add3A_339 : i32
      %lt3A_341 = arith.constant 40 : i32
      %lt3A_342 = arith.cmpi slt, %add3A_340, %lt3A_341 : i32
      %convert_element_type3A_343 = arith.extui %lt3A_342 : i1 to i32
      %cond3A_344 = arith.constant 0 : i32
      %cond3A_345 = arith.cmpi ne, %convert_element_type3A_343, %cond3A_344 : i32
      scf.if %cond3A_345 {
        %add3A_564 = arith.constant 4 : i32
        %add3A_565 = arith.addi %add3A_240, %add3A_564 : i32
        %dma_start3A_566 = arith.constant 1 : i32
        %dma_start3A_567 = arith.constant 1 : i32
        %dma_start3A_568 = arith.constant 0 : i32
        %dma_start3A_569 = arith.constant 0 : i32
        %dma_start3A_570 = tpu.memref_slice %arg10[%dma_start3A_566, %dma_start3A_568, %dma_start3A_569] : memref<4x128x64xf32, #tpu.memory_space<vmem>> -> memref<1x128x64xf32, #tpu.memory_space<vmem>>
        %dma_start3A_571 = tpu.memref_squeeze %dma_start3A_570 : memref<1x128x64xf32, #tpu.memory_space<vmem>> -> memref<128x64xf32, #tpu.memory_space<vmem>>
        %dma_start3A_572 = arith.constant 0 : i32
        %dma_start3A_573 = tpu.memref_slice %arg8[%add3A_565, %dma_start3A_572] : memref<40x128xi32, #tpu.memory_space<vmem>> -> memref<1x128xi32, #tpu.memory_space<vmem>>
        %dma_start3A_574 = tpu.memref_squeeze %dma_start3A_573 : memref<1x128xi32, #tpu.memory_space<vmem>> -> memref<128xi32, #tpu.memory_space<vmem>>
        %dma_start3A_575 = arith.constant 0 : i32
        %dma_start3A_576 = arith.constant 0 : i32
        %dma_start3A_577 = tpu.memref_slice %arg2[%dma_start3A_575, %dma_start3A_576] : memref<10000x64xf32, #tpu.memory_space<hbm>> -> memref<10000x64xf32, #tpu.memory_space<hbm>>
        %dma_start3A_578 = tpu.memref_slice %arg12[%dma_start3A_567] : memref<4x!tpu.dma_semaphore, #tpu.memory_space<semaphore_mem>> -> memref<1x!tpu.dma_semaphore, #tpu.memory_space<semaphore_mem>>
        %dma_start3A_579 = tpu.memref_squeeze %dma_start3A_578 : memref<1x!tpu.dma_semaphore, #tpu.memory_space<semaphore_mem>> -> memref<!tpu.dma_semaphore, #tpu.memory_space<semaphore_mem>>
        tpu.enqueue_indirect_dma source(%dma_start3A_577 : memref<10000x64xf32, #tpu.memory_space<hbm>>) target(%dma_start3A_571 : memref<128x64xf32, #tpu.memory_space<vmem>>) offsets(%dma_start3A_574 : memref<128xi32, #tpu.memory_space<vmem>>) semaphore(%dma_start3A_579 : memref<!tpu.dma_semaphore, #tpu.memory_space<semaphore_mem>>)
        %dma_start3A_580 = arith.constant 1 : i32
        %dma_start3A_581 = arith.constant 1 : i32
        %dma_start3A_582 = arith.constant 0 : i32
        %dma_start3A_583 = arith.constant 0 : i32
        %dma_start3A_584 = tpu.memref_slice %arg11[%dma_start3A_580, %dma_start3A_582, %dma_start3A_583] : memref<4x128x64xf32, #tpu.memory_space<vmem>> -> memref<1x128x64xf32, #tpu.memory_space<vmem>>
        %dma_start3A_585 = tpu.memref_squeeze %dma_start3A_584 : memref<1x128x64xf32, #tpu.memory_space<vmem>> -> memref<128x64xf32, #tpu.memory_space<vmem>>
        %dma_start3A_586 = arith.constant 0 : i32
        %dma_start3A_587 = tpu.memref_slice %arg9[%add3A_565, %dma_start3A_586] : memref<40x128xi32, #tpu.memory_space<vmem>> -> memref<1x128xi32, #tpu.memory_space<vmem>>
        %dma_start3A_588 = tpu.memref_squeeze %dma_start3A_587 : memref<1x128xi32, #tpu.memory_space<vmem>> -> memref<128xi32, #tpu.memory_space<vmem>>
        %dma_start3A_589 = arith.constant 0 : i32
        %dma_start3A_590 = arith.constant 0 : i32
        %dma_start3A_591 = tpu.memref_slice %arg3[%dma_start3A_589, %dma_start3A_590] : memref<10000x64xf32, #tpu.memory_space<hbm>> -> memref<10000x64xf32, #tpu.memory_space<hbm>>
        %dma_start3A_592 = tpu.memref_slice %arg13[%dma_start3A_581] : memref<4x!tpu.dma_semaphore, #tpu.memory_space<semaphore_mem>> -> memref<1x!tpu.dma_semaphore, #tpu.memory_space<semaphore_mem>>
        %dma_start3A_593 = tpu.memref_squeeze %dma_start3A_592 : memref<1x!tpu.dma_semaphore, #tpu.memory_space<semaphore_mem>> -> memref<!tpu.dma_semaphore, #tpu.memory_space<semaphore_mem>>
        tpu.enqueue_indirect_dma source(%dma_start3A_591 : memref<10000x64xf32, #tpu.memory_space<hbm>>) target(%dma_start3A_585 : memref<128x64xf32, #tpu.memory_space<vmem>>) offsets(%dma_start3A_588 : memref<128xi32, #tpu.memory_space<vmem>>) semaphore(%dma_start3A_593 : memref<!tpu.dma_semaphore, #tpu.memory_space<semaphore_mem>>)
      } else {
      }
      %mul3A_346 = arith.constant 4 : i32
      %mul3A_347 = arith.muli %mul3A_346, %scan3A_131 : i32
      %add3A_348 = arith.constant 2 : i32
      %add3A_349 = arith.addi %mul3A_347, %add3A_348 : i32
      %dma_wait3A_350 = arith.constant 2 : i32
      %dma_wait3A_351 = arith.constant 2 : i32
      %dma_wait3A_352 = arith.constant 0 : i32
      %dma_wait3A_353 = arith.constant 0 : i32
      %dma_wait3A_354 = tpu.memref_slice %arg10[%dma_wait3A_350, %dma_wait3A_352, %dma_wait3A_353] : memref<4x128x64xf32, #tpu.memory_space<vmem>> -> memref<1x128x64xf32, #tpu.memory_space<vmem>>
      %dma_wait3A_355 = tpu.memref_squeeze %dma_wait3A_354 : memref<1x128x64xf32, #tpu.memory_space<vmem>> -> memref<128x64xf32, #tpu.memory_space<vmem>>
      %dma_wait3A_356 = arith.constant 0 : i32
      %dma_wait3A_357 = tpu.memref_slice %arg8[%add3A_349, %dma_wait3A_356] : memref<40x128xi32, #tpu.memory_space<vmem>> -> memref<1x128xi32, #tpu.memory_space<vmem>>
      %dma_wait3A_358 = tpu.memref_squeeze %dma_wait3A_357 : memref<1x128xi32, #tpu.memory_space<vmem>> -> memref<128xi32, #tpu.memory_space<vmem>>
      %dma_wait3A_359 = arith.constant 0 : i32
      %dma_wait3A_360 = arith.constant 0 : i32
      %dma_wait3A_361 = tpu.memref_slice %arg2[%dma_wait3A_359, %dma_wait3A_360] : memref<10000x64xf32, #tpu.memory_space<hbm>> -> memref<10000x64xf32, #tpu.memory_space<hbm>>
      %dma_wait3A_362 = tpu.memref_slice %arg12[%dma_wait3A_351] : memref<4x!tpu.dma_semaphore, #tpu.memory_space<semaphore_mem>> -> memref<1x!tpu.dma_semaphore, #tpu.memory_space<semaphore_mem>>
      %dma_wait3A_363 = tpu.memref_squeeze %dma_wait3A_362 : memref<1x!tpu.dma_semaphore, #tpu.memory_space<semaphore_mem>> -> memref<!tpu.dma_semaphore, #tpu.memory_space<semaphore_mem>>
      tpu.wait_indirect_dma semaphore(%dma_wait3A_363 : memref<!tpu.dma_semaphore, #tpu.memory_space<semaphore_mem>>) src(%dma_wait3A_361 : memref<10000x64xf32, #tpu.memory_space<hbm>>) dst(%dma_wait3A_355 : memref<128x64xf32, #tpu.memory_space<vmem>>)
      %dma_wait3A_364 = arith.constant 2 : i32
      %dma_wait3A_365 = arith.constant 2 : i32
      %dma_wait3A_366 = arith.constant 0 : i32
      %dma_wait3A_367 = arith.constant 0 : i32
      %dma_wait3A_368 = tpu.memref_slice %arg11[%dma_wait3A_364, %dma_wait3A_366, %dma_wait3A_367] : memref<4x128x64xf32, #tpu.memory_space<vmem>> -> memref<1x128x64xf32, #tpu.memory_space<vmem>>
      %dma_wait3A_369 = tpu.memref_squeeze %dma_wait3A_368 : memref<1x128x64xf32, #tpu.memory_space<vmem>> -> memref<128x64xf32, #tpu.memory_space<vmem>>
      %dma_wait3A_370 = arith.constant 0 : i32
      %dma_wait3A_371 = tpu.memref_slice %arg9[%add3A_349, %dma_wait3A_370] : memref<40x128xi32, #tpu.memory_space<vmem>> -> memref<1x128xi32, #tpu.memory_space<vmem>>
      %dma_wait3A_372 = tpu.memref_squeeze %dma_wait3A_371 : memref<1x128xi32, #tpu.memory_space<vmem>> -> memref<128xi32, #tpu.memory_space<vmem>>
      %dma_wait3A_373 = arith.constant 0 : i32
      %dma_wait3A_374 = arith.constant 0 : i32
      %dma_wait3A_375 = tpu.memref_slice %arg3[%dma_wait3A_373, %dma_wait3A_374] : memref<10000x64xf32, #tpu.memory_space<hbm>> -> memref<10000x64xf32, #tpu.memory_space<hbm>>
      %dma_wait3A_376 = tpu.memref_slice %arg13[%dma_wait3A_365] : memref<4x!tpu.dma_semaphore, #tpu.memory_space<semaphore_mem>> -> memref<1x!tpu.dma_semaphore, #tpu.memory_space<semaphore_mem>>
      %dma_wait3A_377 = tpu.memref_squeeze %dma_wait3A_376 : memref<1x!tpu.dma_semaphore, #tpu.memory_space<semaphore_mem>> -> memref<!tpu.dma_semaphore, #tpu.memory_space<semaphore_mem>>
      tpu.wait_indirect_dma semaphore(%dma_wait3A_377 : memref<!tpu.dma_semaphore, #tpu.memory_space<semaphore_mem>>) src(%dma_wait3A_375 : memref<10000x64xf32, #tpu.memory_space<hbm>>) dst(%dma_wait3A_369 : memref<128x64xf32, #tpu.memory_space<vmem>>)
      %mul3A_378 = arith.constant 128 : i32
      %mul3A_379 = arith.muli %add3A_349, %mul3A_378 : i32
      %add3A_380 = arith.addi %mul3A_2, %mul3A_379 : i32
      %dma_start3A_381 = arith.constant 2 : i32
      %dma_start3A_382 = arith.constant 2 : i32
      %dma_start3A_383 = arith.constant 0 : i32
      %dma_start3A_384 = arith.constant 0 : i32
      %dma_start3A_385 = tpu.memref_slice %arg10[%dma_start3A_381, %dma_start3A_383, %dma_start3A_384] : memref<4x128x64xf32, #tpu.memory_space<vmem>> -> memref<1x128x64xf32, #tpu.memory_space<vmem>>
      %dma_start3A_386 = tpu.memref_squeeze %dma_start3A_385 : memref<1x128x64xf32, #tpu.memory_space<vmem>> -> memref<128x64xf32, #tpu.memory_space<vmem>>
      %dma_start3A_387 = arith.constant 0 : i32
      %dma_start3A_388 = tpu.memref_slice %arg6[%add3A_380, %dma_start3A_387] : memref<163840x64xf32, #tpu.memory_space<hbm>> -> memref<128x64xf32, #tpu.memory_space<hbm>>
      %dma_start3A_389 = tpu.memref_slice %arg14[%dma_start3A_382] : memref<4x!tpu.dma_semaphore, #tpu.memory_space<semaphore_mem>> -> memref<1x!tpu.dma_semaphore, #tpu.memory_space<semaphore_mem>>
      %dma_start3A_390 = tpu.memref_squeeze %dma_start3A_389 : memref<1x!tpu.dma_semaphore, #tpu.memory_space<semaphore_mem>> -> memref<!tpu.dma_semaphore, #tpu.memory_space<semaphore_mem>>
      %dma_start3A_391 = arith.constant 0 : i32
      %dma_start3A_392 = tpu.memref_slice %arg6[%add3A_380, %dma_start3A_391] : memref<163840x64xf32, #tpu.memory_space<hbm>> -> memref<128x64xf32, #tpu.memory_space<hbm>>
      %dma_start3A_393 = arith.constant 0 : i32
      %dma_start3A_394 = arith.constant 0 : i32
      %dma_start3A_395 = tpu.memref_slice %arg10[%dma_start3A_381, %dma_start3A_393, %dma_start3A_394] : memref<4x128x64xf32, #tpu.memory_space<vmem>> -> memref<1x128x64xf32, #tpu.memory_space<vmem>>
      %dma_start3A_396 = tpu.memref_squeeze %dma_start3A_395 : memref<1x128x64xf32, #tpu.memory_space<vmem>> -> memref<128x64xf32, #tpu.memory_space<vmem>>
      tpu.enqueue_dma source(%dma_start3A_396 : memref<128x64xf32, #tpu.memory_space<vmem>>) target(%dma_start3A_392 : memref<128x64xf32, #tpu.memory_space<hbm>>) target_semaphore(%dma_start3A_390 : memref<!tpu.dma_semaphore, #tpu.memory_space<semaphore_mem>>)
      %dma_start3A_397 = arith.constant 2 : i32
      %dma_start3A_398 = arith.constant 2 : i32
      %dma_start3A_399 = arith.constant 0 : i32
      %dma_start3A_400 = arith.constant 0 : i32
      %dma_start3A_401 = tpu.memref_slice %arg11[%dma_start3A_397, %dma_start3A_399, %dma_start3A_400] : memref<4x128x64xf32, #tpu.memory_space<vmem>> -> memref<1x128x64xf32, #tpu.memory_space<vmem>>
      %dma_start3A_402 = tpu.memref_squeeze %dma_start3A_401 : memref<1x128x64xf32, #tpu.memory_space<vmem>> -> memref<128x64xf32, #tpu.memory_space<vmem>>
      %dma_start3A_403 = arith.constant 0 : i32
      %dma_start3A_404 = tpu.memref_slice %arg7[%add3A_380, %dma_start3A_403] : memref<163840x64xf32, #tpu.memory_space<hbm>> -> memref<128x64xf32, #tpu.memory_space<hbm>>
      %dma_start3A_405 = tpu.memref_slice %arg15[%dma_start3A_398] : memref<4x!tpu.dma_semaphore, #tpu.memory_space<semaphore_mem>> -> memref<1x!tpu.dma_semaphore, #tpu.memory_space<semaphore_mem>>
      %dma_start3A_406 = tpu.memref_squeeze %dma_start3A_405 : memref<1x!tpu.dma_semaphore, #tpu.memory_space<semaphore_mem>> -> memref<!tpu.dma_semaphore, #tpu.memory_space<semaphore_mem>>
      %dma_start3A_407 = arith.constant 0 : i32
      %dma_start3A_408 = tpu.memref_slice %arg7[%add3A_380, %dma_start3A_407] : memref<163840x64xf32, #tpu.memory_space<hbm>> -> memref<128x64xf32, #tpu.memory_space<hbm>>
      %dma_start3A_409 = arith.constant 0 : i32
      %dma_start3A_410 = arith.constant 0 : i32
      %dma_start3A_411 = tpu.memref_slice %arg11[%dma_start3A_397, %dma_start3A_409, %dma_start3A_410] : memref<4x128x64xf32, #tpu.memory_space<vmem>> -> memref<1x128x64xf32, #tpu.memory_space<vmem>>
      %dma_start3A_412 = tpu.memref_squeeze %dma_start3A_411 : memref<1x128x64xf32, #tpu.memory_space<vmem>> -> memref<128x64xf32, #tpu.memory_space<vmem>>
      tpu.enqueue_dma source(%dma_start3A_412 : memref<128x64xf32, #tpu.memory_space<vmem>>) target(%dma_start3A_408 : memref<128x64xf32, #tpu.memory_space<hbm>>) target_semaphore(%dma_start3A_406 : memref<!tpu.dma_semaphore, #tpu.memory_space<semaphore_mem>>)
      %mul3A_413 = arith.constant 128 : i32
      %mul3A_414 = arith.muli %add3A_349, %mul3A_413 : i32
      %add3A_415 = arith.addi %mul3A_2, %mul3A_414 : i32
      %dma_wait3A_416 = arith.constant 2 : i32
      %dma_wait3A_417 = arith.constant 2 : i32
      %dma_wait3A_418 = arith.constant 0 : i32
      %dma_wait3A_419 = arith.constant 0 : i32
      %dma_wait3A_420 = tpu.memref_slice %arg10[%dma_wait3A_416, %dma_wait3A_418, %dma_wait3A_419] : memref<4x128x64xf32, #tpu.memory_space<vmem>> -> memref<1x128x64xf32, #tpu.memory_space<vmem>>
      %dma_wait3A_421 = tpu.memref_squeeze %dma_wait3A_420 : memref<1x128x64xf32, #tpu.memory_space<vmem>> -> memref<128x64xf32, #tpu.memory_space<vmem>>
      %dma_wait3A_422 = arith.constant 0 : i32
      %dma_wait3A_423 = tpu.memref_slice %arg6[%add3A_415, %dma_wait3A_422] : memref<163840x64xf32, #tpu.memory_space<hbm>> -> memref<128x64xf32, #tpu.memory_space<hbm>>
      %dma_wait3A_424 = tpu.memref_slice %arg14[%dma_wait3A_417] : memref<4x!tpu.dma_semaphore, #tpu.memory_space<semaphore_mem>> -> memref<1x!tpu.dma_semaphore, #tpu.memory_space<semaphore_mem>>
      %dma_wait3A_425 = tpu.memref_squeeze %dma_wait3A_424 : memref<1x!tpu.dma_semaphore, #tpu.memory_space<semaphore_mem>> -> memref<!tpu.dma_semaphore, #tpu.memory_space<semaphore_mem>>
      %dma_wait3A_426 = arith.constant 0 : i32
      %dma_wait3A_427 = tpu.memref_slice %arg6[%add3A_415, %dma_wait3A_426] : memref<163840x64xf32, #tpu.memory_space<hbm>> -> memref<128x64xf32, #tpu.memory_space<hbm>>
      %dma_wait3A_428 = arith.constant 0 : i32
      %dma_wait3A_429 = arith.constant 0 : i32
      %dma_wait3A_430 = tpu.memref_slice %arg10[%dma_wait3A_416, %dma_wait3A_428, %dma_wait3A_429] : memref<4x128x64xf32, #tpu.memory_space<vmem>> -> memref<1x128x64xf32, #tpu.memory_space<vmem>>
      %dma_wait3A_431 = tpu.memref_squeeze %dma_wait3A_430 : memref<1x128x64xf32, #tpu.memory_space<vmem>> -> memref<128x64xf32, #tpu.memory_space<vmem>>
      tpu.wait_dma2 semaphore(%dma_wait3A_425 : memref<!tpu.dma_semaphore, #tpu.memory_space<semaphore_mem>>) src(%dma_wait3A_431 : memref<128x64xf32, #tpu.memory_space<vmem>>) dst(%dma_wait3A_427 : memref<128x64xf32, #tpu.memory_space<hbm>>)
      %dma_wait3A_432 = arith.constant 2 : i32
      %dma_wait3A_433 = arith.constant 2 : i32
      %dma_wait3A_434 = arith.constant 0 : i32
      %dma_wait3A_435 = arith.constant 0 : i32
      %dma_wait3A_436 = tpu.memref_slice %arg11[%dma_wait3A_432, %dma_wait3A_434, %dma_wait3A_435] : memref<4x128x64xf32, #tpu.memory_space<vmem>> -> memref<1x128x64xf32, #tpu.memory_space<vmem>>
      %dma_wait3A_437 = tpu.memref_squeeze %dma_wait3A_436 : memref<1x128x64xf32, #tpu.memory_space<vmem>> -> memref<128x64xf32, #tpu.memory_space<vmem>>
      %dma_wait3A_438 = arith.constant 0 : i32
      %dma_wait3A_439 = tpu.memref_slice %arg7[%add3A_415, %dma_wait3A_438] : memref<163840x64xf32, #tpu.memory_space<hbm>> -> memref<128x64xf32, #tpu.memory_space<hbm>>
      %dma_wait3A_440 = tpu.memref_slice %arg15[%dma_wait3A_433] : memref<4x!tpu.dma_semaphore, #tpu.memory_space<semaphore_mem>> -> memref<1x!tpu.dma_semaphore, #tpu.memory_space<semaphore_mem>>
      %dma_wait3A_441 = tpu.memref_squeeze %dma_wait3A_440 : memref<1x!tpu.dma_semaphore, #tpu.memory_space<semaphore_mem>> -> memref<!tpu.dma_semaphore, #tpu.memory_space<semaphore_mem>>
      %dma_wait3A_442 = arith.constant 0 : i32
      %dma_wait3A_443 = tpu.memref_slice %arg7[%add3A_415, %dma_wait3A_442] : memref<163840x64xf32, #tpu.memory_space<hbm>> -> memref<128x64xf32, #tpu.memory_space<hbm>>
      %dma_wait3A_444 = arith.constant 0 : i32
      %dma_wait3A_445 = arith.constant 0 : i32
      %dma_wait3A_446 = tpu.memref_slice %arg11[%dma_wait3A_432, %dma_wait3A_444, %dma_wait3A_445] : memref<4x128x64xf32, #tpu.memory_space<vmem>> -> memref<1x128x64xf32, #tpu.memory_space<vmem>>
      %dma_wait3A_447 = tpu.memref_squeeze %dma_wait3A_446 : memref<1x128x64xf32, #tpu.memory_space<vmem>> -> memref<128x64xf32, #tpu.memory_space<vmem>>
      tpu.wait_dma2 semaphore(%dma_wait3A_441 : memref<!tpu.dma_semaphore, #tpu.memory_space<semaphore_mem>>) src(%dma_wait3A_447 : memref<128x64xf32, #tpu.memory_space<vmem>>) dst(%dma_wait3A_443 : memref<128x64xf32, #tpu.memory_space<hbm>>)
      %add3A_448 = arith.constant 4 : i32
      %add3A_449 = arith.addi %add3A_349, %add3A_448 : i32
      %lt3A_450 = arith.constant 40 : i32
      %lt3A_451 = arith.cmpi slt, %add3A_449, %lt3A_450 : i32
      %convert_element_type3A_452 = arith.extui %lt3A_451 : i1 to i32
      %cond3A_453 = arith.constant 0 : i32
      %cond3A_454 = arith.cmpi ne, %convert_element_type3A_452, %cond3A_453 : i32
      scf.if %cond3A_454 {
        %add3A_564 = arith.constant 4 : i32
        %add3A_565 = arith.addi %add3A_349, %add3A_564 : i32
        %dma_start3A_566 = arith.constant 2 : i32
        %dma_start3A_567 = arith.constant 2 : i32
        %dma_start3A_568 = arith.constant 0 : i32
        %dma_start3A_569 = arith.constant 0 : i32
        %dma_start3A_570 = tpu.memref_slice %arg10[%dma_start3A_566, %dma_start3A_568, %dma_start3A_569] : memref<4x128x64xf32, #tpu.memory_space<vmem>> -> memref<1x128x64xf32, #tpu.memory_space<vmem>>
        %dma_start3A_571 = tpu.memref_squeeze %dma_start3A_570 : memref<1x128x64xf32, #tpu.memory_space<vmem>> -> memref<128x64xf32, #tpu.memory_space<vmem>>
        %dma_start3A_572 = arith.constant 0 : i32
        %dma_start3A_573 = tpu.memref_slice %arg8[%add3A_565, %dma_start3A_572] : memref<40x128xi32, #tpu.memory_space<vmem>> -> memref<1x128xi32, #tpu.memory_space<vmem>>
        %dma_start3A_574 = tpu.memref_squeeze %dma_start3A_573 : memref<1x128xi32, #tpu.memory_space<vmem>> -> memref<128xi32, #tpu.memory_space<vmem>>
        %dma_start3A_575 = arith.constant 0 : i32
        %dma_start3A_576 = arith.constant 0 : i32
        %dma_start3A_577 = tpu.memref_slice %arg2[%dma_start3A_575, %dma_start3A_576] : memref<10000x64xf32, #tpu.memory_space<hbm>> -> memref<10000x64xf32, #tpu.memory_space<hbm>>
        %dma_start3A_578 = tpu.memref_slice %arg12[%dma_start3A_567] : memref<4x!tpu.dma_semaphore, #tpu.memory_space<semaphore_mem>> -> memref<1x!tpu.dma_semaphore, #tpu.memory_space<semaphore_mem>>
        %dma_start3A_579 = tpu.memref_squeeze %dma_start3A_578 : memref<1x!tpu.dma_semaphore, #tpu.memory_space<semaphore_mem>> -> memref<!tpu.dma_semaphore, #tpu.memory_space<semaphore_mem>>
        tpu.enqueue_indirect_dma source(%dma_start3A_577 : memref<10000x64xf32, #tpu.memory_space<hbm>>) target(%dma_start3A_571 : memref<128x64xf32, #tpu.memory_space<vmem>>) offsets(%dma_start3A_574 : memref<128xi32, #tpu.memory_space<vmem>>) semaphore(%dma_start3A_579 : memref<!tpu.dma_semaphore, #tpu.memory_space<semaphore_mem>>)
        %dma_start3A_580 = arith.constant 2 : i32
        %dma_start3A_581 = arith.constant 2 : i32
        %dma_start3A_582 = arith.constant 0 : i32
        %dma_start3A_583 = arith.constant 0 : i32
        %dma_start3A_584 = tpu.memref_slice %arg11[%dma_start3A_580, %dma_start3A_582, %dma_start3A_583] : memref<4x128x64xf32, #tpu.memory_space<vmem>> -> memref<1x128x64xf32, #tpu.memory_space<vmem>>
        %dma_start3A_585 = tpu.memref_squeeze %dma_start3A_584 : memref<1x128x64xf32, #tpu.memory_space<vmem>> -> memref<128x64xf32, #tpu.memory_space<vmem>>
        %dma_start3A_586 = arith.constant 0 : i32
        %dma_start3A_587 = tpu.memref_slice %arg9[%add3A_565, %dma_start3A_586] : memref<40x128xi32, #tpu.memory_space<vmem>> -> memref<1x128xi32, #tpu.memory_space<vmem>>
        %dma_start3A_588 = tpu.memref_squeeze %dma_start3A_587 : memref<1x128xi32, #tpu.memory_space<vmem>> -> memref<128xi32, #tpu.memory_space<vmem>>
        %dma_start3A_589 = arith.constant 0 : i32
        %dma_start3A_590 = arith.constant 0 : i32
        %dma_start3A_591 = tpu.memref_slice %arg3[%dma_start3A_589, %dma_start3A_590] : memref<10000x64xf32, #tpu.memory_space<hbm>> -> memref<10000x64xf32, #tpu.memory_space<hbm>>
        %dma_start3A_592 = tpu.memref_slice %arg13[%dma_start3A_581] : memref<4x!tpu.dma_semaphore, #tpu.memory_space<semaphore_mem>> -> memref<1x!tpu.dma_semaphore, #tpu.memory_space<semaphore_mem>>
        %dma_start3A_593 = tpu.memref_squeeze %dma_start3A_592 : memref<1x!tpu.dma_semaphore, #tpu.memory_space<semaphore_mem>> -> memref<!tpu.dma_semaphore, #tpu.memory_space<semaphore_mem>>
        tpu.enqueue_indirect_dma source(%dma_start3A_591 : memref<10000x64xf32, #tpu.memory_space<hbm>>) target(%dma_start3A_585 : memref<128x64xf32, #tpu.memory_space<vmem>>) offsets(%dma_start3A_588 : memref<128xi32, #tpu.memory_space<vmem>>) semaphore(%dma_start3A_593 : memref<!tpu.dma_semaphore, #tpu.memory_space<semaphore_mem>>)
      } else {
      }
      %mul3A_455 = arith.constant 4 : i32
      %mul3A_456 = arith.muli %mul3A_455, %scan3A_131 : i32
      %add3A_457 = arith.constant 3 : i32
      %add3A_458 = arith.addi %mul3A_456, %add3A_457 : i32
      %dma_wait3A_459 = arith.constant 3 : i32
      %dma_wait3A_460 = arith.constant 3 : i32
      %dma_wait3A_461 = arith.constant 0 : i32
      %dma_wait3A_462 = arith.constant 0 : i32
      %dma_wait3A_463 = tpu.memref_slice %arg10[%dma_wait3A_459, %dma_wait3A_461, %dma_wait3A_462] : memref<4x128x64xf32, #tpu.memory_space<vmem>> -> memref<1x128x64xf32, #tpu.memory_space<vmem>>
      %dma_wait3A_464 = tpu.memref_squeeze %dma_wait3A_463 : memref<1x128x64xf32, #tpu.memory_space<vmem>> -> memref<128x64xf32, #tpu.memory_space<vmem>>
      %dma_wait3A_465 = arith.constant 0 : i32
      %dma_wait3A_466 = tpu.memref_slice %arg8[%add3A_458, %dma_wait3A_465] : memref<40x128xi32, #tpu.memory_space<vmem>> -> memref<1x128xi32, #tpu.memory_space<vmem>>
      %dma_wait3A_467 = tpu.memref_squeeze %dma_wait3A_466 : memref<1x128xi32, #tpu.memory_space<vmem>> -> memref<128xi32, #tpu.memory_space<vmem>>
      %dma_wait3A_468 = arith.constant 0 : i32
      %dma_wait3A_469 = arith.constant 0 : i32
      %dma_wait3A_470 = tpu.memref_slice %arg2[%dma_wait3A_468, %dma_wait3A_469] : memref<10000x64xf32, #tpu.memory_space<hbm>> -> memref<10000x64xf32, #tpu.memory_space<hbm>>
      %dma_wait3A_471 = tpu.memref_slice %arg12[%dma_wait3A_460] : memref<4x!tpu.dma_semaphore, #tpu.memory_space<semaphore_mem>> -> memref<1x!tpu.dma_semaphore, #tpu.memory_space<semaphore_mem>>
      %dma_wait3A_472 = tpu.memref_squeeze %dma_wait3A_471 : memref<1x!tpu.dma_semaphore, #tpu.memory_space<semaphore_mem>> -> memref<!tpu.dma_semaphore, #tpu.memory_space<semaphore_mem>>
      tpu.wait_indirect_dma semaphore(%dma_wait3A_472 : memref<!tpu.dma_semaphore, #tpu.memory_space<semaphore_mem>>) src(%dma_wait3A_470 : memref<10000x64xf32, #tpu.memory_space<hbm>>) dst(%dma_wait3A_464 : memref<128x64xf32, #tpu.memory_space<vmem>>)
      %dma_wait3A_473 = arith.constant 3 : i32
      %dma_wait3A_474 = arith.constant 3 : i32
      %dma_wait3A_475 = arith.constant 0 : i32
      %dma_wait3A_476 = arith.constant 0 : i32
      %dma_wait3A_477 = tpu.memref_slice %arg11[%dma_wait3A_473, %dma_wait3A_475, %dma_wait3A_476] : memref<4x128x64xf32, #tpu.memory_space<vmem>> -> memref<1x128x64xf32, #tpu.memory_space<vmem>>
      %dma_wait3A_478 = tpu.memref_squeeze %dma_wait3A_477 : memref<1x128x64xf32, #tpu.memory_space<vmem>> -> memref<128x64xf32, #tpu.memory_space<vmem>>
      %dma_wait3A_479 = arith.constant 0 : i32
      %dma_wait3A_480 = tpu.memref_slice %arg9[%add3A_458, %dma_wait3A_479] : memref<40x128xi32, #tpu.memory_space<vmem>> -> memref<1x128xi32, #tpu.memory_space<vmem>>
      %dma_wait3A_481 = tpu.memref_squeeze %dma_wait3A_480 : memref<1x128xi32, #tpu.memory_space<vmem>> -> memref<128xi32, #tpu.memory_space<vmem>>
      %dma_wait3A_482 = arith.constant 0 : i32
      %dma_wait3A_483 = arith.constant 0 : i32
      %dma_wait3A_484 = tpu.memref_slice %arg3[%dma_wait3A_482, %dma_wait3A_483] : memref<10000x64xf32, #tpu.memory_space<hbm>> -> memref<10000x64xf32, #tpu.memory_space<hbm>>
      %dma_wait3A_485 = tpu.memref_slice %arg13[%dma_wait3A_474] : memref<4x!tpu.dma_semaphore, #tpu.memory_space<semaphore_mem>> -> memref<1x!tpu.dma_semaphore, #tpu.memory_space<semaphore_mem>>
      %dma_wait3A_486 = tpu.memref_squeeze %dma_wait3A_485 : memref<1x!tpu.dma_semaphore, #tpu.memory_space<semaphore_mem>> -> memref<!tpu.dma_semaphore, #tpu.memory_space<semaphore_mem>>
      tpu.wait_indirect_dma semaphore(%dma_wait3A_486 : memref<!tpu.dma_semaphore, #tpu.memory_space<semaphore_mem>>) src(%dma_wait3A_484 : memref<10000x64xf32, #tpu.memory_space<hbm>>) dst(%dma_wait3A_478 : memref<128x64xf32, #tpu.memory_space<vmem>>)
      %mul3A_487 = arith.constant 128 : i32
      %mul3A_488 = arith.muli %add3A_458, %mul3A_487 : i32
      %add3A_489 = arith.addi %mul3A_2, %mul3A_488 : i32
      %dma_start3A_490 = arith.constant 3 : i32
      %dma_start3A_491 = arith.constant 3 : i32
      %dma_start3A_492 = arith.constant 0 : i32
      %dma_start3A_493 = arith.constant 0 : i32
      %dma_start3A_494 = tpu.memref_slice %arg10[%dma_start3A_490, %dma_start3A_492, %dma_start3A_493] : memref<4x128x64xf32, #tpu.memory_space<vmem>> -> memref<1x128x64xf32, #tpu.memory_space<vmem>>
      %dma_start3A_495 = tpu.memref_squeeze %dma_start3A_494 : memref<1x128x64xf32, #tpu.memory_space<vmem>> -> memref<128x64xf32, #tpu.memory_space<vmem>>
      %dma_start3A_496 = arith.constant 0 : i32
      %dma_start3A_497 = tpu.memref_slice %arg6[%add3A_489, %dma_start3A_496] : memref<163840x64xf32, #tpu.memory_space<hbm>> -> memref<128x64xf32, #tpu.memory_space<hbm>>
      %dma_start3A_498 = tpu.memref_slice %arg14[%dma_start3A_491] : memref<4x!tpu.dma_semaphore, #tpu.memory_space<semaphore_mem>> -> memref<1x!tpu.dma_semaphore, #tpu.memory_space<semaphore_mem>>
      %dma_start3A_499 = tpu.memref_squeeze %dma_start3A_498 : memref<1x!tpu.dma_semaphore, #tpu.memory_space<semaphore_mem>> -> memref<!tpu.dma_semaphore, #tpu.memory_space<semaphore_mem>>
      %dma_start3A_500 = arith.constant 0 : i32
      %dma_start3A_501 = tpu.memref_slice %arg6[%add3A_489, %dma_start3A_500] : memref<163840x64xf32, #tpu.memory_space<hbm>> -> memref<128x64xf32, #tpu.memory_space<hbm>>
      %dma_start3A_502 = arith.constant 0 : i32
      %dma_start3A_503 = arith.constant 0 : i32
      %dma_start3A_504 = tpu.memref_slice %arg10[%dma_start3A_490, %dma_start3A_502, %dma_start3A_503] : memref<4x128x64xf32, #tpu.memory_space<vmem>> -> memref<1x128x64xf32, #tpu.memory_space<vmem>>
      %dma_start3A_505 = tpu.memref_squeeze %dma_start3A_504 : memref<1x128x64xf32, #tpu.memory_space<vmem>> -> memref<128x64xf32, #tpu.memory_space<vmem>>
      tpu.enqueue_dma source(%dma_start3A_505 : memref<128x64xf32, #tpu.memory_space<vmem>>) target(%dma_start3A_501 : memref<128x64xf32, #tpu.memory_space<hbm>>) target_semaphore(%dma_start3A_499 : memref<!tpu.dma_semaphore, #tpu.memory_space<semaphore_mem>>)
      %dma_start3A_506 = arith.constant 3 : i32
      %dma_start3A_507 = arith.constant 3 : i32
      %dma_start3A_508 = arith.constant 0 : i32
      %dma_start3A_509 = arith.constant 0 : i32
      %dma_start3A_510 = tpu.memref_slice %arg11[%dma_start3A_506, %dma_start3A_508, %dma_start3A_509] : memref<4x128x64xf32, #tpu.memory_space<vmem>> -> memref<1x128x64xf32, #tpu.memory_space<vmem>>
      %dma_start3A_511 = tpu.memref_squeeze %dma_start3A_510 : memref<1x128x64xf32, #tpu.memory_space<vmem>> -> memref<128x64xf32, #tpu.memory_space<vmem>>
      %dma_start3A_512 = arith.constant 0 : i32
      %dma_start3A_513 = tpu.memref_slice %arg7[%add3A_489, %dma_start3A_512] : memref<163840x64xf32, #tpu.memory_space<hbm>> -> memref<128x64xf32, #tpu.memory_space<hbm>>
      %dma_start3A_514 = tpu.memref_slice %arg15[%dma_start3A_507] : memref<4x!tpu.dma_semaphore, #tpu.memory_space<semaphore_mem>> -> memref<1x!tpu.dma_semaphore, #tpu.memory_space<semaphore_mem>>
      %dma_start3A_515 = tpu.memref_squeeze %dma_start3A_514 : memref<1x!tpu.dma_semaphore, #tpu.memory_space<semaphore_mem>> -> memref<!tpu.dma_semaphore, #tpu.memory_space<semaphore_mem>>
      %dma_start3A_516 = arith.constant 0 : i32
      %dma_start3A_517 = tpu.memref_slice %arg7[%add3A_489, %dma_start3A_516] : memref<163840x64xf32, #tpu.memory_space<hbm>> -> memref<128x64xf32, #tpu.memory_space<hbm>>
      %dma_start3A_518 = arith.constant 0 : i32
      %dma_start3A_519 = arith.constant 0 : i32
      %dma_start3A_520 = tpu.memref_slice %arg11[%dma_start3A_506, %dma_start3A_518, %dma_start3A_519] : memref<4x128x64xf32, #tpu.memory_space<vmem>> -> memref<1x128x64xf32, #tpu.memory_space<vmem>>
      %dma_start3A_521 = tpu.memref_squeeze %dma_start3A_520 : memref<1x128x64xf32, #tpu.memory_space<vmem>> -> memref<128x64xf32, #tpu.memory_space<vmem>>
      tpu.enqueue_dma source(%dma_start3A_521 : memref<128x64xf32, #tpu.memory_space<vmem>>) target(%dma_start3A_517 : memref<128x64xf32, #tpu.memory_space<hbm>>) target_semaphore(%dma_start3A_515 : memref<!tpu.dma_semaphore, #tpu.memory_space<semaphore_mem>>)
      %mul3A_522 = arith.constant 128 : i32
      %mul3A_523 = arith.muli %add3A_458, %mul3A_522 : i32
      %add3A_524 = arith.addi %mul3A_2, %mul3A_523 : i32
      %dma_wait3A_525 = arith.constant 3 : i32
      %dma_wait3A_526 = arith.constant 3 : i32
      %dma_wait3A_527 = arith.constant 0 : i32
      %dma_wait3A_528 = arith.constant 0 : i32
      %dma_wait3A_529 = tpu.memref_slice %arg10[%dma_wait3A_525, %dma_wait3A_527, %dma_wait3A_528] : memref<4x128x64xf32, #tpu.memory_space<vmem>> -> memref<1x128x64xf32, #tpu.memory_space<vmem>>
      %dma_wait3A_530 = tpu.memref_squeeze %dma_wait3A_529 : memref<1x128x64xf32, #tpu.memory_space<vmem>> -> memref<128x64xf32, #tpu.memory_space<vmem>>
      %dma_wait3A_531 = arith.constant 0 : i32
      %dma_wait3A_532 = tpu.memref_slice %arg6[%add3A_524, %dma_wait3A_531] : memref<163840x64xf32, #tpu.memory_space<hbm>> -> memref<128x64xf32, #tpu.memory_space<hbm>>
      %dma_wait3A_533 = tpu.memref_slice %arg14[%dma_wait3A_526] : memref<4x!tpu.dma_semaphore, #tpu.memory_space<semaphore_mem>> -> memref<1x!tpu.dma_semaphore, #tpu.memory_space<semaphore_mem>>
      %dma_wait3A_534 = tpu.memref_squeeze %dma_wait3A_533 : memref<1x!tpu.dma_semaphore, #tpu.memory_space<semaphore_mem>> -> memref<!tpu.dma_semaphore, #tpu.memory_space<semaphore_mem>>
      %dma_wait3A_535 = arith.constant 0 : i32
      %dma_wait3A_536 = tpu.memref_slice %arg6[%add3A_524, %dma_wait3A_535] : memref<163840x64xf32, #tpu.memory_space<hbm>> -> memref<128x64xf32, #tpu.memory_space<hbm>>
      %dma_wait3A_537 = arith.constant 0 : i32
      %dma_wait3A_538 = arith.constant 0 : i32
      %dma_wait3A_539 = tpu.memref_slice %arg10[%dma_wait3A_525, %dma_wait3A_537, %dma_wait3A_538] : memref<4x128x64xf32, #tpu.memory_space<vmem>> -> memref<1x128x64xf32, #tpu.memory_space<vmem>>
      %dma_wait3A_540 = tpu.memref_squeeze %dma_wait3A_539 : memref<1x128x64xf32, #tpu.memory_space<vmem>> -> memref<128x64xf32, #tpu.memory_space<vmem>>
      tpu.wait_dma2 semaphore(%dma_wait3A_534 : memref<!tpu.dma_semaphore, #tpu.memory_space<semaphore_mem>>) src(%dma_wait3A_540 : memref<128x64xf32, #tpu.memory_space<vmem>>) dst(%dma_wait3A_536 : memref<128x64xf32, #tpu.memory_space<hbm>>)
      %dma_wait3A_541 = arith.constant 3 : i32
      %dma_wait3A_542 = arith.constant 3 : i32
      %dma_wait3A_543 = arith.constant 0 : i32
      %dma_wait3A_544 = arith.constant 0 : i32
      %dma_wait3A_545 = tpu.memref_slice %arg11[%dma_wait3A_541, %dma_wait3A_543, %dma_wait3A_544] : memref<4x128x64xf32, #tpu.memory_space<vmem>> -> memref<1x128x64xf32, #tpu.memory_space<vmem>>
      %dma_wait3A_546 = tpu.memref_squeeze %dma_wait3A_545 : memref<1x128x64xf32, #tpu.memory_space<vmem>> -> memref<128x64xf32, #tpu.memory_space<vmem>>
      %dma_wait3A_547 = arith.constant 0 : i32
      %dma_wait3A_548 = tpu.memref_slice %arg7[%add3A_524, %dma_wait3A_547] : memref<163840x64xf32, #tpu.memory_space<hbm>> -> memref<128x64xf32, #tpu.memory_space<hbm>>
      %dma_wait3A_549 = tpu.memref_slice %arg15[%dma_wait3A_542] : memref<4x!tpu.dma_semaphore, #tpu.memory_space<semaphore_mem>> -> memref<1x!tpu.dma_semaphore, #tpu.memory_space<semaphore_mem>>
      %dma_wait3A_550 = tpu.memref_squeeze %dma_wait3A_549 : memref<1x!tpu.dma_semaphore, #tpu.memory_space<semaphore_mem>> -> memref<!tpu.dma_semaphore, #tpu.memory_space<semaphore_mem>>
      %dma_wait3A_551 = arith.constant 0 : i32
      %dma_wait3A_552 = tpu.memref_slice %arg7[%add3A_524, %dma_wait3A_551] : memref<163840x64xf32, #tpu.memory_space<hbm>> -> memref<128x64xf32, #tpu.memory_space<hbm>>
      %dma_wait3A_553 = arith.constant 0 : i32
      %dma_wait3A_554 = arith.constant 0 : i32
      %dma_wait3A_555 = tpu.memref_slice %arg11[%dma_wait3A_541, %dma_wait3A_553, %dma_wait3A_554] : memref<4x128x64xf32, #tpu.memory_space<vmem>> -> memref<1x128x64xf32, #tpu.memory_space<vmem>>
      %dma_wait3A_556 = tpu.memref_squeeze %dma_wait3A_555 : memref<1x128x64xf32, #tpu.memory_space<vmem>> -> memref<128x64xf32, #tpu.memory_space<vmem>>
      tpu.wait_dma2 semaphore(%dma_wait3A_550 : memref<!tpu.dma_semaphore, #tpu.memory_space<semaphore_mem>>) src(%dma_wait3A_556 : memref<128x64xf32, #tpu.memory_space<vmem>>) dst(%dma_wait3A_552 : memref<128x64xf32, #tpu.memory_space<hbm>>)
      %add3A_557 = arith.constant 4 : i32
      %add3A_558 = arith.addi %add3A_458, %add3A_557 : i32
      %lt3A_559 = arith.constant 40 : i32
      %lt3A_560 = arith.cmpi slt, %add3A_558, %lt3A_559 : i32
      %convert_element_type3A_561 = arith.extui %lt3A_560 : i1 to i32
      %cond3A_562 = arith.constant 0 : i32
      %cond3A_563 = arith.cmpi ne, %convert_element_type3A_561, %cond3A_562 : i32
      scf.if %cond3A_563 {
        %add3A_564 = arith.constant 4 : i32
        %add3A_565 = arith.addi %add3A_458, %add3A_564 : i32
        %dma_start3A_566 = arith.constant 3 : i32
        %dma_start3A_567 = arith.constant 3 : i32
        %dma_start3A_568 = arith.constant 0 : i32
        %dma_start3A_569 = arith.constant 0 : i32
        %dma_start3A_570 = tpu.memref_slice %arg10[%dma_start3A_566, %dma_start3A_568, %dma_start3A_569] : memref<4x128x64xf32, #tpu.memory_space<vmem>> -> memref<1x128x64xf32, #tpu.memory_space<vmem>>
        %dma_start3A_571 = tpu.memref_squeeze %dma_start3A_570 : memref<1x128x64xf32, #tpu.memory_space<vmem>> -> memref<128x64xf32, #tpu.memory_space<vmem>>
        %dma_start3A_572 = arith.constant 0 : i32
        %dma_start3A_573 = tpu.memref_slice %arg8[%add3A_565, %dma_start3A_572] : memref<40x128xi32, #tpu.memory_space<vmem>> -> memref<1x128xi32, #tpu.memory_space<vmem>>
        %dma_start3A_574 = tpu.memref_squeeze %dma_start3A_573 : memref<1x128xi32, #tpu.memory_space<vmem>> -> memref<128xi32, #tpu.memory_space<vmem>>
        %dma_start3A_575 = arith.constant 0 : i32
        %dma_start3A_576 = arith.constant 0 : i32
        %dma_start3A_577 = tpu.memref_slice %arg2[%dma_start3A_575, %dma_start3A_576] : memref<10000x64xf32, #tpu.memory_space<hbm>> -> memref<10000x64xf32, #tpu.memory_space<hbm>>
        %dma_start3A_578 = tpu.memref_slice %arg12[%dma_start3A_567] : memref<4x!tpu.dma_semaphore, #tpu.memory_space<semaphore_mem>> -> memref<1x!tpu.dma_semaphore, #tpu.memory_space<semaphore_mem>>
        %dma_start3A_579 = tpu.memref_squeeze %dma_start3A_578 : memref<1x!tpu.dma_semaphore, #tpu.memory_space<semaphore_mem>> -> memref<!tpu.dma_semaphore, #tpu.memory_space<semaphore_mem>>
        tpu.enqueue_indirect_dma source(%dma_start3A_577 : memref<10000x64xf32, #tpu.memory_space<hbm>>) target(%dma_start3A_571 : memref<128x64xf32, #tpu.memory_space<vmem>>) offsets(%dma_start3A_574 : memref<128xi32, #tpu.memory_space<vmem>>) semaphore(%dma_start3A_579 : memref<!tpu.dma_semaphore, #tpu.memory_space<semaphore_mem>>)
        %dma_start3A_580 = arith.constant 3 : i32
        %dma_start3A_581 = arith.constant 3 : i32
        %dma_start3A_582 = arith.constant 0 : i32
        %dma_start3A_583 = arith.constant 0 : i32
        %dma_start3A_584 = tpu.memref_slice %arg11[%dma_start3A_580, %dma_start3A_582, %dma_start3A_583] : memref<4x128x64xf32, #tpu.memory_space<vmem>> -> memref<1x128x64xf32, #tpu.memory_space<vmem>>
        %dma_start3A_585 = tpu.memref_squeeze %dma_start3A_584 : memref<1x128x64xf32, #tpu.memory_space<vmem>> -> memref<128x64xf32, #tpu.memory_space<vmem>>
        %dma_start3A_586 = arith.constant 0 : i32
        %dma_start3A_587 = tpu.memref_slice %arg9[%add3A_565, %dma_start3A_586] : memref<40x128xi32, #tpu.memory_space<vmem>> -> memref<1x128xi32, #tpu.memory_space<vmem>>
        %dma_start3A_588 = tpu.memref_squeeze %dma_start3A_587 : memref<1x128xi32, #tpu.memory_space<vmem>> -> memref<128xi32, #tpu.memory_space<vmem>>
        %dma_start3A_589 = arith.constant 0 : i32
        %dma_start3A_590 = arith.constant 0 : i32
        %dma_start3A_591 = tpu.memref_slice %arg3[%dma_start3A_589, %dma_start3A_590] : memref<10000x64xf32, #tpu.memory_space<hbm>> -> memref<10000x64xf32, #tpu.memory_space<hbm>>
        %dma_start3A_592 = tpu.memref_slice %arg13[%dma_start3A_581] : memref<4x!tpu.dma_semaphore, #tpu.memory_space<semaphore_mem>> -> memref<1x!tpu.dma_semaphore, #tpu.memory_space<semaphore_mem>>
        %dma_start3A_593 = tpu.memref_squeeze %dma_start3A_592 : memref<1x!tpu.dma_semaphore, #tpu.memory_space<semaphore_mem>> -> memref<!tpu.dma_semaphore, #tpu.memory_space<semaphore_mem>>
        tpu.enqueue_indirect_dma source(%dma_start3A_591 : memref<10000x64xf32, #tpu.memory_space<hbm>>) target(%dma_start3A_585 : memref<128x64xf32, #tpu.memory_space<vmem>>) offsets(%dma_start3A_588 : memref<128xi32, #tpu.memory_space<vmem>>) semaphore(%dma_start3A_593 : memref<!tpu.dma_semaphore, #tpu.memory_space<semaphore_mem>>)
      } else {
      }
    }
    %scan3A_130 = arith.constant 10 : i32
    return
  }
}

#map = affine_map<(d0, d1) -> (0, 0)>
module attributes {stable_mosaic.version = 14 : i64} {
  func.func @scatter_k(%arg0: i32, %arg1: i32, %arg2: memref<163840x640xf32, #tpu.memory_space<hbm>>, %arg3: memref<1280x128xi32, #tpu.memory_space<hbm>>, %arg4: memref<10000x640xf32, #tpu.memory_space<hbm>>, %arg5: memref<80x128xi32, #tpu.memory_space<vmem>>, %arg6: memref<4x128x80xf32, #tpu.memory_space<vmem>>, %arg7: memref<125x80xf32, #tpu.memory_space<vmem>>, %arg8: memref<10000x80xf32, #tpu.memory_space<vmem_shared>>, %arg9: memref<4x!tpu.dma_semaphore, #tpu.memory_space<semaphore_mem>>) attributes {dimension_semantics = [#tpu.dimension_semantics<core_parallel>, #tpu.dimension_semantics<subcore_parallel>], iteration_bounds = array<i64: 2, 16>, scalar_prefetch = 0 : i64, scratch_operands = 5 : i64, tpu.core_type = #tpu.core_type<sc_vector_subcore>, window_params = [{transform_indices = #map}, {transform_indices = #map}, {transform_indices = #map}]} {
    %mul3A = arith.constant 80 : i32
    %mul3A_0 = arith.muli %arg1, %mul3A : i32
    "tpu.region"() ({
      %run_scoped3A = tpu.sem_alloc : memref<!tpu.dma_semaphore, #tpu.memory_space<semaphore_mem>>
      %dma_start3A_391 = arith.constant 0 : i32
      %dma_start3A_392 = tpu.memref_slice %arg3[%mul3A_0, %dma_start3A_391] : memref<1280x128xi32, #tpu.memory_space<hbm>> -> memref<80x128xi32, #tpu.memory_space<hbm>>
      %dma_start3A_393 = arith.constant 0 : i32
      %dma_start3A_394 = tpu.memref_slice %arg3[%mul3A_0, %dma_start3A_393] : memref<1280x128xi32, #tpu.memory_space<hbm>> -> memref<80x128xi32, #tpu.memory_space<hbm>>
      tpu.enqueue_dma source(%dma_start3A_394 : memref<80x128xi32, #tpu.memory_space<hbm>>) target(%arg5 : memref<80x128xi32, #tpu.memory_space<vmem>>) target_semaphore(%run_scoped3A : memref<!tpu.dma_semaphore, #tpu.memory_space<semaphore_mem>>)
      %dma_wait3A = arith.constant 0 : i32
      %dma_wait3A_395 = tpu.memref_slice %arg3[%mul3A_0, %dma_wait3A] : memref<1280x128xi32, #tpu.memory_space<hbm>> -> memref<80x128xi32, #tpu.memory_space<hbm>>
      %dma_wait3A_396 = arith.constant 0 : i32
      %dma_wait3A_397 = tpu.memref_slice %arg3[%mul3A_0, %dma_wait3A_396] : memref<1280x128xi32, #tpu.memory_space<hbm>> -> memref<80x128xi32, #tpu.memory_space<hbm>>
      tpu.wait_dma2 semaphore(%run_scoped3A : memref<!tpu.dma_semaphore, #tpu.memory_space<semaphore_mem>>) src(%dma_wait3A_397 : memref<80x128xi32, #tpu.memory_space<hbm>>) dst(%arg5 : memref<80x128xi32, #tpu.memory_space<vmem>>)
      tpu.yield
    }) : () -> ()
    %scan3A = arith.constant 0 : i32
    %scan3A_1 = arith.constant 0 : i32
    %scan3A_2 = arith.constant 125 : i32
    %scan3A_3 = arith.addi %scan3A_1, %scan3A_2 : i32
    %scan3A_4 = arith.constant 1 : i32
    scf.for %scan3A_391 = %scan3A_1 to %scan3A_3 step %scan3A_4  : i32 {
      %scan3A_392 = arith.constant 0 : i32
      %scan3A_393 = arith.constant 5 : i32
      %scan3A_394 = arith.addi %scan3A_392, %scan3A_393 : i32
      %scan3A_395 = arith.constant 1 : i32
      scf.for %scan3A_397 = %scan3A_392 to %scan3A_394 step %scan3A_395  : i32 {
        %broadcast_in_dim3A = arith.constant 0.000000e+00 : f32
        %broadcast_in_dim3A_398 = vector.broadcast %broadcast_in_dim3A : f32 to vector<16xf32>
        %mul3A_399 = arith.constant 16 : i32
        %mul3A_400 = arith.muli %scan3A_397, %mul3A_399 : i32
        %swap3A = arith.index_cast %scan3A_391 : i32 to index
        %swap3A_401 = arith.index_cast %mul3A_400 : i32 to index
        %swap3A_402 = tpu.vector_load %arg7[%swap3A, %swap3A_401] {strides = array<i32>} : memref<125x80xf32, #tpu.memory_space<vmem>>, vector<1x16xf32>,
        %swap3A_403 = vector.shape_cast %swap3A_402 : vector<1x16xf32> to vector<16xf32>
        %swap3A_404 = vector.shape_cast %broadcast_in_dim3A_398 : vector<16xf32> to vector<1x16xf32>
        tpu.vector_store %arg7[%swap3A, %swap3A_401], %swap3A_404 {strides = array<i32>} : memref<125x80xf32, #tpu.memory_space<vmem>>, vector<1x16xf32>,
      }
      %scan3A_396 = arith.constant 5 : i32
    }
    %scan3A_5 = arith.constant 125 : i32
    %mul3A_6 = arith.constant 4 : i32
    %mul3A_7 = arith.muli %arg0, %mul3A_6 : i32
    %add3A = arith.constant 0 : i32
    %add3A_8 = arith.addi %mul3A_7, %add3A : i32
    %mul3A_9 = arith.constant 80 : i32
    %mul3A_10 = arith.muli %add3A_8, %mul3A_9 : i32
    %scan3A_11 = arith.constant 0 : i32
    %scan3A_12 = arith.constant 0 : i32
    %scan3A_13 = arith.constant 5 : i32
    %scan3A_14 = arith.addi %scan3A_12, %scan3A_13 : i32
    %scan3A_15 = arith.constant 1 : i32
    scf.for %scan3A_391 = %scan3A_12 to %scan3A_14 step %scan3A_15  : i32 {
      %mul3A_392 = arith.constant 625 : i32
      %mul3A_393 = arith.muli %arg1, %mul3A_392 : i32
      %mul3A_394 = arith.constant 125 : i32
      %mul3A_395 = arith.muli %scan3A_391, %mul3A_394 : i32
      %add3A_396 = arith.addi %mul3A_393, %mul3A_395 : i32
      "tpu.region"() ({
        %run_scoped3A = tpu.sem_alloc : memref<!tpu.dma_semaphore, #tpu.memory_space<semaphore_mem>>
        %dma_start3A_397 = arith.constant 0 : i32
        %dma_start3A_398 = tpu.memref_slice %arg8[%add3A_396, %dma_start3A_397] : memref<10000x80xf32, #tpu.memory_space<vmem_shared>> -> memref<125x80xf32, #tpu.memory_space<vmem_shared>>
        %dma_start3A_399 = arith.constant 0 : i32
        %dma_start3A_400 = tpu.memref_slice %arg8[%add3A_396, %dma_start3A_399] : memref<10000x80xf32, #tpu.memory_space<vmem_shared>> -> memref<125x80xf32, #tpu.memory_space<vmem_shared>>
        tpu.enqueue_dma source(%arg7 : memref<125x80xf32, #tpu.memory_space<vmem>>) target(%dma_start3A_400 : memref<125x80xf32, #tpu.memory_space<vmem_shared>>) target_semaphore(%run_scoped3A : memref<!tpu.dma_semaphore, #tpu.memory_space<semaphore_mem>>)
        %dma_wait3A = arith.constant 0 : i32
        %dma_wait3A_401 = tpu.memref_slice %arg8[%add3A_396, %dma_wait3A] : memref<10000x80xf32, #tpu.memory_space<vmem_shared>> -> memref<125x80xf32, #tpu.memory_space<vmem_shared>>
        %dma_wait3A_402 = arith.constant 0 : i32
        %dma_wait3A_403 = tpu.memref_slice %arg8[%add3A_396, %dma_wait3A_402] : memref<10000x80xf32, #tpu.memory_space<vmem_shared>> -> memref<125x80xf32, #tpu.memory_space<vmem_shared>>
        tpu.wait_dma2 semaphore(%run_scoped3A : memref<!tpu.dma_semaphore, #tpu.memory_space<semaphore_mem>>) src(%arg7 : memref<125x80xf32, #tpu.memory_space<vmem>>) dst(%dma_wait3A_403 : memref<125x80xf32, #tpu.memory_space<vmem_shared>>)
        tpu.yield
      }) : () -> ()
    }
    %scan3A_16 = arith.constant 5 : i32
    %barrier3A = arith.constant 0 : index
    tpu.barrier barrier_id(%barrier3A)
    %mul3A_17 = arith.constant 10240 : i32
    %mul3A_18 = arith.muli %arg1, %mul3A_17 : i32
    %add3A_19 = arith.constant 0 : i32
    %add3A_20 = arith.addi %mul3A_18, %add3A_19 : i32
    %dma_start3A = arith.constant 0 : i32
    %dma_start3A_21 = arith.constant 0 : i32
    %dma_start3A_22 = arith.constant 0 : i32
    %dma_start3A_23 = arith.constant 0 : i32
    %dma_start3A_24 = tpu.memref_slice %arg6[%dma_start3A, %dma_start3A_22, %dma_start3A_23] : memref<4x128x80xf32, #tpu.memory_space<vmem>> -> memref<1x128x80xf32, #tpu.memory_space<vmem>>
    %dma_start3A_25 = tpu.memref_squeeze %dma_start3A_24 : memref<1x128x80xf32, #tpu.memory_space<vmem>> -> memref<128x80xf32, #tpu.memory_space<vmem>>
    %dma_start3A_26 = tpu.memref_slice %arg2[%add3A_20, %mul3A_10] : memref<163840x640xf32, #tpu.memory_space<hbm>> -> memref<128x80xf32, #tpu.memory_space<hbm>>
    %dma_start3A_27 = tpu.memref_slice %arg9[%dma_start3A_21] : memref<4x!tpu.dma_semaphore, #tpu.memory_space<semaphore_mem>> -> memref<1x!tpu.dma_semaphore, #tpu.memory_space<semaphore_mem>>
    %dma_start3A_28 = tpu.memref_squeeze %dma_start3A_27 : memref<1x!tpu.dma_semaphore, #tpu.memory_space<semaphore_mem>> -> memref<!tpu.dma_semaphore, #tpu.memory_space<semaphore_mem>>
    %dma_start3A_29 = arith.constant 0 : i32
    %dma_start3A_30 = arith.constant 0 : i32
    %dma_start3A_31 = tpu.memref_slice %arg6[%dma_start3A, %dma_start3A_29, %dma_start3A_30] : memref<4x128x80xf32, #tpu.memory_space<vmem>> -> memref<1x128x80xf32, #tpu.memory_space<vmem>>
    %dma_start3A_32 = tpu.memref_squeeze %dma_start3A_31 : memref<1x128x80xf32, #tpu.memory_space<vmem>> -> memref<128x80xf32, #tpu.memory_space<vmem>>
    %dma_start3A_33 = tpu.memref_slice %arg2[%add3A_20, %mul3A_10] : memref<163840x640xf32, #tpu.memory_space<hbm>> -> memref<128x80xf32, #tpu.memory_space<hbm>>
    tpu.enqueue_dma source(%dma_start3A_33 : memref<128x80xf32, #tpu.memory_space<hbm>>) target(%dma_start3A_32 : memref<128x80xf32, #tpu.memory_space<vmem>>) target_semaphore(%dma_start3A_28 : memref<!tpu.dma_semaphore, #tpu.memory_space<semaphore_mem>>)
    %mul3A_34 = arith.constant 10240 : i32
    %mul3A_35 = arith.muli %arg1, %mul3A_34 : i32
    %add3A_36 = arith.constant 128 : i32
    %add3A_37 = arith.addi %mul3A_35, %add3A_36 : i32
    %dma_start3A_38 = arith.constant 1 : i32
    %dma_start3A_39 = arith.constant 1 : i32
    %dma_start3A_40 = arith.constant 0 : i32
    %dma_start3A_41 = arith.constant 0 : i32
    %dma_start3A_42 = tpu.memref_slice %arg6[%dma_start3A_38, %dma_start3A_40, %dma_start3A_41] : memref<4x128x80xf32, #tpu.memory_space<vmem>> -> memref<1x128x80xf32, #tpu.memory_space<vmem>>
    %dma_start3A_43 = tpu.memref_squeeze %dma_start3A_42 : memref<1x128x80xf32, #tpu.memory_space<vmem>> -> memref<128x80xf32, #tpu.memory_space<vmem>>
    %dma_start3A_44 = tpu.memref_slice %arg2[%add3A_37, %mul3A_10] : memref<163840x640xf32, #tpu.memory_space<hbm>> -> memref<128x80xf32, #tpu.memory_space<hbm>>
    %dma_start3A_45 = tpu.memref_slice %arg9[%dma_start3A_39] : memref<4x!tpu.dma_semaphore, #tpu.memory_space<semaphore_mem>> -> memref<1x!tpu.dma_semaphore, #tpu.memory_space<semaphore_mem>>
    %dma_start3A_46 = tpu.memref_squeeze %dma_start3A_45 : memref<1x!tpu.dma_semaphore, #tpu.memory_space<semaphore_mem>> -> memref<!tpu.dma_semaphore, #tpu.memory_space<semaphore_mem>>
    %dma_start3A_47 = arith.constant 0 : i32
    %dma_start3A_48 = arith.constant 0 : i32
    %dma_start3A_49 = tpu.memref_slice %arg6[%dma_start3A_38, %dma_start3A_47, %dma_start3A_48] : memref<4x128x80xf32, #tpu.memory_space<vmem>> -> memref<1x128x80xf32, #tpu.memory_space<vmem>>
    %dma_start3A_50 = tpu.memref_squeeze %dma_start3A_49 : memref<1x128x80xf32, #tpu.memory_space<vmem>> -> memref<128x80xf32, #tpu.memory_space<vmem>>
    %dma_start3A_51 = tpu.memref_slice %arg2[%add3A_37, %mul3A_10] : memref<163840x640xf32, #tpu.memory_space<hbm>> -> memref<128x80xf32, #tpu.memory_space<hbm>>
    tpu.enqueue_dma source(%dma_start3A_51 : memref<128x80xf32, #tpu.memory_space<hbm>>) target(%dma_start3A_50 : memref<128x80xf32, #tpu.memory_space<vmem>>) target_semaphore(%dma_start3A_46 : memref<!tpu.dma_semaphore, #tpu.memory_space<semaphore_mem>>)
    %mul3A_52 = arith.constant 10240 : i32
    %mul3A_53 = arith.muli %arg1, %mul3A_52 : i32
    %add3A_54 = arith.constant 256 : i32
    %add3A_55 = arith.addi %mul3A_53, %add3A_54 : i32
    %dma_start3A_56 = arith.constant 2 : i32
    %dma_start3A_57 = arith.constant 2 : i32
    %dma_start3A_58 = arith.constant 0 : i32
    %dma_start3A_59 = arith.constant 0 : i32
    %dma_start3A_60 = tpu.memref_slice %arg6[%dma_start3A_56, %dma_start3A_58, %dma_start3A_59] : memref<4x128x80xf32, #tpu.memory_space<vmem>> -> memref<1x128x80xf32, #tpu.memory_space<vmem>>
    %dma_start3A_61 = tpu.memref_squeeze %dma_start3A_60 : memref<1x128x80xf32, #tpu.memory_space<vmem>> -> memref<128x80xf32, #tpu.memory_space<vmem>>
    %dma_start3A_62 = tpu.memref_slice %arg2[%add3A_55, %mul3A_10] : memref<163840x640xf32, #tpu.memory_space<hbm>> -> memref<128x80xf32, #tpu.memory_space<hbm>>
    %dma_start3A_63 = tpu.memref_slice %arg9[%dma_start3A_57] : memref<4x!tpu.dma_semaphore, #tpu.memory_space<semaphore_mem>> -> memref<1x!tpu.dma_semaphore, #tpu.memory_space<semaphore_mem>>
    %dma_start3A_64 = tpu.memref_squeeze %dma_start3A_63 : memref<1x!tpu.dma_semaphore, #tpu.memory_space<semaphore_mem>> -> memref<!tpu.dma_semaphore, #tpu.memory_space<semaphore_mem>>
    %dma_start3A_65 = arith.constant 0 : i32
    %dma_start3A_66 = arith.constant 0 : i32
    %dma_start3A_67 = tpu.memref_slice %arg6[%dma_start3A_56, %dma_start3A_65, %dma_start3A_66] : memref<4x128x80xf32, #tpu.memory_space<vmem>> -> memref<1x128x80xf32, #tpu.memory_space<vmem>>
    %dma_start3A_68 = tpu.memref_squeeze %dma_start3A_67 : memref<1x128x80xf32, #tpu.memory_space<vmem>> -> memref<128x80xf32, #tpu.memory_space<vmem>>
    %dma_start3A_69 = tpu.memref_slice %arg2[%add3A_55, %mul3A_10] : memref<163840x640xf32, #tpu.memory_space<hbm>> -> memref<128x80xf32, #tpu.memory_space<hbm>>
    tpu.enqueue_dma source(%dma_start3A_69 : memref<128x80xf32, #tpu.memory_space<hbm>>) target(%dma_start3A_68 : memref<128x80xf32, #tpu.memory_space<vmem>>) target_semaphore(%dma_start3A_64 : memref<!tpu.dma_semaphore, #tpu.memory_space<semaphore_mem>>)
    %mul3A_70 = arith.constant 10240 : i32
    %mul3A_71 = arith.muli %arg1, %mul3A_70 : i32
    %add3A_72 = arith.constant 384 : i32
    %add3A_73 = arith.addi %mul3A_71, %add3A_72 : i32
    %dma_start3A_74 = arith.constant 3 : i32
    %dma_start3A_75 = arith.constant 3 : i32
    %dma_start3A_76 = arith.constant 0 : i32
    %dma_start3A_77 = arith.constant 0 : i32
    %dma_start3A_78 = tpu.memref_slice %arg6[%dma_start3A_74, %dma_start3A_76, %dma_start3A_77] : memref<4x128x80xf32, #tpu.memory_space<vmem>> -> memref<1x128x80xf32, #tpu.memory_space<vmem>>
    %dma_start3A_79 = tpu.memref_squeeze %dma_start3A_78 : memref<1x128x80xf32, #tpu.memory_space<vmem>> -> memref<128x80xf32, #tpu.memory_space<vmem>>
    %dma_start3A_80 = tpu.memref_slice %arg2[%add3A_73, %mul3A_10] : memref<163840x640xf32, #tpu.memory_space<hbm>> -> memref<128x80xf32, #tpu.memory_space<hbm>>
    %dma_start3A_81 = tpu.memref_slice %arg9[%dma_start3A_75] : memref<4x!tpu.dma_semaphore, #tpu.memory_space<semaphore_mem>> -> memref<1x!tpu.dma_semaphore, #tpu.memory_space<semaphore_mem>>
    %dma_start3A_82 = tpu.memref_squeeze %dma_start3A_81 : memref<1x!tpu.dma_semaphore, #tpu.memory_space<semaphore_mem>> -> memref<!tpu.dma_semaphore, #tpu.memory_space<semaphore_mem>>
    %dma_start3A_83 = arith.constant 0 : i32
    %dma_start3A_84 = arith.constant 0 : i32
    %dma_start3A_85 = tpu.memref_slice %arg6[%dma_start3A_74, %dma_start3A_83, %dma_start3A_84] : memref<4x128x80xf32, #tpu.memory_space<vmem>> -> memref<1x128x80xf32, #tpu.memory_space<vmem>>
    %dma_start3A_86 = tpu.memref_squeeze %dma_start3A_85 : memref<1x128x80xf32, #tpu.memory_space<vmem>> -> memref<128x80xf32, #tpu.memory_space<vmem>>
    %dma_start3A_87 = tpu.memref_slice %arg2[%add3A_73, %mul3A_10] : memref<163840x640xf32, #tpu.memory_space<hbm>> -> memref<128x80xf32, #tpu.memory_space<hbm>>
    tpu.enqueue_dma source(%dma_start3A_87 : memref<128x80xf32, #tpu.memory_space<hbm>>) target(%dma_start3A_86 : memref<128x80xf32, #tpu.memory_space<vmem>>) target_semaphore(%dma_start3A_82 : memref<!tpu.dma_semaphore, #tpu.memory_space<semaphore_mem>>)
    %scan3A_88 = arith.constant 0 : i32
    %scan3A_89 = arith.constant 0 : i32
    %scan3A_90 = arith.constant 20 : i32
    %scan3A_91 = arith.addi %scan3A_89, %scan3A_90 : i32
    %scan3A_92 = arith.constant 1 : i32
    scf.for %scan3A_391 = %scan3A_89 to %scan3A_91 step %scan3A_92  : i32 {
      %mul3A_392 = arith.constant 4 : i32
      %mul3A_393 = arith.muli %mul3A_392, %scan3A_391 : i32
      %add3A_394 = arith.constant 0 : i32
      %add3A_395 = arith.addi %mul3A_393, %add3A_394 : i32
      %mul3A_396 = arith.constant 10240 : i32
      %mul3A_397 = arith.muli %arg1, %mul3A_396 : i32
      %mul3A_398 = arith.constant 128 : i32
      %mul3A_399 = arith.muli %add3A_395, %mul3A_398 : i32
      %add3A_400 = arith.addi %mul3A_397, %mul3A_399 : i32
      %dma_wait3A = arith.constant 0 : i32
      %dma_wait3A_401 = arith.constant 0 : i32
      %dma_wait3A_402 = arith.constant 0 : i32
      %dma_wait3A_403 = arith.constant 0 : i32
      %dma_wait3A_404 = tpu.memref_slice %arg6[%dma_wait3A, %dma_wait3A_402, %dma_wait3A_403] : memref<4x128x80xf32, #tpu.memory_space<vmem>> -> memref<1x128x80xf32, #tpu.memory_space<vmem>>
      %dma_wait3A_405 = tpu.memref_squeeze %dma_wait3A_404 : memref<1x128x80xf32, #tpu.memory_space<vmem>> -> memref<128x80xf32, #tpu.memory_space<vmem>>
      %dma_wait3A_406 = tpu.memref_slice %arg2[%add3A_400, %mul3A_10] : memref<163840x640xf32, #tpu.memory_space<hbm>> -> memref<128x80xf32, #tpu.memory_space<hbm>>
      %dma_wait3A_407 = tpu.memref_slice %arg9[%dma_wait3A_401] : memref<4x!tpu.dma_semaphore, #tpu.memory_space<semaphore_mem>> -> memref<1x!tpu.dma_semaphore, #tpu.memory_space<semaphore_mem>>
      %dma_wait3A_408 = tpu.memref_squeeze %dma_wait3A_407 : memref<1x!tpu.dma_semaphore, #tpu.memory_space<semaphore_mem>> -> memref<!tpu.dma_semaphore, #tpu.memory_space<semaphore_mem>>
      %dma_wait3A_409 = arith.constant 0 : i32
      %dma_wait3A_410 = arith.constant 0 : i32
      %dma_wait3A_411 = tpu.memref_slice %arg6[%dma_wait3A, %dma_wait3A_409, %dma_wait3A_410] : memref<4x128x80xf32, #tpu.memory_space<vmem>> -> memref<1x128x80xf32, #tpu.memory_space<vmem>>
      %dma_wait3A_412 = tpu.memref_squeeze %dma_wait3A_411 : memref<1x128x80xf32, #tpu.memory_space<vmem>> -> memref<128x80xf32, #tpu.memory_space<vmem>>
      %dma_wait3A_413 = tpu.memref_slice %arg2[%add3A_400, %mul3A_10] : memref<163840x640xf32, #tpu.memory_space<hbm>> -> memref<128x80xf32, #tpu.memory_space<hbm>>
      tpu.wait_dma2 semaphore(%dma_wait3A_408 : memref<!tpu.dma_semaphore, #tpu.memory_space<semaphore_mem>>) src(%dma_wait3A_413 : memref<128x80xf32, #tpu.memory_space<hbm>>) dst(%dma_wait3A_412 : memref<128x80xf32, #tpu.memory_space<vmem>>)
      %run_scoped3A = arith.constant 0 : i32
      "tpu.region"() ({
        %run_scoped3A_511 = tpu.sem_alloc : memref<!tpu.dma_semaphore, #tpu.memory_space<semaphore_mem>>
        %dma_start3A_512 = arith.constant 0 : i32
        %dma_start3A_513 = arith.constant 0 : i32
        %dma_start3A_514 = tpu.memref_slice %arg6[%run_scoped3A, %dma_start3A_512, %dma_start3A_513] : memref<4x128x80xf32, #tpu.memory_space<vmem>> -> memref<1x128x80xf32, #tpu.memory_space<vmem>>
        %dma_start3A_515 = tpu.memref_squeeze %dma_start3A_514 : memref<1x128x80xf32, #tpu.memory_space<vmem>> -> memref<128x80xf32, #tpu.memory_space<vmem>>
        %dma_start3A_516 = arith.constant 0 : i32
        %dma_start3A_517 = tpu.memref_slice %arg5[%add3A_395, %dma_start3A_516] : memref<80x128xi32, #tpu.memory_space<vmem>> -> memref<1x128xi32, #tpu.memory_space<vmem>>
        %dma_start3A_518 = tpu.memref_squeeze %dma_start3A_517 : memref<1x128xi32, #tpu.memory_space<vmem>> -> memref<128xi32, #tpu.memory_space<vmem>>
        %dma_start3A_519 = arith.constant 0 : i32
        %dma_start3A_520 = arith.constant 0 : i32
        %dma_start3A_521 = tpu.memref_slice %arg8[%dma_start3A_519, %dma_start3A_520] : memref<10000x80xf32, #tpu.memory_space<vmem_shared>> -> memref<10000x80xf32, #tpu.memory_space<vmem_shared>>
        tpu.enqueue_indirect_dma source(%dma_start3A_515 : memref<128x80xf32, #tpu.memory_space<vmem>>) target(%dma_start3A_521 : memref<10000x80xf32, #tpu.memory_space<vmem_shared>>) offsets(%dma_start3A_518 : memref<128xi32, #tpu.memory_space<vmem>>) semaphore(%run_scoped3A_511 : memref<!tpu.dma_semaphore, #tpu.memory_space<semaphore_mem>>) {add = true}
        %dma_wait3A_522 = arith.constant 0 : i32
        %dma_wait3A_523 = arith.constant 0 : i32
        %dma_wait3A_524 = tpu.memref_slice %arg6[%run_scoped3A, %dma_wait3A_522, %dma_wait3A_523] : memref<4x128x80xf32, #tpu.memory_space<vmem>> -> memref<1x128x80xf32, #tpu.memory_space<vmem>>
        %dma_wait3A_525 = tpu.memref_squeeze %dma_wait3A_524 : memref<1x128x80xf32, #tpu.memory_space<vmem>> -> memref<128x80xf32, #tpu.memory_space<vmem>>
        %dma_wait3A_526 = arith.constant 0 : i32
        %dma_wait3A_527 = tpu.memref_slice %arg5[%add3A_395, %dma_wait3A_526] : memref<80x128xi32, #tpu.memory_space<vmem>> -> memref<1x128xi32, #tpu.memory_space<vmem>>
        %dma_wait3A_528 = tpu.memref_squeeze %dma_wait3A_527 : memref<1x128xi32, #tpu.memory_space<vmem>> -> memref<128xi32, #tpu.memory_space<vmem>>
        %dma_wait3A_529 = arith.constant 0 : i32
        %dma_wait3A_530 = arith.constant 0 : i32
        %dma_wait3A_531 = tpu.memref_slice %arg8[%dma_wait3A_529, %dma_wait3A_530] : memref<10000x80xf32, #tpu.memory_space<vmem_shared>> -> memref<10000x80xf32, #tpu.memory_space<vmem_shared>>
        tpu.wait_indirect_dma semaphore(%run_scoped3A_511 : memref<!tpu.dma_semaphore, #tpu.memory_space<semaphore_mem>>) src(%dma_wait3A_525 : memref<128x80xf32, #tpu.memory_space<vmem>>) dst(%dma_wait3A_531 : memref<10000x80xf32, #tpu.memory_space<vmem_shared>>)
        tpu.yield
      }) : () -> ()
      %add3A_414 = arith.constant 4 : i32
      %add3A_415 = arith.addi %add3A_395, %add3A_414 : i32
      %lt3A = arith.constant 80 : i32
      %lt3A_416 = arith.cmpi slt, %add3A_415, %lt3A : i32
      %convert_element_type3A = arith.extui %lt3A_416 : i1 to i32
      %cond3A = arith.constant 0 : i32
      %cond3A_417 = arith.cmpi ne, %convert_element_type3A, %cond3A : i32
      scf.if %cond3A_417 {
        %add3A_511 = arith.constant 4 : i32
        %add3A_512 = arith.addi %add3A_395, %add3A_511 : i32
        %mul3A_513 = arith.constant 10240 : i32
        %mul3A_514 = arith.muli %arg1, %mul3A_513 : i32
        %mul3A_515 = arith.constant 128 : i32
        %mul3A_516 = arith.muli %add3A_512, %mul3A_515 : i32
        %add3A_517 = arith.addi %mul3A_514, %mul3A_516 : i32
        %dma_start3A_518 = arith.constant 0 : i32
        %dma_start3A_519 = arith.constant 0 : i32
        %dma_start3A_520 = arith.constant 0 : i32
        %dma_start3A_521 = arith.constant 0 : i32
        %dma_start3A_522 = tpu.memref_slice %arg6[%dma_start3A_518, %dma_start3A_520, %dma_start3A_521] : memref<4x128x80xf32, #tpu.memory_space<vmem>> -> memref<1x128x80xf32, #tpu.memory_space<vmem>>
        %dma_start3A_523 = tpu.memref_squeeze %dma_start3A_522 : memref<1x128x80xf32, #tpu.memory_space<vmem>> -> memref<128x80xf32, #tpu.memory_space<vmem>>
        %dma_start3A_524 = tpu.memref_slice %arg2[%add3A_517, %mul3A_10] : memref<163840x640xf32, #tpu.memory_space<hbm>> -> memref<128x80xf32, #tpu.memory_space<hbm>>
        %dma_start3A_525 = tpu.memref_slice %arg9[%dma_start3A_519] : memref<4x!tpu.dma_semaphore, #tpu.memory_space<semaphore_mem>> -> memref<1x!tpu.dma_semaphore, #tpu.memory_space<semaphore_mem>>
        %dma_start3A_526 = tpu.memref_squeeze %dma_start3A_525 : memref<1x!tpu.dma_semaphore, #tpu.memory_space<semaphore_mem>> -> memref<!tpu.dma_semaphore, #tpu.memory_space<semaphore_mem>>
        %dma_start3A_527 = arith.constant 0 : i32
        %dma_start3A_528 = arith.constant 0 : i32
        %dma_start3A_529 = tpu.memref_slice %arg6[%dma_start3A_518, %dma_start3A_527, %dma_start3A_528] : memref<4x128x80xf32, #tpu.memory_space<vmem>> -> memref<1x128x80xf32, #tpu.memory_space<vmem>>
        %dma_start3A_530 = tpu.memref_squeeze %dma_start3A_529 : memref<1x128x80xf32, #tpu.memory_space<vmem>> -> memref<128x80xf32, #tpu.memory_space<vmem>>
        %dma_start3A_531 = tpu.memref_slice %arg2[%add3A_517, %mul3A_10] : memref<163840x640xf32, #tpu.memory_space<hbm>> -> memref<128x80xf32, #tpu.memory_space<hbm>>
        tpu.enqueue_dma source(%dma_start3A_531 : memref<128x80xf32, #tpu.memory_space<hbm>>) target(%dma_start3A_530 : memref<128x80xf32, #tpu.memory_space<vmem>>) target_semaphore(%dma_start3A_526 : memref<!tpu.dma_semaphore, #tpu.memory_space<semaphore_mem>>)
      } else {
      }
      %mul3A_418 = arith.constant 4 : i32
      %mul3A_419 = arith.muli %mul3A_418, %scan3A_391 : i32
      %add3A_420 = arith.constant 1 : i32
      %add3A_421 = arith.addi %mul3A_419, %add3A_420 : i32
      %mul3A_422 = arith.constant 10240 : i32
      %mul3A_423 = arith.muli %arg1, %mul3A_422 : i32
      %mul3A_424 = arith.constant 128 : i32
      %mul3A_425 = arith.muli %add3A_421, %mul3A_424 : i32
      %add3A_426 = arith.addi %mul3A_423, %mul3A_425 : i32
      %dma_wait3A_427 = arith.constant 1 : i32
      %dma_wait3A_428 = arith.constant 1 : i32
      %dma_wait3A_429 = arith.constant 0 : i32
      %dma_wait3A_430 = arith.constant 0 : i32
      %dma_wait3A_431 = tpu.memref_slice %arg6[%dma_wait3A_427, %dma_wait3A_429, %dma_wait3A_430] : memref<4x128x80xf32, #tpu.memory_space<vmem>> -> memref<1x128x80xf32, #tpu.memory_space<vmem>>
      %dma_wait3A_432 = tpu.memref_squeeze %dma_wait3A_431 : memref<1x128x80xf32, #tpu.memory_space<vmem>> -> memref<128x80xf32, #tpu.memory_space<vmem>>
      %dma_wait3A_433 = tpu.memref_slice %arg2[%add3A_426, %mul3A_10] : memref<163840x640xf32, #tpu.memory_space<hbm>> -> memref<128x80xf32, #tpu.memory_space<hbm>>
      %dma_wait3A_434 = tpu.memref_slice %arg9[%dma_wait3A_428] : memref<4x!tpu.dma_semaphore, #tpu.memory_space<semaphore_mem>> -> memref<1x!tpu.dma_semaphore, #tpu.memory_space<semaphore_mem>>
      %dma_wait3A_435 = tpu.memref_squeeze %dma_wait3A_434 : memref<1x!tpu.dma_semaphore, #tpu.memory_space<semaphore_mem>> -> memref<!tpu.dma_semaphore, #tpu.memory_space<semaphore_mem>>
      %dma_wait3A_436 = arith.constant 0 : i32
      %dma_wait3A_437 = arith.constant 0 : i32
      %dma_wait3A_438 = tpu.memref_slice %arg6[%dma_wait3A_427, %dma_wait3A_436, %dma_wait3A_437] : memref<4x128x80xf32, #tpu.memory_space<vmem>> -> memref<1x128x80xf32, #tpu.memory_space<vmem>>
      %dma_wait3A_439 = tpu.memref_squeeze %dma_wait3A_438 : memref<1x128x80xf32, #tpu.memory_space<vmem>> -> memref<128x80xf32, #tpu.memory_space<vmem>>
      %dma_wait3A_440 = tpu.memref_slice %arg2[%add3A_426, %mul3A_10] : memref<163840x640xf32, #tpu.memory_space<hbm>> -> memref<128x80xf32, #tpu.memory_space<hbm>>
      tpu.wait_dma2 semaphore(%dma_wait3A_435 : memref<!tpu.dma_semaphore, #tpu.memory_space<semaphore_mem>>) src(%dma_wait3A_440 : memref<128x80xf32, #tpu.memory_space<hbm>>) dst(%dma_wait3A_439 : memref<128x80xf32, #tpu.memory_space<vmem>>)
      %run_scoped3A_441 = arith.constant 1 : i32
      "tpu.region"() ({
        %run_scoped3A_511 = tpu.sem_alloc : memref<!tpu.dma_semaphore, #tpu.memory_space<semaphore_mem>>
        %dma_start3A_512 = arith.constant 0 : i32
        %dma_start3A_513 = arith.constant 0 : i32
        %dma_start3A_514 = tpu.memref_slice %arg6[%run_scoped3A_441, %dma_start3A_512, %dma_start3A_513] : memref<4x128x80xf32, #tpu.memory_space<vmem>> -> memref<1x128x80xf32, #tpu.memory_space<vmem>>
        %dma_start3A_515 = tpu.memref_squeeze %dma_start3A_514 : memref<1x128x80xf32, #tpu.memory_space<vmem>> -> memref<128x80xf32, #tpu.memory_space<vmem>>
        %dma_start3A_516 = arith.constant 0 : i32
        %dma_start3A_517 = tpu.memref_slice %arg5[%add3A_421, %dma_start3A_516] : memref<80x128xi32, #tpu.memory_space<vmem>> -> memref<1x128xi32, #tpu.memory_space<vmem>>
        %dma_start3A_518 = tpu.memref_squeeze %dma_start3A_517 : memref<1x128xi32, #tpu.memory_space<vmem>> -> memref<128xi32, #tpu.memory_space<vmem>>
        %dma_start3A_519 = arith.constant 0 : i32
        %dma_start3A_520 = arith.constant 0 : i32
        %dma_start3A_521 = tpu.memref_slice %arg8[%dma_start3A_519, %dma_start3A_520] : memref<10000x80xf32, #tpu.memory_space<vmem_shared>> -> memref<10000x80xf32, #tpu.memory_space<vmem_shared>>
        tpu.enqueue_indirect_dma source(%dma_start3A_515 : memref<128x80xf32, #tpu.memory_space<vmem>>) target(%dma_start3A_521 : memref<10000x80xf32, #tpu.memory_space<vmem_shared>>) offsets(%dma_start3A_518 : memref<128xi32, #tpu.memory_space<vmem>>) semaphore(%run_scoped3A_511 : memref<!tpu.dma_semaphore, #tpu.memory_space<semaphore_mem>>) {add = true}
        %dma_wait3A_522 = arith.constant 0 : i32
        %dma_wait3A_523 = arith.constant 0 : i32
        %dma_wait3A_524 = tpu.memref_slice %arg6[%run_scoped3A_441, %dma_wait3A_522, %dma_wait3A_523] : memref<4x128x80xf32, #tpu.memory_space<vmem>> -> memref<1x128x80xf32, #tpu.memory_space<vmem>>
        %dma_wait3A_525 = tpu.memref_squeeze %dma_wait3A_524 : memref<1x128x80xf32, #tpu.memory_space<vmem>> -> memref<128x80xf32, #tpu.memory_space<vmem>>
        %dma_wait3A_526 = arith.constant 0 : i32
        %dma_wait3A_527 = tpu.memref_slice %arg5[%add3A_421, %dma_wait3A_526] : memref<80x128xi32, #tpu.memory_space<vmem>> -> memref<1x128xi32, #tpu.memory_space<vmem>>
        %dma_wait3A_528 = tpu.memref_squeeze %dma_wait3A_527 : memref<1x128xi32, #tpu.memory_space<vmem>> -> memref<128xi32, #tpu.memory_space<vmem>>
        %dma_wait3A_529 = arith.constant 0 : i32
        %dma_wait3A_530 = arith.constant 0 : i32
        %dma_wait3A_531 = tpu.memref_slice %arg8[%dma_wait3A_529, %dma_wait3A_530] : memref<10000x80xf32, #tpu.memory_space<vmem_shared>> -> memref<10000x80xf32, #tpu.memory_space<vmem_shared>>
        tpu.wait_indirect_dma semaphore(%run_scoped3A_511 : memref<!tpu.dma_semaphore, #tpu.memory_space<semaphore_mem>>) src(%dma_wait3A_525 : memref<128x80xf32, #tpu.memory_space<vmem>>) dst(%dma_wait3A_531 : memref<10000x80xf32, #tpu.memory_space<vmem_shared>>)
        tpu.yield
      }) : () -> ()
      %add3A_442 = arith.constant 4 : i32
      %add3A_443 = arith.addi %add3A_421, %add3A_442 : i32
      %lt3A_444 = arith.constant 80 : i32
      %lt3A_445 = arith.cmpi slt, %add3A_443, %lt3A_444 : i32
      %convert_element_type3A_446 = arith.extui %lt3A_445 : i1 to i32
      %cond3A_447 = arith.constant 0 : i32
      %cond3A_448 = arith.cmpi ne, %convert_element_type3A_446, %cond3A_447 : i32
      scf.if %cond3A_448 {
        %add3A_511 = arith.constant 4 : i32
        %add3A_512 = arith.addi %add3A_421, %add3A_511 : i32
        %mul3A_513 = arith.constant 10240 : i32
        %mul3A_514 = arith.muli %arg1, %mul3A_513 : i32
        %mul3A_515 = arith.constant 128 : i32
        %mul3A_516 = arith.muli %add3A_512, %mul3A_515 : i32
        %add3A_517 = arith.addi %mul3A_514, %mul3A_516 : i32
        %dma_start3A_518 = arith.constant 1 : i32
        %dma_start3A_519 = arith.constant 1 : i32
        %dma_start3A_520 = arith.constant 0 : i32
        %dma_start3A_521 = arith.constant 0 : i32
        %dma_start3A_522 = tpu.memref_slice %arg6[%dma_start3A_518, %dma_start3A_520, %dma_start3A_521] : memref<4x128x80xf32, #tpu.memory_space<vmem>> -> memref<1x128x80xf32, #tpu.memory_space<vmem>>
        %dma_start3A_523 = tpu.memref_squeeze %dma_start3A_522 : memref<1x128x80xf32, #tpu.memory_space<vmem>> -> memref<128x80xf32, #tpu.memory_space<vmem>>
        %dma_start3A_524 = tpu.memref_slice %arg2[%add3A_517, %mul3A_10] : memref<163840x640xf32, #tpu.memory_space<hbm>> -> memref<128x80xf32, #tpu.memory_space<hbm>>
        %dma_start3A_525 = tpu.memref_slice %arg9[%dma_start3A_519] : memref<4x!tpu.dma_semaphore, #tpu.memory_space<semaphore_mem>> -> memref<1x!tpu.dma_semaphore, #tpu.memory_space<semaphore_mem>>
        %dma_start3A_526 = tpu.memref_squeeze %dma_start3A_525 : memref<1x!tpu.dma_semaphore, #tpu.memory_space<semaphore_mem>> -> memref<!tpu.dma_semaphore, #tpu.memory_space<semaphore_mem>>
        %dma_start3A_527 = arith.constant 0 : i32
        %dma_start3A_528 = arith.constant 0 : i32
        %dma_start3A_529 = tpu.memref_slice %arg6[%dma_start3A_518, %dma_start3A_527, %dma_start3A_528] : memref<4x128x80xf32, #tpu.memory_space<vmem>> -> memref<1x128x80xf32, #tpu.memory_space<vmem>>
        %dma_start3A_530 = tpu.memref_squeeze %dma_start3A_529 : memref<1x128x80xf32, #tpu.memory_space<vmem>> -> memref<128x80xf32, #tpu.memory_space<vmem>>
        %dma_start3A_531 = tpu.memref_slice %arg2[%add3A_517, %mul3A_10] : memref<163840x640xf32, #tpu.memory_space<hbm>> -> memref<128x80xf32, #tpu.memory_space<hbm>>
        tpu.enqueue_dma source(%dma_start3A_531 : memref<128x80xf32, #tpu.memory_space<hbm>>) target(%dma_start3A_530 : memref<128x80xf32, #tpu.memory_space<vmem>>) target_semaphore(%dma_start3A_526 : memref<!tpu.dma_semaphore, #tpu.memory_space<semaphore_mem>>)
      } else {
      }
      %mul3A_449 = arith.constant 4 : i32
      %mul3A_450 = arith.muli %mul3A_449, %scan3A_391 : i32
      %add3A_451 = arith.constant 2 : i32
      %add3A_452 = arith.addi %mul3A_450, %add3A_451 : i32
      %mul3A_453 = arith.constant 10240 : i32
      %mul3A_454 = arith.muli %arg1, %mul3A_453 : i32
      %mul3A_455 = arith.constant 128 : i32
      %mul3A_456 = arith.muli %add3A_452, %mul3A_455 : i32
      %add3A_457 = arith.addi %mul3A_454, %mul3A_456 : i32
      %dma_wait3A_458 = arith.constant 2 : i32
      %dma_wait3A_459 = arith.constant 2 : i32
      %dma_wait3A_460 = arith.constant 0 : i32
      %dma_wait3A_461 = arith.constant 0 : i32
      %dma_wait3A_462 = tpu.memref_slice %arg6[%dma_wait3A_458, %dma_wait3A_460, %dma_wait3A_461] : memref<4x128x80xf32, #tpu.memory_space<vmem>> -> memref<1x128x80xf32, #tpu.memory_space<vmem>>
      %dma_wait3A_463 = tpu.memref_squeeze %dma_wait3A_462 : memref<1x128x80xf32, #tpu.memory_space<vmem>> -> memref<128x80xf32, #tpu.memory_space<vmem>>
      %dma_wait3A_464 = tpu.memref_slice %arg2[%add3A_457, %mul3A_10] : memref<163840x640xf32, #tpu.memory_space<hbm>> -> memref<128x80xf32, #tpu.memory_space<hbm>>
      %dma_wait3A_465 = tpu.memref_slice %arg9[%dma_wait3A_459] : memref<4x!tpu.dma_semaphore, #tpu.memory_space<semaphore_mem>> -> memref<1x!tpu.dma_semaphore, #tpu.memory_space<semaphore_mem>>
      %dma_wait3A_466 = tpu.memref_squeeze %dma_wait3A_465 : memref<1x!tpu.dma_semaphore, #tpu.memory_space<semaphore_mem>> -> memref<!tpu.dma_semaphore, #tpu.memory_space<semaphore_mem>>
      %dma_wait3A_467 = arith.constant 0 : i32
      %dma_wait3A_468 = arith.constant 0 : i32
      %dma_wait3A_469 = tpu.memref_slice %arg6[%dma_wait3A_458, %dma_wait3A_467, %dma_wait3A_468] : memref<4x128x80xf32, #tpu.memory_space<vmem>> -> memref<1x128x80xf32, #tpu.memory_space<vmem>>
      %dma_wait3A_470 = tpu.memref_squeeze %dma_wait3A_469 : memref<1x128x80xf32, #tpu.memory_space<vmem>> -> memref<128x80xf32, #tpu.memory_space<vmem>>
      %dma_wait3A_471 = tpu.memref_slice %arg2[%add3A_457, %mul3A_10] : memref<163840x640xf32, #tpu.memory_space<hbm>> -> memref<128x80xf32, #tpu.memory_space<hbm>>
      tpu.wait_dma2 semaphore(%dma_wait3A_466 : memref<!tpu.dma_semaphore, #tpu.memory_space<semaphore_mem>>) src(%dma_wait3A_471 : memref<128x80xf32, #tpu.memory_space<hbm>>) dst(%dma_wait3A_470 : memref<128x80xf32, #tpu.memory_space<vmem>>)
      %run_scoped3A_472 = arith.constant 2 : i32
      "tpu.region"() ({
        %run_scoped3A_511 = tpu.sem_alloc : memref<!tpu.dma_semaphore, #tpu.memory_space<semaphore_mem>>
        %dma_start3A_512 = arith.constant 0 : i32
        %dma_start3A_513 = arith.constant 0 : i32
        %dma_start3A_514 = tpu.memref_slice %arg6[%run_scoped3A_472, %dma_start3A_512, %dma_start3A_513] : memref<4x128x80xf32, #tpu.memory_space<vmem>> -> memref<1x128x80xf32, #tpu.memory_space<vmem>>
        %dma_start3A_515 = tpu.memref_squeeze %dma_start3A_514 : memref<1x128x80xf32, #tpu.memory_space<vmem>> -> memref<128x80xf32, #tpu.memory_space<vmem>>
        %dma_start3A_516 = arith.constant 0 : i32
        %dma_start3A_517 = tpu.memref_slice %arg5[%add3A_452, %dma_start3A_516] : memref<80x128xi32, #tpu.memory_space<vmem>> -> memref<1x128xi32, #tpu.memory_space<vmem>>
        %dma_start3A_518 = tpu.memref_squeeze %dma_start3A_517 : memref<1x128xi32, #tpu.memory_space<vmem>> -> memref<128xi32, #tpu.memory_space<vmem>>
        %dma_start3A_519 = arith.constant 0 : i32
        %dma_start3A_520 = arith.constant 0 : i32
        %dma_start3A_521 = tpu.memref_slice %arg8[%dma_start3A_519, %dma_start3A_520] : memref<10000x80xf32, #tpu.memory_space<vmem_shared>> -> memref<10000x80xf32, #tpu.memory_space<vmem_shared>>
        tpu.enqueue_indirect_dma source(%dma_start3A_515 : memref<128x80xf32, #tpu.memory_space<vmem>>) target(%dma_start3A_521 : memref<10000x80xf32, #tpu.memory_space<vmem_shared>>) offsets(%dma_start3A_518 : memref<128xi32, #tpu.memory_space<vmem>>) semaphore(%run_scoped3A_511 : memref<!tpu.dma_semaphore, #tpu.memory_space<semaphore_mem>>) {add = true}
        %dma_wait3A_522 = arith.constant 0 : i32
        %dma_wait3A_523 = arith.constant 0 : i32
        %dma_wait3A_524 = tpu.memref_slice %arg6[%run_scoped3A_472, %dma_wait3A_522, %dma_wait3A_523] : memref<4x128x80xf32, #tpu.memory_space<vmem>> -> memref<1x128x80xf32, #tpu.memory_space<vmem>>
        %dma_wait3A_525 = tpu.memref_squeeze %dma_wait3A_524 : memref<1x128x80xf32, #tpu.memory_space<vmem>> -> memref<128x80xf32, #tpu.memory_space<vmem>>
        %dma_wait3A_526 = arith.constant 0 : i32
        %dma_wait3A_527 = tpu.memref_slice %arg5[%add3A_452, %dma_wait3A_526] : memref<80x128xi32, #tpu.memory_space<vmem>> -> memref<1x128xi32, #tpu.memory_space<vmem>>
        %dma_wait3A_528 = tpu.memref_squeeze %dma_wait3A_527 : memref<1x128xi32, #tpu.memory_space<vmem>> -> memref<128xi32, #tpu.memory_space<vmem>>
        %dma_wait3A_529 = arith.constant 0 : i32
        %dma_wait3A_530 = arith.constant 0 : i32
        %dma_wait3A_531 = tpu.memref_slice %arg8[%dma_wait3A_529, %dma_wait3A_530] : memref<10000x80xf32, #tpu.memory_space<vmem_shared>> -> memref<10000x80xf32, #tpu.memory_space<vmem_shared>>
        tpu.wait_indirect_dma semaphore(%run_scoped3A_511 : memref<!tpu.dma_semaphore, #tpu.memory_space<semaphore_mem>>) src(%dma_wait3A_525 : memref<128x80xf32, #tpu.memory_space<vmem>>) dst(%dma_wait3A_531 : memref<10000x80xf32, #tpu.memory_space<vmem_shared>>)
        tpu.yield
      }) : () -> ()
      %add3A_473 = arith.constant 4 : i32
      %add3A_474 = arith.addi %add3A_452, %add3A_473 : i32
      %lt3A_475 = arith.constant 80 : i32
      %lt3A_476 = arith.cmpi slt, %add3A_474, %lt3A_475 : i32
      %convert_element_type3A_477 = arith.extui %lt3A_476 : i1 to i32
      %cond3A_478 = arith.constant 0 : i32
      %cond3A_479 = arith.cmpi ne, %convert_element_type3A_477, %cond3A_478 : i32
      scf.if %cond3A_479 {
        %add3A_511 = arith.constant 4 : i32
        %add3A_512 = arith.addi %add3A_452, %add3A_511 : i32
        %mul3A_513 = arith.constant 10240 : i32
        %mul3A_514 = arith.muli %arg1, %mul3A_513 : i32
        %mul3A_515 = arith.constant 128 : i32
        %mul3A_516 = arith.muli %add3A_512, %mul3A_515 : i32
        %add3A_517 = arith.addi %mul3A_514, %mul3A_516 : i32
        %dma_start3A_518 = arith.constant 2 : i32
        %dma_start3A_519 = arith.constant 2 : i32
        %dma_start3A_520 = arith.constant 0 : i32
        %dma_start3A_521 = arith.constant 0 : i32
        %dma_start3A_522 = tpu.memref_slice %arg6[%dma_start3A_518, %dma_start3A_520, %dma_start3A_521] : memref<4x128x80xf32, #tpu.memory_space<vmem>> -> memref<1x128x80xf32, #tpu.memory_space<vmem>>
        %dma_start3A_523 = tpu.memref_squeeze %dma_start3A_522 : memref<1x128x80xf32, #tpu.memory_space<vmem>> -> memref<128x80xf32, #tpu.memory_space<vmem>>
        %dma_start3A_524 = tpu.memref_slice %arg2[%add3A_517, %mul3A_10] : memref<163840x640xf32, #tpu.memory_space<hbm>> -> memref<128x80xf32, #tpu.memory_space<hbm>>
        %dma_start3A_525 = tpu.memref_slice %arg9[%dma_start3A_519] : memref<4x!tpu.dma_semaphore, #tpu.memory_space<semaphore_mem>> -> memref<1x!tpu.dma_semaphore, #tpu.memory_space<semaphore_mem>>
        %dma_start3A_526 = tpu.memref_squeeze %dma_start3A_525 : memref<1x!tpu.dma_semaphore, #tpu.memory_space<semaphore_mem>> -> memref<!tpu.dma_semaphore, #tpu.memory_space<semaphore_mem>>
        %dma_start3A_527 = arith.constant 0 : i32
        %dma_start3A_528 = arith.constant 0 : i32
        %dma_start3A_529 = tpu.memref_slice %arg6[%dma_start3A_518, %dma_start3A_527, %dma_start3A_528] : memref<4x128x80xf32, #tpu.memory_space<vmem>> -> memref<1x128x80xf32, #tpu.memory_space<vmem>>
        %dma_start3A_530 = tpu.memref_squeeze %dma_start3A_529 : memref<1x128x80xf32, #tpu.memory_space<vmem>> -> memref<128x80xf32, #tpu.memory_space<vmem>>
        %dma_start3A_531 = tpu.memref_slice %arg2[%add3A_517, %mul3A_10] : memref<163840x640xf32, #tpu.memory_space<hbm>> -> memref<128x80xf32, #tpu.memory_space<hbm>>
        tpu.enqueue_dma source(%dma_start3A_531 : memref<128x80xf32, #tpu.memory_space<hbm>>) target(%dma_start3A_530 : memref<128x80xf32, #tpu.memory_space<vmem>>) target_semaphore(%dma_start3A_526 : memref<!tpu.dma_semaphore, #tpu.memory_space<semaphore_mem>>)
      } else {
      }
      %mul3A_480 = arith.constant 4 : i32
      %mul3A_481 = arith.muli %mul3A_480, %scan3A_391 : i32
      %add3A_482 = arith.constant 3 : i32
      %add3A_483 = arith.addi %mul3A_481, %add3A_482 : i32
      %mul3A_484 = arith.constant 10240 : i32
      %mul3A_485 = arith.muli %arg1, %mul3A_484 : i32
      %mul3A_486 = arith.constant 128 : i32
      %mul3A_487 = arith.muli %add3A_483, %mul3A_486 : i32
      %add3A_488 = arith.addi %mul3A_485, %mul3A_487 : i32
      %dma_wait3A_489 = arith.constant 3 : i32
      %dma_wait3A_490 = arith.constant 3 : i32
      %dma_wait3A_491 = arith.constant 0 : i32
      %dma_wait3A_492 = arith.constant 0 : i32
      %dma_wait3A_493 = tpu.memref_slice %arg6[%dma_wait3A_489, %dma_wait3A_491, %dma_wait3A_492] : memref<4x128x80xf32, #tpu.memory_space<vmem>> -> memref<1x128x80xf32, #tpu.memory_space<vmem>>
      %dma_wait3A_494 = tpu.memref_squeeze %dma_wait3A_493 : memref<1x128x80xf32, #tpu.memory_space<vmem>> -> memref<128x80xf32, #tpu.memory_space<vmem>>
      %dma_wait3A_495 = tpu.memref_slice %arg2[%add3A_488, %mul3A_10] : memref<163840x640xf32, #tpu.memory_space<hbm>> -> memref<128x80xf32, #tpu.memory_space<hbm>>
      %dma_wait3A_496 = tpu.memref_slice %arg9[%dma_wait3A_490] : memref<4x!tpu.dma_semaphore, #tpu.memory_space<semaphore_mem>> -> memref<1x!tpu.dma_semaphore, #tpu.memory_space<semaphore_mem>>
      %dma_wait3A_497 = tpu.memref_squeeze %dma_wait3A_496 : memref<1x!tpu.dma_semaphore, #tpu.memory_space<semaphore_mem>> -> memref<!tpu.dma_semaphore, #tpu.memory_space<semaphore_mem>>
      %dma_wait3A_498 = arith.constant 0 : i32
      %dma_wait3A_499 = arith.constant 0 : i32
      %dma_wait3A_500 = tpu.memref_slice %arg6[%dma_wait3A_489, %dma_wait3A_498, %dma_wait3A_499] : memref<4x128x80xf32, #tpu.memory_space<vmem>> -> memref<1x128x80xf32, #tpu.memory_space<vmem>>
      %dma_wait3A_501 = tpu.memref_squeeze %dma_wait3A_500 : memref<1x128x80xf32, #tpu.memory_space<vmem>> -> memref<128x80xf32, #tpu.memory_space<vmem>>
      %dma_wait3A_502 = tpu.memref_slice %arg2[%add3A_488, %mul3A_10] : memref<163840x640xf32, #tpu.memory_space<hbm>> -> memref<128x80xf32, #tpu.memory_space<hbm>>
      tpu.wait_dma2 semaphore(%dma_wait3A_497 : memref<!tpu.dma_semaphore, #tpu.memory_space<semaphore_mem>>) src(%dma_wait3A_502 : memref<128x80xf32, #tpu.memory_space<hbm>>) dst(%dma_wait3A_501 : memref<128x80xf32, #tpu.memory_space<vmem>>)
      %run_scoped3A_503 = arith.constant 3 : i32
      "tpu.region"() ({
        %run_scoped3A_511 = tpu.sem_alloc : memref<!tpu.dma_semaphore, #tpu.memory_space<semaphore_mem>>
        %dma_start3A_512 = arith.constant 0 : i32
        %dma_start3A_513 = arith.constant 0 : i32
        %dma_start3A_514 = tpu.memref_slice %arg6[%run_scoped3A_503, %dma_start3A_512, %dma_start3A_513] : memref<4x128x80xf32, #tpu.memory_space<vmem>> -> memref<1x128x80xf32, #tpu.memory_space<vmem>>
        %dma_start3A_515 = tpu.memref_squeeze %dma_start3A_514 : memref<1x128x80xf32, #tpu.memory_space<vmem>> -> memref<128x80xf32, #tpu.memory_space<vmem>>
        %dma_start3A_516 = arith.constant 0 : i32
        %dma_start3A_517 = tpu.memref_slice %arg5[%add3A_483, %dma_start3A_516] : memref<80x128xi32, #tpu.memory_space<vmem>> -> memref<1x128xi32, #tpu.memory_space<vmem>>
        %dma_start3A_518 = tpu.memref_squeeze %dma_start3A_517 : memref<1x128xi32, #tpu.memory_space<vmem>> -> memref<128xi32, #tpu.memory_space<vmem>>
        %dma_start3A_519 = arith.constant 0 : i32
        %dma_start3A_520 = arith.constant 0 : i32
        %dma_start3A_521 = tpu.memref_slice %arg8[%dma_start3A_519, %dma_start3A_520] : memref<10000x80xf32, #tpu.memory_space<vmem_shared>> -> memref<10000x80xf32, #tpu.memory_space<vmem_shared>>
        tpu.enqueue_indirect_dma source(%dma_start3A_515 : memref<128x80xf32, #tpu.memory_space<vmem>>) target(%dma_start3A_521 : memref<10000x80xf32, #tpu.memory_space<vmem_shared>>) offsets(%dma_start3A_518 : memref<128xi32, #tpu.memory_space<vmem>>) semaphore(%run_scoped3A_511 : memref<!tpu.dma_semaphore, #tpu.memory_space<semaphore_mem>>) {add = true}
        %dma_wait3A_522 = arith.constant 0 : i32
        %dma_wait3A_523 = arith.constant 0 : i32
        %dma_wait3A_524 = tpu.memref_slice %arg6[%run_scoped3A_503, %dma_wait3A_522, %dma_wait3A_523] : memref<4x128x80xf32, #tpu.memory_space<vmem>> -> memref<1x128x80xf32, #tpu.memory_space<vmem>>
        %dma_wait3A_525 = tpu.memref_squeeze %dma_wait3A_524 : memref<1x128x80xf32, #tpu.memory_space<vmem>> -> memref<128x80xf32, #tpu.memory_space<vmem>>
        %dma_wait3A_526 = arith.constant 0 : i32
        %dma_wait3A_527 = tpu.memref_slice %arg5[%add3A_483, %dma_wait3A_526] : memref<80x128xi32, #tpu.memory_space<vmem>> -> memref<1x128xi32, #tpu.memory_space<vmem>>
        %dma_wait3A_528 = tpu.memref_squeeze %dma_wait3A_527 : memref<1x128xi32, #tpu.memory_space<vmem>> -> memref<128xi32, #tpu.memory_space<vmem>>
        %dma_wait3A_529 = arith.constant 0 : i32
        %dma_wait3A_530 = arith.constant 0 : i32
        %dma_wait3A_531 = tpu.memref_slice %arg8[%dma_wait3A_529, %dma_wait3A_530] : memref<10000x80xf32, #tpu.memory_space<vmem_shared>> -> memref<10000x80xf32, #tpu.memory_space<vmem_shared>>
        tpu.wait_indirect_dma semaphore(%run_scoped3A_511 : memref<!tpu.dma_semaphore, #tpu.memory_space<semaphore_mem>>) src(%dma_wait3A_525 : memref<128x80xf32, #tpu.memory_space<vmem>>) dst(%dma_wait3A_531 : memref<10000x80xf32, #tpu.memory_space<vmem_shared>>)
        tpu.yield
      }) : () -> ()
      %add3A_504 = arith.constant 4 : i32
      %add3A_505 = arith.addi %add3A_483, %add3A_504 : i32
      %lt3A_506 = arith.constant 80 : i32
      %lt3A_507 = arith.cmpi slt, %add3A_505, %lt3A_506 : i32
      %convert_element_type3A_508 = arith.extui %lt3A_507 : i1 to i32
      %cond3A_509 = arith.constant 0 : i32
      %cond3A_510 = arith.cmpi ne, %convert_element_type3A_508, %cond3A_509 : i32
      scf.if %cond3A_510 {
        %add3A_511 = arith.constant 4 : i32
        %add3A_512 = arith.addi %add3A_483, %add3A_511 : i32
        %mul3A_513 = arith.constant 10240 : i32
        %mul3A_514 = arith.muli %arg1, %mul3A_513 : i32
        %mul3A_515 = arith.constant 128 : i32
        %mul3A_516 = arith.muli %add3A_512, %mul3A_515 : i32
        %add3A_517 = arith.addi %mul3A_514, %mul3A_516 : i32
        %dma_start3A_518 = arith.constant 3 : i32
        %dma_start3A_519 = arith.constant 3 : i32
        %dma_start3A_520 = arith.constant 0 : i32
        %dma_start3A_521 = arith.constant 0 : i32
        %dma_start3A_522 = tpu.memref_slice %arg6[%dma_start3A_518, %dma_start3A_520, %dma_start3A_521] : memref<4x128x80xf32, #tpu.memory_space<vmem>> -> memref<1x128x80xf32, #tpu.memory_space<vmem>>
        %dma_start3A_523 = tpu.memref_squeeze %dma_start3A_522 : memref<1x128x80xf32, #tpu.memory_space<vmem>> -> memref<128x80xf32, #tpu.memory_space<vmem>>
        %dma_start3A_524 = tpu.memref_slice %arg2[%add3A_517, %mul3A_10] : memref<163840x640xf32, #tpu.memory_space<hbm>> -> memref<128x80xf32, #tpu.memory_space<hbm>>
        %dma_start3A_525 = tpu.memref_slice %arg9[%dma_start3A_519] : memref<4x!tpu.dma_semaphore, #tpu.memory_space<semaphore_mem>> -> memref<1x!tpu.dma_semaphore, #tpu.memory_space<semaphore_mem>>
        %dma_start3A_526 = tpu.memref_squeeze %dma_start3A_525 : memref<1x!tpu.dma_semaphore, #tpu.memory_space<semaphore_mem>> -> memref<!tpu.dma_semaphore, #tpu.memory_space<semaphore_mem>>
        %dma_start3A_527 = arith.constant 0 : i32
        %dma_start3A_528 = arith.constant 0 : i32
        %dma_start3A_529 = tpu.memref_slice %arg6[%dma_start3A_518, %dma_start3A_527, %dma_start3A_528] : memref<4x128x80xf32, #tpu.memory_space<vmem>> -> memref<1x128x80xf32, #tpu.memory_space<vmem>>
        %dma_start3A_530 = tpu.memref_squeeze %dma_start3A_529 : memref<1x128x80xf32, #tpu.memory_space<vmem>> -> memref<128x80xf32, #tpu.memory_space<vmem>>
        %dma_start3A_531 = tpu.memref_slice %arg2[%add3A_517, %mul3A_10] : memref<163840x640xf32, #tpu.memory_space<hbm>> -> memref<128x80xf32, #tpu.memory_space<hbm>>
        tpu.enqueue_dma source(%dma_start3A_531 : memref<128x80xf32, #tpu.memory_space<hbm>>) target(%dma_start3A_530 : memref<128x80xf32, #tpu.memory_space<vmem>>) target_semaphore(%dma_start3A_526 : memref<!tpu.dma_semaphore, #tpu.memory_space<semaphore_mem>>)
      } else {
      }
    }
    %scan3A_93 = arith.constant 20 : i32
    %barrier3A_94 = arith.constant 0 : index
    tpu.barrier barrier_id(%barrier3A_94)
    %mul3A_95 = arith.constant 625 : i32
    %mul3A_96 = arith.muli %arg1, %mul3A_95 : i32
    %mul3A_97 = arith.constant 625 : i32
    %mul3A_98 = arith.muli %arg1, %mul3A_97 : i32
    "tpu.region"() ({
      %run_scoped3A = tpu.sem_alloc : memref<!tpu.dma_semaphore, #tpu.memory_space<semaphore_mem>>
      %dma_start3A_391 = tpu.memref_slice %arg4[%mul3A_98, %mul3A_10] : memref<10000x640xf32, #tpu.memory_space<hbm>> -> memref<625x80xf32, #tpu.memory_space<hbm>>
      %dma_start3A_392 = arith.constant 0 : i32
      %dma_start3A_393 = tpu.memref_slice %arg8[%mul3A_96, %dma_start3A_392] : memref<10000x80xf32, #tpu.memory_space<vmem_shared>> -> memref<625x80xf32, #tpu.memory_space<vmem_shared>>
      tpu.enqueue_dma source(%dma_start3A_393 : memref<625x80xf32, #tpu.memory_space<vmem_shared>>) target(%dma_start3A_391 : memref<625x80xf32, #tpu.memory_space<hbm>>) target_semaphore(%run_scoped3A : memref<!tpu.dma_semaphore, #tpu.memory_space<semaphore_mem>>)
      %dma_wait3A = tpu.memref_slice %arg4[%mul3A_98, %mul3A_10] : memref<10000x640xf32, #tpu.memory_space<hbm>> -> memref<625x80xf32, #tpu.memory_space<hbm>>
      %dma_wait3A_394 = arith.constant 0 : i32
      %dma_wait3A_395 = tpu.memref_slice %arg8[%mul3A_96, %dma_wait3A_394] : memref<10000x80xf32, #tpu.memory_space<vmem_shared>> -> memref<625x80xf32, #tpu.memory_space<vmem_shared>>
      tpu.wait_dma2 semaphore(%run_scoped3A : memref<!tpu.dma_semaphore, #tpu.memory_space<semaphore_mem>>) src(%dma_wait3A_395 : memref<625x80xf32, #tpu.memory_space<vmem_shared>>) dst(%dma_wait3A : memref<625x80xf32, #tpu.memory_space<hbm>>)
      tpu.yield
    }) : () -> ()
    %barrier3A_99 = arith.constant 0 : index
    tpu.barrier barrier_id(%barrier3A_99)
    %mul3A_100 = arith.constant 4 : i32
    %mul3A_101 = arith.muli %arg0, %mul3A_100 : i32
    %add3A_102 = arith.constant 1 : i32
    %add3A_103 = arith.addi %mul3A_101, %add3A_102 : i32
    %mul3A_104 = arith.constant 80 : i32
    %mul3A_105 = arith.muli %add3A_103, %mul3A_104 : i32
    %scan3A_106 = arith.constant 0 : i32
    %scan3A_107 = arith.constant 0 : i32
    %scan3A_108 = arith.constant 5 : i32
    %scan3A_109 = arith.addi %scan3A_107, %scan3A_108 : i32
    %scan3A_110 = arith.constant 1 : i32
    scf.for %scan3A_391 = %scan3A_107 to %scan3A_109 step %scan3A_110  : i32 {
      %mul3A_392 = arith.constant 625 : i32
      %mul3A_393 = arith.muli %arg1, %mul3A_392 : i32
      %mul3A_394 = arith.constant 125 : i32
      %mul3A_395 = arith.muli %scan3A_391, %mul3A_394 : i32
      %add3A_396 = arith.addi %mul3A_393, %mul3A_395 : i32
      "tpu.region"() ({
        %run_scoped3A = tpu.sem_alloc : memref<!tpu.dma_semaphore, #tpu.memory_space<semaphore_mem>>
        %dma_start3A_397 = arith.constant 0 : i32
        %dma_start3A_398 = tpu.memref_slice %arg8[%add3A_396, %dma_start3A_397] : memref<10000x80xf32, #tpu.memory_space<vmem_shared>> -> memref<125x80xf32, #tpu.memory_space<vmem_shared>>
        %dma_start3A_399 = arith.constant 0 : i32
        %dma_start3A_400 = tpu.memref_slice %arg8[%add3A_396, %dma_start3A_399] : memref<10000x80xf32, #tpu.memory_space<vmem_shared>> -> memref<125x80xf32, #tpu.memory_space<vmem_shared>>
        tpu.enqueue_dma source(%arg7 : memref<125x80xf32, #tpu.memory_space<vmem>>) target(%dma_start3A_400 : memref<125x80xf32, #tpu.memory_space<vmem_shared>>) target_semaphore(%run_scoped3A : memref<!tpu.dma_semaphore, #tpu.memory_space<semaphore_mem>>)
        %dma_wait3A = arith.constant 0 : i32
        %dma_wait3A_401 = tpu.memref_slice %arg8[%add3A_396, %dma_wait3A] : memref<10000x80xf32, #tpu.memory_space<vmem_shared>> -> memref<125x80xf32, #tpu.memory_space<vmem_shared>>
        %dma_wait3A_402 = arith.constant 0 : i32
        %dma_wait3A_403 = tpu.memref_slice %arg8[%add3A_396, %dma_wait3A_402] : memref<10000x80xf32, #tpu.memory_space<vmem_shared>> -> memref<125x80xf32, #tpu.memory_space<vmem_shared>>
        tpu.wait_dma2 semaphore(%run_scoped3A : memref<!tpu.dma_semaphore, #tpu.memory_space<semaphore_mem>>) src(%arg7 : memref<125x80xf32, #tpu.memory_space<vmem>>) dst(%dma_wait3A_403 : memref<125x80xf32, #tpu.memory_space<vmem_shared>>)
        tpu.yield
      }) : () -> ()
    }
    %scan3A_111 = arith.constant 5 : i32
    %barrier3A_112 = arith.constant 0 : index
    tpu.barrier barrier_id(%barrier3A_112)
    %mul3A_113 = arith.constant 10240 : i32
    %mul3A_114 = arith.muli %arg1, %mul3A_113 : i32
    %add3A_115 = arith.constant 0 : i32
    %add3A_116 = arith.addi %mul3A_114, %add3A_115 : i32
    %dma_start3A_117 = arith.constant 0 : i32
    %dma_start3A_118 = arith.constant 0 : i32
    %dma_start3A_119 = arith.constant 0 : i32
    %dma_start3A_120 = arith.constant 0 : i32
    %dma_start3A_121 = tpu.memref_slice %arg6[%dma_start3A_117, %dma_start3A_119, %dma_start3A_120] : memref<4x128x80xf32, #tpu.memory_space<vmem>> -> memref<1x128x80xf32, #tpu.memory_space<vmem>>
    %dma_start3A_122 = tpu.memref_squeeze %dma_start3A_121 : memref<1x128x80xf32, #tpu.memory_space<vmem>> -> memref<128x80xf32, #tpu.memory_space<vmem>>
    %dma_start3A_123 = tpu.memref_slice %arg2[%add3A_116, %mul3A_105] : memref<163840x640xf32, #tpu.memory_space<hbm>> -> memref<128x80xf32, #tpu.memory_space<hbm>>
    %dma_start3A_124 = tpu.memref_slice %arg9[%dma_start3A_118] : memref<4x!tpu.dma_semaphore, #tpu.memory_space<semaphore_mem>> -> memref<1x!tpu.dma_semaphore, #tpu.memory_space<semaphore_mem>>
    %dma_start3A_125 = tpu.memref_squeeze %dma_start3A_124 : memref<1x!tpu.dma_semaphore, #tpu.memory_space<semaphore_mem>> -> memref<!tpu.dma_semaphore, #tpu.memory_space<semaphore_mem>>
    %dma_start3A_126 = arith.constant 0 : i32
    %dma_start3A_127 = arith.constant 0 : i32
    %dma_start3A_128 = tpu.memref_slice %arg6[%dma_start3A_117, %dma_start3A_126, %dma_start3A_127] : memref<4x128x80xf32, #tpu.memory_space<vmem>> -> memref<1x128x80xf32, #tpu.memory_space<vmem>>
    %dma_start3A_129 = tpu.memref_squeeze %dma_start3A_128 : memref<1x128x80xf32, #tpu.memory_space<vmem>> -> memref<128x80xf32, #tpu.memory_space<vmem>>
    %dma_start3A_130 = tpu.memref_slice %arg2[%add3A_116, %mul3A_105] : memref<163840x640xf32, #tpu.memory_space<hbm>> -> memref<128x80xf32, #tpu.memory_space<hbm>>
    tpu.enqueue_dma source(%dma_start3A_130 : memref<128x80xf32, #tpu.memory_space<hbm>>) target(%dma_start3A_129 : memref<128x80xf32, #tpu.memory_space<vmem>>) target_semaphore(%dma_start3A_125 : memref<!tpu.dma_semaphore, #tpu.memory_space<semaphore_mem>>)
    %mul3A_131 = arith.constant 10240 : i32
    %mul3A_132 = arith.muli %arg1, %mul3A_131 : i32
    %add3A_133 = arith.constant 128 : i32
    %add3A_134 = arith.addi %mul3A_132, %add3A_133 : i32
    %dma_start3A_135 = arith.constant 1 : i32
    %dma_start3A_136 = arith.constant 1 : i32
    %dma_start3A_137 = arith.constant 0 : i32
    %dma_start3A_138 = arith.constant 0 : i32
    %dma_start3A_139 = tpu.memref_slice %arg6[%dma_start3A_135, %dma_start3A_137, %dma_start3A_138] : memref<4x128x80xf32, #tpu.memory_space<vmem>> -> memref<1x128x80xf32, #tpu.memory_space<vmem>>
    %dma_start3A_140 = tpu.memref_squeeze %dma_start3A_139 : memref<1x128x80xf32, #tpu.memory_space<vmem>> -> memref<128x80xf32, #tpu.memory_space<vmem>>
    %dma_start3A_141 = tpu.memref_slice %arg2[%add3A_134, %mul3A_105] : memref<163840x640xf32, #tpu.memory_space<hbm>> -> memref<128x80xf32, #tpu.memory_space<hbm>>
    %dma_start3A_142 = tpu.memref_slice %arg9[%dma_start3A_136] : memref<4x!tpu.dma_semaphore, #tpu.memory_space<semaphore_mem>> -> memref<1x!tpu.dma_semaphore, #tpu.memory_space<semaphore_mem>>
    %dma_start3A_143 = tpu.memref_squeeze %dma_start3A_142 : memref<1x!tpu.dma_semaphore, #tpu.memory_space<semaphore_mem>> -> memref<!tpu.dma_semaphore, #tpu.memory_space<semaphore_mem>>
    %dma_start3A_144 = arith.constant 0 : i32
    %dma_start3A_145 = arith.constant 0 : i32
    %dma_start3A_146 = tpu.memref_slice %arg6[%dma_start3A_135, %dma_start3A_144, %dma_start3A_145] : memref<4x128x80xf32, #tpu.memory_space<vmem>> -> memref<1x128x80xf32, #tpu.memory_space<vmem>>
    %dma_start3A_147 = tpu.memref_squeeze %dma_start3A_146 : memref<1x128x80xf32, #tpu.memory_space<vmem>> -> memref<128x80xf32, #tpu.memory_space<vmem>>
    %dma_start3A_148 = tpu.memref_slice %arg2[%add3A_134, %mul3A_105] : memref<163840x640xf32, #tpu.memory_space<hbm>> -> memref<128x80xf32, #tpu.memory_space<hbm>>
    tpu.enqueue_dma source(%dma_start3A_148 : memref<128x80xf32, #tpu.memory_space<hbm>>) target(%dma_start3A_147 : memref<128x80xf32, #tpu.memory_space<vmem>>) target_semaphore(%dma_start3A_143 : memref<!tpu.dma_semaphore, #tpu.memory_space<semaphore_mem>>)
    %mul3A_149 = arith.constant 10240 : i32
    %mul3A_150 = arith.muli %arg1, %mul3A_149 : i32
    %add3A_151 = arith.constant 256 : i32
    %add3A_152 = arith.addi %mul3A_150, %add3A_151 : i32
    %dma_start3A_153 = arith.constant 2 : i32
    %dma_start3A_154 = arith.constant 2 : i32
    %dma_start3A_155 = arith.constant 0 : i32
    %dma_start3A_156 = arith.constant 0 : i32
    %dma_start3A_157 = tpu.memref_slice %arg6[%dma_start3A_153, %dma_start3A_155, %dma_start3A_156] : memref<4x128x80xf32, #tpu.memory_space<vmem>> -> memref<1x128x80xf32, #tpu.memory_space<vmem>>
    %dma_start3A_158 = tpu.memref_squeeze %dma_start3A_157 : memref<1x128x80xf32, #tpu.memory_space<vmem>> -> memref<128x80xf32, #tpu.memory_space<vmem>>
    %dma_start3A_159 = tpu.memref_slice %arg2[%add3A_152, %mul3A_105] : memref<163840x640xf32, #tpu.memory_space<hbm>> -> memref<128x80xf32, #tpu.memory_space<hbm>>
    %dma_start3A_160 = tpu.memref_slice %arg9[%dma_start3A_154] : memref<4x!tpu.dma_semaphore, #tpu.memory_space<semaphore_mem>> -> memref<1x!tpu.dma_semaphore, #tpu.memory_space<semaphore_mem>>
    %dma_start3A_161 = tpu.memref_squeeze %dma_start3A_160 : memref<1x!tpu.dma_semaphore, #tpu.memory_space<semaphore_mem>> -> memref<!tpu.dma_semaphore, #tpu.memory_space<semaphore_mem>>
    %dma_start3A_162 = arith.constant 0 : i32
    %dma_start3A_163 = arith.constant 0 : i32
    %dma_start3A_164 = tpu.memref_slice %arg6[%dma_start3A_153, %dma_start3A_162, %dma_start3A_163] : memref<4x128x80xf32, #tpu.memory_space<vmem>> -> memref<1x128x80xf32, #tpu.memory_space<vmem>>
    %dma_start3A_165 = tpu.memref_squeeze %dma_start3A_164 : memref<1x128x80xf32, #tpu.memory_space<vmem>> -> memref<128x80xf32, #tpu.memory_space<vmem>>
    %dma_start3A_166 = tpu.memref_slice %arg2[%add3A_152, %mul3A_105] : memref<163840x640xf32, #tpu.memory_space<hbm>> -> memref<128x80xf32, #tpu.memory_space<hbm>>
    tpu.enqueue_dma source(%dma_start3A_166 : memref<128x80xf32, #tpu.memory_space<hbm>>) target(%dma_start3A_165 : memref<128x80xf32, #tpu.memory_space<vmem>>) target_semaphore(%dma_start3A_161 : memref<!tpu.dma_semaphore, #tpu.memory_space<semaphore_mem>>)
    %mul3A_167 = arith.constant 10240 : i32
    %mul3A_168 = arith.muli %arg1, %mul3A_167 : i32
    %add3A_169 = arith.constant 384 : i32
    %add3A_170 = arith.addi %mul3A_168, %add3A_169 : i32
    %dma_start3A_171 = arith.constant 3 : i32
    %dma_start3A_172 = arith.constant 3 : i32
    %dma_start3A_173 = arith.constant 0 : i32
    %dma_start3A_174 = arith.constant 0 : i32
    %dma_start3A_175 = tpu.memref_slice %arg6[%dma_start3A_171, %dma_start3A_173, %dma_start3A_174] : memref<4x128x80xf32, #tpu.memory_space<vmem>> -> memref<1x128x80xf32, #tpu.memory_space<vmem>>
    %dma_start3A_176 = tpu.memref_squeeze %dma_start3A_175 : memref<1x128x80xf32, #tpu.memory_space<vmem>> -> memref<128x80xf32, #tpu.memory_space<vmem>>
    %dma_start3A_177 = tpu.memref_slice %arg2[%add3A_170, %mul3A_105] : memref<163840x640xf32, #tpu.memory_space<hbm>> -> memref<128x80xf32, #tpu.memory_space<hbm>>
    %dma_start3A_178 = tpu.memref_slice %arg9[%dma_start3A_172] : memref<4x!tpu.dma_semaphore, #tpu.memory_space<semaphore_mem>> -> memref<1x!tpu.dma_semaphore, #tpu.memory_space<semaphore_mem>>
    %dma_start3A_179 = tpu.memref_squeeze %dma_start3A_178 : memref<1x!tpu.dma_semaphore, #tpu.memory_space<semaphore_mem>> -> memref<!tpu.dma_semaphore, #tpu.memory_space<semaphore_mem>>
    %dma_start3A_180 = arith.constant 0 : i32
    %dma_start3A_181 = arith.constant 0 : i32
    %dma_start3A_182 = tpu.memref_slice %arg6[%dma_start3A_171, %dma_start3A_180, %dma_start3A_181] : memref<4x128x80xf32, #tpu.memory_space<vmem>> -> memref<1x128x80xf32, #tpu.memory_space<vmem>>
    %dma_start3A_183 = tpu.memref_squeeze %dma_start3A_182 : memref<1x128x80xf32, #tpu.memory_space<vmem>> -> memref<128x80xf32, #tpu.memory_space<vmem>>
    %dma_start3A_184 = tpu.memref_slice %arg2[%add3A_170, %mul3A_105] : memref<163840x640xf32, #tpu.memory_space<hbm>> -> memref<128x80xf32, #tpu.memory_space<hbm>>
    tpu.enqueue_dma source(%dma_start3A_184 : memref<128x80xf32, #tpu.memory_space<hbm>>) target(%dma_start3A_183 : memref<128x80xf32, #tpu.memory_space<vmem>>) target_semaphore(%dma_start3A_179 : memref<!tpu.dma_semaphore, #tpu.memory_space<semaphore_mem>>)
    %scan3A_185 = arith.constant 0 : i32
    %scan3A_186 = arith.constant 0 : i32
    %scan3A_187 = arith.constant 20 : i32
    %scan3A_188 = arith.addi %scan3A_186, %scan3A_187 : i32
    %scan3A_189 = arith.constant 1 : i32
    scf.for %scan3A_391 = %scan3A_186 to %scan3A_188 step %scan3A_189  : i32 {
      %mul3A_392 = arith.constant 4 : i32
      %mul3A_393 = arith.muli %mul3A_392, %scan3A_391 : i32
      %add3A_394 = arith.constant 0 : i32
      %add3A_395 = arith.addi %mul3A_393, %add3A_394 : i32
      %mul3A_396 = arith.constant 10240 : i32
      %mul3A_397 = arith.muli %arg1, %mul3A_396 : i32
      %mul3A_398 = arith.constant 128 : i32
      %mul3A_399 = arith.muli %add3A_395, %mul3A_398 : i32
      %add3A_400 = arith.addi %mul3A_397, %mul3A_399 : i32
      %dma_wait3A = arith.constant 0 : i32
      %dma_wait3A_401 = arith.constant 0 : i32
      %dma_wait3A_402 = arith.constant 0 : i32
      %dma_wait3A_403 = arith.constant 0 : i32
      %dma_wait3A_404 = tpu.memref_slice %arg6[%dma_wait3A, %dma_wait3A_402, %dma_wait3A_403] : memref<4x128x80xf32, #tpu.memory_space<vmem>> -> memref<1x128x80xf32, #tpu.memory_space<vmem>>
      %dma_wait3A_405 = tpu.memref_squeeze %dma_wait3A_404 : memref<1x128x80xf32, #tpu.memory_space<vmem>> -> memref<128x80xf32, #tpu.memory_space<vmem>>
      %dma_wait3A_406 = tpu.memref_slice %arg2[%add3A_400, %mul3A_105] : memref<163840x640xf32, #tpu.memory_space<hbm>> -> memref<128x80xf32, #tpu.memory_space<hbm>>
      %dma_wait3A_407 = tpu.memref_slice %arg9[%dma_wait3A_401] : memref<4x!tpu.dma_semaphore, #tpu.memory_space<semaphore_mem>> -> memref<1x!tpu.dma_semaphore, #tpu.memory_space<semaphore_mem>>
      %dma_wait3A_408 = tpu.memref_squeeze %dma_wait3A_407 : memref<1x!tpu.dma_semaphore, #tpu.memory_space<semaphore_mem>> -> memref<!tpu.dma_semaphore, #tpu.memory_space<semaphore_mem>>
      %dma_wait3A_409 = arith.constant 0 : i32
      %dma_wait3A_410 = arith.constant 0 : i32
      %dma_wait3A_411 = tpu.memref_slice %arg6[%dma_wait3A, %dma_wait3A_409, %dma_wait3A_410] : memref<4x128x80xf32, #tpu.memory_space<vmem>> -> memref<1x128x80xf32, #tpu.memory_space<vmem>>
      %dma_wait3A_412 = tpu.memref_squeeze %dma_wait3A_411 : memref<1x128x80xf32, #tpu.memory_space<vmem>> -> memref<128x80xf32, #tpu.memory_space<vmem>>
      %dma_wait3A_413 = tpu.memref_slice %arg2[%add3A_400, %mul3A_105] : memref<163840x640xf32, #tpu.memory_space<hbm>> -> memref<128x80xf32, #tpu.memory_space<hbm>>
      tpu.wait_dma2 semaphore(%dma_wait3A_408 : memref<!tpu.dma_semaphore, #tpu.memory_space<semaphore_mem>>) src(%dma_wait3A_413 : memref<128x80xf32, #tpu.memory_space<hbm>>) dst(%dma_wait3A_412 : memref<128x80xf32, #tpu.memory_space<vmem>>)
      %run_scoped3A = arith.constant 0 : i32
      "tpu.region"() ({
        %run_scoped3A_511 = tpu.sem_alloc : memref<!tpu.dma_semaphore, #tpu.memory_space<semaphore_mem>>
        %dma_start3A_512 = arith.constant 0 : i32
        %dma_start3A_513 = arith.constant 0 : i32
        %dma_start3A_514 = tpu.memref_slice %arg6[%run_scoped3A, %dma_start3A_512, %dma_start3A_513] : memref<4x128x80xf32, #tpu.memory_space<vmem>> -> memref<1x128x80xf32, #tpu.memory_space<vmem>>
        %dma_start3A_515 = tpu.memref_squeeze %dma_start3A_514 : memref<1x128x80xf32, #tpu.memory_space<vmem>> -> memref<128x80xf32, #tpu.memory_space<vmem>>
        %dma_start3A_516 = arith.constant 0 : i32
        %dma_start3A_517 = tpu.memref_slice %arg5[%add3A_395, %dma_start3A_516] : memref<80x128xi32, #tpu.memory_space<vmem>> -> memref<1x128xi32, #tpu.memory_space<vmem>>
        %dma_start3A_518 = tpu.memref_squeeze %dma_start3A_517 : memref<1x128xi32, #tpu.memory_space<vmem>> -> memref<128xi32, #tpu.memory_space<vmem>>
        %dma_start3A_519 = arith.constant 0 : i32
        %dma_start3A_520 = arith.constant 0 : i32
        %dma_start3A_521 = tpu.memref_slice %arg8[%dma_start3A_519, %dma_start3A_520] : memref<10000x80xf32, #tpu.memory_space<vmem_shared>> -> memref<10000x80xf32, #tpu.memory_space<vmem_shared>>
        tpu.enqueue_indirect_dma source(%dma_start3A_515 : memref<128x80xf32, #tpu.memory_space<vmem>>) target(%dma_start3A_521 : memref<10000x80xf32, #tpu.memory_space<vmem_shared>>) offsets(%dma_start3A_518 : memref<128xi32, #tpu.memory_space<vmem>>) semaphore(%run_scoped3A_511 : memref<!tpu.dma_semaphore, #tpu.memory_space<semaphore_mem>>) {add = true}
        %dma_wait3A_522 = arith.constant 0 : i32
        %dma_wait3A_523 = arith.constant 0 : i32
        %dma_wait3A_524 = tpu.memref_slice %arg6[%run_scoped3A, %dma_wait3A_522, %dma_wait3A_523] : memref<4x128x80xf32, #tpu.memory_space<vmem>> -> memref<1x128x80xf32, #tpu.memory_space<vmem>>
        %dma_wait3A_525 = tpu.memref_squeeze %dma_wait3A_524 : memref<1x128x80xf32, #tpu.memory_space<vmem>> -> memref<128x80xf32, #tpu.memory_space<vmem>>
        %dma_wait3A_526 = arith.constant 0 : i32
        %dma_wait3A_527 = tpu.memref_slice %arg5[%add3A_395, %dma_wait3A_526] : memref<80x128xi32, #tpu.memory_space<vmem>> -> memref<1x128xi32, #tpu.memory_space<vmem>>
        %dma_wait3A_528 = tpu.memref_squeeze %dma_wait3A_527 : memref<1x128xi32, #tpu.memory_space<vmem>> -> memref<128xi32, #tpu.memory_space<vmem>>
        %dma_wait3A_529 = arith.constant 0 : i32
        %dma_wait3A_530 = arith.constant 0 : i32
        %dma_wait3A_531 = tpu.memref_slice %arg8[%dma_wait3A_529, %dma_wait3A_530] : memref<10000x80xf32, #tpu.memory_space<vmem_shared>> -> memref<10000x80xf32, #tpu.memory_space<vmem_shared>>
        tpu.wait_indirect_dma semaphore(%run_scoped3A_511 : memref<!tpu.dma_semaphore, #tpu.memory_space<semaphore_mem>>) src(%dma_wait3A_525 : memref<128x80xf32, #tpu.memory_space<vmem>>) dst(%dma_wait3A_531 : memref<10000x80xf32, #tpu.memory_space<vmem_shared>>)
        tpu.yield
      }) : () -> ()
      %add3A_414 = arith.constant 4 : i32
      %add3A_415 = arith.addi %add3A_395, %add3A_414 : i32
      %lt3A = arith.constant 80 : i32
      %lt3A_416 = arith.cmpi slt, %add3A_415, %lt3A : i32
      %convert_element_type3A = arith.extui %lt3A_416 : i1 to i32
      %cond3A = arith.constant 0 : i32
      %cond3A_417 = arith.cmpi ne, %convert_element_type3A, %cond3A : i32
      scf.if %cond3A_417 {
        %add3A_511 = arith.constant 4 : i32
        %add3A_512 = arith.addi %add3A_395, %add3A_511 : i32
        %mul3A_513 = arith.constant 10240 : i32
        %mul3A_514 = arith.muli %arg1, %mul3A_513 : i32
        %mul3A_515 = arith.constant 128 : i32
        %mul3A_516 = arith.muli %add3A_512, %mul3A_515 : i32
        %add3A_517 = arith.addi %mul3A_514, %mul3A_516 : i32
        %dma_start3A_518 = arith.constant 0 : i32
        %dma_start3A_519 = arith.constant 0 : i32
        %dma_start3A_520 = arith.constant 0 : i32
        %dma_start3A_521 = arith.constant 0 : i32
        %dma_start3A_522 = tpu.memref_slice %arg6[%dma_start3A_518, %dma_start3A_520, %dma_start3A_521] : memref<4x128x80xf32, #tpu.memory_space<vmem>> -> memref<1x128x80xf32, #tpu.memory_space<vmem>>
        %dma_start3A_523 = tpu.memref_squeeze %dma_start3A_522 : memref<1x128x80xf32, #tpu.memory_space<vmem>> -> memref<128x80xf32, #tpu.memory_space<vmem>>
        %dma_start3A_524 = tpu.memref_slice %arg2[%add3A_517, %mul3A_105] : memref<163840x640xf32, #tpu.memory_space<hbm>> -> memref<128x80xf32, #tpu.memory_space<hbm>>
        %dma_start3A_525 = tpu.memref_slice %arg9[%dma_start3A_519] : memref<4x!tpu.dma_semaphore, #tpu.memory_space<semaphore_mem>> -> memref<1x!tpu.dma_semaphore, #tpu.memory_space<semaphore_mem>>
        %dma_start3A_526 = tpu.memref_squeeze %dma_start3A_525 : memref<1x!tpu.dma_semaphore, #tpu.memory_space<semaphore_mem>> -> memref<!tpu.dma_semaphore, #tpu.memory_space<semaphore_mem>>
        %dma_start3A_527 = arith.constant 0 : i32
        %dma_start3A_528 = arith.constant 0 : i32
        %dma_start3A_529 = tpu.memref_slice %arg6[%dma_start3A_518, %dma_start3A_527, %dma_start3A_528] : memref<4x128x80xf32, #tpu.memory_space<vmem>> -> memref<1x128x80xf32, #tpu.memory_space<vmem>>
        %dma_start3A_530 = tpu.memref_squeeze %dma_start3A_529 : memref<1x128x80xf32, #tpu.memory_space<vmem>> -> memref<128x80xf32, #tpu.memory_space<vmem>>
        %dma_start3A_531 = tpu.memref_slice %arg2[%add3A_517, %mul3A_105] : memref<163840x640xf32, #tpu.memory_space<hbm>> -> memref<128x80xf32, #tpu.memory_space<hbm>>
        tpu.enqueue_dma source(%dma_start3A_531 : memref<128x80xf32, #tpu.memory_space<hbm>>) target(%dma_start3A_530 : memref<128x80xf32, #tpu.memory_space<vmem>>) target_semaphore(%dma_start3A_526 : memref<!tpu.dma_semaphore, #tpu.memory_space<semaphore_mem>>)
      } else {
      }
      %mul3A_418 = arith.constant 4 : i32
      %mul3A_419 = arith.muli %mul3A_418, %scan3A_391 : i32
      %add3A_420 = arith.constant 1 : i32
      %add3A_421 = arith.addi %mul3A_419, %add3A_420 : i32
      %mul3A_422 = arith.constant 10240 : i32
      %mul3A_423 = arith.muli %arg1, %mul3A_422 : i32
      %mul3A_424 = arith.constant 128 : i32
      %mul3A_425 = arith.muli %add3A_421, %mul3A_424 : i32
      %add3A_426 = arith.addi %mul3A_423, %mul3A_425 : i32
      %dma_wait3A_427 = arith.constant 1 : i32
      %dma_wait3A_428 = arith.constant 1 : i32
      %dma_wait3A_429 = arith.constant 0 : i32
      %dma_wait3A_430 = arith.constant 0 : i32
      %dma_wait3A_431 = tpu.memref_slice %arg6[%dma_wait3A_427, %dma_wait3A_429, %dma_wait3A_430] : memref<4x128x80xf32, #tpu.memory_space<vmem>> -> memref<1x128x80xf32, #tpu.memory_space<vmem>>
      %dma_wait3A_432 = tpu.memref_squeeze %dma_wait3A_431 : memref<1x128x80xf32, #tpu.memory_space<vmem>> -> memref<128x80xf32, #tpu.memory_space<vmem>>
      %dma_wait3A_433 = tpu.memref_slice %arg2[%add3A_426, %mul3A_105] : memref<163840x640xf32, #tpu.memory_space<hbm>> -> memref<128x80xf32, #tpu.memory_space<hbm>>
      %dma_wait3A_434 = tpu.memref_slice %arg9[%dma_wait3A_428] : memref<4x!tpu.dma_semaphore, #tpu.memory_space<semaphore_mem>> -> memref<1x!tpu.dma_semaphore, #tpu.memory_space<semaphore_mem>>
      %dma_wait3A_435 = tpu.memref_squeeze %dma_wait3A_434 : memref<1x!tpu.dma_semaphore, #tpu.memory_space<semaphore_mem>> -> memref<!tpu.dma_semaphore, #tpu.memory_space<semaphore_mem>>
      %dma_wait3A_436 = arith.constant 0 : i32
      %dma_wait3A_437 = arith.constant 0 : i32
      %dma_wait3A_438 = tpu.memref_slice %arg6[%dma_wait3A_427, %dma_wait3A_436, %dma_wait3A_437] : memref<4x128x80xf32, #tpu.memory_space<vmem>> -> memref<1x128x80xf32, #tpu.memory_space<vmem>>
      %dma_wait3A_439 = tpu.memref_squeeze %dma_wait3A_438 : memref<1x128x80xf32, #tpu.memory_space<vmem>> -> memref<128x80xf32, #tpu.memory_space<vmem>>
      %dma_wait3A_440 = tpu.memref_slice %arg2[%add3A_426, %mul3A_105] : memref<163840x640xf32, #tpu.memory_space<hbm>> -> memref<128x80xf32, #tpu.memory_space<hbm>>
      tpu.wait_dma2 semaphore(%dma_wait3A_435 : memref<!tpu.dma_semaphore, #tpu.memory_space<semaphore_mem>>) src(%dma_wait3A_440 : memref<128x80xf32, #tpu.memory_space<hbm>>) dst(%dma_wait3A_439 : memref<128x80xf32, #tpu.memory_space<vmem>>)
      %run_scoped3A_441 = arith.constant 1 : i32
      "tpu.region"() ({
        %run_scoped3A_511 = tpu.sem_alloc : memref<!tpu.dma_semaphore, #tpu.memory_space<semaphore_mem>>
        %dma_start3A_512 = arith.constant 0 : i32
        %dma_start3A_513 = arith.constant 0 : i32
        %dma_start3A_514 = tpu.memref_slice %arg6[%run_scoped3A_441, %dma_start3A_512, %dma_start3A_513] : memref<4x128x80xf32, #tpu.memory_space<vmem>> -> memref<1x128x80xf32, #tpu.memory_space<vmem>>
        %dma_start3A_515 = tpu.memref_squeeze %dma_start3A_514 : memref<1x128x80xf32, #tpu.memory_space<vmem>> -> memref<128x80xf32, #tpu.memory_space<vmem>>
        %dma_start3A_516 = arith.constant 0 : i32
        %dma_start3A_517 = tpu.memref_slice %arg5[%add3A_421, %dma_start3A_516] : memref<80x128xi32, #tpu.memory_space<vmem>> -> memref<1x128xi32, #tpu.memory_space<vmem>>
        %dma_start3A_518 = tpu.memref_squeeze %dma_start3A_517 : memref<1x128xi32, #tpu.memory_space<vmem>> -> memref<128xi32, #tpu.memory_space<vmem>>
        %dma_start3A_519 = arith.constant 0 : i32
        %dma_start3A_520 = arith.constant 0 : i32
        %dma_start3A_521 = tpu.memref_slice %arg8[%dma_start3A_519, %dma_start3A_520] : memref<10000x80xf32, #tpu.memory_space<vmem_shared>> -> memref<10000x80xf32, #tpu.memory_space<vmem_shared>>
        tpu.enqueue_indirect_dma source(%dma_start3A_515 : memref<128x80xf32, #tpu.memory_space<vmem>>) target(%dma_start3A_521 : memref<10000x80xf32, #tpu.memory_space<vmem_shared>>) offsets(%dma_start3A_518 : memref<128xi32, #tpu.memory_space<vmem>>) semaphore(%run_scoped3A_511 : memref<!tpu.dma_semaphore, #tpu.memory_space<semaphore_mem>>) {add = true}
        %dma_wait3A_522 = arith.constant 0 : i32
        %dma_wait3A_523 = arith.constant 0 : i32
        %dma_wait3A_524 = tpu.memref_slice %arg6[%run_scoped3A_441, %dma_wait3A_522, %dma_wait3A_523] : memref<4x128x80xf32, #tpu.memory_space<vmem>> -> memref<1x128x80xf32, #tpu.memory_space<vmem>>
        %dma_wait3A_525 = tpu.memref_squeeze %dma_wait3A_524 : memref<1x128x80xf32, #tpu.memory_space<vmem>> -> memref<128x80xf32, #tpu.memory_space<vmem>>
        %dma_wait3A_526 = arith.constant 0 : i32
        %dma_wait3A_527 = tpu.memref_slice %arg5[%add3A_421, %dma_wait3A_526] : memref<80x128xi32, #tpu.memory_space<vmem>> -> memref<1x128xi32, #tpu.memory_space<vmem>>
        %dma_wait3A_528 = tpu.memref_squeeze %dma_wait3A_527 : memref<1x128xi32, #tpu.memory_space<vmem>> -> memref<128xi32, #tpu.memory_space<vmem>>
        %dma_wait3A_529 = arith.constant 0 : i32
        %dma_wait3A_530 = arith.constant 0 : i32
        %dma_wait3A_531 = tpu.memref_slice %arg8[%dma_wait3A_529, %dma_wait3A_530] : memref<10000x80xf32, #tpu.memory_space<vmem_shared>> -> memref<10000x80xf32, #tpu.memory_space<vmem_shared>>
        tpu.wait_indirect_dma semaphore(%run_scoped3A_511 : memref<!tpu.dma_semaphore, #tpu.memory_space<semaphore_mem>>) src(%dma_wait3A_525 : memref<128x80xf32, #tpu.memory_space<vmem>>) dst(%dma_wait3A_531 : memref<10000x80xf32, #tpu.memory_space<vmem_shared>>)
        tpu.yield
      }) : () -> ()
      %add3A_442 = arith.constant 4 : i32
      %add3A_443 = arith.addi %add3A_421, %add3A_442 : i32
      %lt3A_444 = arith.constant 80 : i32
      %lt3A_445 = arith.cmpi slt, %add3A_443, %lt3A_444 : i32
      %convert_element_type3A_446 = arith.extui %lt3A_445 : i1 to i32
      %cond3A_447 = arith.constant 0 : i32
      %cond3A_448 = arith.cmpi ne, %convert_element_type3A_446, %cond3A_447 : i32
      scf.if %cond3A_448 {
        %add3A_511 = arith.constant 4 : i32
        %add3A_512 = arith.addi %add3A_421, %add3A_511 : i32
        %mul3A_513 = arith.constant 10240 : i32
        %mul3A_514 = arith.muli %arg1, %mul3A_513 : i32
        %mul3A_515 = arith.constant 128 : i32
        %mul3A_516 = arith.muli %add3A_512, %mul3A_515 : i32
        %add3A_517 = arith.addi %mul3A_514, %mul3A_516 : i32
        %dma_start3A_518 = arith.constant 1 : i32
        %dma_start3A_519 = arith.constant 1 : i32
        %dma_start3A_520 = arith.constant 0 : i32
        %dma_start3A_521 = arith.constant 0 : i32
        %dma_start3A_522 = tpu.memref_slice %arg6[%dma_start3A_518, %dma_start3A_520, %dma_start3A_521] : memref<4x128x80xf32, #tpu.memory_space<vmem>> -> memref<1x128x80xf32, #tpu.memory_space<vmem>>
        %dma_start3A_523 = tpu.memref_squeeze %dma_start3A_522 : memref<1x128x80xf32, #tpu.memory_space<vmem>> -> memref<128x80xf32, #tpu.memory_space<vmem>>
        %dma_start3A_524 = tpu.memref_slice %arg2[%add3A_517, %mul3A_105] : memref<163840x640xf32, #tpu.memory_space<hbm>> -> memref<128x80xf32, #tpu.memory_space<hbm>>
        %dma_start3A_525 = tpu.memref_slice %arg9[%dma_start3A_519] : memref<4x!tpu.dma_semaphore, #tpu.memory_space<semaphore_mem>> -> memref<1x!tpu.dma_semaphore, #tpu.memory_space<semaphore_mem>>
        %dma_start3A_526 = tpu.memref_squeeze %dma_start3A_525 : memref<1x!tpu.dma_semaphore, #tpu.memory_space<semaphore_mem>> -> memref<!tpu.dma_semaphore, #tpu.memory_space<semaphore_mem>>
        %dma_start3A_527 = arith.constant 0 : i32
        %dma_start3A_528 = arith.constant 0 : i32
        %dma_start3A_529 = tpu.memref_slice %arg6[%dma_start3A_518, %dma_start3A_527, %dma_start3A_528] : memref<4x128x80xf32, #tpu.memory_space<vmem>> -> memref<1x128x80xf32, #tpu.memory_space<vmem>>
        %dma_start3A_530 = tpu.memref_squeeze %dma_start3A_529 : memref<1x128x80xf32, #tpu.memory_space<vmem>> -> memref<128x80xf32, #tpu.memory_space<vmem>>
        %dma_start3A_531 = tpu.memref_slice %arg2[%add3A_517, %mul3A_105] : memref<163840x640xf32, #tpu.memory_space<hbm>> -> memref<128x80xf32, #tpu.memory_space<hbm>>
        tpu.enqueue_dma source(%dma_start3A_531 : memref<128x80xf32, #tpu.memory_space<hbm>>) target(%dma_start3A_530 : memref<128x80xf32, #tpu.memory_space<vmem>>) target_semaphore(%dma_start3A_526 : memref<!tpu.dma_semaphore, #tpu.memory_space<semaphore_mem>>)
      } else {
      }
      %mul3A_449 = arith.constant 4 : i32
      %mul3A_450 = arith.muli %mul3A_449, %scan3A_391 : i32
      %add3A_451 = arith.constant 2 : i32
      %add3A_452 = arith.addi %mul3A_450, %add3A_451 : i32
      %mul3A_453 = arith.constant 10240 : i32
      %mul3A_454 = arith.muli %arg1, %mul3A_453 : i32
      %mul3A_455 = arith.constant 128 : i32
      %mul3A_456 = arith.muli %add3A_452, %mul3A_455 : i32
      %add3A_457 = arith.addi %mul3A_454, %mul3A_456 : i32
      %dma_wait3A_458 = arith.constant 2 : i32
      %dma_wait3A_459 = arith.constant 2 : i32
      %dma_wait3A_460 = arith.constant 0 : i32
      %dma_wait3A_461 = arith.constant 0 : i32
      %dma_wait3A_462 = tpu.memref_slice %arg6[%dma_wait3A_458, %dma_wait3A_460, %dma_wait3A_461] : memref<4x128x80xf32, #tpu.memory_space<vmem>> -> memref<1x128x80xf32, #tpu.memory_space<vmem>>
      %dma_wait3A_463 = tpu.memref_squeeze %dma_wait3A_462 : memref<1x128x80xf32, #tpu.memory_space<vmem>> -> memref<128x80xf32, #tpu.memory_space<vmem>>
      %dma_wait3A_464 = tpu.memref_slice %arg2[%add3A_457, %mul3A_105] : memref<163840x640xf32, #tpu.memory_space<hbm>> -> memref<128x80xf32, #tpu.memory_space<hbm>>
      %dma_wait3A_465 = tpu.memref_slice %arg9[%dma_wait3A_459] : memref<4x!tpu.dma_semaphore, #tpu.memory_space<semaphore_mem>> -> memref<1x!tpu.dma_semaphore, #tpu.memory_space<semaphore_mem>>
      %dma_wait3A_466 = tpu.memref_squeeze %dma_wait3A_465 : memref<1x!tpu.dma_semaphore, #tpu.memory_space<semaphore_mem>> -> memref<!tpu.dma_semaphore, #tpu.memory_space<semaphore_mem>>
      %dma_wait3A_467 = arith.constant 0 : i32
      %dma_wait3A_468 = arith.constant 0 : i32
      %dma_wait3A_469 = tpu.memref_slice %arg6[%dma_wait3A_458, %dma_wait3A_467, %dma_wait3A_468] : memref<4x128x80xf32, #tpu.memory_space<vmem>> -> memref<1x128x80xf32, #tpu.memory_space<vmem>>
      %dma_wait3A_470 = tpu.memref_squeeze %dma_wait3A_469 : memref<1x128x80xf32, #tpu.memory_space<vmem>> -> memref<128x80xf32, #tpu.memory_space<vmem>>
      %dma_wait3A_471 = tpu.memref_slice %arg2[%add3A_457, %mul3A_105] : memref<163840x640xf32, #tpu.memory_space<hbm>> -> memref<128x80xf32, #tpu.memory_space<hbm>>
      tpu.wait_dma2 semaphore(%dma_wait3A_466 : memref<!tpu.dma_semaphore, #tpu.memory_space<semaphore_mem>>) src(%dma_wait3A_471 : memref<128x80xf32, #tpu.memory_space<hbm>>) dst(%dma_wait3A_470 : memref<128x80xf32, #tpu.memory_space<vmem>>)
      %run_scoped3A_472 = arith.constant 2 : i32
      "tpu.region"() ({
        %run_scoped3A_511 = tpu.sem_alloc : memref<!tpu.dma_semaphore, #tpu.memory_space<semaphore_mem>>
        %dma_start3A_512 = arith.constant 0 : i32
        %dma_start3A_513 = arith.constant 0 : i32
        %dma_start3A_514 = tpu.memref_slice %arg6[%run_scoped3A_472, %dma_start3A_512, %dma_start3A_513] : memref<4x128x80xf32, #tpu.memory_space<vmem>> -> memref<1x128x80xf32, #tpu.memory_space<vmem>>
        %dma_start3A_515 = tpu.memref_squeeze %dma_start3A_514 : memref<1x128x80xf32, #tpu.memory_space<vmem>> -> memref<128x80xf32, #tpu.memory_space<vmem>>
        %dma_start3A_516 = arith.constant 0 : i32
        %dma_start3A_517 = tpu.memref_slice %arg5[%add3A_452, %dma_start3A_516] : memref<80x128xi32, #tpu.memory_space<vmem>> -> memref<1x128xi32, #tpu.memory_space<vmem>>
        %dma_start3A_518 = tpu.memref_squeeze %dma_start3A_517 : memref<1x128xi32, #tpu.memory_space<vmem>> -> memref<128xi32, #tpu.memory_space<vmem>>
        %dma_start3A_519 = arith.constant 0 : i32
        %dma_start3A_520 = arith.constant 0 : i32
        %dma_start3A_521 = tpu.memref_slice %arg8[%dma_start3A_519, %dma_start3A_520] : memref<10000x80xf32, #tpu.memory_space<vmem_shared>> -> memref<10000x80xf32, #tpu.memory_space<vmem_shared>>
        tpu.enqueue_indirect_dma source(%dma_start3A_515 : memref<128x80xf32, #tpu.memory_space<vmem>>) target(%dma_start3A_521 : memref<10000x80xf32, #tpu.memory_space<vmem_shared>>) offsets(%dma_start3A_518 : memref<128xi32, #tpu.memory_space<vmem>>) semaphore(%run_scoped3A_511 : memref<!tpu.dma_semaphore, #tpu.memory_space<semaphore_mem>>) {add = true}
        %dma_wait3A_522 = arith.constant 0 : i32
        %dma_wait3A_523 = arith.constant 0 : i32
        %dma_wait3A_524 = tpu.memref_slice %arg6[%run_scoped3A_472, %dma_wait3A_522, %dma_wait3A_523] : memref<4x128x80xf32, #tpu.memory_space<vmem>> -> memref<1x128x80xf32, #tpu.memory_space<vmem>>
        %dma_wait3A_525 = tpu.memref_squeeze %dma_wait3A_524 : memref<1x128x80xf32, #tpu.memory_space<vmem>> -> memref<128x80xf32, #tpu.memory_space<vmem>>
        %dma_wait3A_526 = arith.constant 0 : i32
        %dma_wait3A_527 = tpu.memref_slice %arg5[%add3A_452, %dma_wait3A_526] : memref<80x128xi32, #tpu.memory_space<vmem>> -> memref<1x128xi32, #tpu.memory_space<vmem>>
        %dma_wait3A_528 = tpu.memref_squeeze %dma_wait3A_527 : memref<1x128xi32, #tpu.memory_space<vmem>> -> memref<128xi32, #tpu.memory_space<vmem>>
        %dma_wait3A_529 = arith.constant 0 : i32
        %dma_wait3A_530 = arith.constant 0 : i32
        %dma_wait3A_531 = tpu.memref_slice %arg8[%dma_wait3A_529, %dma_wait3A_530] : memref<10000x80xf32, #tpu.memory_space<vmem_shared>> -> memref<10000x80xf32, #tpu.memory_space<vmem_shared>>
        tpu.wait_indirect_dma semaphore(%run_scoped3A_511 : memref<!tpu.dma_semaphore, #tpu.memory_space<semaphore_mem>>) src(%dma_wait3A_525 : memref<128x80xf32, #tpu.memory_space<vmem>>) dst(%dma_wait3A_531 : memref<10000x80xf32, #tpu.memory_space<vmem_shared>>)
        tpu.yield
      }) : () -> ()
      %add3A_473 = arith.constant 4 : i32
      %add3A_474 = arith.addi %add3A_452, %add3A_473 : i32
      %lt3A_475 = arith.constant 80 : i32
      %lt3A_476 = arith.cmpi slt, %add3A_474, %lt3A_475 : i32
      %convert_element_type3A_477 = arith.extui %lt3A_476 : i1 to i32
      %cond3A_478 = arith.constant 0 : i32
      %cond3A_479 = arith.cmpi ne, %convert_element_type3A_477, %cond3A_478 : i32
      scf.if %cond3A_479 {
        %add3A_511 = arith.constant 4 : i32
        %add3A_512 = arith.addi %add3A_452, %add3A_511 : i32
        %mul3A_513 = arith.constant 10240 : i32
        %mul3A_514 = arith.muli %arg1, %mul3A_513 : i32
        %mul3A_515 = arith.constant 128 : i32
        %mul3A_516 = arith.muli %add3A_512, %mul3A_515 : i32
        %add3A_517 = arith.addi %mul3A_514, %mul3A_516 : i32
        %dma_start3A_518 = arith.constant 2 : i32
        %dma_start3A_519 = arith.constant 2 : i32
        %dma_start3A_520 = arith.constant 0 : i32
        %dma_start3A_521 = arith.constant 0 : i32
        %dma_start3A_522 = tpu.memref_slice %arg6[%dma_start3A_518, %dma_start3A_520, %dma_start3A_521] : memref<4x128x80xf32, #tpu.memory_space<vmem>> -> memref<1x128x80xf32, #tpu.memory_space<vmem>>
        %dma_start3A_523 = tpu.memref_squeeze %dma_start3A_522 : memref<1x128x80xf32, #tpu.memory_space<vmem>> -> memref<128x80xf32, #tpu.memory_space<vmem>>
        %dma_start3A_524 = tpu.memref_slice %arg2[%add3A_517, %mul3A_105] : memref<163840x640xf32, #tpu.memory_space<hbm>> -> memref<128x80xf32, #tpu.memory_space<hbm>>
        %dma_start3A_525 = tpu.memref_slice %arg9[%dma_start3A_519] : memref<4x!tpu.dma_semaphore, #tpu.memory_space<semaphore_mem>> -> memref<1x!tpu.dma_semaphore, #tpu.memory_space<semaphore_mem>>
        %dma_start3A_526 = tpu.memref_squeeze %dma_start3A_525 : memref<1x!tpu.dma_semaphore, #tpu.memory_space<semaphore_mem>> -> memref<!tpu.dma_semaphore, #tpu.memory_space<semaphore_mem>>
        %dma_start3A_527 = arith.constant 0 : i32
        %dma_start3A_528 = arith.constant 0 : i32
        %dma_start3A_529 = tpu.memref_slice %arg6[%dma_start3A_518, %dma_start3A_527, %dma_start3A_528] : memref<4x128x80xf32, #tpu.memory_space<vmem>> -> memref<1x128x80xf32, #tpu.memory_space<vmem>>
        %dma_start3A_530 = tpu.memref_squeeze %dma_start3A_529 : memref<1x128x80xf32, #tpu.memory_space<vmem>> -> memref<128x80xf32, #tpu.memory_space<vmem>>
        %dma_start3A_531 = tpu.memref_slice %arg2[%add3A_517, %mul3A_105] : memref<163840x640xf32, #tpu.memory_space<hbm>> -> memref<128x80xf32, #tpu.memory_space<hbm>>
        tpu.enqueue_dma source(%dma_start3A_531 : memref<128x80xf32, #tpu.memory_space<hbm>>) target(%dma_start3A_530 : memref<128x80xf32, #tpu.memory_space<vmem>>) target_semaphore(%dma_start3A_526 : memref<!tpu.dma_semaphore, #tpu.memory_space<semaphore_mem>>)
      } else {
      }
      %mul3A_480 = arith.constant 4 : i32
      %mul3A_481 = arith.muli %mul3A_480, %scan3A_391 : i32
      %add3A_482 = arith.constant 3 : i32
      %add3A_483 = arith.addi %mul3A_481, %add3A_482 : i32
      %mul3A_484 = arith.constant 10240 : i32
      %mul3A_485 = arith.muli %arg1, %mul3A_484 : i32
      %mul3A_486 = arith.constant 128 : i32
      %mul3A_487 = arith.muli %add3A_483, %mul3A_486 : i32
      %add3A_488 = arith.addi %mul3A_485, %mul3A_487 : i32
      %dma_wait3A_489 = arith.constant 3 : i32
      %dma_wait3A_490 = arith.constant 3 : i32
      %dma_wait3A_491 = arith.constant 0 : i32
      %dma_wait3A_492 = arith.constant 0 : i32
      %dma_wait3A_493 = tpu.memref_slice %arg6[%dma_wait3A_489, %dma_wait3A_491, %dma_wait3A_492] : memref<4x128x80xf32, #tpu.memory_space<vmem>> -> memref<1x128x80xf32, #tpu.memory_space<vmem>>
      %dma_wait3A_494 = tpu.memref_squeeze %dma_wait3A_493 : memref<1x128x80xf32, #tpu.memory_space<vmem>> -> memref<128x80xf32, #tpu.memory_space<vmem>>
      %dma_wait3A_495 = tpu.memref_slice %arg2[%add3A_488, %mul3A_105] : memref<163840x640xf32, #tpu.memory_space<hbm>> -> memref<128x80xf32, #tpu.memory_space<hbm>>
      %dma_wait3A_496 = tpu.memref_slice %arg9[%dma_wait3A_490] : memref<4x!tpu.dma_semaphore, #tpu.memory_space<semaphore_mem>> -> memref<1x!tpu.dma_semaphore, #tpu.memory_space<semaphore_mem>>
      %dma_wait3A_497 = tpu.memref_squeeze %dma_wait3A_496 : memref<1x!tpu.dma_semaphore, #tpu.memory_space<semaphore_mem>> -> memref<!tpu.dma_semaphore, #tpu.memory_space<semaphore_mem>>
      %dma_wait3A_498 = arith.constant 0 : i32
      %dma_wait3A_499 = arith.constant 0 : i32
      %dma_wait3A_500 = tpu.memref_slice %arg6[%dma_wait3A_489, %dma_wait3A_498, %dma_wait3A_499] : memref<4x128x80xf32, #tpu.memory_space<vmem>> -> memref<1x128x80xf32, #tpu.memory_space<vmem>>
      %dma_wait3A_501 = tpu.memref_squeeze %dma_wait3A_500 : memref<1x128x80xf32, #tpu.memory_space<vmem>> -> memref<128x80xf32, #tpu.memory_space<vmem>>
      %dma_wait3A_502 = tpu.memref_slice %arg2[%add3A_488, %mul3A_105] : memref<163840x640xf32, #tpu.memory_space<hbm>> -> memref<128x80xf32, #tpu.memory_space<hbm>>
      tpu.wait_dma2 semaphore(%dma_wait3A_497 : memref<!tpu.dma_semaphore, #tpu.memory_space<semaphore_mem>>) src(%dma_wait3A_502 : memref<128x80xf32, #tpu.memory_space<hbm>>) dst(%dma_wait3A_501 : memref<128x80xf32, #tpu.memory_space<vmem>>)
      %run_scoped3A_503 = arith.constant 3 : i32
      "tpu.region"() ({
        %run_scoped3A_511 = tpu.sem_alloc : memref<!tpu.dma_semaphore, #tpu.memory_space<semaphore_mem>>
        %dma_start3A_512 = arith.constant 0 : i32
        %dma_start3A_513 = arith.constant 0 : i32
        %dma_start3A_514 = tpu.memref_slice %arg6[%run_scoped3A_503, %dma_start3A_512, %dma_start3A_513] : memref<4x128x80xf32, #tpu.memory_space<vmem>> -> memref<1x128x80xf32, #tpu.memory_space<vmem>>
        %dma_start3A_515 = tpu.memref_squeeze %dma_start3A_514 : memref<1x128x80xf32, #tpu.memory_space<vmem>> -> memref<128x80xf32, #tpu.memory_space<vmem>>
        %dma_start3A_516 = arith.constant 0 : i32
        %dma_start3A_517 = tpu.memref_slice %arg5[%add3A_483, %dma_start3A_516] : memref<80x128xi32, #tpu.memory_space<vmem>> -> memref<1x128xi32, #tpu.memory_space<vmem>>
        %dma_start3A_518 = tpu.memref_squeeze %dma_start3A_517 : memref<1x128xi32, #tpu.memory_space<vmem>> -> memref<128xi32, #tpu.memory_space<vmem>>
        %dma_start3A_519 = arith.constant 0 : i32
        %dma_start3A_520 = arith.constant 0 : i32
        %dma_start3A_521 = tpu.memref_slice %arg8[%dma_start3A_519, %dma_start3A_520] : memref<10000x80xf32, #tpu.memory_space<vmem_shared>> -> memref<10000x80xf32, #tpu.memory_space<vmem_shared>>
        tpu.enqueue_indirect_dma source(%dma_start3A_515 : memref<128x80xf32, #tpu.memory_space<vmem>>) target(%dma_start3A_521 : memref<10000x80xf32, #tpu.memory_space<vmem_shared>>) offsets(%dma_start3A_518 : memref<128xi32, #tpu.memory_space<vmem>>) semaphore(%run_scoped3A_511 : memref<!tpu.dma_semaphore, #tpu.memory_space<semaphore_mem>>) {add = true}
        %dma_wait3A_522 = arith.constant 0 : i32
        %dma_wait3A_523 = arith.constant 0 : i32
        %dma_wait3A_524 = tpu.memref_slice %arg6[%run_scoped3A_503, %dma_wait3A_522, %dma_wait3A_523] : memref<4x128x80xf32, #tpu.memory_space<vmem>> -> memref<1x128x80xf32, #tpu.memory_space<vmem>>
        %dma_wait3A_525 = tpu.memref_squeeze %dma_wait3A_524 : memref<1x128x80xf32, #tpu.memory_space<vmem>> -> memref<128x80xf32, #tpu.memory_space<vmem>>
        %dma_wait3A_526 = arith.constant 0 : i32
        %dma_wait3A_527 = tpu.memref_slice %arg5[%add3A_483, %dma_wait3A_526] : memref<80x128xi32, #tpu.memory_space<vmem>> -> memref<1x128xi32, #tpu.memory_space<vmem>>
        %dma_wait3A_528 = tpu.memref_squeeze %dma_wait3A_527 : memref<1x128xi32, #tpu.memory_space<vmem>> -> memref<128xi32, #tpu.memory_space<vmem>>
        %dma_wait3A_529 = arith.constant 0 : i32
        %dma_wait3A_530 = arith.constant 0 : i32
        %dma_wait3A_531 = tpu.memref_slice %arg8[%dma_wait3A_529, %dma_wait3A_530] : memref<10000x80xf32, #tpu.memory_space<vmem_shared>> -> memref<10000x80xf32, #tpu.memory_space<vmem_shared>>
        tpu.wait_indirect_dma semaphore(%run_scoped3A_511 : memref<!tpu.dma_semaphore, #tpu.memory_space<semaphore_mem>>) src(%dma_wait3A_525 : memref<128x80xf32, #tpu.memory_space<vmem>>) dst(%dma_wait3A_531 : memref<10000x80xf32, #tpu.memory_space<vmem_shared>>)
        tpu.yield
      }) : () -> ()
      %add3A_504 = arith.constant 4 : i32
      %add3A_505 = arith.addi %add3A_483, %add3A_504 : i32
      %lt3A_506 = arith.constant 80 : i32
      %lt3A_507 = arith.cmpi slt, %add3A_505, %lt3A_506 : i32
      %convert_element_type3A_508 = arith.extui %lt3A_507 : i1 to i32
      %cond3A_509 = arith.constant 0 : i32
      %cond3A_510 = arith.cmpi ne, %convert_element_type3A_508, %cond3A_509 : i32
      scf.if %cond3A_510 {
        %add3A_511 = arith.constant 4 : i32
        %add3A_512 = arith.addi %add3A_483, %add3A_511 : i32
        %mul3A_513 = arith.constant 10240 : i32
        %mul3A_514 = arith.muli %arg1, %mul3A_513 : i32
        %mul3A_515 = arith.constant 128 : i32
        %mul3A_516 = arith.muli %add3A_512, %mul3A_515 : i32
        %add3A_517 = arith.addi %mul3A_514, %mul3A_516 : i32
        %dma_start3A_518 = arith.constant 3 : i32
        %dma_start3A_519 = arith.constant 3 : i32
        %dma_start3A_520 = arith.constant 0 : i32
        %dma_start3A_521 = arith.constant 0 : i32
        %dma_start3A_522 = tpu.memref_slice %arg6[%dma_start3A_518, %dma_start3A_520, %dma_start3A_521] : memref<4x128x80xf32, #tpu.memory_space<vmem>> -> memref<1x128x80xf32, #tpu.memory_space<vmem>>
        %dma_start3A_523 = tpu.memref_squeeze %dma_start3A_522 : memref<1x128x80xf32, #tpu.memory_space<vmem>> -> memref<128x80xf32, #tpu.memory_space<vmem>>
        %dma_start3A_524 = tpu.memref_slice %arg2[%add3A_517, %mul3A_105] : memref<163840x640xf32, #tpu.memory_space<hbm>> -> memref<128x80xf32, #tpu.memory_space<hbm>>
        %dma_start3A_525 = tpu.memref_slice %arg9[%dma_start3A_519] : memref<4x!tpu.dma_semaphore, #tpu.memory_space<semaphore_mem>> -> memref<1x!tpu.dma_semaphore, #tpu.memory_space<semaphore_mem>>
        %dma_start3A_526 = tpu.memref_squeeze %dma_start3A_525 : memref<1x!tpu.dma_semaphore, #tpu.memory_space<semaphore_mem>> -> memref<!tpu.dma_semaphore, #tpu.memory_space<semaphore_mem>>
        %dma_start3A_527 = arith.constant 0 : i32
        %dma_start3A_528 = arith.constant 0 : i32
        %dma_start3A_529 = tpu.memref_slice %arg6[%dma_start3A_518, %dma_start3A_527, %dma_start3A_528] : memref<4x128x80xf32, #tpu.memory_space<vmem>> -> memref<1x128x80xf32, #tpu.memory_space<vmem>>
        %dma_start3A_530 = tpu.memref_squeeze %dma_start3A_529 : memref<1x128x80xf32, #tpu.memory_space<vmem>> -> memref<128x80xf32, #tpu.memory_space<vmem>>
        %dma_start3A_531 = tpu.memref_slice %arg2[%add3A_517, %mul3A_105] : memref<163840x640xf32, #tpu.memory_space<hbm>> -> memref<128x80xf32, #tpu.memory_space<hbm>>
        tpu.enqueue_dma source(%dma_start3A_531 : memref<128x80xf32, #tpu.memory_space<hbm>>) target(%dma_start3A_530 : memref<128x80xf32, #tpu.memory_space<vmem>>) target_semaphore(%dma_start3A_526 : memref<!tpu.dma_semaphore, #tpu.memory_space<semaphore_mem>>)
      } else {
      }
    }
    %scan3A_190 = arith.constant 20 : i32
    %barrier3A_191 = arith.constant 0 : index
    tpu.barrier barrier_id(%barrier3A_191)
    %mul3A_192 = arith.constant 625 : i32
    %mul3A_193 = arith.muli %arg1, %mul3A_192 : i32
    %mul3A_194 = arith.constant 625 : i32
    %mul3A_195 = arith.muli %arg1, %mul3A_194 : i32
    "tpu.region"() ({
      %run_scoped3A = tpu.sem_alloc : memref<!tpu.dma_semaphore, #tpu.memory_space<semaphore_mem>>
      %dma_start3A_391 = tpu.memref_slice %arg4[%mul3A_195, %mul3A_105] : memref<10000x640xf32, #tpu.memory_space<hbm>> -> memref<625x80xf32, #tpu.memory_space<hbm>>
      %dma_start3A_392 = arith.constant 0 : i32
      %dma_start3A_393 = tpu.memref_slice %arg8[%mul3A_193, %dma_start3A_392] : memref<10000x80xf32, #tpu.memory_space<vmem_shared>> -> memref<625x80xf32, #tpu.memory_space<vmem_shared>>
      tpu.enqueue_dma source(%dma_start3A_393 : memref<625x80xf32, #tpu.memory_space<vmem_shared>>) target(%dma_start3A_391 : memref<625x80xf32, #tpu.memory_space<hbm>>) target_semaphore(%run_scoped3A : memref<!tpu.dma_semaphore, #tpu.memory_space<semaphore_mem>>)
      %dma_wait3A = tpu.memref_slice %arg4[%mul3A_195, %mul3A_105] : memref<10000x640xf32, #tpu.memory_space<hbm>> -> memref<625x80xf32, #tpu.memory_space<hbm>>
      %dma_wait3A_394 = arith.constant 0 : i32
      %dma_wait3A_395 = tpu.memref_slice %arg8[%mul3A_193, %dma_wait3A_394] : memref<10000x80xf32, #tpu.memory_space<vmem_shared>> -> memref<625x80xf32, #tpu.memory_space<vmem_shared>>
      tpu.wait_dma2 semaphore(%run_scoped3A : memref<!tpu.dma_semaphore, #tpu.memory_space<semaphore_mem>>) src(%dma_wait3A_395 : memref<625x80xf32, #tpu.memory_space<vmem_shared>>) dst(%dma_wait3A : memref<625x80xf32, #tpu.memory_space<hbm>>)
      tpu.yield
    }) : () -> ()
    %barrier3A_196 = arith.constant 0 : index
    tpu.barrier barrier_id(%barrier3A_196)
    %mul3A_197 = arith.constant 4 : i32
    %mul3A_198 = arith.muli %arg0, %mul3A_197 : i32
    %add3A_199 = arith.constant 2 : i32
    %add3A_200 = arith.addi %mul3A_198, %add3A_199 : i32
    %mul3A_201 = arith.constant 80 : i32
    %mul3A_202 = arith.muli %add3A_200, %mul3A_201 : i32
    %scan3A_203 = arith.constant 0 : i32
    %scan3A_204 = arith.constant 0 : i32
    %scan3A_205 = arith.constant 5 : i32
    %scan3A_206 = arith.addi %scan3A_204, %scan3A_205 : i32
    %scan3A_207 = arith.constant 1 : i32
    scf.for %scan3A_391 = %scan3A_204 to %scan3A_206 step %scan3A_207  : i32 {
      %mul3A_392 = arith.constant 625 : i32
      %mul3A_393 = arith.muli %arg1, %mul3A_392 : i32
      %mul3A_394 = arith.constant 125 : i32
      %mul3A_395 = arith.muli %scan3A_391, %mul3A_394 : i32
      %add3A_396 = arith.addi %mul3A_393, %mul3A_395 : i32
      "tpu.region"() ({
        %run_scoped3A = tpu.sem_alloc : memref<!tpu.dma_semaphore, #tpu.memory_space<semaphore_mem>>
        %dma_start3A_397 = arith.constant 0 : i32
        %dma_start3A_398 = tpu.memref_slice %arg8[%add3A_396, %dma_start3A_397] : memref<10000x80xf32, #tpu.memory_space<vmem_shared>> -> memref<125x80xf32, #tpu.memory_space<vmem_shared>>
        %dma_start3A_399 = arith.constant 0 : i32
        %dma_start3A_400 = tpu.memref_slice %arg8[%add3A_396, %dma_start3A_399] : memref<10000x80xf32, #tpu.memory_space<vmem_shared>> -> memref<125x80xf32, #tpu.memory_space<vmem_shared>>
        tpu.enqueue_dma source(%arg7 : memref<125x80xf32, #tpu.memory_space<vmem>>) target(%dma_start3A_400 : memref<125x80xf32, #tpu.memory_space<vmem_shared>>) target_semaphore(%run_scoped3A : memref<!tpu.dma_semaphore, #tpu.memory_space<semaphore_mem>>)
        %dma_wait3A = arith.constant 0 : i32
        %dma_wait3A_401 = tpu.memref_slice %arg8[%add3A_396, %dma_wait3A] : memref<10000x80xf32, #tpu.memory_space<vmem_shared>> -> memref<125x80xf32, #tpu.memory_space<vmem_shared>>
        %dma_wait3A_402 = arith.constant 0 : i32
        %dma_wait3A_403 = tpu.memref_slice %arg8[%add3A_396, %dma_wait3A_402] : memref<10000x80xf32, #tpu.memory_space<vmem_shared>> -> memref<125x80xf32, #tpu.memory_space<vmem_shared>>
        tpu.wait_dma2 semaphore(%run_scoped3A : memref<!tpu.dma_semaphore, #tpu.memory_space<semaphore_mem>>) src(%arg7 : memref<125x80xf32, #tpu.memory_space<vmem>>) dst(%dma_wait3A_403 : memref<125x80xf32, #tpu.memory_space<vmem_shared>>)
        tpu.yield
      }) : () -> ()
    }
    %scan3A_208 = arith.constant 5 : i32
    %barrier3A_209 = arith.constant 0 : index
    tpu.barrier barrier_id(%barrier3A_209)
    %mul3A_210 = arith.constant 10240 : i32
    %mul3A_211 = arith.muli %arg1, %mul3A_210 : i32
    %add3A_212 = arith.constant 0 : i32
    %add3A_213 = arith.addi %mul3A_211, %add3A_212 : i32
    %dma_start3A_214 = arith.constant 0 : i32
    %dma_start3A_215 = arith.constant 0 : i32
    %dma_start3A_216 = arith.constant 0 : i32
    %dma_start3A_217 = arith.constant 0 : i32
    %dma_start3A_218 = tpu.memref_slice %arg6[%dma_start3A_214, %dma_start3A_216, %dma_start3A_217] : memref<4x128x80xf32, #tpu.memory_space<vmem>> -> memref<1x128x80xf32, #tpu.memory_space<vmem>>
    %dma_start3A_219 = tpu.memref_squeeze %dma_start3A_218 : memref<1x128x80xf32, #tpu.memory_space<vmem>> -> memref<128x80xf32, #tpu.memory_space<vmem>>
    %dma_start3A_220 = tpu.memref_slice %arg2[%add3A_213, %mul3A_202] : memref<163840x640xf32, #tpu.memory_space<hbm>> -> memref<128x80xf32, #tpu.memory_space<hbm>>
    %dma_start3A_221 = tpu.memref_slice %arg9[%dma_start3A_215] : memref<4x!tpu.dma_semaphore, #tpu.memory_space<semaphore_mem>> -> memref<1x!tpu.dma_semaphore, #tpu.memory_space<semaphore_mem>>
    %dma_start3A_222 = tpu.memref_squeeze %dma_start3A_221 : memref<1x!tpu.dma_semaphore, #tpu.memory_space<semaphore_mem>> -> memref<!tpu.dma_semaphore, #tpu.memory_space<semaphore_mem>>
    %dma_start3A_223 = arith.constant 0 : i32
    %dma_start3A_224 = arith.constant 0 : i32
    %dma_start3A_225 = tpu.memref_slice %arg6[%dma_start3A_214, %dma_start3A_223, %dma_start3A_224] : memref<4x128x80xf32, #tpu.memory_space<vmem>> -> memref<1x128x80xf32, #tpu.memory_space<vmem>>
    %dma_start3A_226 = tpu.memref_squeeze %dma_start3A_225 : memref<1x128x80xf32, #tpu.memory_space<vmem>> -> memref<128x80xf32, #tpu.memory_space<vmem>>
    %dma_start3A_227 = tpu.memref_slice %arg2[%add3A_213, %mul3A_202] : memref<163840x640xf32, #tpu.memory_space<hbm>> -> memref<128x80xf32, #tpu.memory_space<hbm>>
    tpu.enqueue_dma source(%dma_start3A_227 : memref<128x80xf32, #tpu.memory_space<hbm>>) target(%dma_start3A_226 : memref<128x80xf32, #tpu.memory_space<vmem>>) target_semaphore(%dma_start3A_222 : memref<!tpu.dma_semaphore, #tpu.memory_space<semaphore_mem>>)
    %mul3A_228 = arith.constant 10240 : i32
    %mul3A_229 = arith.muli %arg1, %mul3A_228 : i32
    %add3A_230 = arith.constant 128 : i32
    %add3A_231 = arith.addi %mul3A_229, %add3A_230 : i32
    %dma_start3A_232 = arith.constant 1 : i32
    %dma_start3A_233 = arith.constant 1 : i32
    %dma_start3A_234 = arith.constant 0 : i32
    %dma_start3A_235 = arith.constant 0 : i32
    %dma_start3A_236 = tpu.memref_slice %arg6[%dma_start3A_232, %dma_start3A_234, %dma_start3A_235] : memref<4x128x80xf32, #tpu.memory_space<vmem>> -> memref<1x128x80xf32, #tpu.memory_space<vmem>>
    %dma_start3A_237 = tpu.memref_squeeze %dma_start3A_236 : memref<1x128x80xf32, #tpu.memory_space<vmem>> -> memref<128x80xf32, #tpu.memory_space<vmem>>
    %dma_start3A_238 = tpu.memref_slice %arg2[%add3A_231, %mul3A_202] : memref<163840x640xf32, #tpu.memory_space<hbm>> -> memref<128x80xf32, #tpu.memory_space<hbm>>
    %dma_start3A_239 = tpu.memref_slice %arg9[%dma_start3A_233] : memref<4x!tpu.dma_semaphore, #tpu.memory_space<semaphore_mem>> -> memref<1x!tpu.dma_semaphore, #tpu.memory_space<semaphore_mem>>
    %dma_start3A_240 = tpu.memref_squeeze %dma_start3A_239 : memref<1x!tpu.dma_semaphore, #tpu.memory_space<semaphore_mem>> -> memref<!tpu.dma_semaphore, #tpu.memory_space<semaphore_mem>>
    %dma_start3A_241 = arith.constant 0 : i32
    %dma_start3A_242 = arith.constant 0 : i32
    %dma_start3A_243 = tpu.memref_slice %arg6[%dma_start3A_232, %dma_start3A_241, %dma_start3A_242] : memref<4x128x80xf32, #tpu.memory_space<vmem>> -> memref<1x128x80xf32, #tpu.memory_space<vmem>>
    %dma_start3A_244 = tpu.memref_squeeze %dma_start3A_243 : memref<1x128x80xf32, #tpu.memory_space<vmem>> -> memref<128x80xf32, #tpu.memory_space<vmem>>
    %dma_start3A_245 = tpu.memref_slice %arg2[%add3A_231, %mul3A_202] : memref<163840x640xf32, #tpu.memory_space<hbm>> -> memref<128x80xf32, #tpu.memory_space<hbm>>
    tpu.enqueue_dma source(%dma_start3A_245 : memref<128x80xf32, #tpu.memory_space<hbm>>) target(%dma_start3A_244 : memref<128x80xf32, #tpu.memory_space<vmem>>) target_semaphore(%dma_start3A_240 : memref<!tpu.dma_semaphore, #tpu.memory_space<semaphore_mem>>)
    %mul3A_246 = arith.constant 10240 : i32
    %mul3A_247 = arith.muli %arg1, %mul3A_246 : i32
    %add3A_248 = arith.constant 256 : i32
    %add3A_249 = arith.addi %mul3A_247, %add3A_248 : i32
    %dma_start3A_250 = arith.constant 2 : i32
    %dma_start3A_251 = arith.constant 2 : i32
    %dma_start3A_252 = arith.constant 0 : i32
    %dma_start3A_253 = arith.constant 0 : i32
    %dma_start3A_254 = tpu.memref_slice %arg6[%dma_start3A_250, %dma_start3A_252, %dma_start3A_253] : memref<4x128x80xf32, #tpu.memory_space<vmem>> -> memref<1x128x80xf32, #tpu.memory_space<vmem>>
    %dma_start3A_255 = tpu.memref_squeeze %dma_start3A_254 : memref<1x128x80xf32, #tpu.memory_space<vmem>> -> memref<128x80xf32, #tpu.memory_space<vmem>>
    %dma_start3A_256 = tpu.memref_slice %arg2[%add3A_249, %mul3A_202] : memref<163840x640xf32, #tpu.memory_space<hbm>> -> memref<128x80xf32, #tpu.memory_space<hbm>>
    %dma_start3A_257 = tpu.memref_slice %arg9[%dma_start3A_251] : memref<4x!tpu.dma_semaphore, #tpu.memory_space<semaphore_mem>> -> memref<1x!tpu.dma_semaphore, #tpu.memory_space<semaphore_mem>>
    %dma_start3A_258 = tpu.memref_squeeze %dma_start3A_257 : memref<1x!tpu.dma_semaphore, #tpu.memory_space<semaphore_mem>> -> memref<!tpu.dma_semaphore, #tpu.memory_space<semaphore_mem>>
    %dma_start3A_259 = arith.constant 0 : i32
    %dma_start3A_260 = arith.constant 0 : i32
    %dma_start3A_261 = tpu.memref_slice %arg6[%dma_start3A_250, %dma_start3A_259, %dma_start3A_260] : memref<4x128x80xf32, #tpu.memory_space<vmem>> -> memref<1x128x80xf32, #tpu.memory_space<vmem>>
    %dma_start3A_262 = tpu.memref_squeeze %dma_start3A_261 : memref<1x128x80xf32, #tpu.memory_space<vmem>> -> memref<128x80xf32, #tpu.memory_space<vmem>>
    %dma_start3A_263 = tpu.memref_slice %arg2[%add3A_249, %mul3A_202] : memref<163840x640xf32, #tpu.memory_space<hbm>> -> memref<128x80xf32, #tpu.memory_space<hbm>>
    tpu.enqueue_dma source(%dma_start3A_263 : memref<128x80xf32, #tpu.memory_space<hbm>>) target(%dma_start3A_262 : memref<128x80xf32, #tpu.memory_space<vmem>>) target_semaphore(%dma_start3A_258 : memref<!tpu.dma_semaphore, #tpu.memory_space<semaphore_mem>>)
    %mul3A_264 = arith.constant 10240 : i32
    %mul3A_265 = arith.muli %arg1, %mul3A_264 : i32
    %add3A_266 = arith.constant 384 : i32
    %add3A_267 = arith.addi %mul3A_265, %add3A_266 : i32
    %dma_start3A_268 = arith.constant 3 : i32
    %dma_start3A_269 = arith.constant 3 : i32
    %dma_start3A_270 = arith.constant 0 : i32
    %dma_start3A_271 = arith.constant 0 : i32
    %dma_start3A_272 = tpu.memref_slice %arg6[%dma_start3A_268, %dma_start3A_270, %dma_start3A_271] : memref<4x128x80xf32, #tpu.memory_space<vmem>> -> memref<1x128x80xf32, #tpu.memory_space<vmem>>
    %dma_start3A_273 = tpu.memref_squeeze %dma_start3A_272 : memref<1x128x80xf32, #tpu.memory_space<vmem>> -> memref<128x80xf32, #tpu.memory_space<vmem>>
    %dma_start3A_274 = tpu.memref_slice %arg2[%add3A_267, %mul3A_202] : memref<163840x640xf32, #tpu.memory_space<hbm>> -> memref<128x80xf32, #tpu.memory_space<hbm>>
    %dma_start3A_275 = tpu.memref_slice %arg9[%dma_start3A_269] : memref<4x!tpu.dma_semaphore, #tpu.memory_space<semaphore_mem>> -> memref<1x!tpu.dma_semaphore, #tpu.memory_space<semaphore_mem>>
    %dma_start3A_276 = tpu.memref_squeeze %dma_start3A_275 : memref<1x!tpu.dma_semaphore, #tpu.memory_space<semaphore_mem>> -> memref<!tpu.dma_semaphore, #tpu.memory_space<semaphore_mem>>
    %dma_start3A_277 = arith.constant 0 : i32
    %dma_start3A_278 = arith.constant 0 : i32
    %dma_start3A_279 = tpu.memref_slice %arg6[%dma_start3A_268, %dma_start3A_277, %dma_start3A_278] : memref<4x128x80xf32, #tpu.memory_space<vmem>> -> memref<1x128x80xf32, #tpu.memory_space<vmem>>
    %dma_start3A_280 = tpu.memref_squeeze %dma_start3A_279 : memref<1x128x80xf32, #tpu.memory_space<vmem>> -> memref<128x80xf32, #tpu.memory_space<vmem>>
    %dma_start3A_281 = tpu.memref_slice %arg2[%add3A_267, %mul3A_202] : memref<163840x640xf32, #tpu.memory_space<hbm>> -> memref<128x80xf32, #tpu.memory_space<hbm>>
    tpu.enqueue_dma source(%dma_start3A_281 : memref<128x80xf32, #tpu.memory_space<hbm>>) target(%dma_start3A_280 : memref<128x80xf32, #tpu.memory_space<vmem>>) target_semaphore(%dma_start3A_276 : memref<!tpu.dma_semaphore, #tpu.memory_space<semaphore_mem>>)
    %scan3A_282 = arith.constant 0 : i32
    %scan3A_283 = arith.constant 0 : i32
    %scan3A_284 = arith.constant 20 : i32
    %scan3A_285 = arith.addi %scan3A_283, %scan3A_284 : i32
    %scan3A_286 = arith.constant 1 : i32
    scf.for %scan3A_391 = %scan3A_283 to %scan3A_285 step %scan3A_286  : i32 {
      %mul3A_392 = arith.constant 4 : i32
      %mul3A_393 = arith.muli %mul3A_392, %scan3A_391 : i32
      %add3A_394 = arith.constant 0 : i32
      %add3A_395 = arith.addi %mul3A_393, %add3A_394 : i32
      %mul3A_396 = arith.constant 10240 : i32
      %mul3A_397 = arith.muli %arg1, %mul3A_396 : i32
      %mul3A_398 = arith.constant 128 : i32
      %mul3A_399 = arith.muli %add3A_395, %mul3A_398 : i32
      %add3A_400 = arith.addi %mul3A_397, %mul3A_399 : i32
      %dma_wait3A = arith.constant 0 : i32
      %dma_wait3A_401 = arith.constant 0 : i32
      %dma_wait3A_402 = arith.constant 0 : i32
      %dma_wait3A_403 = arith.constant 0 : i32
      %dma_wait3A_404 = tpu.memref_slice %arg6[%dma_wait3A, %dma_wait3A_402, %dma_wait3A_403] : memref<4x128x80xf32, #tpu.memory_space<vmem>> -> memref<1x128x80xf32, #tpu.memory_space<vmem>>
      %dma_wait3A_405 = tpu.memref_squeeze %dma_wait3A_404 : memref<1x128x80xf32, #tpu.memory_space<vmem>> -> memref<128x80xf32, #tpu.memory_space<vmem>>
      %dma_wait3A_406 = tpu.memref_slice %arg2[%add3A_400, %mul3A_202] : memref<163840x640xf32, #tpu.memory_space<hbm>> -> memref<128x80xf32, #tpu.memory_space<hbm>>
      %dma_wait3A_407 = tpu.memref_slice %arg9[%dma_wait3A_401] : memref<4x!tpu.dma_semaphore, #tpu.memory_space<semaphore_mem>> -> memref<1x!tpu.dma_semaphore, #tpu.memory_space<semaphore_mem>>
      %dma_wait3A_408 = tpu.memref_squeeze %dma_wait3A_407 : memref<1x!tpu.dma_semaphore, #tpu.memory_space<semaphore_mem>> -> memref<!tpu.dma_semaphore, #tpu.memory_space<semaphore_mem>>
      %dma_wait3A_409 = arith.constant 0 : i32
      %dma_wait3A_410 = arith.constant 0 : i32
      %dma_wait3A_411 = tpu.memref_slice %arg6[%dma_wait3A, %dma_wait3A_409, %dma_wait3A_410] : memref<4x128x80xf32, #tpu.memory_space<vmem>> -> memref<1x128x80xf32, #tpu.memory_space<vmem>>
      %dma_wait3A_412 = tpu.memref_squeeze %dma_wait3A_411 : memref<1x128x80xf32, #tpu.memory_space<vmem>> -> memref<128x80xf32, #tpu.memory_space<vmem>>
      %dma_wait3A_413 = tpu.memref_slice %arg2[%add3A_400, %mul3A_202] : memref<163840x640xf32, #tpu.memory_space<hbm>> -> memref<128x80xf32, #tpu.memory_space<hbm>>
      tpu.wait_dma2 semaphore(%dma_wait3A_408 : memref<!tpu.dma_semaphore, #tpu.memory_space<semaphore_mem>>) src(%dma_wait3A_413 : memref<128x80xf32, #tpu.memory_space<hbm>>) dst(%dma_wait3A_412 : memref<128x80xf32, #tpu.memory_space<vmem>>)
      %run_scoped3A = arith.constant 0 : i32
      "tpu.region"() ({
        %run_scoped3A_511 = tpu.sem_alloc : memref<!tpu.dma_semaphore, #tpu.memory_space<semaphore_mem>>
        %dma_start3A_512 = arith.constant 0 : i32
        %dma_start3A_513 = arith.constant 0 : i32
        %dma_start3A_514 = tpu.memref_slice %arg6[%run_scoped3A, %dma_start3A_512, %dma_start3A_513] : memref<4x128x80xf32, #tpu.memory_space<vmem>> -> memref<1x128x80xf32, #tpu.memory_space<vmem>>
        %dma_start3A_515 = tpu.memref_squeeze %dma_start3A_514 : memref<1x128x80xf32, #tpu.memory_space<vmem>> -> memref<128x80xf32, #tpu.memory_space<vmem>>
        %dma_start3A_516 = arith.constant 0 : i32
        %dma_start3A_517 = tpu.memref_slice %arg5[%add3A_395, %dma_start3A_516] : memref<80x128xi32, #tpu.memory_space<vmem>> -> memref<1x128xi32, #tpu.memory_space<vmem>>
        %dma_start3A_518 = tpu.memref_squeeze %dma_start3A_517 : memref<1x128xi32, #tpu.memory_space<vmem>> -> memref<128xi32, #tpu.memory_space<vmem>>
        %dma_start3A_519 = arith.constant 0 : i32
        %dma_start3A_520 = arith.constant 0 : i32
        %dma_start3A_521 = tpu.memref_slice %arg8[%dma_start3A_519, %dma_start3A_520] : memref<10000x80xf32, #tpu.memory_space<vmem_shared>> -> memref<10000x80xf32, #tpu.memory_space<vmem_shared>>
        tpu.enqueue_indirect_dma source(%dma_start3A_515 : memref<128x80xf32, #tpu.memory_space<vmem>>) target(%dma_start3A_521 : memref<10000x80xf32, #tpu.memory_space<vmem_shared>>) offsets(%dma_start3A_518 : memref<128xi32, #tpu.memory_space<vmem>>) semaphore(%run_scoped3A_511 : memref<!tpu.dma_semaphore, #tpu.memory_space<semaphore_mem>>) {add = true}
        %dma_wait3A_522 = arith.constant 0 : i32
        %dma_wait3A_523 = arith.constant 0 : i32
        %dma_wait3A_524 = tpu.memref_slice %arg6[%run_scoped3A, %dma_wait3A_522, %dma_wait3A_523] : memref<4x128x80xf32, #tpu.memory_space<vmem>> -> memref<1x128x80xf32, #tpu.memory_space<vmem>>
        %dma_wait3A_525 = tpu.memref_squeeze %dma_wait3A_524 : memref<1x128x80xf32, #tpu.memory_space<vmem>> -> memref<128x80xf32, #tpu.memory_space<vmem>>
        %dma_wait3A_526 = arith.constant 0 : i32
        %dma_wait3A_527 = tpu.memref_slice %arg5[%add3A_395, %dma_wait3A_526] : memref<80x128xi32, #tpu.memory_space<vmem>> -> memref<1x128xi32, #tpu.memory_space<vmem>>
        %dma_wait3A_528 = tpu.memref_squeeze %dma_wait3A_527 : memref<1x128xi32, #tpu.memory_space<vmem>> -> memref<128xi32, #tpu.memory_space<vmem>>
        %dma_wait3A_529 = arith.constant 0 : i32
        %dma_wait3A_530 = arith.constant 0 : i32
        %dma_wait3A_531 = tpu.memref_slice %arg8[%dma_wait3A_529, %dma_wait3A_530] : memref<10000x80xf32, #tpu.memory_space<vmem_shared>> -> memref<10000x80xf32, #tpu.memory_space<vmem_shared>>
        tpu.wait_indirect_dma semaphore(%run_scoped3A_511 : memref<!tpu.dma_semaphore, #tpu.memory_space<semaphore_mem>>) src(%dma_wait3A_525 : memref<128x80xf32, #tpu.memory_space<vmem>>) dst(%dma_wait3A_531 : memref<10000x80xf32, #tpu.memory_space<vmem_shared>>)
        tpu.yield
      }) : () -> ()
      %add3A_414 = arith.constant 4 : i32
      %add3A_415 = arith.addi %add3A_395, %add3A_414 : i32
      %lt3A = arith.constant 80 : i32
      %lt3A_416 = arith.cmpi slt, %add3A_415, %lt3A : i32
      %convert_element_type3A = arith.extui %lt3A_416 : i1 to i32
      %cond3A = arith.constant 0 : i32
      %cond3A_417 = arith.cmpi ne, %convert_element_type3A, %cond3A : i32
      scf.if %cond3A_417 {
        %add3A_511 = arith.constant 4 : i32
        %add3A_512 = arith.addi %add3A_395, %add3A_511 : i32
        %mul3A_513 = arith.constant 10240 : i32
        %mul3A_514 = arith.muli %arg1, %mul3A_513 : i32
        %mul3A_515 = arith.constant 128 : i32
        %mul3A_516 = arith.muli %add3A_512, %mul3A_515 : i32
        %add3A_517 = arith.addi %mul3A_514, %mul3A_516 : i32
        %dma_start3A_518 = arith.constant 0 : i32
        %dma_start3A_519 = arith.constant 0 : i32
        %dma_start3A_520 = arith.constant 0 : i32
        %dma_start3A_521 = arith.constant 0 : i32
        %dma_start3A_522 = tpu.memref_slice %arg6[%dma_start3A_518, %dma_start3A_520, %dma_start3A_521] : memref<4x128x80xf32, #tpu.memory_space<vmem>> -> memref<1x128x80xf32, #tpu.memory_space<vmem>>
        %dma_start3A_523 = tpu.memref_squeeze %dma_start3A_522 : memref<1x128x80xf32, #tpu.memory_space<vmem>> -> memref<128x80xf32, #tpu.memory_space<vmem>>
        %dma_start3A_524 = tpu.memref_slice %arg2[%add3A_517, %mul3A_202] : memref<163840x640xf32, #tpu.memory_space<hbm>> -> memref<128x80xf32, #tpu.memory_space<hbm>>
        %dma_start3A_525 = tpu.memref_slice %arg9[%dma_start3A_519] : memref<4x!tpu.dma_semaphore, #tpu.memory_space<semaphore_mem>> -> memref<1x!tpu.dma_semaphore, #tpu.memory_space<semaphore_mem>>
        %dma_start3A_526 = tpu.memref_squeeze %dma_start3A_525 : memref<1x!tpu.dma_semaphore, #tpu.memory_space<semaphore_mem>> -> memref<!tpu.dma_semaphore, #tpu.memory_space<semaphore_mem>>
        %dma_start3A_527 = arith.constant 0 : i32
        %dma_start3A_528 = arith.constant 0 : i32
        %dma_start3A_529 = tpu.memref_slice %arg6[%dma_start3A_518, %dma_start3A_527, %dma_start3A_528] : memref<4x128x80xf32, #tpu.memory_space<vmem>> -> memref<1x128x80xf32, #tpu.memory_space<vmem>>
        %dma_start3A_530 = tpu.memref_squeeze %dma_start3A_529 : memref<1x128x80xf32, #tpu.memory_space<vmem>> -> memref<128x80xf32, #tpu.memory_space<vmem>>
        %dma_start3A_531 = tpu.memref_slice %arg2[%add3A_517, %mul3A_202] : memref<163840x640xf32, #tpu.memory_space<hbm>> -> memref<128x80xf32, #tpu.memory_space<hbm>>
        tpu.enqueue_dma source(%dma_start3A_531 : memref<128x80xf32, #tpu.memory_space<hbm>>) target(%dma_start3A_530 : memref<128x80xf32, #tpu.memory_space<vmem>>) target_semaphore(%dma_start3A_526 : memref<!tpu.dma_semaphore, #tpu.memory_space<semaphore_mem>>)
      } else {
      }
      %mul3A_418 = arith.constant 4 : i32
      %mul3A_419 = arith.muli %mul3A_418, %scan3A_391 : i32
      %add3A_420 = arith.constant 1 : i32
      %add3A_421 = arith.addi %mul3A_419, %add3A_420 : i32
      %mul3A_422 = arith.constant 10240 : i32
      %mul3A_423 = arith.muli %arg1, %mul3A_422 : i32
      %mul3A_424 = arith.constant 128 : i32
      %mul3A_425 = arith.muli %add3A_421, %mul3A_424 : i32
      %add3A_426 = arith.addi %mul3A_423, %mul3A_425 : i32
      %dma_wait3A_427 = arith.constant 1 : i32
      %dma_wait3A_428 = arith.constant 1 : i32
      %dma_wait3A_429 = arith.constant 0 : i32
      %dma_wait3A_430 = arith.constant 0 : i32
      %dma_wait3A_431 = tpu.memref_slice %arg6[%dma_wait3A_427, %dma_wait3A_429, %dma_wait3A_430] : memref<4x128x80xf32, #tpu.memory_space<vmem>> -> memref<1x128x80xf32, #tpu.memory_space<vmem>>
      %dma_wait3A_432 = tpu.memref_squeeze %dma_wait3A_431 : memref<1x128x80xf32, #tpu.memory_space<vmem>> -> memref<128x80xf32, #tpu.memory_space<vmem>>
      %dma_wait3A_433 = tpu.memref_slice %arg2[%add3A_426, %mul3A_202] : memref<163840x640xf32, #tpu.memory_space<hbm>> -> memref<128x80xf32, #tpu.memory_space<hbm>>
      %dma_wait3A_434 = tpu.memref_slice %arg9[%dma_wait3A_428] : memref<4x!tpu.dma_semaphore, #tpu.memory_space<semaphore_mem>> -> memref<1x!tpu.dma_semaphore, #tpu.memory_space<semaphore_mem>>
      %dma_wait3A_435 = tpu.memref_squeeze %dma_wait3A_434 : memref<1x!tpu.dma_semaphore, #tpu.memory_space<semaphore_mem>> -> memref<!tpu.dma_semaphore, #tpu.memory_space<semaphore_mem>>
      %dma_wait3A_436 = arith.constant 0 : i32
      %dma_wait3A_437 = arith.constant 0 : i32
      %dma_wait3A_438 = tpu.memref_slice %arg6[%dma_wait3A_427, %dma_wait3A_436, %dma_wait3A_437] : memref<4x128x80xf32, #tpu.memory_space<vmem>> -> memref<1x128x80xf32, #tpu.memory_space<vmem>>
      %dma_wait3A_439 = tpu.memref_squeeze %dma_wait3A_438 : memref<1x128x80xf32, #tpu.memory_space<vmem>> -> memref<128x80xf32, #tpu.memory_space<vmem>>
      %dma_wait3A_440 = tpu.memref_slice %arg2[%add3A_426, %mul3A_202] : memref<163840x640xf32, #tpu.memory_space<hbm>> -> memref<128x80xf32, #tpu.memory_space<hbm>>
      tpu.wait_dma2 semaphore(%dma_wait3A_435 : memref<!tpu.dma_semaphore, #tpu.memory_space<semaphore_mem>>) src(%dma_wait3A_440 : memref<128x80xf32, #tpu.memory_space<hbm>>) dst(%dma_wait3A_439 : memref<128x80xf32, #tpu.memory_space<vmem>>)
      %run_scoped3A_441 = arith.constant 1 : i32
      "tpu.region"() ({
        %run_scoped3A_511 = tpu.sem_alloc : memref<!tpu.dma_semaphore, #tpu.memory_space<semaphore_mem>>
        %dma_start3A_512 = arith.constant 0 : i32
        %dma_start3A_513 = arith.constant 0 : i32
        %dma_start3A_514 = tpu.memref_slice %arg6[%run_scoped3A_441, %dma_start3A_512, %dma_start3A_513] : memref<4x128x80xf32, #tpu.memory_space<vmem>> -> memref<1x128x80xf32, #tpu.memory_space<vmem>>
        %dma_start3A_515 = tpu.memref_squeeze %dma_start3A_514 : memref<1x128x80xf32, #tpu.memory_space<vmem>> -> memref<128x80xf32, #tpu.memory_space<vmem>>
        %dma_start3A_516 = arith.constant 0 : i32
        %dma_start3A_517 = tpu.memref_slice %arg5[%add3A_421, %dma_start3A_516] : memref<80x128xi32, #tpu.memory_space<vmem>> -> memref<1x128xi32, #tpu.memory_space<vmem>>
        %dma_start3A_518 = tpu.memref_squeeze %dma_start3A_517 : memref<1x128xi32, #tpu.memory_space<vmem>> -> memref<128xi32, #tpu.memory_space<vmem>>
        %dma_start3A_519 = arith.constant 0 : i32
        %dma_start3A_520 = arith.constant 0 : i32
        %dma_start3A_521 = tpu.memref_slice %arg8[%dma_start3A_519, %dma_start3A_520] : memref<10000x80xf32, #tpu.memory_space<vmem_shared>> -> memref<10000x80xf32, #tpu.memory_space<vmem_shared>>
        tpu.enqueue_indirect_dma source(%dma_start3A_515 : memref<128x80xf32, #tpu.memory_space<vmem>>) target(%dma_start3A_521 : memref<10000x80xf32, #tpu.memory_space<vmem_shared>>) offsets(%dma_start3A_518 : memref<128xi32, #tpu.memory_space<vmem>>) semaphore(%run_scoped3A_511 : memref<!tpu.dma_semaphore, #tpu.memory_space<semaphore_mem>>) {add = true}
        %dma_wait3A_522 = arith.constant 0 : i32
        %dma_wait3A_523 = arith.constant 0 : i32
        %dma_wait3A_524 = tpu.memref_slice %arg6[%run_scoped3A_441, %dma_wait3A_522, %dma_wait3A_523] : memref<4x128x80xf32, #tpu.memory_space<vmem>> -> memref<1x128x80xf32, #tpu.memory_space<vmem>>
        %dma_wait3A_525 = tpu.memref_squeeze %dma_wait3A_524 : memref<1x128x80xf32, #tpu.memory_space<vmem>> -> memref<128x80xf32, #tpu.memory_space<vmem>>
        %dma_wait3A_526 = arith.constant 0 : i32
        %dma_wait3A_527 = tpu.memref_slice %arg5[%add3A_421, %dma_wait3A_526] : memref<80x128xi32, #tpu.memory_space<vmem>> -> memref<1x128xi32, #tpu.memory_space<vmem>>
        %dma_wait3A_528 = tpu.memref_squeeze %dma_wait3A_527 : memref<1x128xi32, #tpu.memory_space<vmem>> -> memref<128xi32, #tpu.memory_space<vmem>>
        %dma_wait3A_529 = arith.constant 0 : i32
        %dma_wait3A_530 = arith.constant 0 : i32
        %dma_wait3A_531 = tpu.memref_slice %arg8[%dma_wait3A_529, %dma_wait3A_530] : memref<10000x80xf32, #tpu.memory_space<vmem_shared>> -> memref<10000x80xf32, #tpu.memory_space<vmem_shared>>
        tpu.wait_indirect_dma semaphore(%run_scoped3A_511 : memref<!tpu.dma_semaphore, #tpu.memory_space<semaphore_mem>>) src(%dma_wait3A_525 : memref<128x80xf32, #tpu.memory_space<vmem>>) dst(%dma_wait3A_531 : memref<10000x80xf32, #tpu.memory_space<vmem_shared>>)
        tpu.yield
      }) : () -> ()
      %add3A_442 = arith.constant 4 : i32
      %add3A_443 = arith.addi %add3A_421, %add3A_442 : i32
      %lt3A_444 = arith.constant 80 : i32
      %lt3A_445 = arith.cmpi slt, %add3A_443, %lt3A_444 : i32
      %convert_element_type3A_446 = arith.extui %lt3A_445 : i1 to i32
      %cond3A_447 = arith.constant 0 : i32
      %cond3A_448 = arith.cmpi ne, %convert_element_type3A_446, %cond3A_447 : i32
      scf.if %cond3A_448 {
        %add3A_511 = arith.constant 4 : i32
        %add3A_512 = arith.addi %add3A_421, %add3A_511 : i32
        %mul3A_513 = arith.constant 10240 : i32
        %mul3A_514 = arith.muli %arg1, %mul3A_513 : i32
        %mul3A_515 = arith.constant 128 : i32
        %mul3A_516 = arith.muli %add3A_512, %mul3A_515 : i32
        %add3A_517 = arith.addi %mul3A_514, %mul3A_516 : i32
        %dma_start3A_518 = arith.constant 1 : i32
        %dma_start3A_519 = arith.constant 1 : i32
        %dma_start3A_520 = arith.constant 0 : i32
        %dma_start3A_521 = arith.constant 0 : i32
        %dma_start3A_522 = tpu.memref_slice %arg6[%dma_start3A_518, %dma_start3A_520, %dma_start3A_521] : memref<4x128x80xf32, #tpu.memory_space<vmem>> -> memref<1x128x80xf32, #tpu.memory_space<vmem>>
        %dma_start3A_523 = tpu.memref_squeeze %dma_start3A_522 : memref<1x128x80xf32, #tpu.memory_space<vmem>> -> memref<128x80xf32, #tpu.memory_space<vmem>>
        %dma_start3A_524 = tpu.memref_slice %arg2[%add3A_517, %mul3A_202] : memref<163840x640xf32, #tpu.memory_space<hbm>> -> memref<128x80xf32, #tpu.memory_space<hbm>>
        %dma_start3A_525 = tpu.memref_slice %arg9[%dma_start3A_519] : memref<4x!tpu.dma_semaphore, #tpu.memory_space<semaphore_mem>> -> memref<1x!tpu.dma_semaphore, #tpu.memory_space<semaphore_mem>>
        %dma_start3A_526 = tpu.memref_squeeze %dma_start3A_525 : memref<1x!tpu.dma_semaphore, #tpu.memory_space<semaphore_mem>> -> memref<!tpu.dma_semaphore, #tpu.memory_space<semaphore_mem>>
        %dma_start3A_527 = arith.constant 0 : i32
        %dma_start3A_528 = arith.constant 0 : i32
        %dma_start3A_529 = tpu.memref_slice %arg6[%dma_start3A_518, %dma_start3A_527, %dma_start3A_528] : memref<4x128x80xf32, #tpu.memory_space<vmem>> -> memref<1x128x80xf32, #tpu.memory_space<vmem>>
        %dma_start3A_530 = tpu.memref_squeeze %dma_start3A_529 : memref<1x128x80xf32, #tpu.memory_space<vmem>> -> memref<128x80xf32, #tpu.memory_space<vmem>>
        %dma_start3A_531 = tpu.memref_slice %arg2[%add3A_517, %mul3A_202] : memref<163840x640xf32, #tpu.memory_space<hbm>> -> memref<128x80xf32, #tpu.memory_space<hbm>>
        tpu.enqueue_dma source(%dma_start3A_531 : memref<128x80xf32, #tpu.memory_space<hbm>>) target(%dma_start3A_530 : memref<128x80xf32, #tpu.memory_space<vmem>>) target_semaphore(%dma_start3A_526 : memref<!tpu.dma_semaphore, #tpu.memory_space<semaphore_mem>>)
      } else {
      }
      %mul3A_449 = arith.constant 4 : i32
      %mul3A_450 = arith.muli %mul3A_449, %scan3A_391 : i32
      %add3A_451 = arith.constant 2 : i32
      %add3A_452 = arith.addi %mul3A_450, %add3A_451 : i32
      %mul3A_453 = arith.constant 10240 : i32
      %mul3A_454 = arith.muli %arg1, %mul3A_453 : i32
      %mul3A_455 = arith.constant 128 : i32
      %mul3A_456 = arith.muli %add3A_452, %mul3A_455 : i32
      %add3A_457 = arith.addi %mul3A_454, %mul3A_456 : i32
      %dma_wait3A_458 = arith.constant 2 : i32
      %dma_wait3A_459 = arith.constant 2 : i32
      %dma_wait3A_460 = arith.constant 0 : i32
      %dma_wait3A_461 = arith.constant 0 : i32
      %dma_wait3A_462 = tpu.memref_slice %arg6[%dma_wait3A_458, %dma_wait3A_460, %dma_wait3A_461] : memref<4x128x80xf32, #tpu.memory_space<vmem>> -> memref<1x128x80xf32, #tpu.memory_space<vmem>>
      %dma_wait3A_463 = tpu.memref_squeeze %dma_wait3A_462 : memref<1x128x80xf32, #tpu.memory_space<vmem>> -> memref<128x80xf32, #tpu.memory_space<vmem>>
      %dma_wait3A_464 = tpu.memref_slice %arg2[%add3A_457, %mul3A_202] : memref<163840x640xf32, #tpu.memory_space<hbm>> -> memref<128x80xf32, #tpu.memory_space<hbm>>
      %dma_wait3A_465 = tpu.memref_slice %arg9[%dma_wait3A_459] : memref<4x!tpu.dma_semaphore, #tpu.memory_space<semaphore_mem>> -> memref<1x!tpu.dma_semaphore, #tpu.memory_space<semaphore_mem>>
      %dma_wait3A_466 = tpu.memref_squeeze %dma_wait3A_465 : memref<1x!tpu.dma_semaphore, #tpu.memory_space<semaphore_mem>> -> memref<!tpu.dma_semaphore, #tpu.memory_space<semaphore_mem>>
      %dma_wait3A_467 = arith.constant 0 : i32
      %dma_wait3A_468 = arith.constant 0 : i32
      %dma_wait3A_469 = tpu.memref_slice %arg6[%dma_wait3A_458, %dma_wait3A_467, %dma_wait3A_468] : memref<4x128x80xf32, #tpu.memory_space<vmem>> -> memref<1x128x80xf32, #tpu.memory_space<vmem>>
      %dma_wait3A_470 = tpu.memref_squeeze %dma_wait3A_469 : memref<1x128x80xf32, #tpu.memory_space<vmem>> -> memref<128x80xf32, #tpu.memory_space<vmem>>
      %dma_wait3A_471 = tpu.memref_slice %arg2[%add3A_457, %mul3A_202] : memref<163840x640xf32, #tpu.memory_space<hbm>> -> memref<128x80xf32, #tpu.memory_space<hbm>>
      tpu.wait_dma2 semaphore(%dma_wait3A_466 : memref<!tpu.dma_semaphore, #tpu.memory_space<semaphore_mem>>) src(%dma_wait3A_471 : memref<128x80xf32, #tpu.memory_space<hbm>>) dst(%dma_wait3A_470 : memref<128x80xf32, #tpu.memory_space<vmem>>)
      %run_scoped3A_472 = arith.constant 2 : i32
      "tpu.region"() ({
        %run_scoped3A_511 = tpu.sem_alloc : memref<!tpu.dma_semaphore, #tpu.memory_space<semaphore_mem>>
        %dma_start3A_512 = arith.constant 0 : i32
        %dma_start3A_513 = arith.constant 0 : i32
        %dma_start3A_514 = tpu.memref_slice %arg6[%run_scoped3A_472, %dma_start3A_512, %dma_start3A_513] : memref<4x128x80xf32, #tpu.memory_space<vmem>> -> memref<1x128x80xf32, #tpu.memory_space<vmem>>
        %dma_start3A_515 = tpu.memref_squeeze %dma_start3A_514 : memref<1x128x80xf32, #tpu.memory_space<vmem>> -> memref<128x80xf32, #tpu.memory_space<vmem>>
        %dma_start3A_516 = arith.constant 0 : i32
        %dma_start3A_517 = tpu.memref_slice %arg5[%add3A_452, %dma_start3A_516] : memref<80x128xi32, #tpu.memory_space<vmem>> -> memref<1x128xi32, #tpu.memory_space<vmem>>
        %dma_start3A_518 = tpu.memref_squeeze %dma_start3A_517 : memref<1x128xi32, #tpu.memory_space<vmem>> -> memref<128xi32, #tpu.memory_space<vmem>>
        %dma_start3A_519 = arith.constant 0 : i32
        %dma_start3A_520 = arith.constant 0 : i32
        %dma_start3A_521 = tpu.memref_slice %arg8[%dma_start3A_519, %dma_start3A_520] : memref<10000x80xf32, #tpu.memory_space<vmem_shared>> -> memref<10000x80xf32, #tpu.memory_space<vmem_shared>>
        tpu.enqueue_indirect_dma source(%dma_start3A_515 : memref<128x80xf32, #tpu.memory_space<vmem>>) target(%dma_start3A_521 : memref<10000x80xf32, #tpu.memory_space<vmem_shared>>) offsets(%dma_start3A_518 : memref<128xi32, #tpu.memory_space<vmem>>) semaphore(%run_scoped3A_511 : memref<!tpu.dma_semaphore, #tpu.memory_space<semaphore_mem>>) {add = true}
        %dma_wait3A_522 = arith.constant 0 : i32
        %dma_wait3A_523 = arith.constant 0 : i32
        %dma_wait3A_524 = tpu.memref_slice %arg6[%run_scoped3A_472, %dma_wait3A_522, %dma_wait3A_523] : memref<4x128x80xf32, #tpu.memory_space<vmem>> -> memref<1x128x80xf32, #tpu.memory_space<vmem>>
        %dma_wait3A_525 = tpu.memref_squeeze %dma_wait3A_524 : memref<1x128x80xf32, #tpu.memory_space<vmem>> -> memref<128x80xf32, #tpu.memory_space<vmem>>
        %dma_wait3A_526 = arith.constant 0 : i32
        %dma_wait3A_527 = tpu.memref_slice %arg5[%add3A_452, %dma_wait3A_526] : memref<80x128xi32, #tpu.memory_space<vmem>> -> memref<1x128xi32, #tpu.memory_space<vmem>>
        %dma_wait3A_528 = tpu.memref_squeeze %dma_wait3A_527 : memref<1x128xi32, #tpu.memory_space<vmem>> -> memref<128xi32, #tpu.memory_space<vmem>>
        %dma_wait3A_529 = arith.constant 0 : i32
        %dma_wait3A_530 = arith.constant 0 : i32
        %dma_wait3A_531 = tpu.memref_slice %arg8[%dma_wait3A_529, %dma_wait3A_530] : memref<10000x80xf32, #tpu.memory_space<vmem_shared>> -> memref<10000x80xf32, #tpu.memory_space<vmem_shared>>
        tpu.wait_indirect_dma semaphore(%run_scoped3A_511 : memref<!tpu.dma_semaphore, #tpu.memory_space<semaphore_mem>>) src(%dma_wait3A_525 : memref<128x80xf32, #tpu.memory_space<vmem>>) dst(%dma_wait3A_531 : memref<10000x80xf32, #tpu.memory_space<vmem_shared>>)
        tpu.yield
      }) : () -> ()
      %add3A_473 = arith.constant 4 : i32
      %add3A_474 = arith.addi %add3A_452, %add3A_473 : i32
      %lt3A_475 = arith.constant 80 : i32
      %lt3A_476 = arith.cmpi slt, %add3A_474, %lt3A_475 : i32
      %convert_element_type3A_477 = arith.extui %lt3A_476 : i1 to i32
      %cond3A_478 = arith.constant 0 : i32
      %cond3A_479 = arith.cmpi ne, %convert_element_type3A_477, %cond3A_478 : i32
      scf.if %cond3A_479 {
        %add3A_511 = arith.constant 4 : i32
        %add3A_512 = arith.addi %add3A_452, %add3A_511 : i32
        %mul3A_513 = arith.constant 10240 : i32
        %mul3A_514 = arith.muli %arg1, %mul3A_513 : i32
        %mul3A_515 = arith.constant 128 : i32
        %mul3A_516 = arith.muli %add3A_512, %mul3A_515 : i32
        %add3A_517 = arith.addi %mul3A_514, %mul3A_516 : i32
        %dma_start3A_518 = arith.constant 2 : i32
        %dma_start3A_519 = arith.constant 2 : i32
        %dma_start3A_520 = arith.constant 0 : i32
        %dma_start3A_521 = arith.constant 0 : i32
        %dma_start3A_522 = tpu.memref_slice %arg6[%dma_start3A_518, %dma_start3A_520, %dma_start3A_521] : memref<4x128x80xf32, #tpu.memory_space<vmem>> -> memref<1x128x80xf32, #tpu.memory_space<vmem>>
        %dma_start3A_523 = tpu.memref_squeeze %dma_start3A_522 : memref<1x128x80xf32, #tpu.memory_space<vmem>> -> memref<128x80xf32, #tpu.memory_space<vmem>>
        %dma_start3A_524 = tpu.memref_slice %arg2[%add3A_517, %mul3A_202] : memref<163840x640xf32, #tpu.memory_space<hbm>> -> memref<128x80xf32, #tpu.memory_space<hbm>>
        %dma_start3A_525 = tpu.memref_slice %arg9[%dma_start3A_519] : memref<4x!tpu.dma_semaphore, #tpu.memory_space<semaphore_mem>> -> memref<1x!tpu.dma_semaphore, #tpu.memory_space<semaphore_mem>>
        %dma_start3A_526 = tpu.memref_squeeze %dma_start3A_525 : memref<1x!tpu.dma_semaphore, #tpu.memory_space<semaphore_mem>> -> memref<!tpu.dma_semaphore, #tpu.memory_space<semaphore_mem>>
        %dma_start3A_527 = arith.constant 0 : i32
        %dma_start3A_528 = arith.constant 0 : i32
        %dma_start3A_529 = tpu.memref_slice %arg6[%dma_start3A_518, %dma_start3A_527, %dma_start3A_528] : memref<4x128x80xf32, #tpu.memory_space<vmem>> -> memref<1x128x80xf32, #tpu.memory_space<vmem>>
        %dma_start3A_530 = tpu.memref_squeeze %dma_start3A_529 : memref<1x128x80xf32, #tpu.memory_space<vmem>> -> memref<128x80xf32, #tpu.memory_space<vmem>>
        %dma_start3A_531 = tpu.memref_slice %arg2[%add3A_517, %mul3A_202] : memref<163840x640xf32, #tpu.memory_space<hbm>> -> memref<128x80xf32, #tpu.memory_space<hbm>>
        tpu.enqueue_dma source(%dma_start3A_531 : memref<128x80xf32, #tpu.memory_space<hbm>>) target(%dma_start3A_530 : memref<128x80xf32, #tpu.memory_space<vmem>>) target_semaphore(%dma_start3A_526 : memref<!tpu.dma_semaphore, #tpu.memory_space<semaphore_mem>>)
      } else {
      }
      %mul3A_480 = arith.constant 4 : i32
      %mul3A_481 = arith.muli %mul3A_480, %scan3A_391 : i32
      %add3A_482 = arith.constant 3 : i32
      %add3A_483 = arith.addi %mul3A_481, %add3A_482 : i32
      %mul3A_484 = arith.constant 10240 : i32
      %mul3A_485 = arith.muli %arg1, %mul3A_484 : i32
      %mul3A_486 = arith.constant 128 : i32
      %mul3A_487 = arith.muli %add3A_483, %mul3A_486 : i32
      %add3A_488 = arith.addi %mul3A_485, %mul3A_487 : i32
      %dma_wait3A_489 = arith.constant 3 : i32
      %dma_wait3A_490 = arith.constant 3 : i32
      %dma_wait3A_491 = arith.constant 0 : i32
      %dma_wait3A_492 = arith.constant 0 : i32
      %dma_wait3A_493 = tpu.memref_slice %arg6[%dma_wait3A_489, %dma_wait3A_491, %dma_wait3A_492] : memref<4x128x80xf32, #tpu.memory_space<vmem>> -> memref<1x128x80xf32, #tpu.memory_space<vmem>>
      %dma_wait3A_494 = tpu.memref_squeeze %dma_wait3A_493 : memref<1x128x80xf32, #tpu.memory_space<vmem>> -> memref<128x80xf32, #tpu.memory_space<vmem>>
      %dma_wait3A_495 = tpu.memref_slice %arg2[%add3A_488, %mul3A_202] : memref<163840x640xf32, #tpu.memory_space<hbm>> -> memref<128x80xf32, #tpu.memory_space<hbm>>
      %dma_wait3A_496 = tpu.memref_slice %arg9[%dma_wait3A_490] : memref<4x!tpu.dma_semaphore, #tpu.memory_space<semaphore_mem>> -> memref<1x!tpu.dma_semaphore, #tpu.memory_space<semaphore_mem>>
      %dma_wait3A_497 = tpu.memref_squeeze %dma_wait3A_496 : memref<1x!tpu.dma_semaphore, #tpu.memory_space<semaphore_mem>> -> memref<!tpu.dma_semaphore, #tpu.memory_space<semaphore_mem>>
      %dma_wait3A_498 = arith.constant 0 : i32
      %dma_wait3A_499 = arith.constant 0 : i32
      %dma_wait3A_500 = tpu.memref_slice %arg6[%dma_wait3A_489, %dma_wait3A_498, %dma_wait3A_499] : memref<4x128x80xf32, #tpu.memory_space<vmem>> -> memref<1x128x80xf32, #tpu.memory_space<vmem>>
      %dma_wait3A_501 = tpu.memref_squeeze %dma_wait3A_500 : memref<1x128x80xf32, #tpu.memory_space<vmem>> -> memref<128x80xf32, #tpu.memory_space<vmem>>
      %dma_wait3A_502 = tpu.memref_slice %arg2[%add3A_488, %mul3A_202] : memref<163840x640xf32, #tpu.memory_space<hbm>> -> memref<128x80xf32, #tpu.memory_space<hbm>>
      tpu.wait_dma2 semaphore(%dma_wait3A_497 : memref<!tpu.dma_semaphore, #tpu.memory_space<semaphore_mem>>) src(%dma_wait3A_502 : memref<128x80xf32, #tpu.memory_space<hbm>>) dst(%dma_wait3A_501 : memref<128x80xf32, #tpu.memory_space<vmem>>)
      %run_scoped3A_503 = arith.constant 3 : i32
      "tpu.region"() ({
        %run_scoped3A_511 = tpu.sem_alloc : memref<!tpu.dma_semaphore, #tpu.memory_space<semaphore_mem>>
        %dma_start3A_512 = arith.constant 0 : i32
        %dma_start3A_513 = arith.constant 0 : i32
        %dma_start3A_514 = tpu.memref_slice %arg6[%run_scoped3A_503, %dma_start3A_512, %dma_start3A_513] : memref<4x128x80xf32, #tpu.memory_space<vmem>> -> memref<1x128x80xf32, #tpu.memory_space<vmem>>
        %dma_start3A_515 = tpu.memref_squeeze %dma_start3A_514 : memref<1x128x80xf32, #tpu.memory_space<vmem>> -> memref<128x80xf32, #tpu.memory_space<vmem>>
        %dma_start3A_516 = arith.constant 0 : i32
        %dma_start3A_517 = tpu.memref_slice %arg5[%add3A_483, %dma_start3A_516] : memref<80x128xi32, #tpu.memory_space<vmem>> -> memref<1x128xi32, #tpu.memory_space<vmem>>
        %dma_start3A_518 = tpu.memref_squeeze %dma_start3A_517 : memref<1x128xi32, #tpu.memory_space<vmem>> -> memref<128xi32, #tpu.memory_space<vmem>>
        %dma_start3A_519 = arith.constant 0 : i32
        %dma_start3A_520 = arith.constant 0 : i32
        %dma_start3A_521 = tpu.memref_slice %arg8[%dma_start3A_519, %dma_start3A_520] : memref<10000x80xf32, #tpu.memory_space<vmem_shared>> -> memref<10000x80xf32, #tpu.memory_space<vmem_shared>>
        tpu.enqueue_indirect_dma source(%dma_start3A_515 : memref<128x80xf32, #tpu.memory_space<vmem>>) target(%dma_start3A_521 : memref<10000x80xf32, #tpu.memory_space<vmem_shared>>) offsets(%dma_start3A_518 : memref<128xi32, #tpu.memory_space<vmem>>) semaphore(%run_scoped3A_511 : memref<!tpu.dma_semaphore, #tpu.memory_space<semaphore_mem>>) {add = true}
        %dma_wait3A_522 = arith.constant 0 : i32
        %dma_wait3A_523 = arith.constant 0 : i32
        %dma_wait3A_524 = tpu.memref_slice %arg6[%run_scoped3A_503, %dma_wait3A_522, %dma_wait3A_523] : memref<4x128x80xf32, #tpu.memory_space<vmem>> -> memref<1x128x80xf32, #tpu.memory_space<vmem>>
        %dma_wait3A_525 = tpu.memref_squeeze %dma_wait3A_524 : memref<1x128x80xf32, #tpu.memory_space<vmem>> -> memref<128x80xf32, #tpu.memory_space<vmem>>
        %dma_wait3A_526 = arith.constant 0 : i32
        %dma_wait3A_527 = tpu.memref_slice %arg5[%add3A_483, %dma_wait3A_526] : memref<80x128xi32, #tpu.memory_space<vmem>> -> memref<1x128xi32, #tpu.memory_space<vmem>>
        %dma_wait3A_528 = tpu.memref_squeeze %dma_wait3A_527 : memref<1x128xi32, #tpu.memory_space<vmem>> -> memref<128xi32, #tpu.memory_space<vmem>>
        %dma_wait3A_529 = arith.constant 0 : i32
        %dma_wait3A_530 = arith.constant 0 : i32
        %dma_wait3A_531 = tpu.memref_slice %arg8[%dma_wait3A_529, %dma_wait3A_530] : memref<10000x80xf32, #tpu.memory_space<vmem_shared>> -> memref<10000x80xf32, #tpu.memory_space<vmem_shared>>
        tpu.wait_indirect_dma semaphore(%run_scoped3A_511 : memref<!tpu.dma_semaphore, #tpu.memory_space<semaphore_mem>>) src(%dma_wait3A_525 : memref<128x80xf32, #tpu.memory_space<vmem>>) dst(%dma_wait3A_531 : memref<10000x80xf32, #tpu.memory_space<vmem_shared>>)
        tpu.yield
      }) : () -> ()
      %add3A_504 = arith.constant 4 : i32
      %add3A_505 = arith.addi %add3A_483, %add3A_504 : i32
      %lt3A_506 = arith.constant 80 : i32
      %lt3A_507 = arith.cmpi slt, %add3A_505, %lt3A_506 : i32
      %convert_element_type3A_508 = arith.extui %lt3A_507 : i1 to i32
      %cond3A_509 = arith.constant 0 : i32
      %cond3A_510 = arith.cmpi ne, %convert_element_type3A_508, %cond3A_509 : i32
      scf.if %cond3A_510 {
        %add3A_511 = arith.constant 4 : i32
        %add3A_512 = arith.addi %add3A_483, %add3A_511 : i32
        %mul3A_513 = arith.constant 10240 : i32
        %mul3A_514 = arith.muli %arg1, %mul3A_513 : i32
        %mul3A_515 = arith.constant 128 : i32
        %mul3A_516 = arith.muli %add3A_512, %mul3A_515 : i32
        %add3A_517 = arith.addi %mul3A_514, %mul3A_516 : i32
        %dma_start3A_518 = arith.constant 3 : i32
        %dma_start3A_519 = arith.constant 3 : i32
        %dma_start3A_520 = arith.constant 0 : i32
        %dma_start3A_521 = arith.constant 0 : i32
        %dma_start3A_522 = tpu.memref_slice %arg6[%dma_start3A_518, %dma_start3A_520, %dma_start3A_521] : memref<4x128x80xf32, #tpu.memory_space<vmem>> -> memref<1x128x80xf32, #tpu.memory_space<vmem>>
        %dma_start3A_523 = tpu.memref_squeeze %dma_start3A_522 : memref<1x128x80xf32, #tpu.memory_space<vmem>> -> memref<128x80xf32, #tpu.memory_space<vmem>>
        %dma_start3A_524 = tpu.memref_slice %arg2[%add3A_517, %mul3A_202] : memref<163840x640xf32, #tpu.memory_space<hbm>> -> memref<128x80xf32, #tpu.memory_space<hbm>>
        %dma_start3A_525 = tpu.memref_slice %arg9[%dma_start3A_519] : memref<4x!tpu.dma_semaphore, #tpu.memory_space<semaphore_mem>> -> memref<1x!tpu.dma_semaphore, #tpu.memory_space<semaphore_mem>>
        %dma_start3A_526 = tpu.memref_squeeze %dma_start3A_525 : memref<1x!tpu.dma_semaphore, #tpu.memory_space<semaphore_mem>> -> memref<!tpu.dma_semaphore, #tpu.memory_space<semaphore_mem>>
        %dma_start3A_527 = arith.constant 0 : i32
        %dma_start3A_528 = arith.constant 0 : i32
        %dma_start3A_529 = tpu.memref_slice %arg6[%dma_start3A_518, %dma_start3A_527, %dma_start3A_528] : memref<4x128x80xf32, #tpu.memory_space<vmem>> -> memref<1x128x80xf32, #tpu.memory_space<vmem>>
        %dma_start3A_530 = tpu.memref_squeeze %dma_start3A_529 : memref<1x128x80xf32, #tpu.memory_space<vmem>> -> memref<128x80xf32, #tpu.memory_space<vmem>>
        %dma_start3A_531 = tpu.memref_slice %arg2[%add3A_517, %mul3A_202] : memref<163840x640xf32, #tpu.memory_space<hbm>> -> memref<128x80xf32, #tpu.memory_space<hbm>>
        tpu.enqueue_dma source(%dma_start3A_531 : memref<128x80xf32, #tpu.memory_space<hbm>>) target(%dma_start3A_530 : memref<128x80xf32, #tpu.memory_space<vmem>>) target_semaphore(%dma_start3A_526 : memref<!tpu.dma_semaphore, #tpu.memory_space<semaphore_mem>>)
      } else {
      }
    }
    %scan3A_287 = arith.constant 20 : i32
    %barrier3A_288 = arith.constant 0 : index
    tpu.barrier barrier_id(%barrier3A_288)
    %mul3A_289 = arith.constant 625 : i32
    %mul3A_290 = arith.muli %arg1, %mul3A_289 : i32
    %mul3A_291 = arith.constant 625 : i32
    %mul3A_292 = arith.muli %arg1, %mul3A_291 : i32
    "tpu.region"() ({
      %run_scoped3A = tpu.sem_alloc : memref<!tpu.dma_semaphore, #tpu.memory_space<semaphore_mem>>
      %dma_start3A_391 = tpu.memref_slice %arg4[%mul3A_292, %mul3A_202] : memref<10000x640xf32, #tpu.memory_space<hbm>> -> memref<625x80xf32, #tpu.memory_space<hbm>>
      %dma_start3A_392 = arith.constant 0 : i32
      %dma_start3A_393 = tpu.memref_slice %arg8[%mul3A_290, %dma_start3A_392] : memref<10000x80xf32, #tpu.memory_space<vmem_shared>> -> memref<625x80xf32, #tpu.memory_space<vmem_shared>>
      tpu.enqueue_dma source(%dma_start3A_393 : memref<625x80xf32, #tpu.memory_space<vmem_shared>>) target(%dma_start3A_391 : memref<625x80xf32, #tpu.memory_space<hbm>>) target_semaphore(%run_scoped3A : memref<!tpu.dma_semaphore, #tpu.memory_space<semaphore_mem>>)
      %dma_wait3A = tpu.memref_slice %arg4[%mul3A_292, %mul3A_202] : memref<10000x640xf32, #tpu.memory_space<hbm>> -> memref<625x80xf32, #tpu.memory_space<hbm>>
      %dma_wait3A_394 = arith.constant 0 : i32
      %dma_wait3A_395 = tpu.memref_slice %arg8[%mul3A_290, %dma_wait3A_394] : memref<10000x80xf32, #tpu.memory_space<vmem_shared>> -> memref<625x80xf32, #tpu.memory_space<vmem_shared>>
      tpu.wait_dma2 semaphore(%run_scoped3A : memref<!tpu.dma_semaphore, #tpu.memory_space<semaphore_mem>>) src(%dma_wait3A_395 : memref<625x80xf32, #tpu.memory_space<vmem_shared>>) dst(%dma_wait3A : memref<625x80xf32, #tpu.memory_space<hbm>>)
      tpu.yield
    }) : () -> ()
    %barrier3A_293 = arith.constant 0 : index
    tpu.barrier barrier_id(%barrier3A_293)
    %mul3A_294 = arith.constant 4 : i32
    %mul3A_295 = arith.muli %arg0, %mul3A_294 : i32
    %add3A_296 = arith.constant 3 : i32
    %add3A_297 = arith.addi %mul3A_295, %add3A_296 : i32
    %mul3A_298 = arith.constant 80 : i32
    %mul3A_299 = arith.muli %add3A_297, %mul3A_298 : i32
    %scan3A_300 = arith.constant 0 : i32
    %scan3A_301 = arith.constant 0 : i32
    %scan3A_302 = arith.constant 5 : i32
    %scan3A_303 = arith.addi %scan3A_301, %scan3A_302 : i32
    %scan3A_304 = arith.constant 1 : i32
    scf.for %scan3A_391 = %scan3A_301 to %scan3A_303 step %scan3A_304  : i32 {
      %mul3A_392 = arith.constant 625 : i32
      %mul3A_393 = arith.muli %arg1, %mul3A_392 : i32
      %mul3A_394 = arith.constant 125 : i32
      %mul3A_395 = arith.muli %scan3A_391, %mul3A_394 : i32
      %add3A_396 = arith.addi %mul3A_393, %mul3A_395 : i32
      "tpu.region"() ({
        %run_scoped3A = tpu.sem_alloc : memref<!tpu.dma_semaphore, #tpu.memory_space<semaphore_mem>>
        %dma_start3A_397 = arith.constant 0 : i32
        %dma_start3A_398 = tpu.memref_slice %arg8[%add3A_396, %dma_start3A_397] : memref<10000x80xf32, #tpu.memory_space<vmem_shared>> -> memref<125x80xf32, #tpu.memory_space<vmem_shared>>
        %dma_start3A_399 = arith.constant 0 : i32
        %dma_start3A_400 = tpu.memref_slice %arg8[%add3A_396, %dma_start3A_399] : memref<10000x80xf32, #tpu.memory_space<vmem_shared>> -> memref<125x80xf32, #tpu.memory_space<vmem_shared>>
        tpu.enqueue_dma source(%arg7 : memref<125x80xf32, #tpu.memory_space<vmem>>) target(%dma_start3A_400 : memref<125x80xf32, #tpu.memory_space<vmem_shared>>) target_semaphore(%run_scoped3A : memref<!tpu.dma_semaphore, #tpu.memory_space<semaphore_mem>>)
        %dma_wait3A = arith.constant 0 : i32
        %dma_wait3A_401 = tpu.memref_slice %arg8[%add3A_396, %dma_wait3A] : memref<10000x80xf32, #tpu.memory_space<vmem_shared>> -> memref<125x80xf32, #tpu.memory_space<vmem_shared>>
        %dma_wait3A_402 = arith.constant 0 : i32
        %dma_wait3A_403 = tpu.memref_slice %arg8[%add3A_396, %dma_wait3A_402] : memref<10000x80xf32, #tpu.memory_space<vmem_shared>> -> memref<125x80xf32, #tpu.memory_space<vmem_shared>>
        tpu.wait_dma2 semaphore(%run_scoped3A : memref<!tpu.dma_semaphore, #tpu.memory_space<semaphore_mem>>) src(%arg7 : memref<125x80xf32, #tpu.memory_space<vmem>>) dst(%dma_wait3A_403 : memref<125x80xf32, #tpu.memory_space<vmem_shared>>)
        tpu.yield
      }) : () -> ()
    }
    %scan3A_305 = arith.constant 5 : i32
    %barrier3A_306 = arith.constant 0 : index
    tpu.barrier barrier_id(%barrier3A_306)
    %mul3A_307 = arith.constant 10240 : i32
    %mul3A_308 = arith.muli %arg1, %mul3A_307 : i32
    %add3A_309 = arith.constant 0 : i32
    %add3A_310 = arith.addi %mul3A_308, %add3A_309 : i32
    %dma_start3A_311 = arith.constant 0 : i32
    %dma_start3A_312 = arith.constant 0 : i32
    %dma_start3A_313 = arith.constant 0 : i32
    %dma_start3A_314 = arith.constant 0 : i32
    %dma_start3A_315 = tpu.memref_slice %arg6[%dma_start3A_311, %dma_start3A_313, %dma_start3A_314] : memref<4x128x80xf32, #tpu.memory_space<vmem>> -> memref<1x128x80xf32, #tpu.memory_space<vmem>>
    %dma_start3A_316 = tpu.memref_squeeze %dma_start3A_315 : memref<1x128x80xf32, #tpu.memory_space<vmem>> -> memref<128x80xf32, #tpu.memory_space<vmem>>
    %dma_start3A_317 = tpu.memref_slice %arg2[%add3A_310, %mul3A_299] : memref<163840x640xf32, #tpu.memory_space<hbm>> -> memref<128x80xf32, #tpu.memory_space<hbm>>
    %dma_start3A_318 = tpu.memref_slice %arg9[%dma_start3A_312] : memref<4x!tpu.dma_semaphore, #tpu.memory_space<semaphore_mem>> -> memref<1x!tpu.dma_semaphore, #tpu.memory_space<semaphore_mem>>
    %dma_start3A_319 = tpu.memref_squeeze %dma_start3A_318 : memref<1x!tpu.dma_semaphore, #tpu.memory_space<semaphore_mem>> -> memref<!tpu.dma_semaphore, #tpu.memory_space<semaphore_mem>>
    %dma_start3A_320 = arith.constant 0 : i32
    %dma_start3A_321 = arith.constant 0 : i32
    %dma_start3A_322 = tpu.memref_slice %arg6[%dma_start3A_311, %dma_start3A_320, %dma_start3A_321] : memref<4x128x80xf32, #tpu.memory_space<vmem>> -> memref<1x128x80xf32, #tpu.memory_space<vmem>>
    %dma_start3A_323 = tpu.memref_squeeze %dma_start3A_322 : memref<1x128x80xf32, #tpu.memory_space<vmem>> -> memref<128x80xf32, #tpu.memory_space<vmem>>
    %dma_start3A_324 = tpu.memref_slice %arg2[%add3A_310, %mul3A_299] : memref<163840x640xf32, #tpu.memory_space<hbm>> -> memref<128x80xf32, #tpu.memory_space<hbm>>
    tpu.enqueue_dma source(%dma_start3A_324 : memref<128x80xf32, #tpu.memory_space<hbm>>) target(%dma_start3A_323 : memref<128x80xf32, #tpu.memory_space<vmem>>) target_semaphore(%dma_start3A_319 : memref<!tpu.dma_semaphore, #tpu.memory_space<semaphore_mem>>)
    %mul3A_325 = arith.constant 10240 : i32
    %mul3A_326 = arith.muli %arg1, %mul3A_325 : i32
    %add3A_327 = arith.constant 128 : i32
    %add3A_328 = arith.addi %mul3A_326, %add3A_327 : i32
    %dma_start3A_329 = arith.constant 1 : i32
    %dma_start3A_330 = arith.constant 1 : i32
    %dma_start3A_331 = arith.constant 0 : i32
    %dma_start3A_332 = arith.constant 0 : i32
    %dma_start3A_333 = tpu.memref_slice %arg6[%dma_start3A_329, %dma_start3A_331, %dma_start3A_332] : memref<4x128x80xf32, #tpu.memory_space<vmem>> -> memref<1x128x80xf32, #tpu.memory_space<vmem>>
    %dma_start3A_334 = tpu.memref_squeeze %dma_start3A_333 : memref<1x128x80xf32, #tpu.memory_space<vmem>> -> memref<128x80xf32, #tpu.memory_space<vmem>>
    %dma_start3A_335 = tpu.memref_slice %arg2[%add3A_328, %mul3A_299] : memref<163840x640xf32, #tpu.memory_space<hbm>> -> memref<128x80xf32, #tpu.memory_space<hbm>>
    %dma_start3A_336 = tpu.memref_slice %arg9[%dma_start3A_330] : memref<4x!tpu.dma_semaphore, #tpu.memory_space<semaphore_mem>> -> memref<1x!tpu.dma_semaphore, #tpu.memory_space<semaphore_mem>>
    %dma_start3A_337 = tpu.memref_squeeze %dma_start3A_336 : memref<1x!tpu.dma_semaphore, #tpu.memory_space<semaphore_mem>> -> memref<!tpu.dma_semaphore, #tpu.memory_space<semaphore_mem>>
    %dma_start3A_338 = arith.constant 0 : i32
    %dma_start3A_339 = arith.constant 0 : i32
    %dma_start3A_340 = tpu.memref_slice %arg6[%dma_start3A_329, %dma_start3A_338, %dma_start3A_339] : memref<4x128x80xf32, #tpu.memory_space<vmem>> -> memref<1x128x80xf32, #tpu.memory_space<vmem>>
    %dma_start3A_341 = tpu.memref_squeeze %dma_start3A_340 : memref<1x128x80xf32, #tpu.memory_space<vmem>> -> memref<128x80xf32, #tpu.memory_space<vmem>>
    %dma_start3A_342 = tpu.memref_slice %arg2[%add3A_328, %mul3A_299] : memref<163840x640xf32, #tpu.memory_space<hbm>> -> memref<128x80xf32, #tpu.memory_space<hbm>>
    tpu.enqueue_dma source(%dma_start3A_342 : memref<128x80xf32, #tpu.memory_space<hbm>>) target(%dma_start3A_341 : memref<128x80xf32, #tpu.memory_space<vmem>>) target_semaphore(%dma_start3A_337 : memref<!tpu.dma_semaphore, #tpu.memory_space<semaphore_mem>>)
    %mul3A_343 = arith.constant 10240 : i32
    %mul3A_344 = arith.muli %arg1, %mul3A_343 : i32
    %add3A_345 = arith.constant 256 : i32
    %add3A_346 = arith.addi %mul3A_344, %add3A_345 : i32
    %dma_start3A_347 = arith.constant 2 : i32
    %dma_start3A_348 = arith.constant 2 : i32
    %dma_start3A_349 = arith.constant 0 : i32
    %dma_start3A_350 = arith.constant 0 : i32
    %dma_start3A_351 = tpu.memref_slice %arg6[%dma_start3A_347, %dma_start3A_349, %dma_start3A_350] : memref<4x128x80xf32, #tpu.memory_space<vmem>> -> memref<1x128x80xf32, #tpu.memory_space<vmem>>
    %dma_start3A_352 = tpu.memref_squeeze %dma_start3A_351 : memref<1x128x80xf32, #tpu.memory_space<vmem>> -> memref<128x80xf32, #tpu.memory_space<vmem>>
    %dma_start3A_353 = tpu.memref_slice %arg2[%add3A_346, %mul3A_299] : memref<163840x640xf32, #tpu.memory_space<hbm>> -> memref<128x80xf32, #tpu.memory_space<hbm>>
    %dma_start3A_354 = tpu.memref_slice %arg9[%dma_start3A_348] : memref<4x!tpu.dma_semaphore, #tpu.memory_space<semaphore_mem>> -> memref<1x!tpu.dma_semaphore, #tpu.memory_space<semaphore_mem>>
    %dma_start3A_355 = tpu.memref_squeeze %dma_start3A_354 : memref<1x!tpu.dma_semaphore, #tpu.memory_space<semaphore_mem>> -> memref<!tpu.dma_semaphore, #tpu.memory_space<semaphore_mem>>
    %dma_start3A_356 = arith.constant 0 : i32
    %dma_start3A_357 = arith.constant 0 : i32
    %dma_start3A_358 = tpu.memref_slice %arg6[%dma_start3A_347, %dma_start3A_356, %dma_start3A_357] : memref<4x128x80xf32, #tpu.memory_space<vmem>> -> memref<1x128x80xf32, #tpu.memory_space<vmem>>
    %dma_start3A_359 = tpu.memref_squeeze %dma_start3A_358 : memref<1x128x80xf32, #tpu.memory_space<vmem>> -> memref<128x80xf32, #tpu.memory_space<vmem>>
    %dma_start3A_360 = tpu.memref_slice %arg2[%add3A_346, %mul3A_299] : memref<163840x640xf32, #tpu.memory_space<hbm>> -> memref<128x80xf32, #tpu.memory_space<hbm>>
    tpu.enqueue_dma source(%dma_start3A_360 : memref<128x80xf32, #tpu.memory_space<hbm>>) target(%dma_start3A_359 : memref<128x80xf32, #tpu.memory_space<vmem>>) target_semaphore(%dma_start3A_355 : memref<!tpu.dma_semaphore, #tpu.memory_space<semaphore_mem>>)
    %mul3A_361 = arith.constant 10240 : i32
    %mul3A_362 = arith.muli %arg1, %mul3A_361 : i32
    %add3A_363 = arith.constant 384 : i32
    %add3A_364 = arith.addi %mul3A_362, %add3A_363 : i32
    %dma_start3A_365 = arith.constant 3 : i32
    %dma_start3A_366 = arith.constant 3 : i32
    %dma_start3A_367 = arith.constant 0 : i32
    %dma_start3A_368 = arith.constant 0 : i32
    %dma_start3A_369 = tpu.memref_slice %arg6[%dma_start3A_365, %dma_start3A_367, %dma_start3A_368] : memref<4x128x80xf32, #tpu.memory_space<vmem>> -> memref<1x128x80xf32, #tpu.memory_space<vmem>>
    %dma_start3A_370 = tpu.memref_squeeze %dma_start3A_369 : memref<1x128x80xf32, #tpu.memory_space<vmem>> -> memref<128x80xf32, #tpu.memory_space<vmem>>
    %dma_start3A_371 = tpu.memref_slice %arg2[%add3A_364, %mul3A_299] : memref<163840x640xf32, #tpu.memory_space<hbm>> -> memref<128x80xf32, #tpu.memory_space<hbm>>
    %dma_start3A_372 = tpu.memref_slice %arg9[%dma_start3A_366] : memref<4x!tpu.dma_semaphore, #tpu.memory_space<semaphore_mem>> -> memref<1x!tpu.dma_semaphore, #tpu.memory_space<semaphore_mem>>
    %dma_start3A_373 = tpu.memref_squeeze %dma_start3A_372 : memref<1x!tpu.dma_semaphore, #tpu.memory_space<semaphore_mem>> -> memref<!tpu.dma_semaphore, #tpu.memory_space<semaphore_mem>>
    %dma_start3A_374 = arith.constant 0 : i32
    %dma_start3A_375 = arith.constant 0 : i32
    %dma_start3A_376 = tpu.memref_slice %arg6[%dma_start3A_365, %dma_start3A_374, %dma_start3A_375] : memref<4x128x80xf32, #tpu.memory_space<vmem>> -> memref<1x128x80xf32, #tpu.memory_space<vmem>>
    %dma_start3A_377 = tpu.memref_squeeze %dma_start3A_376 : memref<1x128x80xf32, #tpu.memory_space<vmem>> -> memref<128x80xf32, #tpu.memory_space<vmem>>
    %dma_start3A_378 = tpu.memref_slice %arg2[%add3A_364, %mul3A_299] : memref<163840x640xf32, #tpu.memory_space<hbm>> -> memref<128x80xf32, #tpu.memory_space<hbm>>
    tpu.enqueue_dma source(%dma_start3A_378 : memref<128x80xf32, #tpu.memory_space<hbm>>) target(%dma_start3A_377 : memref<128x80xf32, #tpu.memory_space<vmem>>) target_semaphore(%dma_start3A_373 : memref<!tpu.dma_semaphore, #tpu.memory_space<semaphore_mem>>)
    %scan3A_379 = arith.constant 0 : i32
    %scan3A_380 = arith.constant 0 : i32
    %scan3A_381 = arith.constant 20 : i32
    %scan3A_382 = arith.addi %scan3A_380, %scan3A_381 : i32
    %scan3A_383 = arith.constant 1 : i32
    scf.for %scan3A_391 = %scan3A_380 to %scan3A_382 step %scan3A_383  : i32 {
      %mul3A_392 = arith.constant 4 : i32
      %mul3A_393 = arith.muli %mul3A_392, %scan3A_391 : i32
      %add3A_394 = arith.constant 0 : i32
      %add3A_395 = arith.addi %mul3A_393, %add3A_394 : i32
      %mul3A_396 = arith.constant 10240 : i32
      %mul3A_397 = arith.muli %arg1, %mul3A_396 : i32
      %mul3A_398 = arith.constant 128 : i32
      %mul3A_399 = arith.muli %add3A_395, %mul3A_398 : i32
      %add3A_400 = arith.addi %mul3A_397, %mul3A_399 : i32
      %dma_wait3A = arith.constant 0 : i32
      %dma_wait3A_401 = arith.constant 0 : i32
      %dma_wait3A_402 = arith.constant 0 : i32
      %dma_wait3A_403 = arith.constant 0 : i32
      %dma_wait3A_404 = tpu.memref_slice %arg6[%dma_wait3A, %dma_wait3A_402, %dma_wait3A_403] : memref<4x128x80xf32, #tpu.memory_space<vmem>> -> memref<1x128x80xf32, #tpu.memory_space<vmem>>
      %dma_wait3A_405 = tpu.memref_squeeze %dma_wait3A_404 : memref<1x128x80xf32, #tpu.memory_space<vmem>> -> memref<128x80xf32, #tpu.memory_space<vmem>>
      %dma_wait3A_406 = tpu.memref_slice %arg2[%add3A_400, %mul3A_299] : memref<163840x640xf32, #tpu.memory_space<hbm>> -> memref<128x80xf32, #tpu.memory_space<hbm>>
      %dma_wait3A_407 = tpu.memref_slice %arg9[%dma_wait3A_401] : memref<4x!tpu.dma_semaphore, #tpu.memory_space<semaphore_mem>> -> memref<1x!tpu.dma_semaphore, #tpu.memory_space<semaphore_mem>>
      %dma_wait3A_408 = tpu.memref_squeeze %dma_wait3A_407 : memref<1x!tpu.dma_semaphore, #tpu.memory_space<semaphore_mem>> -> memref<!tpu.dma_semaphore, #tpu.memory_space<semaphore_mem>>
      %dma_wait3A_409 = arith.constant 0 : i32
      %dma_wait3A_410 = arith.constant 0 : i32
      %dma_wait3A_411 = tpu.memref_slice %arg6[%dma_wait3A, %dma_wait3A_409, %dma_wait3A_410] : memref<4x128x80xf32, #tpu.memory_space<vmem>> -> memref<1x128x80xf32, #tpu.memory_space<vmem>>
      %dma_wait3A_412 = tpu.memref_squeeze %dma_wait3A_411 : memref<1x128x80xf32, #tpu.memory_space<vmem>> -> memref<128x80xf32, #tpu.memory_space<vmem>>
      %dma_wait3A_413 = tpu.memref_slice %arg2[%add3A_400, %mul3A_299] : memref<163840x640xf32, #tpu.memory_space<hbm>> -> memref<128x80xf32, #tpu.memory_space<hbm>>
      tpu.wait_dma2 semaphore(%dma_wait3A_408 : memref<!tpu.dma_semaphore, #tpu.memory_space<semaphore_mem>>) src(%dma_wait3A_413 : memref<128x80xf32, #tpu.memory_space<hbm>>) dst(%dma_wait3A_412 : memref<128x80xf32, #tpu.memory_space<vmem>>)
      %run_scoped3A = arith.constant 0 : i32
      "tpu.region"() ({
        %run_scoped3A_511 = tpu.sem_alloc : memref<!tpu.dma_semaphore, #tpu.memory_space<semaphore_mem>>
        %dma_start3A_512 = arith.constant 0 : i32
        %dma_start3A_513 = arith.constant 0 : i32
        %dma_start3A_514 = tpu.memref_slice %arg6[%run_scoped3A, %dma_start3A_512, %dma_start3A_513] : memref<4x128x80xf32, #tpu.memory_space<vmem>> -> memref<1x128x80xf32, #tpu.memory_space<vmem>>
        %dma_start3A_515 = tpu.memref_squeeze %dma_start3A_514 : memref<1x128x80xf32, #tpu.memory_space<vmem>> -> memref<128x80xf32, #tpu.memory_space<vmem>>
        %dma_start3A_516 = arith.constant 0 : i32
        %dma_start3A_517 = tpu.memref_slice %arg5[%add3A_395, %dma_start3A_516] : memref<80x128xi32, #tpu.memory_space<vmem>> -> memref<1x128xi32, #tpu.memory_space<vmem>>
        %dma_start3A_518 = tpu.memref_squeeze %dma_start3A_517 : memref<1x128xi32, #tpu.memory_space<vmem>> -> memref<128xi32, #tpu.memory_space<vmem>>
        %dma_start3A_519 = arith.constant 0 : i32
        %dma_start3A_520 = arith.constant 0 : i32
        %dma_start3A_521 = tpu.memref_slice %arg8[%dma_start3A_519, %dma_start3A_520] : memref<10000x80xf32, #tpu.memory_space<vmem_shared>> -> memref<10000x80xf32, #tpu.memory_space<vmem_shared>>
        tpu.enqueue_indirect_dma source(%dma_start3A_515 : memref<128x80xf32, #tpu.memory_space<vmem>>) target(%dma_start3A_521 : memref<10000x80xf32, #tpu.memory_space<vmem_shared>>) offsets(%dma_start3A_518 : memref<128xi32, #tpu.memory_space<vmem>>) semaphore(%run_scoped3A_511 : memref<!tpu.dma_semaphore, #tpu.memory_space<semaphore_mem>>) {add = true}
        %dma_wait3A_522 = arith.constant 0 : i32
        %dma_wait3A_523 = arith.constant 0 : i32
        %dma_wait3A_524 = tpu.memref_slice %arg6[%run_scoped3A, %dma_wait3A_522, %dma_wait3A_523] : memref<4x128x80xf32, #tpu.memory_space<vmem>> -> memref<1x128x80xf32, #tpu.memory_space<vmem>>
        %dma_wait3A_525 = tpu.memref_squeeze %dma_wait3A_524 : memref<1x128x80xf32, #tpu.memory_space<vmem>> -> memref<128x80xf32, #tpu.memory_space<vmem>>
        %dma_wait3A_526 = arith.constant 0 : i32
        %dma_wait3A_527 = tpu.memref_slice %arg5[%add3A_395, %dma_wait3A_526] : memref<80x128xi32, #tpu.memory_space<vmem>> -> memref<1x128xi32, #tpu.memory_space<vmem>>
        %dma_wait3A_528 = tpu.memref_squeeze %dma_wait3A_527 : memref<1x128xi32, #tpu.memory_space<vmem>> -> memref<128xi32, #tpu.memory_space<vmem>>
        %dma_wait3A_529 = arith.constant 0 : i32
        %dma_wait3A_530 = arith.constant 0 : i32
        %dma_wait3A_531 = tpu.memref_slice %arg8[%dma_wait3A_529, %dma_wait3A_530] : memref<10000x80xf32, #tpu.memory_space<vmem_shared>> -> memref<10000x80xf32, #tpu.memory_space<vmem_shared>>
        tpu.wait_indirect_dma semaphore(%run_scoped3A_511 : memref<!tpu.dma_semaphore, #tpu.memory_space<semaphore_mem>>) src(%dma_wait3A_525 : memref<128x80xf32, #tpu.memory_space<vmem>>) dst(%dma_wait3A_531 : memref<10000x80xf32, #tpu.memory_space<vmem_shared>>)
        tpu.yield
      }) : () -> ()
      %add3A_414 = arith.constant 4 : i32
      %add3A_415 = arith.addi %add3A_395, %add3A_414 : i32
      %lt3A = arith.constant 80 : i32
      %lt3A_416 = arith.cmpi slt, %add3A_415, %lt3A : i32
      %convert_element_type3A = arith.extui %lt3A_416 : i1 to i32
      %cond3A = arith.constant 0 : i32
      %cond3A_417 = arith.cmpi ne, %convert_element_type3A, %cond3A : i32
      scf.if %cond3A_417 {
        %add3A_511 = arith.constant 4 : i32
        %add3A_512 = arith.addi %add3A_395, %add3A_511 : i32
        %mul3A_513 = arith.constant 10240 : i32
        %mul3A_514 = arith.muli %arg1, %mul3A_513 : i32
        %mul3A_515 = arith.constant 128 : i32
        %mul3A_516 = arith.muli %add3A_512, %mul3A_515 : i32
        %add3A_517 = arith.addi %mul3A_514, %mul3A_516 : i32
        %dma_start3A_518 = arith.constant 0 : i32
        %dma_start3A_519 = arith.constant 0 : i32
        %dma_start3A_520 = arith.constant 0 : i32
        %dma_start3A_521 = arith.constant 0 : i32
        %dma_start3A_522 = tpu.memref_slice %arg6[%dma_start3A_518, %dma_start3A_520, %dma_start3A_521] : memref<4x128x80xf32, #tpu.memory_space<vmem>> -> memref<1x128x80xf32, #tpu.memory_space<vmem>>
        %dma_start3A_523 = tpu.memref_squeeze %dma_start3A_522 : memref<1x128x80xf32, #tpu.memory_space<vmem>> -> memref<128x80xf32, #tpu.memory_space<vmem>>
        %dma_start3A_524 = tpu.memref_slice %arg2[%add3A_517, %mul3A_299] : memref<163840x640xf32, #tpu.memory_space<hbm>> -> memref<128x80xf32, #tpu.memory_space<hbm>>
        %dma_start3A_525 = tpu.memref_slice %arg9[%dma_start3A_519] : memref<4x!tpu.dma_semaphore, #tpu.memory_space<semaphore_mem>> -> memref<1x!tpu.dma_semaphore, #tpu.memory_space<semaphore_mem>>
        %dma_start3A_526 = tpu.memref_squeeze %dma_start3A_525 : memref<1x!tpu.dma_semaphore, #tpu.memory_space<semaphore_mem>> -> memref<!tpu.dma_semaphore, #tpu.memory_space<semaphore_mem>>
        %dma_start3A_527 = arith.constant 0 : i32
        %dma_start3A_528 = arith.constant 0 : i32
        %dma_start3A_529 = tpu.memref_slice %arg6[%dma_start3A_518, %dma_start3A_527, %dma_start3A_528] : memref<4x128x80xf32, #tpu.memory_space<vmem>> -> memref<1x128x80xf32, #tpu.memory_space<vmem>>
        %dma_start3A_530 = tpu.memref_squeeze %dma_start3A_529 : memref<1x128x80xf32, #tpu.memory_space<vmem>> -> memref<128x80xf32, #tpu.memory_space<vmem>>
        %dma_start3A_531 = tpu.memref_slice %arg2[%add3A_517, %mul3A_299] : memref<163840x640xf32, #tpu.memory_space<hbm>> -> memref<128x80xf32, #tpu.memory_space<hbm>>
        tpu.enqueue_dma source(%dma_start3A_531 : memref<128x80xf32, #tpu.memory_space<hbm>>) target(%dma_start3A_530 : memref<128x80xf32, #tpu.memory_space<vmem>>) target_semaphore(%dma_start3A_526 : memref<!tpu.dma_semaphore, #tpu.memory_space<semaphore_mem>>)
      } else {
      }
      %mul3A_418 = arith.constant 4 : i32
      %mul3A_419 = arith.muli %mul3A_418, %scan3A_391 : i32
      %add3A_420 = arith.constant 1 : i32
      %add3A_421 = arith.addi %mul3A_419, %add3A_420 : i32
      %mul3A_422 = arith.constant 10240 : i32
      %mul3A_423 = arith.muli %arg1, %mul3A_422 : i32
      %mul3A_424 = arith.constant 128 : i32
      %mul3A_425 = arith.muli %add3A_421, %mul3A_424 : i32
      %add3A_426 = arith.addi %mul3A_423, %mul3A_425 : i32
      %dma_wait3A_427 = arith.constant 1 : i32
      %dma_wait3A_428 = arith.constant 1 : i32
      %dma_wait3A_429 = arith.constant 0 : i32
      %dma_wait3A_430 = arith.constant 0 : i32
      %dma_wait3A_431 = tpu.memref_slice %arg6[%dma_wait3A_427, %dma_wait3A_429, %dma_wait3A_430] : memref<4x128x80xf32, #tpu.memory_space<vmem>> -> memref<1x128x80xf32, #tpu.memory_space<vmem>>
      %dma_wait3A_432 = tpu.memref_squeeze %dma_wait3A_431 : memref<1x128x80xf32, #tpu.memory_space<vmem>> -> memref<128x80xf32, #tpu.memory_space<vmem>>
      %dma_wait3A_433 = tpu.memref_slice %arg2[%add3A_426, %mul3A_299] : memref<163840x640xf32, #tpu.memory_space<hbm>> -> memref<128x80xf32, #tpu.memory_space<hbm>>
      %dma_wait3A_434 = tpu.memref_slice %arg9[%dma_wait3A_428] : memref<4x!tpu.dma_semaphore, #tpu.memory_space<semaphore_mem>> -> memref<1x!tpu.dma_semaphore, #tpu.memory_space<semaphore_mem>>
      %dma_wait3A_435 = tpu.memref_squeeze %dma_wait3A_434 : memref<1x!tpu.dma_semaphore, #tpu.memory_space<semaphore_mem>> -> memref<!tpu.dma_semaphore, #tpu.memory_space<semaphore_mem>>
      %dma_wait3A_436 = arith.constant 0 : i32
      %dma_wait3A_437 = arith.constant 0 : i32
      %dma_wait3A_438 = tpu.memref_slice %arg6[%dma_wait3A_427, %dma_wait3A_436, %dma_wait3A_437] : memref<4x128x80xf32, #tpu.memory_space<vmem>> -> memref<1x128x80xf32, #tpu.memory_space<vmem>>
      %dma_wait3A_439 = tpu.memref_squeeze %dma_wait3A_438 : memref<1x128x80xf32, #tpu.memory_space<vmem>> -> memref<128x80xf32, #tpu.memory_space<vmem>>
      %dma_wait3A_440 = tpu.memref_slice %arg2[%add3A_426, %mul3A_299] : memref<163840x640xf32, #tpu.memory_space<hbm>> -> memref<128x80xf32, #tpu.memory_space<hbm>>
      tpu.wait_dma2 semaphore(%dma_wait3A_435 : memref<!tpu.dma_semaphore, #tpu.memory_space<semaphore_mem>>) src(%dma_wait3A_440 : memref<128x80xf32, #tpu.memory_space<hbm>>) dst(%dma_wait3A_439 : memref<128x80xf32, #tpu.memory_space<vmem>>)
      %run_scoped3A_441 = arith.constant 1 : i32
      "tpu.region"() ({
        %run_scoped3A_511 = tpu.sem_alloc : memref<!tpu.dma_semaphore, #tpu.memory_space<semaphore_mem>>
        %dma_start3A_512 = arith.constant 0 : i32
        %dma_start3A_513 = arith.constant 0 : i32
        %dma_start3A_514 = tpu.memref_slice %arg6[%run_scoped3A_441, %dma_start3A_512, %dma_start3A_513] : memref<4x128x80xf32, #tpu.memory_space<vmem>> -> memref<1x128x80xf32, #tpu.memory_space<vmem>>
        %dma_start3A_515 = tpu.memref_squeeze %dma_start3A_514 : memref<1x128x80xf32, #tpu.memory_space<vmem>> -> memref<128x80xf32, #tpu.memory_space<vmem>>
        %dma_start3A_516 = arith.constant 0 : i32
        %dma_start3A_517 = tpu.memref_slice %arg5[%add3A_421, %dma_start3A_516] : memref<80x128xi32, #tpu.memory_space<vmem>> -> memref<1x128xi32, #tpu.memory_space<vmem>>
        %dma_start3A_518 = tpu.memref_squeeze %dma_start3A_517 : memref<1x128xi32, #tpu.memory_space<vmem>> -> memref<128xi32, #tpu.memory_space<vmem>>
        %dma_start3A_519 = arith.constant 0 : i32
        %dma_start3A_520 = arith.constant 0 : i32
        %dma_start3A_521 = tpu.memref_slice %arg8[%dma_start3A_519, %dma_start3A_520] : memref<10000x80xf32, #tpu.memory_space<vmem_shared>> -> memref<10000x80xf32, #tpu.memory_space<vmem_shared>>
        tpu.enqueue_indirect_dma source(%dma_start3A_515 : memref<128x80xf32, #tpu.memory_space<vmem>>) target(%dma_start3A_521 : memref<10000x80xf32, #tpu.memory_space<vmem_shared>>) offsets(%dma_start3A_518 : memref<128xi32, #tpu.memory_space<vmem>>) semaphore(%run_scoped3A_511 : memref<!tpu.dma_semaphore, #tpu.memory_space<semaphore_mem>>) {add = true}
        %dma_wait3A_522 = arith.constant 0 : i32
        %dma_wait3A_523 = arith.constant 0 : i32
        %dma_wait3A_524 = tpu.memref_slice %arg6[%run_scoped3A_441, %dma_wait3A_522, %dma_wait3A_523] : memref<4x128x80xf32, #tpu.memory_space<vmem>> -> memref<1x128x80xf32, #tpu.memory_space<vmem>>
        %dma_wait3A_525 = tpu.memref_squeeze %dma_wait3A_524 : memref<1x128x80xf32, #tpu.memory_space<vmem>> -> memref<128x80xf32, #tpu.memory_space<vmem>>
        %dma_wait3A_526 = arith.constant 0 : i32
        %dma_wait3A_527 = tpu.memref_slice %arg5[%add3A_421, %dma_wait3A_526] : memref<80x128xi32, #tpu.memory_space<vmem>> -> memref<1x128xi32, #tpu.memory_space<vmem>>
        %dma_wait3A_528 = tpu.memref_squeeze %dma_wait3A_527 : memref<1x128xi32, #tpu.memory_space<vmem>> -> memref<128xi32, #tpu.memory_space<vmem>>
        %dma_wait3A_529 = arith.constant 0 : i32
        %dma_wait3A_530 = arith.constant 0 : i32
        %dma_wait3A_531 = tpu.memref_slice %arg8[%dma_wait3A_529, %dma_wait3A_530] : memref<10000x80xf32, #tpu.memory_space<vmem_shared>> -> memref<10000x80xf32, #tpu.memory_space<vmem_shared>>
        tpu.wait_indirect_dma semaphore(%run_scoped3A_511 : memref<!tpu.dma_semaphore, #tpu.memory_space<semaphore_mem>>) src(%dma_wait3A_525 : memref<128x80xf32, #tpu.memory_space<vmem>>) dst(%dma_wait3A_531 : memref<10000x80xf32, #tpu.memory_space<vmem_shared>>)
        tpu.yield
      }) : () -> ()
      %add3A_442 = arith.constant 4 : i32
      %add3A_443 = arith.addi %add3A_421, %add3A_442 : i32
      %lt3A_444 = arith.constant 80 : i32
      %lt3A_445 = arith.cmpi slt, %add3A_443, %lt3A_444 : i32
      %convert_element_type3A_446 = arith.extui %lt3A_445 : i1 to i32
      %cond3A_447 = arith.constant 0 : i32
      %cond3A_448 = arith.cmpi ne, %convert_element_type3A_446, %cond3A_447 : i32
      scf.if %cond3A_448 {
        %add3A_511 = arith.constant 4 : i32
        %add3A_512 = arith.addi %add3A_421, %add3A_511 : i32
        %mul3A_513 = arith.constant 10240 : i32
        %mul3A_514 = arith.muli %arg1, %mul3A_513 : i32
        %mul3A_515 = arith.constant 128 : i32
        %mul3A_516 = arith.muli %add3A_512, %mul3A_515 : i32
        %add3A_517 = arith.addi %mul3A_514, %mul3A_516 : i32
        %dma_start3A_518 = arith.constant 1 : i32
        %dma_start3A_519 = arith.constant 1 : i32
        %dma_start3A_520 = arith.constant 0 : i32
        %dma_start3A_521 = arith.constant 0 : i32
        %dma_start3A_522 = tpu.memref_slice %arg6[%dma_start3A_518, %dma_start3A_520, %dma_start3A_521] : memref<4x128x80xf32, #tpu.memory_space<vmem>> -> memref<1x128x80xf32, #tpu.memory_space<vmem>>
        %dma_start3A_523 = tpu.memref_squeeze %dma_start3A_522 : memref<1x128x80xf32, #tpu.memory_space<vmem>> -> memref<128x80xf32, #tpu.memory_space<vmem>>
        %dma_start3A_524 = tpu.memref_slice %arg2[%add3A_517, %mul3A_299] : memref<163840x640xf32, #tpu.memory_space<hbm>> -> memref<128x80xf32, #tpu.memory_space<hbm>>
        %dma_start3A_525 = tpu.memref_slice %arg9[%dma_start3A_519] : memref<4x!tpu.dma_semaphore, #tpu.memory_space<semaphore_mem>> -> memref<1x!tpu.dma_semaphore, #tpu.memory_space<semaphore_mem>>
        %dma_start3A_526 = tpu.memref_squeeze %dma_start3A_525 : memref<1x!tpu.dma_semaphore, #tpu.memory_space<semaphore_mem>> -> memref<!tpu.dma_semaphore, #tpu.memory_space<semaphore_mem>>
        %dma_start3A_527 = arith.constant 0 : i32
        %dma_start3A_528 = arith.constant 0 : i32
        %dma_start3A_529 = tpu.memref_slice %arg6[%dma_start3A_518, %dma_start3A_527, %dma_start3A_528] : memref<4x128x80xf32, #tpu.memory_space<vmem>> -> memref<1x128x80xf32, #tpu.memory_space<vmem>>
        %dma_start3A_530 = tpu.memref_squeeze %dma_start3A_529 : memref<1x128x80xf32, #tpu.memory_space<vmem>> -> memref<128x80xf32, #tpu.memory_space<vmem>>
        %dma_start3A_531 = tpu.memref_slice %arg2[%add3A_517, %mul3A_299] : memref<163840x640xf32, #tpu.memory_space<hbm>> -> memref<128x80xf32, #tpu.memory_space<hbm>>
        tpu.enqueue_dma source(%dma_start3A_531 : memref<128x80xf32, #tpu.memory_space<hbm>>) target(%dma_start3A_530 : memref<128x80xf32, #tpu.memory_space<vmem>>) target_semaphore(%dma_start3A_526 : memref<!tpu.dma_semaphore, #tpu.memory_space<semaphore_mem>>)
      } else {
      }
      %mul3A_449 = arith.constant 4 : i32
      %mul3A_450 = arith.muli %mul3A_449, %scan3A_391 : i32
      %add3A_451 = arith.constant 2 : i32
      %add3A_452 = arith.addi %mul3A_450, %add3A_451 : i32
      %mul3A_453 = arith.constant 10240 : i32
      %mul3A_454 = arith.muli %arg1, %mul3A_453 : i32
      %mul3A_455 = arith.constant 128 : i32
      %mul3A_456 = arith.muli %add3A_452, %mul3A_455 : i32
      %add3A_457 = arith.addi %mul3A_454, %mul3A_456 : i32
      %dma_wait3A_458 = arith.constant 2 : i32
      %dma_wait3A_459 = arith.constant 2 : i32
      %dma_wait3A_460 = arith.constant 0 : i32
      %dma_wait3A_461 = arith.constant 0 : i32
      %dma_wait3A_462 = tpu.memref_slice %arg6[%dma_wait3A_458, %dma_wait3A_460, %dma_wait3A_461] : memref<4x128x80xf32, #tpu.memory_space<vmem>> -> memref<1x128x80xf32, #tpu.memory_space<vmem>>
      %dma_wait3A_463 = tpu.memref_squeeze %dma_wait3A_462 : memref<1x128x80xf32, #tpu.memory_space<vmem>> -> memref<128x80xf32, #tpu.memory_space<vmem>>
      %dma_wait3A_464 = tpu.memref_slice %arg2[%add3A_457, %mul3A_299] : memref<163840x640xf32, #tpu.memory_space<hbm>> -> memref<128x80xf32, #tpu.memory_space<hbm>>
      %dma_wait3A_465 = tpu.memref_slice %arg9[%dma_wait3A_459] : memref<4x!tpu.dma_semaphore, #tpu.memory_space<semaphore_mem>> -> memref<1x!tpu.dma_semaphore, #tpu.memory_space<semaphore_mem>>
      %dma_wait3A_466 = tpu.memref_squeeze %dma_wait3A_465 : memref<1x!tpu.dma_semaphore, #tpu.memory_space<semaphore_mem>> -> memref<!tpu.dma_semaphore, #tpu.memory_space<semaphore_mem>>
      %dma_wait3A_467 = arith.constant 0 : i32
      %dma_wait3A_468 = arith.constant 0 : i32
      %dma_wait3A_469 = tpu.memref_slice %arg6[%dma_wait3A_458, %dma_wait3A_467, %dma_wait3A_468] : memref<4x128x80xf32, #tpu.memory_space<vmem>> -> memref<1x128x80xf32, #tpu.memory_space<vmem>>
      %dma_wait3A_470 = tpu.memref_squeeze %dma_wait3A_469 : memref<1x128x80xf32, #tpu.memory_space<vmem>> -> memref<128x80xf32, #tpu.memory_space<vmem>>
      %dma_wait3A_471 = tpu.memref_slice %arg2[%add3A_457, %mul3A_299] : memref<163840x640xf32, #tpu.memory_space<hbm>> -> memref<128x80xf32, #tpu.memory_space<hbm>>
      tpu.wait_dma2 semaphore(%dma_wait3A_466 : memref<!tpu.dma_semaphore, #tpu.memory_space<semaphore_mem>>) src(%dma_wait3A_471 : memref<128x80xf32, #tpu.memory_space<hbm>>) dst(%dma_wait3A_470 : memref<128x80xf32, #tpu.memory_space<vmem>>)
      %run_scoped3A_472 = arith.constant 2 : i32
      "tpu.region"() ({
        %run_scoped3A_511 = tpu.sem_alloc : memref<!tpu.dma_semaphore, #tpu.memory_space<semaphore_mem>>
        %dma_start3A_512 = arith.constant 0 : i32
        %dma_start3A_513 = arith.constant 0 : i32
        %dma_start3A_514 = tpu.memref_slice %arg6[%run_scoped3A_472, %dma_start3A_512, %dma_start3A_513] : memref<4x128x80xf32, #tpu.memory_space<vmem>> -> memref<1x128x80xf32, #tpu.memory_space<vmem>>
        %dma_start3A_515 = tpu.memref_squeeze %dma_start3A_514 : memref<1x128x80xf32, #tpu.memory_space<vmem>> -> memref<128x80xf32, #tpu.memory_space<vmem>>
        %dma_start3A_516 = arith.constant 0 : i32
        %dma_start3A_517 = tpu.memref_slice %arg5[%add3A_452, %dma_start3A_516] : memref<80x128xi32, #tpu.memory_space<vmem>> -> memref<1x128xi32, #tpu.memory_space<vmem>>
        %dma_start3A_518 = tpu.memref_squeeze %dma_start3A_517 : memref<1x128xi32, #tpu.memory_space<vmem>> -> memref<128xi32, #tpu.memory_space<vmem>>
        %dma_start3A_519 = arith.constant 0 : i32
        %dma_start3A_520 = arith.constant 0 : i32
        %dma_start3A_521 = tpu.memref_slice %arg8[%dma_start3A_519, %dma_start3A_520] : memref<10000x80xf32, #tpu.memory_space<vmem_shared>> -> memref<10000x80xf32, #tpu.memory_space<vmem_shared>>
        tpu.enqueue_indirect_dma source(%dma_start3A_515 : memref<128x80xf32, #tpu.memory_space<vmem>>) target(%dma_start3A_521 : memref<10000x80xf32, #tpu.memory_space<vmem_shared>>) offsets(%dma_start3A_518 : memref<128xi32, #tpu.memory_space<vmem>>) semaphore(%run_scoped3A_511 : memref<!tpu.dma_semaphore, #tpu.memory_space<semaphore_mem>>) {add = true}
        %dma_wait3A_522 = arith.constant 0 : i32
        %dma_wait3A_523 = arith.constant 0 : i32
        %dma_wait3A_524 = tpu.memref_slice %arg6[%run_scoped3A_472, %dma_wait3A_522, %dma_wait3A_523] : memref<4x128x80xf32, #tpu.memory_space<vmem>> -> memref<1x128x80xf32, #tpu.memory_space<vmem>>
        %dma_wait3A_525 = tpu.memref_squeeze %dma_wait3A_524 : memref<1x128x80xf32, #tpu.memory_space<vmem>> -> memref<128x80xf32, #tpu.memory_space<vmem>>
        %dma_wait3A_526 = arith.constant 0 : i32
        %dma_wait3A_527 = tpu.memref_slice %arg5[%add3A_452, %dma_wait3A_526] : memref<80x128xi32, #tpu.memory_space<vmem>> -> memref<1x128xi32, #tpu.memory_space<vmem>>
        %dma_wait3A_528 = tpu.memref_squeeze %dma_wait3A_527 : memref<1x128xi32, #tpu.memory_space<vmem>> -> memref<128xi32, #tpu.memory_space<vmem>>
        %dma_wait3A_529 = arith.constant 0 : i32
        %dma_wait3A_530 = arith.constant 0 : i32
        %dma_wait3A_531 = tpu.memref_slice %arg8[%dma_wait3A_529, %dma_wait3A_530] : memref<10000x80xf32, #tpu.memory_space<vmem_shared>> -> memref<10000x80xf32, #tpu.memory_space<vmem_shared>>
        tpu.wait_indirect_dma semaphore(%run_scoped3A_511 : memref<!tpu.dma_semaphore, #tpu.memory_space<semaphore_mem>>) src(%dma_wait3A_525 : memref<128x80xf32, #tpu.memory_space<vmem>>) dst(%dma_wait3A_531 : memref<10000x80xf32, #tpu.memory_space<vmem_shared>>)
        tpu.yield
      }) : () -> ()
      %add3A_473 = arith.constant 4 : i32
      %add3A_474 = arith.addi %add3A_452, %add3A_473 : i32
      %lt3A_475 = arith.constant 80 : i32
      %lt3A_476 = arith.cmpi slt, %add3A_474, %lt3A_475 : i32
      %convert_element_type3A_477 = arith.extui %lt3A_476 : i1 to i32
      %cond3A_478 = arith.constant 0 : i32
      %cond3A_479 = arith.cmpi ne, %convert_element_type3A_477, %cond3A_478 : i32
      scf.if %cond3A_479 {
        %add3A_511 = arith.constant 4 : i32
        %add3A_512 = arith.addi %add3A_452, %add3A_511 : i32
        %mul3A_513 = arith.constant 10240 : i32
        %mul3A_514 = arith.muli %arg1, %mul3A_513 : i32
        %mul3A_515 = arith.constant 128 : i32
        %mul3A_516 = arith.muli %add3A_512, %mul3A_515 : i32
        %add3A_517 = arith.addi %mul3A_514, %mul3A_516 : i32
        %dma_start3A_518 = arith.constant 2 : i32
        %dma_start3A_519 = arith.constant 2 : i32
        %dma_start3A_520 = arith.constant 0 : i32
        %dma_start3A_521 = arith.constant 0 : i32
        %dma_start3A_522 = tpu.memref_slice %arg6[%dma_start3A_518, %dma_start3A_520, %dma_start3A_521] : memref<4x128x80xf32, #tpu.memory_space<vmem>> -> memref<1x128x80xf32, #tpu.memory_space<vmem>>
        %dma_start3A_523 = tpu.memref_squeeze %dma_start3A_522 : memref<1x128x80xf32, #tpu.memory_space<vmem>> -> memref<128x80xf32, #tpu.memory_space<vmem>>
        %dma_start3A_524 = tpu.memref_slice %arg2[%add3A_517, %mul3A_299] : memref<163840x640xf32, #tpu.memory_space<hbm>> -> memref<128x80xf32, #tpu.memory_space<hbm>>
        %dma_start3A_525 = tpu.memref_slice %arg9[%dma_start3A_519] : memref<4x!tpu.dma_semaphore, #tpu.memory_space<semaphore_mem>> -> memref<1x!tpu.dma_semaphore, #tpu.memory_space<semaphore_mem>>
        %dma_start3A_526 = tpu.memref_squeeze %dma_start3A_525 : memref<1x!tpu.dma_semaphore, #tpu.memory_space<semaphore_mem>> -> memref<!tpu.dma_semaphore, #tpu.memory_space<semaphore_mem>>
        %dma_start3A_527 = arith.constant 0 : i32
        %dma_start3A_528 = arith.constant 0 : i32
        %dma_start3A_529 = tpu.memref_slice %arg6[%dma_start3A_518, %dma_start3A_527, %dma_start3A_528] : memref<4x128x80xf32, #tpu.memory_space<vmem>> -> memref<1x128x80xf32, #tpu.memory_space<vmem>>
        %dma_start3A_530 = tpu.memref_squeeze %dma_start3A_529 : memref<1x128x80xf32, #tpu.memory_space<vmem>> -> memref<128x80xf32, #tpu.memory_space<vmem>>
        %dma_start3A_531 = tpu.memref_slice %arg2[%add3A_517, %mul3A_299] : memref<163840x640xf32, #tpu.memory_space<hbm>> -> memref<128x80xf32, #tpu.memory_space<hbm>>
        tpu.enqueue_dma source(%dma_start3A_531 : memref<128x80xf32, #tpu.memory_space<hbm>>) target(%dma_start3A_530 : memref<128x80xf32, #tpu.memory_space<vmem>>) target_semaphore(%dma_start3A_526 : memref<!tpu.dma_semaphore, #tpu.memory_space<semaphore_mem>>)
      } else {
      }
      %mul3A_480 = arith.constant 4 : i32
      %mul3A_481 = arith.muli %mul3A_480, %scan3A_391 : i32
      %add3A_482 = arith.constant 3 : i32
      %add3A_483 = arith.addi %mul3A_481, %add3A_482 : i32
      %mul3A_484 = arith.constant 10240 : i32
      %mul3A_485 = arith.muli %arg1, %mul3A_484 : i32
      %mul3A_486 = arith.constant 128 : i32
      %mul3A_487 = arith.muli %add3A_483, %mul3A_486 : i32
      %add3A_488 = arith.addi %mul3A_485, %mul3A_487 : i32
      %dma_wait3A_489 = arith.constant 3 : i32
      %dma_wait3A_490 = arith.constant 3 : i32
      %dma_wait3A_491 = arith.constant 0 : i32
      %dma_wait3A_492 = arith.constant 0 : i32
      %dma_wait3A_493 = tpu.memref_slice %arg6[%dma_wait3A_489, %dma_wait3A_491, %dma_wait3A_492] : memref<4x128x80xf32, #tpu.memory_space<vmem>> -> memref<1x128x80xf32, #tpu.memory_space<vmem>>
      %dma_wait3A_494 = tpu.memref_squeeze %dma_wait3A_493 : memref<1x128x80xf32, #tpu.memory_space<vmem>> -> memref<128x80xf32, #tpu.memory_space<vmem>>
      %dma_wait3A_495 = tpu.memref_slice %arg2[%add3A_488, %mul3A_299] : memref<163840x640xf32, #tpu.memory_space<hbm>> -> memref<128x80xf32, #tpu.memory_space<hbm>>
      %dma_wait3A_496 = tpu.memref_slice %arg9[%dma_wait3A_490] : memref<4x!tpu.dma_semaphore, #tpu.memory_space<semaphore_mem>> -> memref<1x!tpu.dma_semaphore, #tpu.memory_space<semaphore_mem>>
      %dma_wait3A_497 = tpu.memref_squeeze %dma_wait3A_496 : memref<1x!tpu.dma_semaphore, #tpu.memory_space<semaphore_mem>> -> memref<!tpu.dma_semaphore, #tpu.memory_space<semaphore_mem>>
      %dma_wait3A_498 = arith.constant 0 : i32
      %dma_wait3A_499 = arith.constant 0 : i32
      %dma_wait3A_500 = tpu.memref_slice %arg6[%dma_wait3A_489, %dma_wait3A_498, %dma_wait3A_499] : memref<4x128x80xf32, #tpu.memory_space<vmem>> -> memref<1x128x80xf32, #tpu.memory_space<vmem>>
      %dma_wait3A_501 = tpu.memref_squeeze %dma_wait3A_500 : memref<1x128x80xf32, #tpu.memory_space<vmem>> -> memref<128x80xf32, #tpu.memory_space<vmem>>
      %dma_wait3A_502 = tpu.memref_slice %arg2[%add3A_488, %mul3A_299] : memref<163840x640xf32, #tpu.memory_space<hbm>> -> memref<128x80xf32, #tpu.memory_space<hbm>>
      tpu.wait_dma2 semaphore(%dma_wait3A_497 : memref<!tpu.dma_semaphore, #tpu.memory_space<semaphore_mem>>) src(%dma_wait3A_502 : memref<128x80xf32, #tpu.memory_space<hbm>>) dst(%dma_wait3A_501 : memref<128x80xf32, #tpu.memory_space<vmem>>)
      %run_scoped3A_503 = arith.constant 3 : i32
      "tpu.region"() ({
        %run_scoped3A_511 = tpu.sem_alloc : memref<!tpu.dma_semaphore, #tpu.memory_space<semaphore_mem>>
        %dma_start3A_512 = arith.constant 0 : i32
        %dma_start3A_513 = arith.constant 0 : i32
        %dma_start3A_514 = tpu.memref_slice %arg6[%run_scoped3A_503, %dma_start3A_512, %dma_start3A_513] : memref<4x128x80xf32, #tpu.memory_space<vmem>> -> memref<1x128x80xf32, #tpu.memory_space<vmem>>
        %dma_start3A_515 = tpu.memref_squeeze %dma_start3A_514 : memref<1x128x80xf32, #tpu.memory_space<vmem>> -> memref<128x80xf32, #tpu.memory_space<vmem>>
        %dma_start3A_516 = arith.constant 0 : i32
        %dma_start3A_517 = tpu.memref_slice %arg5[%add3A_483, %dma_start3A_516] : memref<80x128xi32, #tpu.memory_space<vmem>> -> memref<1x128xi32, #tpu.memory_space<vmem>>
        %dma_start3A_518 = tpu.memref_squeeze %dma_start3A_517 : memref<1x128xi32, #tpu.memory_space<vmem>> -> memref<128xi32, #tpu.memory_space<vmem>>
        %dma_start3A_519 = arith.constant 0 : i32
        %dma_start3A_520 = arith.constant 0 : i32
        %dma_start3A_521 = tpu.memref_slice %arg8[%dma_start3A_519, %dma_start3A_520] : memref<10000x80xf32, #tpu.memory_space<vmem_shared>> -> memref<10000x80xf32, #tpu.memory_space<vmem_shared>>
        tpu.enqueue_indirect_dma source(%dma_start3A_515 : memref<128x80xf32, #tpu.memory_space<vmem>>) target(%dma_start3A_521 : memref<10000x80xf32, #tpu.memory_space<vmem_shared>>) offsets(%dma_start3A_518 : memref<128xi32, #tpu.memory_space<vmem>>) semaphore(%run_scoped3A_511 : memref<!tpu.dma_semaphore, #tpu.memory_space<semaphore_mem>>) {add = true}
        %dma_wait3A_522 = arith.constant 0 : i32
        %dma_wait3A_523 = arith.constant 0 : i32
        %dma_wait3A_524 = tpu.memref_slice %arg6[%run_scoped3A_503, %dma_wait3A_522, %dma_wait3A_523] : memref<4x128x80xf32, #tpu.memory_space<vmem>> -> memref<1x128x80xf32, #tpu.memory_space<vmem>>
        %dma_wait3A_525 = tpu.memref_squeeze %dma_wait3A_524 : memref<1x128x80xf32, #tpu.memory_space<vmem>> -> memref<128x80xf32, #tpu.memory_space<vmem>>
        %dma_wait3A_526 = arith.constant 0 : i32
        %dma_wait3A_527 = tpu.memref_slice %arg5[%add3A_483, %dma_wait3A_526] : memref<80x128xi32, #tpu.memory_space<vmem>> -> memref<1x128xi32, #tpu.memory_space<vmem>>
        %dma_wait3A_528 = tpu.memref_squeeze %dma_wait3A_527 : memref<1x128xi32, #tpu.memory_space<vmem>> -> memref<128xi32, #tpu.memory_space<vmem>>
        %dma_wait3A_529 = arith.constant 0 : i32
        %dma_wait3A_530 = arith.constant 0 : i32
        %dma_wait3A_531 = tpu.memref_slice %arg8[%dma_wait3A_529, %dma_wait3A_530] : memref<10000x80xf32, #tpu.memory_space<vmem_shared>> -> memref<10000x80xf32, #tpu.memory_space<vmem_shared>>
        tpu.wait_indirect_dma semaphore(%run_scoped3A_511 : memref<!tpu.dma_semaphore, #tpu.memory_space<semaphore_mem>>) src(%dma_wait3A_525 : memref<128x80xf32, #tpu.memory_space<vmem>>) dst(%dma_wait3A_531 : memref<10000x80xf32, #tpu.memory_space<vmem_shared>>)
        tpu.yield
      }) : () -> ()
      %add3A_504 = arith.constant 4 : i32
      %add3A_505 = arith.addi %add3A_483, %add3A_504 : i32
      %lt3A_506 = arith.constant 80 : i32
      %lt3A_507 = arith.cmpi slt, %add3A_505, %lt3A_506 : i32
      %convert_element_type3A_508 = arith.extui %lt3A_507 : i1 to i32
      %cond3A_509 = arith.constant 0 : i32
      %cond3A_510 = arith.cmpi ne, %convert_element_type3A_508, %cond3A_509 : i32
      scf.if %cond3A_510 {
        %add3A_511 = arith.constant 4 : i32
        %add3A_512 = arith.addi %add3A_483, %add3A_511 : i32
        %mul3A_513 = arith.constant 10240 : i32
        %mul3A_514 = arith.muli %arg1, %mul3A_513 : i32
        %mul3A_515 = arith.constant 128 : i32
        %mul3A_516 = arith.muli %add3A_512, %mul3A_515 : i32
        %add3A_517 = arith.addi %mul3A_514, %mul3A_516 : i32
        %dma_start3A_518 = arith.constant 3 : i32
        %dma_start3A_519 = arith.constant 3 : i32
        %dma_start3A_520 = arith.constant 0 : i32
        %dma_start3A_521 = arith.constant 0 : i32
        %dma_start3A_522 = tpu.memref_slice %arg6[%dma_start3A_518, %dma_start3A_520, %dma_start3A_521] : memref<4x128x80xf32, #tpu.memory_space<vmem>> -> memref<1x128x80xf32, #tpu.memory_space<vmem>>
        %dma_start3A_523 = tpu.memref_squeeze %dma_start3A_522 : memref<1x128x80xf32, #tpu.memory_space<vmem>> -> memref<128x80xf32, #tpu.memory_space<vmem>>
        %dma_start3A_524 = tpu.memref_slice %arg2[%add3A_517, %mul3A_299] : memref<163840x640xf32, #tpu.memory_space<hbm>> -> memref<128x80xf32, #tpu.memory_space<hbm>>
        %dma_start3A_525 = tpu.memref_slice %arg9[%dma_start3A_519] : memref<4x!tpu.dma_semaphore, #tpu.memory_space<semaphore_mem>> -> memref<1x!tpu.dma_semaphore, #tpu.memory_space<semaphore_mem>>
        %dma_start3A_526 = tpu.memref_squeeze %dma_start3A_525 : memref<1x!tpu.dma_semaphore, #tpu.memory_space<semaphore_mem>> -> memref<!tpu.dma_semaphore, #tpu.memory_space<semaphore_mem>>
        %dma_start3A_527 = arith.constant 0 : i32
        %dma_start3A_528 = arith.constant 0 : i32
        %dma_start3A_529 = tpu.memref_slice %arg6[%dma_start3A_518, %dma_start3A_527, %dma_start3A_528] : memref<4x128x80xf32, #tpu.memory_space<vmem>> -> memref<1x128x80xf32, #tpu.memory_space<vmem>>
        %dma_start3A_530 = tpu.memref_squeeze %dma_start3A_529 : memref<1x128x80xf32, #tpu.memory_space<vmem>> -> memref<128x80xf32, #tpu.memory_space<vmem>>
        %dma_start3A_531 = tpu.memref_slice %arg2[%add3A_517, %mul3A_299] : memref<163840x640xf32, #tpu.memory_space<hbm>> -> memref<128x80xf32, #tpu.memory_space<hbm>>
        tpu.enqueue_dma source(%dma_start3A_531 : memref<128x80xf32, #tpu.memory_space<hbm>>) target(%dma_start3A_530 : memref<128x80xf32, #tpu.memory_space<vmem>>) target_semaphore(%dma_start3A_526 : memref<!tpu.dma_semaphore, #tpu.memory_space<semaphore_mem>>)
      } else {
      }
    }
    %scan3A_384 = arith.constant 20 : i32
    %barrier3A_385 = arith.constant 0 : index
    tpu.barrier barrier_id(%barrier3A_385)
    %mul3A_386 = arith.constant 625 : i32
    %mul3A_387 = arith.muli %arg1, %mul3A_386 : i32
    %mul3A_388 = arith.constant 625 : i32
    %mul3A_389 = arith.muli %arg1, %mul3A_388 : i32
    "tpu.region"() ({
      %run_scoped3A = tpu.sem_alloc : memref<!tpu.dma_semaphore, #tpu.memory_space<semaphore_mem>>
      %dma_start3A_391 = tpu.memref_slice %arg4[%mul3A_389, %mul3A_299] : memref<10000x640xf32, #tpu.memory_space<hbm>> -> memref<625x80xf32, #tpu.memory_space<hbm>>
      %dma_start3A_392 = arith.constant 0 : i32
      %dma_start3A_393 = tpu.memref_slice %arg8[%mul3A_387, %dma_start3A_392] : memref<10000x80xf32, #tpu.memory_space<vmem_shared>> -> memref<625x80xf32, #tpu.memory_space<vmem_shared>>
      tpu.enqueue_dma source(%dma_start3A_393 : memref<625x80xf32, #tpu.memory_space<vmem_shared>>) target(%dma_start3A_391 : memref<625x80xf32, #tpu.memory_space<hbm>>) target_semaphore(%run_scoped3A : memref<!tpu.dma_semaphore, #tpu.memory_space<semaphore_mem>>)
      %dma_wait3A = tpu.memref_slice %arg4[%mul3A_389, %mul3A_299] : memref<10000x640xf32, #tpu.memory_space<hbm>> -> memref<625x80xf32, #tpu.memory_space<hbm>>
      %dma_wait3A_394 = arith.constant 0 : i32
      %dma_wait3A_395 = tpu.memref_slice %arg8[%mul3A_387, %dma_wait3A_394] : memref<10000x80xf32, #tpu.memory_space<vmem_shared>> -> memref<625x80xf32, #tpu.memory_space<vmem_shared>>
      tpu.wait_dma2 semaphore(%run_scoped3A : memref<!tpu.dma_semaphore, #tpu.memory_space<semaphore_mem>>) src(%dma_wait3A_395 : memref<625x80xf32, #tpu.memory_space<vmem_shared>>) dst(%dma_wait3A : memref<625x80xf32, #tpu.memory_space<hbm>>)
      tpu.yield
    }) : () -> ()
    %barrier3A_390 = arith.constant 0 : index
    tpu.barrier barrier_id(%barrier3A_390)
    return
  }
}

module attributes {stable_mosaic.version = 14 : i64} {
  func.func @_prep_body(%arg0: memref<10000x1xi32, #tpu.memory_space<vmem>>, %arg1: memref<100x64xf32, #tpu.memory_space<vmem>>, %arg2: memref<64x64xf32, #tpu.memory_space<vmem>>, %arg3: memref<64x64xf32, #tpu.memory_space<vmem>>, %arg4: memref<10000x64xf32, #tpu.memory_space<vmem>>, %arg5: memref<10000x64xf32, #tpu.memory_space<vmem>>) attributes {dimension_semantics = [], scalar_prefetch = 0 : i64, scratch_operands = 0 : i64, tpu.core_type = #tpu.core_type<tc>} {
    %get3A = arith.constant 0 : index
    %get3A_0 = arith.constant 0 : index
    %get3A_1 = vector.load %arg0[%get3A, %get3A_0] : memref<10000x1xi32, #tpu.memory_space<vmem>>, vector<10000x1xi32>
    %iota3A = tpu.iota {dimensions = array<i32: 1>} : vector<10000x100xi32>
    %eq3A = vector.broadcast %get3A_1 : vector<10000x1xi32> to vector<10000x100xi32>
    %eq3A_2 = arith.cmpi eq, %eq3A, %iota3A : vector<10000x100xi32>
    %convert_element_type3A = arith.extui %eq3A_2 : vector<10000x100xi1> to vector<10000x100xi32>
    %convert_element_type3A_3 = arith.sitofp %convert_element_type3A : vector<10000x100xi32> to vector<10000x100xf32>
    %get3A_4 = arith.constant 0 : index
    %get3A_5 = arith.constant 0 : index
    %get3A_6 = vector.load %arg1[%get3A_4, %get3A_5] : memref<100x64xf32, #tpu.memory_space<vmem>>, vector<100x64xf32>
    %dot_general3A = arith.constant dense<0.000000e+00> : vector<10000x64xf32>
    %dot_general3A_7 = tpu.matmul %convert_element_type3A_3, %get3A_6, %dot_general3A {dimension_numbers = #tpu.dot_dimension_numbers<[1], [0], [0], [1], [0, 0, 1, 1], [], []>, transpose_lhs_hint = false} : vector<10000x100xf32>, vector<100x64xf32>, vector<10000x64xf32> -> vector<10000x64xf32>
    %get3A_8 = arith.constant 0 : index
    %get3A_9 = arith.constant 0 : index
    %get3A_10 = vector.load %arg2[%get3A_8, %get3A_9] : memref<64x64xf32, #tpu.memory_space<vmem>>, vector<64x64xf32>
    %dot_general3A_11 = arith.constant dense<0.000000e+00> : vector<10000x64xf32>
    %dot_general3A_12 = tpu.matmul %dot_general3A_7, %get3A_10, %dot_general3A_11 {dimension_numbers = #tpu.dot_dimension_numbers<[1], [0], [0], [1], [0, 0, 1, 1], [], []>, transpose_lhs_hint = false} : vector<10000x64xf32>, vector<64x64xf32>, vector<10000x64xf32> -> vector<10000x64xf32>
    %swap3A = arith.constant 0 : index
    %swap3A_13 = arith.constant 0 : index
    %swap3A_14 = vector.load %arg4[%swap3A, %swap3A_13] : memref<10000x64xf32, #tpu.memory_space<vmem>>, vector<10000x64xf32>
    tpu.vector_store %arg4[%swap3A, %swap3A_13], %dot_general3A_12 {strides = array<i32>} : memref<10000x64xf32, #tpu.memory_space<vmem>>, vector<10000x64xf32>,
    %get3A_15 = arith.constant 0 : index
    %get3A_16 = arith.constant 0 : index
    %get3A_17 = vector.load %arg3[%get3A_15, %get3A_16] : memref<64x64xf32, #tpu.memory_space<vmem>>, vector<64x64xf32>
    %dot_general3A_18 = arith.constant dense<0.000000e+00> : vector<10000x64xf32>
    %dot_general3A_19 = tpu.matmul %dot_general3A_7, %get3A_17, %dot_general3A_18 {dimension_numbers = #tpu.dot_dimension_numbers<[1], [0], [0], [1], [0, 0, 1, 1], [], []>, transpose_lhs_hint = false} : vector<10000x64xf32>, vector<64x64xf32>, vector<10000x64xf32> -> vector<10000x64xf32>
    %swap3A_20 = arith.constant 0 : index
    %swap3A_21 = arith.constant 0 : index
    %swap3A_22 = vector.load %arg5[%swap3A_20, %swap3A_21] : memref<10000x64xf32, #tpu.memory_space<vmem>>, vector<10000x64xf32>
    tpu.vector_store %arg5[%swap3A_20, %swap3A_21], %dot_general3A_19 {strides = array<i32>} : memref<10000x64xf32, #tpu.memory_space<vmem>>, vector<10000x64xf32>,
    return
  }
}

module attributes {stable_mosaic.version = 14 : i64} {
  func.func @_edge_body(%arg0: i32, %arg1: memref<1024x64xf32, #tpu.memory_space<vmem>>, %arg2: memref<1024x64xf32, #tpu.memory_space<vmem>>, %arg3: memref<1x4x1024xf32, #tpu.memory_space<vmem>>, %arg4: memref<32x1024xf32, #tpu.memory_space<vmem>>, %arg5: memref<32x640xf32, #tpu.memory_space<vmem>>, %arg6: memref<1x640xf32, #tpu.memory_space<vmem>>, %arg7: memref<1x64xf32, #tpu.memory_space<vmem>>, %arg8: memref<10x640xf32, #tpu.memory_space<vmem>>, %arg9: memref<1024x640xf32, #tpu.memory_space<vmem>>, %arg10: memref<1024x32xf32, #tpu.memory_space<vmem>>) attributes {dimension_semantics = [#tpu.dimension_semantics<arbitrary>], iteration_bounds = array<i64: 160>, scalar_prefetch = 0 : i64, scratch_operands = 0 : i64, tpu.core_type = #tpu.core_type<tc>, window_params = [{transform_indices = @transform_0, window_bounds = array<i64: 1024, 64>}, {transform_indices = @transform_1, window_bounds = array<i64: 1024, 64>}, {transform_indices = @transform_2, window_bounds = array<i64: 1, 4, 1024>}, {pipeline_mode = #tpu.pipeline_mode<synchronous>, transform_indices = @transform_3, window_bounds = array<i64: 32, 1024>}, {pipeline_mode = #tpu.pipeline_mode<synchronous>, transform_indices = @transform_4, window_bounds = array<i64: 32, 640>}, {pipeline_mode = #tpu.pipeline_mode<synchronous>, transform_indices = @transform_5, window_bounds = array<i64: 1, 640>}, {pipeline_mode = #tpu.pipeline_mode<synchronous>, transform_indices = @transform_6, window_bounds = array<i64: 1, 64>}, {pipeline_mode = #tpu.pipeline_mode<synchronous>, transform_indices = @transform_7, window_bounds = array<i64: 10, 640>}, {transform_indices = @transform_8, window_bounds = array<i64: 1024, 640>}, {transform_indices = @transform_9, window_bounds = array<i64: 1024, 32>}]} {
    %get3A = arith.constant 0 : index
    %get3A_0 = arith.constant 0 : index
    %get3A_1 = arith.constant 0 : index
    %get3A_2 = vector.load %arg3[%get3A, %get3A_0, %get3A_1] : memref<1x4x1024xf32, #tpu.memory_space<vmem>>, vector<1x4x1024xf32>
    %get3A_3 = vector.shape_cast %get3A_2 : vector<1x4x1024xf32> to vector<4x1024xf32>
    %slice3A = vector.extract_strided_slice %get3A_3 {offsets = [0, 0], sizes = [1, 1024], strides = [1, 1]} : vector<4x1024xf32> to vector<1x1024xf32>
    %div3A = arith.constant 1.000000e+00 : f32
    %div3A_4 = vector.broadcast %div3A : f32 to vector<1x1024xf32>
    %div3A_5 = arith.divf %div3A_4, %slice3A : vector<1x1024xf32>
    %lt3A = arith.constant 5.000000e+00 : f32
    %lt3A_6 = vector.broadcast %lt3A : f32 to vector<1x1024xf32>
    %lt3A_7 = arith.cmpf olt, %slice3A, %lt3A_6 : vector<1x1024xf32>
    %mul3A = arith.constant 0.628318548 : f32
    %mul3A_8 = vector.broadcast %mul3A : f32 to vector<1x1024xf32>
    %mul3A_9 = arith.mulf %mul3A_8, %slice3A : vector<1x1024xf32>
    %cos3A = math.cos %mul3A_9 : vector<1x1024xf32>
    %add3A = arith.constant 1.000000e+00 : f32
    %add3A_10 = vector.broadcast %add3A : f32 to vector<1x1024xf32>
    %add3A_11 = arith.addf %cos3A, %add3A_10 : vector<1x1024xf32>
    %mul3A_12 = arith.constant 5.000000e-01 : f32
    %mul3A_13 = vector.broadcast %mul3A_12 : f32 to vector<1x1024xf32>
    %mul3A_14 = arith.mulf %mul3A_13, %add3A_11 : vector<1x1024xf32>
    %jit3A = arith.constant 0.000000e+00 : f32
    %broadcast_in_dim3A = vector.broadcast %jit3A : f32 to vector<1x1024xf32>
    %select_n3A = arith.select %lt3A_7, %mul3A_14, %broadcast_in_dim3A : vector<1x1024xi1>, vector<1x1024xf32>
    %slice3A_15 = vector.extract_strided_slice %get3A_3 {offsets = [1, 0], sizes = [3, 1024], strides = [1, 1]} : vector<4x1024xf32> to vector<3x1024xf32>
    %mul3A_16 = vector.broadcast %div3A_5 : vector<1x1024xf32> to vector<3x1024xf32>
    %mul3A_17 = arith.mulf %slice3A_15, %mul3A_16 : vector<3x1024xf32>
    %mul3A_18 = vector.broadcast %select_n3A : vector<1x1024xf32> to vector<3x1024xf32>
    %mul3A_19 = arith.mulf %mul3A_17, %mul3A_18 : vector<3x1024xf32>
    %slice3A_20 = vector.extract_strided_slice %mul3A_19 {offsets = [0, 0], sizes = [1, 1024], strides = [1, 1]} : vector<3x1024xf32> to vector<1x1024xf32>
    %slice3A_21 = vector.extract_strided_slice %mul3A_17 {offsets = [0, 0], sizes = [1, 1024], strides = [1, 1]} : vector<3x1024xf32> to vector<1x1024xf32>
    %mul3A_22 = arith.mulf %slice3A_20, %slice3A_21 : vector<1x1024xf32>
    %slice3A_23 = vector.extract_strided_slice %mul3A_19 {offsets = [1, 0], sizes = [1, 1024], strides = [1, 1]} : vector<3x1024xf32> to vector<1x1024xf32>
    %slice3A_24 = vector.extract_strided_slice %mul3A_17 {offsets = [1, 0], sizes = [1, 1024], strides = [1, 1]} : vector<3x1024xf32> to vector<1x1024xf32>
    %mul3A_25 = arith.mulf %slice3A_23, %slice3A_24 : vector<1x1024xf32>
    %slice3A_26 = vector.extract_strided_slice %mul3A_19 {offsets = [2, 0], sizes = [1, 1024], strides = [1, 1]} : vector<3x1024xf32> to vector<1x1024xf32>
    %slice3A_27 = vector.extract_strided_slice %mul3A_17 {offsets = [2, 0], sizes = [1, 1024], strides = [1, 1]} : vector<3x1024xf32> to vector<1x1024xf32>
    %mul3A_28 = arith.mulf %slice3A_26, %slice3A_27 : vector<1x1024xf32>
    %slice3A_29 = vector.extract_strided_slice %mul3A_19 {offsets = [0, 0], sizes = [1, 1024], strides = [1, 1]} : vector<3x1024xf32> to vector<1x1024xf32>
    %slice3A_30 = vector.extract_strided_slice %mul3A_17 {offsets = [1, 0], sizes = [1, 1024], strides = [1, 1]} : vector<3x1024xf32> to vector<1x1024xf32>
    %mul3A_31 = arith.mulf %slice3A_29, %slice3A_30 : vector<1x1024xf32>
    %slice3A_32 = vector.extract_strided_slice %mul3A_19 {offsets = [0, 0], sizes = [1, 1024], strides = [1, 1]} : vector<3x1024xf32> to vector<1x1024xf32>
    %slice3A_33 = vector.extract_strided_slice %mul3A_17 {offsets = [2, 0], sizes = [1, 1024], strides = [1, 1]} : vector<3x1024xf32> to vector<1x1024xf32>
    %mul3A_34 = arith.mulf %slice3A_32, %slice3A_33 : vector<1x1024xf32>
    %slice3A_35 = vector.extract_strided_slice %mul3A_19 {offsets = [1, 0], sizes = [1, 1024], strides = [1, 1]} : vector<3x1024xf32> to vector<1x1024xf32>
    %slice3A_36 = vector.extract_strided_slice %mul3A_17 {offsets = [2, 0], sizes = [1, 1024], strides = [1, 1]} : vector<3x1024xf32> to vector<1x1024xf32>
    %mul3A_37 = arith.mulf %slice3A_35, %slice3A_36 : vector<1x1024xf32>
    %concatenate3A = tpu.concatenate %select_n3A, %mul3A_19, %mul3A_22, %mul3A_25, %mul3A_28, %mul3A_31, %mul3A_34, %mul3A_37 in 0 : vector<1x1024xf32>, vector<3x1024xf32>, vector<1x1024xf32>, vector<1x1024xf32>, vector<1x1024xf32>, vector<1x1024xf32>, vector<1x1024xf32>, vector<1x1024xf32> -> vector<10x1024xf32>
    %neg3A = arith.constant 0.000000e+00 : f32
    %neg3A_38 = vector.broadcast %neg3A : f32 to vector<1x1024xf32>
    %neg3A_39 = arith.subf %neg3A_38, %slice3A : vector<1x1024xf32>
    %exp3A = math.exp %neg3A_39 : vector<1x1024xf32>
    %broadcast_in_dim3A_40 = vector.shape_cast %exp3A : vector<1x1024xf32> to vector<1x1024xf32>
    %broadcast_in_dim3A_41 = vector.broadcast %broadcast_in_dim3A_40 : vector<1x1024xf32> to vector<32x1024xf32>
    %get3A_42 = arith.constant 0 : index
    %get3A_43 = arith.constant 0 : index
    %get3A_44 = vector.load %arg4[%get3A_42, %get3A_43] : memref<32x1024xf32, #tpu.memory_space<vmem>>, vector<32x1024xf32>
    %sub3A = arith.subf %broadcast_in_dim3A_41, %get3A_44 : vector<32x1024xf32>
    %mul3A_45 = arith.constant -259.485016 : f32
    %mul3A_46 = vector.broadcast %mul3A_45 : f32 to vector<32x1024xf32>
    %mul3A_47 = arith.mulf %mul3A_46, %sub3A : vector<32x1024xf32>
    %mul3A_48 = arith.mulf %mul3A_47, %sub3A : vector<32x1024xf32>
    %exp3A_49 = math.exp %mul3A_48 : vector<32x1024xf32>
    %broadcast_in_dim3A_50 = vector.shape_cast %select_n3A : vector<1x1024xf32> to vector<1x1024xf32>
    %broadcast_in_dim3A_51 = vector.broadcast %broadcast_in_dim3A_50 : vector<1x1024xf32> to vector<32x1024xf32>
    %mul3A_52 = arith.mulf %exp3A_49, %broadcast_in_dim3A_51 : vector<32x1024xf32>
    %transpose3A = tpu.transpose %mul3A_52, [1, 0] : vector<32x1024xf32> -> vector<1024x32xf32>
    %swap3A = arith.constant 0 : index
    %swap3A_53 = arith.constant 0 : index
    %swap3A_54 = vector.load %arg10[%swap3A, %swap3A_53] : memref<1024x32xf32, #tpu.memory_space<vmem>>, vector<1024x32xf32>
    tpu.vector_store %arg10[%swap3A, %swap3A_53], %transpose3A {strides = array<i32>} : memref<1024x32xf32, #tpu.memory_space<vmem>>, vector<1024x32xf32>,
    %get3A_55 = arith.constant 0 : index
    %get3A_56 = arith.constant 0 : index
    %get3A_57 = vector.load %arg5[%get3A_55, %get3A_56] : memref<32x640xf32, #tpu.memory_space<vmem>>, vector<32x640xf32>
    %dot_general3A = arith.constant dense<0.000000e+00> : vector<1024x640xf32>
    %dot_general3A_58 = tpu.matmul %mul3A_52, %get3A_57, %dot_general3A {dimension_numbers = #tpu.dot_dimension_numbers<[0], [0], [1], [1], [0, 1, 1, 1], [], []>, transpose_lhs_hint = false} : vector<32x1024xf32>, vector<32x640xf32>, vector<1024x640xf32> -> vector<1024x640xf32>
    %get3A_59 = arith.constant 0 : index
    %get3A_60 = arith.constant 0 : index
    %get3A_61 = vector.load %arg6[%get3A_59, %get3A_60] : memref<1x640xf32, #tpu.memory_space<vmem>>, vector<1x640xf32>
    %add3A_62 = vector.broadcast %get3A_61 : vector<1x640xf32> to vector<1024x640xf32>
    %add3A_63 = arith.addf %dot_general3A_58, %add3A_62 : vector<1024x640xf32>
    %get3A_64 = arith.constant 0 : index
    %get3A_65 = arith.constant 0 : index
    %get3A_66 = vector.load %arg1[%get3A_64, %get3A_65] : memref<1024x64xf32, #tpu.memory_space<vmem>>, vector<1024x64xf32>
    %get3A_67 = arith.constant 0 : index
    %get3A_68 = arith.constant 0 : index
    %get3A_69 = vector.load %arg2[%get3A_67, %get3A_68] : memref<1024x64xf32, #tpu.memory_space<vmem>>, vector<1024x64xf32>
    %add3A_70 = arith.addf %get3A_66, %get3A_69 : vector<1024x64xf32>
    %get3A_71 = arith.constant 0 : index
    %get3A_72 = arith.constant 0 : index
    %get3A_73 = vector.load %arg7[%get3A_71, %get3A_72] : memref<1x64xf32, #tpu.memory_space<vmem>>, vector<1x64xf32>
    %add3A_74 = vector.broadcast %get3A_73 : vector<1x64xf32> to vector<1024x64xf32>
    %add3A_75 = arith.addf %add3A_70, %add3A_74 : vector<1024x64xf32>
    %concatenate3A_76 = tpu.concatenate %add3A_75, %add3A_75 in 1 : vector<1024x64xf32>, vector<1024x64xf32> -> vector<1024x128xf32>
    %convert_element_type3A = arith.truncf %concatenate3A : vector<10x1024xf32> to vector<10x1024xbf16>
    %convert_element_type3A_77 = arith.extf %convert_element_type3A : vector<10x1024xbf16> to vector<10x1024xf32>
    %sub3A_78 = arith.subf %concatenate3A, %convert_element_type3A_77 : vector<10x1024xf32>
    %get3A_79 = arith.constant 0 : index
    %get3A_80 = arith.constant 0 : index
    %get3A_81 = vector.load %arg8[%get3A_79, %get3A_80] : memref<10x640xf32, #tpu.memory_space<vmem>>, vector<10x640xf32>
    %dot_general3A_82 = arith.constant dense<0.000000e+00> : vector<1024x640xf32>
    %dot_general3A_83 = tpu.matmul %convert_element_type3A_77, %get3A_81, %dot_general3A_82 {dimension_numbers = #tpu.dot_dimension_numbers<[0], [0], [1], [1], [0, 1, 1, 1], [], []>, transpose_lhs_hint = false} : vector<10x1024xf32>, vector<10x640xf32>, vector<1024x640xf32> -> vector<1024x640xf32>
    %get3A_84 = arith.constant 0 : index
    %get3A_85 = arith.constant 0 : index
    %get3A_86 = vector.load %arg8[%get3A_84, %get3A_85] : memref<10x640xf32, #tpu.memory_space<vmem>>, vector<10x640xf32>
    %dot_general3A_87 = arith.constant dense<0.000000e+00> : vector<1024x640xf32>
    %dot_general3A_88 = tpu.matmul %sub3A_78, %get3A_86, %dot_general3A_87 {dimension_numbers = #tpu.dot_dimension_numbers<[0], [0], [1], [1], [0, 1, 1, 1], [], []>, transpose_lhs_hint = false} : vector<10x1024xf32>, vector<10x640xf32>, vector<1024x640xf32> -> vector<1024x640xf32>
    %add3A_89 = arith.addf %dot_general3A_83, %dot_general3A_88 : vector<1024x640xf32>
    %mul3A_90 = arith.mulf %add3A_63, %add3A_89 : vector<1024x640xf32>
    %slice3A_91 = vector.extract_strided_slice %mul3A_90 {offsets = [0, 0], sizes = [1024, 128], strides = [1, 1]} : vector<1024x640xf32> to vector<1024x128xf32>
    %mul3A_92 = arith.mulf %slice3A_91, %concatenate3A_76 : vector<1024x128xf32>
    %swap3A_93 = arith.constant 0 : index
    %swap3A_94 = arith.constant 0 : index
    %swap3A_95 = vector.load %arg9[%swap3A_93, %swap3A_94] : memref<1024x640xf32, #tpu.memory_space<vmem>>, vector<1024x128xf32>
    tpu.vector_store %arg9[%swap3A_93, %swap3A_94], %mul3A_92 {strides = array<i32>} : memref<1024x640xf32, #tpu.memory_space<vmem>>, vector<1024x128xf32>,
    %slice3A_96 = vector.extract_strided_slice %mul3A_90 {offsets = [0, 128], sizes = [1024, 128], strides = [1, 1]} : vector<1024x640xf32> to vector<1024x128xf32>
    %mul3A_97 = arith.mulf %slice3A_96, %concatenate3A_76 : vector<1024x128xf32>
    %swap3A_98 = arith.constant 0 : index
    %swap3A_99 = arith.constant 128 : index
    %swap3A_100 = vector.load %arg9[%swap3A_98, %swap3A_99] : memref<1024x640xf32, #tpu.memory_space<vmem>>, vector<1024x128xf32>
    tpu.vector_store %arg9[%swap3A_98, %swap3A_99], %mul3A_97 {strides = array<i32>} : memref<1024x640xf32, #tpu.memory_space<vmem>>, vector<1024x128xf32>,
    %slice3A_101 = vector.extract_strided_slice %mul3A_90 {offsets = [0, 256], sizes = [1024, 128], strides = [1, 1]} : vector<1024x640xf32> to vector<1024x128xf32>
    %mul3A_102 = arith.mulf %slice3A_101, %concatenate3A_76 : vector<1024x128xf32>
    %swap3A_103 = arith.constant 0 : index
    %swap3A_104 = arith.constant 256 : index
    %swap3A_105 = vector.load %arg9[%swap3A_103, %swap3A_104] : memref<1024x640xf32, #tpu.memory_space<vmem>>, vector<1024x128xf32>
    tpu.vector_store %arg9[%swap3A_103, %swap3A_104], %mul3A_102 {strides = array<i32>} : memref<1024x640xf32, #tpu.memory_space<vmem>>, vector<1024x128xf32>,
    %slice3A_106 = vector.extract_strided_slice %mul3A_90 {offsets = [0, 384], sizes = [1024, 128], strides = [1, 1]} : vector<1024x640xf32> to vector<1024x128xf32>
    %mul3A_107 = arith.mulf %slice3A_106, %concatenate3A_76 : vector<1024x128xf32>
    %swap3A_108 = arith.constant 0 : index
    %swap3A_109 = arith.constant 384 : index
    %swap3A_110 = vector.load %arg9[%swap3A_108, %swap3A_109] : memref<1024x640xf32, #tpu.memory_space<vmem>>, vector<1024x128xf32>
    tpu.vector_store %arg9[%swap3A_108, %swap3A_109], %mul3A_107 {strides = array<i32>} : memref<1024x640xf32, #tpu.memory_space<vmem>>, vector<1024x128xf32>,
    %slice3A_111 = vector.extract_strided_slice %mul3A_90 {offsets = [0, 512], sizes = [1024, 128], strides = [1, 1]} : vector<1024x640xf32> to vector<1024x128xf32>
    %mul3A_112 = arith.mulf %slice3A_111, %concatenate3A_76 : vector<1024x128xf32>
    %swap3A_113 = arith.constant 0 : index
    %swap3A_114 = arith.constant 512 : index
    %swap3A_115 = vector.load %arg9[%swap3A_113, %swap3A_114] : memref<1024x640xf32, #tpu.memory_space<vmem>>, vector<1024x128xf32>
    tpu.vector_store %arg9[%swap3A_113, %swap3A_114], %mul3A_112 {strides = array<i32>} : memref<1024x640xf32, #tpu.memory_space<vmem>>, vector<1024x128xf32>,
    return
  }
  func.func @transform_0(%arg0: i32) -> (i32, i32) {
    %c0_i32 = arith.constant 0 : i32
    %c0_i32_0 = arith.constant 0 : i32
    return %arg0, %c0_i32 : i32, i32
  }
  func.func @transform_1(%arg0: i32) -> (i32, i32) {
    %c0_i32 = arith.constant 0 : i32
    %c0_i32_0 = arith.constant 0 : i32
    return %arg0, %c0_i32 : i32, i32
  }
  func.func @transform_2(%arg0: i32) -> (i32, i32, i32) {
    %c0_i32 = arith.constant 0 : i32
    %c0_i32_0 = arith.constant 0 : i32
    %c0_i32_1 = arith.constant 0 : i32
    return %arg0, %c0_i32, %c0_i32_0 : i32, i32, i32
  }
  func.func @transform_3(%arg0: i32) -> (i32, i32) {
    %c0_i32 = arith.constant 0 : i32
    %c0_i32_0 = arith.constant 0 : i32
    %c0_i32_1 = arith.constant 0 : i32
    return %c0_i32, %c0_i32_0 : i32, i32
  }
  func.func @transform_4(%arg0: i32) -> (i32, i32) {
    %c0_i32 = arith.constant 0 : i32
    %c0_i32_0 = arith.constant 0 : i32
    %c0_i32_1 = arith.constant 0 : i32
    return %c0_i32, %c0_i32_0 : i32, i32
  }
  func.func @transform_5(%arg0: i32) -> (i32, i32) {
    %c0_i32 = arith.constant 0 : i32
    %c0_i32_0 = arith.constant 0 : i32
    %c0_i32_1 = arith.constant 0 : i32
    return %c0_i32, %c0_i32_0 : i32, i32
  }
  func.func @transform_6(%arg0: i32) -> (i32, i32) {
    %c0_i32 = arith.constant 0 : i32
    %c0_i32_0 = arith.constant 0 : i32
    %c0_i32_1 = arith.constant 0 : i32
    return %c0_i32, %c0_i32_0 : i32, i32
  }
  func.func @transform_7(%arg0: i32) -> (i32, i32) {
    %c0_i32 = arith.constant 0 : i32
    %c0_i32_0 = arith.constant 0 : i32
    %c0_i32_1 = arith.constant 0 : i32
    return %c0_i32, %c0_i32_0 : i32, i32
  }
  func.func @transform_8(%arg0: i32) -> (i32, i32) {
    %c0_i32 = arith.constant 0 : i32
    %c0_i32_0 = arith.constant 0 : i32
    return %arg0, %c0_i32 : i32, i32
  }
  func.func @transform_9(%arg0: i32) -> (i32, i32) {
    %c0_i32 = arith.constant 0 : i32
    %c0_i32_0 = arith.constant 0 : i32
    return %arg0, %c0_i32 : i32, i32
  }
}

module attributes {stable_mosaic.version = 14 : i64} {
  func.func @_slice_body(%arg0: i32, %arg1: memref<1280x32xf32, #tpu.memory_space<vmem>>, %arg2: memref<1280x32xf32, #tpu.memory_space<vmem>>) attributes {dimension_semantics = [#tpu.dimension_semantics<arbitrary>], iteration_bounds = array<i64: 125>, scalar_prefetch = 0 : i64, scratch_operands = 0 : i64, tpu.core_type = #tpu.core_type<tc>, window_params = [{transform_indices = @transform_0, window_bounds = array<i64: 1280, 32>}, {transform_indices = @transform_1, window_bounds = array<i64: 1280, 32>}]} {
    %get3A = arith.constant 0 : index
    %get3A_0 = arith.constant 0 : index
    %get3A_1 = vector.load %arg1[%get3A, %get3A_0] : memref<1280x32xf32, #tpu.memory_space<vmem>>, vector<1280x32xf32>
    %swap3A = arith.constant 0 : index
    %swap3A_2 = arith.constant 0 : index
    %swap3A_3 = vector.load %arg2[%swap3A, %swap3A_2] : memref<1280x32xf32, #tpu.memory_space<vmem>>, vector<1280x32xf32>
    tpu.vector_store %arg2[%swap3A, %swap3A_2], %get3A_1 {strides = array<i32>} : memref<1280x32xf32, #tpu.memory_space<vmem>>, vector<1280x32xf32>,
    return
  }
  func.func @transform_0(%arg0: i32) -> (i32, i32) {
    %c0_i32 = arith.constant 0 : i32
    %c0_i32_0 = arith.constant 0 : i32
    return %arg0, %c0_i32 : i32, i32
  }
  func.func @transform_1(%arg0: i32) -> (i32, i32) {
    %c0_i32 = arith.constant 0 : i32
    %c0_i32_0 = arith.constant 0 : i32
    return %arg0, %c0_i32 : i32, i32
  }
}

module attributes {stable_mosaic.version = 14 : i64} {
  func.func @_node_body(%arg0: i32, %arg1: memref<1000x640xf32, #tpu.memory_space<vmem>>, %arg2: memref<64x128xf32, #tpu.memory_space<vmem>>, %arg3: memref<1x128xf32, #tpu.memory_space<vmem>>, %arg4: memref<128x192xf32, #tpu.memory_space<vmem>>, %arg5: memref<1x192xf32, #tpu.memory_space<vmem>>, %arg6: memref<64x64xf32, #tpu.memory_space<vmem>>, %arg7: memref<64x64xf32, #tpu.memory_space<vmem>>, %arg8: memref<64x64xf32, #tpu.memory_space<vmem>>, %arg9: memref<1x64xf32, #tpu.memory_space<vmem>>, %arg10: memref<1x64xf32, #tpu.memory_space<vmem>>, %arg11: memref<1000x64xf32, #tpu.memory_space<vmem>>, %arg12: memref<1000x64xf32, #tpu.memory_space<vmem>>, %arg13: memref<1000x64xf32, #tpu.memory_space<vmem>>, %arg14: memref<1000x64xf32, #tpu.memory_space<vmem>>, %arg15: memref<1000x64xf32, #tpu.memory_space<vmem>>, %arg16: memref<1000x64xf32, #tpu.memory_space<vmem>>, %arg17: memref<1000x64xf32, #tpu.memory_space<vmem>>, %arg18: memref<1000x64xf32, #tpu.memory_space<vmem>>, %arg19: memref<1000x64xf32, #tpu.memory_space<vmem>>) attributes {dimension_semantics = [#tpu.dimension_semantics<arbitrary>], iteration_bounds = array<i64: 10>, scalar_prefetch = 0 : i64, scratch_operands = 0 : i64, tpu.core_type = #tpu.core_type<tc>, window_params = [{transform_indices = @transform_0, window_bounds = array<i64: 1000, 640>}, {pipeline_mode = #tpu.pipeline_mode<synchronous>, transform_indices = @transform_1, window_bounds = array<i64: 64, 128>}, {pipeline_mode = #tpu.pipeline_mode<synchronous>, transform_indices = @transform_2, window_bounds = array<i64: 1, 128>}, {pipeline_mode = #tpu.pipeline_mode<synchronous>, transform_indices = @transform_3, window_bounds = array<i64: 128, 192>}, {pipeline_mode = #tpu.pipeline_mode<synchronous>, transform_indices = @transform_4, window_bounds = array<i64: 1, 192>}, {pipeline_mode = #tpu.pipeline_mode<synchronous>, transform_indices = @transform_5, window_bounds = array<i64: 64, 64>}, {pipeline_mode = #tpu.pipeline_mode<synchronous>, transform_indices = @transform_6, window_bounds = array<i64: 64, 64>}, {pipeline_mode = #tpu.pipeline_mode<synchronous>, transform_indices = @transform_7, window_bounds = array<i64: 64, 64>}, {pipeline_mode = #tpu.pipeline_mode<synchronous>, transform_indices = @transform_8, window_bounds = array<i64: 1, 64>}, {pipeline_mode = #tpu.pipeline_mode<synchronous>, transform_indices = @transform_9, window_bounds = array<i64: 1, 64>}, {transform_indices = @transform_10, window_bounds = array<i64: 1000, 64>}, {transform_indices = @transform_11, window_bounds = array<i64: 1000, 64>}, {transform_indices = @transform_12, window_bounds = array<i64: 1000, 64>}, {transform_indices = @transform_13, window_bounds = array<i64: 1000, 64>}, {transform_indices = @transform_14, window_bounds = array<i64: 1000, 64>}, {transform_indices = @transform_15, window_bounds = array<i64: 1000, 64>}, {transform_indices = @transform_16, window_bounds = array<i64: 1000, 64>}, {transform_indices = @transform_17, window_bounds = array<i64: 1000, 64>}, {transform_indices = @transform_18, window_bounds = array<i64: 1000, 64>}]} {
    %get3A = arith.constant 0 : index
    %get3A_0 = arith.constant 0 : index
    %get3A_1 = vector.load %arg1[%get3A, %get3A_0] : memref<1000x640xf32, #tpu.memory_space<vmem>>, vector<1000x640xf32>
    %slice3A = vector.extract_strided_slice %get3A_1 {offsets = [0, 0], sizes = [1000, 64], strides = [1, 1]} : vector<1000x640xf32> to vector<1000x64xf32>
    %slice3A_2 = vector.extract_strided_slice %get3A_1 {offsets = [0, 64], sizes = [1000, 64], strides = [1, 1]} : vector<1000x640xf32> to vector<1000x64xf32>
    %slice3A_3 = vector.extract_strided_slice %get3A_1 {offsets = [0, 128], sizes = [1000, 64], strides = [1, 1]} : vector<1000x640xf32> to vector<1000x64xf32>
    %slice3A_4 = vector.extract_strided_slice %get3A_1 {offsets = [0, 192], sizes = [1000, 64], strides = [1, 1]} : vector<1000x640xf32> to vector<1000x64xf32>
    %slice3A_5 = vector.extract_strided_slice %get3A_1 {offsets = [0, 256], sizes = [1000, 64], strides = [1, 1]} : vector<1000x640xf32> to vector<1000x64xf32>
    %slice3A_6 = vector.extract_strided_slice %get3A_1 {offsets = [0, 320], sizes = [1000, 64], strides = [1, 1]} : vector<1000x640xf32> to vector<1000x64xf32>
    %slice3A_7 = vector.extract_strided_slice %get3A_1 {offsets = [0, 384], sizes = [1000, 64], strides = [1, 1]} : vector<1000x640xf32> to vector<1000x64xf32>
    %slice3A_8 = vector.extract_strided_slice %get3A_1 {offsets = [0, 448], sizes = [1000, 64], strides = [1, 1]} : vector<1000x640xf32> to vector<1000x64xf32>
    %slice3A_9 = vector.extract_strided_slice %get3A_1 {offsets = [0, 512], sizes = [1000, 64], strides = [1, 1]} : vector<1000x640xf32> to vector<1000x64xf32>
    %slice3A_10 = vector.extract_strided_slice %get3A_1 {offsets = [0, 576], sizes = [1000, 64], strides = [1, 1]} : vector<1000x640xf32> to vector<1000x64xf32>
    %add3A = arith.addf %slice3A_5, %slice3A_6 : vector<1000x64xf32>
    %add3A_11 = arith.addf %add3A, %slice3A_7 : vector<1000x64xf32>
    %mul3A = arith.constant 3.000000e+00 : f32
    %mul3A_12 = vector.broadcast %mul3A : f32 to vector<1000x64xf32>
    %mul3A_13 = arith.mulf %mul3A_12, %slice3A : vector<1000x64xf32>
    %mul3A_14 = arith.mulf %mul3A_13, %slice3A : vector<1000x64xf32>
    %mul3A_15 = arith.mulf %slice3A_2, %slice3A_2 : vector<1000x64xf32>
    %mul3A_16 = arith.mulf %slice3A_3, %slice3A_3 : vector<1000x64xf32>
    %add3A_17 = arith.addf %mul3A_15, %mul3A_16 : vector<1000x64xf32>
    %mul3A_18 = arith.mulf %slice3A_4, %slice3A_4 : vector<1000x64xf32>
    %add3A_19 = arith.addf %add3A_17, %mul3A_18 : vector<1000x64xf32>
    %mul3A_20 = arith.constant 2.000000e+00 : f32
    %mul3A_21 = vector.broadcast %mul3A_20 : f32 to vector<1000x64xf32>
    %mul3A_22 = arith.mulf %mul3A_21, %add3A_19 : vector<1000x64xf32>
    %add3A_23 = arith.addf %mul3A_14, %mul3A_22 : vector<1000x64xf32>
    %mul3A_24 = arith.mulf %slice3A_5, %slice3A_5 : vector<1000x64xf32>
    %add3A_25 = arith.addf %add3A_23, %mul3A_24 : vector<1000x64xf32>
    %mul3A_26 = arith.mulf %slice3A_6, %slice3A_6 : vector<1000x64xf32>
    %add3A_27 = arith.addf %add3A_25, %mul3A_26 : vector<1000x64xf32>
    %mul3A_28 = arith.mulf %slice3A_7, %slice3A_7 : vector<1000x64xf32>
    %add3A_29 = arith.addf %add3A_27, %mul3A_28 : vector<1000x64xf32>
    %mul3A_30 = arith.mulf %slice3A_8, %slice3A_8 : vector<1000x64xf32>
    %mul3A_31 = arith.mulf %slice3A_9, %slice3A_9 : vector<1000x64xf32>
    %add3A_32 = arith.addf %mul3A_30, %mul3A_31 : vector<1000x64xf32>
    %mul3A_33 = arith.mulf %slice3A_10, %slice3A_10 : vector<1000x64xf32>
    %add3A_34 = arith.addf %add3A_32, %mul3A_33 : vector<1000x64xf32>
    %mul3A_35 = arith.constant 2.000000e+00 : f32
    %mul3A_36 = vector.broadcast %mul3A_35 : f32 to vector<1000x64xf32>
    %mul3A_37 = arith.mulf %mul3A_36, %add3A_34 : vector<1000x64xf32>
    %add3A_38 = arith.addf %add3A_29, %mul3A_37 : vector<1000x64xf32>
    %mul3A_39 = arith.mulf %add3A_11, %add3A_11 : vector<1000x64xf32>
    %mul3A_40 = arith.constant 0.333333343 : f32
    %mul3A_41 = vector.broadcast %mul3A_40 : f32 to vector<1000x64xf32>
    %mul3A_42 = arith.mulf %mul3A_39, %mul3A_41 : vector<1000x64xf32>
    %sub3A = arith.subf %add3A_38, %mul3A_42 : vector<1000x64xf32>
    %reduce_sum3A = arith.constant dense<0.000000e+00> : vector<1000xf32>
    %reduce_sum3A_43 = vector.multi_reduction <add>, %sub3A, %reduce_sum3A [1] : vector<1000x64xf32> to vector<1000xf32>
    %broadcast_in_dim3A = vector.shape_cast %reduce_sum3A_43 : vector<1000xf32> to vector<1000x1xf32>
    %div3A = arith.constant 6.400000e+01 : f32
    %div3A_44 = vector.broadcast %div3A : f32 to vector<1000x1xf32>
    %div3A_45 = arith.divf %broadcast_in_dim3A, %div3A_44 : vector<1000x1xf32>
    %sub3A_46 = vector.broadcast %div3A_45 : vector<1000x1xf32> to vector<1000x64xf32>
    %sub3A_47 = arith.subf %sub3A, %sub3A_46 : vector<1000x64xf32>
    %integer_pow3A = arith.mulf %sub3A_47, %sub3A_47 : vector<1000x64xf32>
    %reduce_sum3A_48 = arith.constant dense<0.000000e+00> : vector<1000xf32>
    %reduce_sum3A_49 = vector.multi_reduction <add>, %integer_pow3A, %reduce_sum3A_48 [1] : vector<1000x64xf32> to vector<1000xf32>
    %broadcast_in_dim3A_50 = vector.shape_cast %reduce_sum3A_49 : vector<1000xf32> to vector<1000x1xf32>
    %div3A_51 = arith.constant 6.400000e+01 : f32
    %div3A_52 = vector.broadcast %div3A_51 : f32 to vector<1000x1xf32>
    %div3A_53 = arith.divf %broadcast_in_dim3A_50, %div3A_52 : vector<1000x1xf32>
    %sub3A_54 = vector.broadcast %div3A_45 : vector<1000x1xf32> to vector<1000x64xf32>
    %sub3A_55 = arith.subf %sub3A, %sub3A_54 : vector<1000x64xf32>
    %add3A_56 = arith.constant 9.99999974E-6 : f32
    %add3A_57 = vector.broadcast %add3A_56 : f32 to vector<1000x1xf32>
    %add3A_58 = arith.addf %div3A_53, %add3A_57 : vector<1000x1xf32>
    %rsqrt3A = math.rsqrt %add3A_58 : vector<1000x1xf32>
    %mul3A_59 = vector.broadcast %rsqrt3A : vector<1000x1xf32> to vector<1000x64xf32>
    %mul3A_60 = arith.mulf %sub3A_55, %mul3A_59 : vector<1000x64xf32>
    %get3A_61 = arith.constant 0 : index
    %get3A_62 = arith.constant 0 : index
    %get3A_63 = vector.load %arg9[%get3A_61, %get3A_62] : memref<1x64xf32, #tpu.memory_space<vmem>>, vector<1x64xf32>
    %mul3A_64 = vector.broadcast %get3A_63 : vector<1x64xf32> to vector<1000x64xf32>
    %mul3A_65 = arith.mulf %mul3A_60, %mul3A_64 : vector<1000x64xf32>
    %get3A_66 = arith.constant 0 : index
    %get3A_67 = arith.constant 0 : index
    %get3A_68 = vector.load %arg10[%get3A_66, %get3A_67] : memref<1x64xf32, #tpu.memory_space<vmem>>, vector<1x64xf32>
    %add3A_69 = vector.broadcast %get3A_68 : vector<1x64xf32> to vector<1000x64xf32>
    %add3A_70 = arith.addf %mul3A_65, %add3A_69 : vector<1000x64xf32>
    %get3A_71 = arith.constant 0 : index
    %get3A_72 = arith.constant 0 : index
    %get3A_73 = vector.load %arg2[%get3A_71, %get3A_72] : memref<64x128xf32, #tpu.memory_space<vmem>>, vector<64x128xf32>
    %dot_general3A = arith.constant dense<0.000000e+00> : vector<1000x128xf32>
    %dot_general3A_74 = tpu.matmul %add3A_70, %get3A_73, %dot_general3A {dimension_numbers = #tpu.dot_dimension_numbers<[1], [0], [0], [1], [0, 0, 1, 1], [], []>, transpose_lhs_hint = false} : vector<1000x64xf32>, vector<64x128xf32>, vector<1000x128xf32> -> vector<1000x128xf32>
    %get3A_75 = arith.constant 0 : index
    %get3A_76 = arith.constant 0 : index
    %get3A_77 = vector.load %arg3[%get3A_75, %get3A_76] : memref<1x128xf32, #tpu.memory_space<vmem>>, vector<1x128xf32>
    %add3A_78 = vector.broadcast %get3A_77 : vector<1x128xf32> to vector<1000x128xf32>
    %add3A_79 = arith.addf %dot_general3A_74, %add3A_78 : vector<1000x128xf32>
    %logistic3A = arith.negf %add3A_79 : vector<1000x128xf32>
    %logistic3A_80 = math.exp %logistic3A : vector<1000x128xf32>
    %logistic3A_81 = arith.constant 1.000000e+00 : f32
    %logistic3A_82 = vector.broadcast %logistic3A_81 : f32 to vector<1000x128xf32>
    %logistic3A_83 = arith.addf %logistic3A_82, %logistic3A_80 : vector<1000x128xf32>
    %logistic3A_84 = arith.divf %logistic3A_82, %logistic3A_83 : vector<1000x128xf32>
    %mul3A_85 = arith.mulf %add3A_79, %logistic3A_84 : vector<1000x128xf32>
    %get3A_86 = arith.constant 0 : index
    %get3A_87 = arith.constant 0 : index
    %get3A_88 = vector.load %arg4[%get3A_86, %get3A_87] : memref<128x192xf32, #tpu.memory_space<vmem>>, vector<128x192xf32>
    %dot_general3A_89 = arith.constant dense<0.000000e+00> : vector<1000x192xf32>
    %dot_general3A_90 = tpu.matmul %mul3A_85, %get3A_88, %dot_general3A_89 {dimension_numbers = #tpu.dot_dimension_numbers<[1], [0], [0], [1], [0, 0, 1, 1], [], []>, transpose_lhs_hint = false} : vector<1000x128xf32>, vector<128x192xf32>, vector<1000x192xf32> -> vector<1000x192xf32>
    %get3A_91 = arith.constant 0 : index
    %get3A_92 = arith.constant 0 : index
    %get3A_93 = vector.load %arg5[%get3A_91, %get3A_92] : memref<1x192xf32, #tpu.memory_space<vmem>>, vector<1x192xf32>
    %add3A_94 = vector.broadcast %get3A_93 : vector<1x192xf32> to vector<1000x192xf32>
    %add3A_95 = arith.addf %dot_general3A_90, %add3A_94 : vector<1000x192xf32>
    %logistic3A_96 = arith.negf %add3A_95 : vector<1000x192xf32>
    %logistic3A_97 = math.exp %logistic3A_96 : vector<1000x192xf32>
    %logistic3A_98 = arith.constant 1.000000e+00 : f32
    %logistic3A_99 = vector.broadcast %logistic3A_98 : f32 to vector<1000x192xf32>
    %logistic3A_100 = arith.addf %logistic3A_99, %logistic3A_97 : vector<1000x192xf32>
    %logistic3A_101 = arith.divf %logistic3A_99, %logistic3A_100 : vector<1000x192xf32>
    %mul3A_102 = arith.mulf %add3A_95, %logistic3A_101 : vector<1000x192xf32>
    %slice3A_103 = vector.extract_strided_slice %mul3A_102 {offsets = [0, 0], sizes = [1000, 64], strides = [1, 1]} : vector<1000x192xf32> to vector<1000x64xf32>
    %slice3A_104 = vector.extract_strided_slice %mul3A_102 {offsets = [0, 64], sizes = [1000, 64], strides = [1, 1]} : vector<1000x192xf32> to vector<1000x64xf32>
    %slice3A_105 = vector.extract_strided_slice %mul3A_102 {offsets = [0, 128], sizes = [1000, 64], strides = [1, 1]} : vector<1000x192xf32> to vector<1000x64xf32>
    %get3A_106 = arith.constant 0 : index
    %get3A_107 = arith.constant 0 : index
    %get3A_108 = vector.load %arg6[%get3A_106, %get3A_107] : memref<64x64xf32, #tpu.memory_space<vmem>>, vector<64x64xf32>
    %dot_general3A_109 = arith.constant dense<0.000000e+00> : vector<1000x64xf32>
    %dot_general3A_110 = tpu.matmul %slice3A, %get3A_108, %dot_general3A_109 {dimension_numbers = #tpu.dot_dimension_numbers<[1], [0], [0], [1], [0, 0, 1, 1], [], []>, transpose_lhs_hint = false} : vector<1000x64xf32>, vector<64x64xf32>, vector<1000x64xf32> -> vector<1000x64xf32>
    %mul3A_111 = arith.mulf %dot_general3A_110, %slice3A_103 : vector<1000x64xf32>
    %get3A_112 = arith.constant 0 : index
    %get3A_113 = arith.constant 0 : index
    %get3A_114 = vector.load %arg7[%get3A_112, %get3A_113] : memref<64x64xf32, #tpu.memory_space<vmem>>, vector<64x64xf32>
    %dot_general3A_115 = arith.constant dense<0.000000e+00> : vector<1000x64xf32>
    %dot_general3A_116 = tpu.matmul %slice3A_2, %get3A_114, %dot_general3A_115 {dimension_numbers = #tpu.dot_dimension_numbers<[1], [0], [0], [1], [0, 0, 1, 1], [], []>, transpose_lhs_hint = false} : vector<1000x64xf32>, vector<64x64xf32>, vector<1000x64xf32> -> vector<1000x64xf32>
    %mul3A_117 = arith.mulf %dot_general3A_116, %slice3A_104 : vector<1000x64xf32>
    %get3A_118 = arith.constant 0 : index
    %get3A_119 = arith.constant 0 : index
    %get3A_120 = vector.load %arg7[%get3A_118, %get3A_119] : memref<64x64xf32, #tpu.memory_space<vmem>>, vector<64x64xf32>
    %dot_general3A_121 = arith.constant dense<0.000000e+00> : vector<1000x64xf32>
    %dot_general3A_122 = tpu.matmul %slice3A_3, %get3A_120, %dot_general3A_121 {dimension_numbers = #tpu.dot_dimension_numbers<[1], [0], [0], [1], [0, 0, 1, 1], [], []>, transpose_lhs_hint = false} : vector<1000x64xf32>, vector<64x64xf32>, vector<1000x64xf32> -> vector<1000x64xf32>
    %mul3A_123 = arith.mulf %dot_general3A_122, %slice3A_104 : vector<1000x64xf32>
    %get3A_124 = arith.constant 0 : index
    %get3A_125 = arith.constant 0 : index
    %get3A_126 = vector.load %arg7[%get3A_124, %get3A_125] : memref<64x64xf32, #tpu.memory_space<vmem>>, vector<64x64xf32>
    %dot_general3A_127 = arith.constant dense<0.000000e+00> : vector<1000x64xf32>
    %dot_general3A_128 = tpu.matmul %slice3A_4, %get3A_126, %dot_general3A_127 {dimension_numbers = #tpu.dot_dimension_numbers<[1], [0], [0], [1], [0, 0, 1, 1], [], []>, transpose_lhs_hint = false} : vector<1000x64xf32>, vector<64x64xf32>, vector<1000x64xf32> -> vector<1000x64xf32>
    %mul3A_129 = arith.mulf %dot_general3A_128, %slice3A_104 : vector<1000x64xf32>
    %get3A_130 = arith.constant 0 : index
    %get3A_131 = arith.constant 0 : index
    %get3A_132 = vector.load %arg8[%get3A_130, %get3A_131] : memref<64x64xf32, #tpu.memory_space<vmem>>, vector<64x64xf32>
    %dot_general3A_133 = arith.constant dense<0.000000e+00> : vector<1000x64xf32>
    %dot_general3A_134 = tpu.matmul %slice3A_5, %get3A_132, %dot_general3A_133 {dimension_numbers = #tpu.dot_dimension_numbers<[1], [0], [0], [1], [0, 0, 1, 1], [], []>, transpose_lhs_hint = false} : vector<1000x64xf32>, vector<64x64xf32>, vector<1000x64xf32> -> vector<1000x64xf32>
    %mul3A_135 = arith.mulf %dot_general3A_134, %slice3A_105 : vector<1000x64xf32>
    %get3A_136 = arith.constant 0 : index
    %get3A_137 = arith.constant 0 : index
    %get3A_138 = vector.load %arg8[%get3A_136, %get3A_137] : memref<64x64xf32, #tpu.memory_space<vmem>>, vector<64x64xf32>
    %dot_general3A_139 = arith.constant dense<0.000000e+00> : vector<1000x64xf32>
    %dot_general3A_140 = tpu.matmul %slice3A_6, %get3A_138, %dot_general3A_139 {dimension_numbers = #tpu.dot_dimension_numbers<[1], [0], [0], [1], [0, 0, 1, 1], [], []>, transpose_lhs_hint = false} : vector<1000x64xf32>, vector<64x64xf32>, vector<1000x64xf32> -> vector<1000x64xf32>
    %mul3A_141 = arith.mulf %dot_general3A_140, %slice3A_105 : vector<1000x64xf32>
    %get3A_142 = arith.constant 0 : index
    %get3A_143 = arith.constant 0 : index
    %get3A_144 = vector.load %arg8[%get3A_142, %get3A_143] : memref<64x64xf32, #tpu.memory_space<vmem>>, vector<64x64xf32>
    %dot_general3A_145 = arith.constant dense<0.000000e+00> : vector<1000x64xf32>
    %dot_general3A_146 = tpu.matmul %slice3A_7, %get3A_144, %dot_general3A_145 {dimension_numbers = #tpu.dot_dimension_numbers<[1], [0], [0], [1], [0, 0, 1, 1], [], []>, transpose_lhs_hint = false} : vector<1000x64xf32>, vector<64x64xf32>, vector<1000x64xf32> -> vector<1000x64xf32>
    %mul3A_147 = arith.mulf %dot_general3A_146, %slice3A_105 : vector<1000x64xf32>
    %get3A_148 = arith.constant 0 : index
    %get3A_149 = arith.constant 0 : index
    %get3A_150 = vector.load %arg8[%get3A_148, %get3A_149] : memref<64x64xf32, #tpu.memory_space<vmem>>, vector<64x64xf32>
    %dot_general3A_151 = arith.constant dense<0.000000e+00> : vector<1000x64xf32>
    %dot_general3A_152 = tpu.matmul %slice3A_8, %get3A_150, %dot_general3A_151 {dimension_numbers = #tpu.dot_dimension_numbers<[1], [0], [0], [1], [0, 0, 1, 1], [], []>, transpose_lhs_hint = false} : vector<1000x64xf32>, vector<64x64xf32>, vector<1000x64xf32> -> vector<1000x64xf32>
    %mul3A_153 = arith.mulf %dot_general3A_152, %slice3A_105 : vector<1000x64xf32>
    %get3A_154 = arith.constant 0 : index
    %get3A_155 = arith.constant 0 : index
    %get3A_156 = vector.load %arg8[%get3A_154, %get3A_155] : memref<64x64xf32, #tpu.memory_space<vmem>>, vector<64x64xf32>
    %dot_general3A_157 = arith.constant dense<0.000000e+00> : vector<1000x64xf32>
    %dot_general3A_158 = tpu.matmul %slice3A_9, %get3A_156, %dot_general3A_157 {dimension_numbers = #tpu.dot_dimension_numbers<[1], [0], [0], [1], [0, 0, 1, 1], [], []>, transpose_lhs_hint = false} : vector<1000x64xf32>, vector<64x64xf32>, vector<1000x64xf32> -> vector<1000x64xf32>
    %mul3A_159 = arith.mulf %dot_general3A_158, %slice3A_105 : vector<1000x64xf32>
    %get3A_160 = arith.constant 0 : index
    %get3A_161 = arith.constant 0 : index
    %get3A_162 = vector.load %arg8[%get3A_160, %get3A_161] : memref<64x64xf32, #tpu.memory_space<vmem>>, vector<64x64xf32>
    %dot_general3A_163 = arith.constant dense<0.000000e+00> : vector<1000x64xf32>
    %dot_general3A_164 = tpu.matmul %slice3A_10, %get3A_162, %dot_general3A_163 {dimension_numbers = #tpu.dot_dimension_numbers<[1], [0], [0], [1], [0, 0, 1, 1], [], []>, transpose_lhs_hint = false} : vector<1000x64xf32>, vector<64x64xf32>, vector<1000x64xf32> -> vector<1000x64xf32>
    %mul3A_165 = arith.mulf %dot_general3A_164, %slice3A_105 : vector<1000x64xf32>
    %add3A_166 = arith.addf %mul3A_135, %mul3A_141 : vector<1000x64xf32>
    %add3A_167 = arith.addf %add3A_166, %mul3A_147 : vector<1000x64xf32>
    %mul3A_168 = arith.constant 0.333333343 : f32
    %mul3A_169 = vector.broadcast %mul3A_168 : f32 to vector<1000x64xf32>
    %mul3A_170 = arith.mulf %add3A_167, %mul3A_169 : vector<1000x64xf32>
    %add3A_171 = arith.addf %mul3A_111, %mul3A_135 : vector<1000x64xf32>
    %sub3A_172 = arith.subf %add3A_171, %mul3A_170 : vector<1000x64xf32>
    %sub3A_173 = arith.subf %mul3A_153, %mul3A_129 : vector<1000x64xf32>
    %add3A_174 = arith.addf %mul3A_159, %mul3A_123 : vector<1000x64xf32>
    %add3A_175 = arith.addf %mul3A_153, %mul3A_129 : vector<1000x64xf32>
    %add3A_176 = arith.addf %mul3A_111, %mul3A_141 : vector<1000x64xf32>
    %sub3A_177 = arith.subf %add3A_176, %mul3A_170 : vector<1000x64xf32>
    %sub3A_178 = arith.subf %mul3A_165, %mul3A_117 : vector<1000x64xf32>
    %sub3A_179 = arith.subf %mul3A_159, %mul3A_123 : vector<1000x64xf32>
    %add3A_180 = arith.addf %mul3A_165, %mul3A_117 : vector<1000x64xf32>
    %add3A_181 = arith.addf %mul3A_111, %mul3A_147 : vector<1000x64xf32>
    %sub3A_182 = arith.subf %add3A_181, %mul3A_170 : vector<1000x64xf32>
    %swap3A = arith.constant 0 : index
    %swap3A_183 = arith.constant 0 : index
    %swap3A_184 = vector.load %arg11[%swap3A, %swap3A_183] : memref<1000x64xf32, #tpu.memory_space<vmem>>, vector<1000x64xf32>
    tpu.vector_store %arg11[%swap3A, %swap3A_183], %sub3A_172 {strides = array<i32>} : memref<1000x64xf32, #tpu.memory_space<vmem>>, vector<1000x64xf32>,
    %swap3A_185 = arith.constant 0 : index
    %swap3A_186 = arith.constant 0 : index
    %swap3A_187 = vector.load %arg12[%swap3A_185, %swap3A_186] : memref<1000x64xf32, #tpu.memory_space<vmem>>, vector<1000x64xf32>
    tpu.vector_store %arg12[%swap3A_185, %swap3A_186], %sub3A_173 {strides = array<i32>} : memref<1000x64xf32, #tpu.memory_space<vmem>>, vector<1000x64xf32>,
    %swap3A_188 = arith.constant 0 : index
    %swap3A_189 = arith.constant 0 : index
    %swap3A_190 = vector.load %arg13[%swap3A_188, %swap3A_189] : memref<1000x64xf32, #tpu.memory_space<vmem>>, vector<1000x64xf32>
    tpu.vector_store %arg13[%swap3A_188, %swap3A_189], %add3A_174 {strides = array<i32>} : memref<1000x64xf32, #tpu.memory_space<vmem>>, vector<1000x64xf32>,
    %swap3A_191 = arith.constant 0 : index
    %swap3A_192 = arith.constant 0 : index
    %swap3A_193 = vector.load %arg14[%swap3A_191, %swap3A_192] : memref<1000x64xf32, #tpu.memory_space<vmem>>, vector<1000x64xf32>
    tpu.vector_store %arg14[%swap3A_191, %swap3A_192], %add3A_175 {strides = array<i32>} : memref<1000x64xf32, #tpu.memory_space<vmem>>, vector<1000x64xf32>,
    %swap3A_194 = arith.constant 0 : index
    %swap3A_195 = arith.constant 0 : index
    %swap3A_196 = vector.load %arg15[%swap3A_194, %swap3A_195] : memref<1000x64xf32, #tpu.memory_space<vmem>>, vector<1000x64xf32>
    tpu.vector_store %arg15[%swap3A_194, %swap3A_195], %sub3A_177 {strides = array<i32>} : memref<1000x64xf32, #tpu.memory_space<vmem>>, vector<1000x64xf32>,
    %swap3A_197 = arith.constant 0 : index
    %swap3A_198 = arith.constant 0 : index
    %swap3A_199 = vector.load %arg16[%swap3A_197, %swap3A_198] : memref<1000x64xf32, #tpu.memory_space<vmem>>, vector<1000x64xf32>
    tpu.vector_store %arg16[%swap3A_197, %swap3A_198], %sub3A_178 {strides = array<i32>} : memref<1000x64xf32, #tpu.memory_space<vmem>>, vector<1000x64xf32>,
    %swap3A_200 = arith.constant 0 : index
    %swap3A_201 = arith.constant 0 : index
    %swap3A_202 = vector.load %arg17[%swap3A_200, %swap3A_201] : memref<1000x64xf32, #tpu.memory_space<vmem>>, vector<1000x64xf32>
    tpu.vector_store %arg17[%swap3A_200, %swap3A_201], %sub3A_179 {strides = array<i32>} : memref<1000x64xf32, #tpu.memory_space<vmem>>, vector<1000x64xf32>,
    %swap3A_203 = arith.constant 0 : index
    %swap3A_204 = arith.constant 0 : index
    %swap3A_205 = vector.load %arg18[%swap3A_203, %swap3A_204] : memref<1000x64xf32, #tpu.memory_space<vmem>>, vector<1000x64xf32>
    tpu.vector_store %arg18[%swap3A_203, %swap3A_204], %add3A_180 {strides = array<i32>} : memref<1000x64xf32, #tpu.memory_space<vmem>>, vector<1000x64xf32>,
    %swap3A_206 = arith.constant 0 : index
    %swap3A_207 = arith.constant 0 : index
    %swap3A_208 = vector.load %arg19[%swap3A_206, %swap3A_207] : memref<1000x64xf32, #tpu.memory_space<vmem>>, vector<1000x64xf32>
    tpu.vector_store %arg19[%swap3A_206, %swap3A_207], %sub3A_182 {strides = array<i32>} : memref<1000x64xf32, #tpu.memory_space<vmem>>, vector<1000x64xf32>,
    return
  }
  func.func @transform_0(%arg0: i32) -> (i32, i32) {
    %c0_i32 = arith.constant 0 : i32
    %c0_i32_0 = arith.constant 0 : i32
    return %arg0, %c0_i32 : i32, i32
  }
  func.func @transform_1(%arg0: i32) -> (i32, i32) {
    %c0_i32 = arith.constant 0 : i32
    %c0_i32_0 = arith.constant 0 : i32
    %c0_i32_1 = arith.constant 0 : i32
    return %c0_i32, %c0_i32_0 : i32, i32
  }
  func.func @transform_2(%arg0: i32) -> (i32, i32) {
    %c0_i32 = arith.constant 0 : i32
    %c0_i32_0 = arith.constant 0 : i32
    %c0_i32_1 = arith.constant 0 : i32
    return %c0_i32, %c0_i32_0 : i32, i32
  }
  func.func @transform_3(%arg0: i32) -> (i32, i32) {
    %c0_i32 = arith.constant 0 : i32
    %c0_i32_0 = arith.constant 0 : i32
    %c0_i32_1 = arith.constant 0 : i32
    return %c0_i32, %c0_i32_0 : i32, i32
  }
  func.func @transform_4(%arg0: i32) -> (i32, i32) {
    %c0_i32 = arith.constant 0 : i32
    %c0_i32_0 = arith.constant 0 : i32
    %c0_i32_1 = arith.constant 0 : i32
    return %c0_i32, %c0_i32_0 : i32, i32
  }
  func.func @transform_5(%arg0: i32) -> (i32, i32) {
    %c0_i32 = arith.constant 0 : i32
    %c0_i32_0 = arith.constant 0 : i32
    %c0_i32_1 = arith.constant 0 : i32
    return %c0_i32, %c0_i32_0 : i32, i32
  }
  func.func @transform_6(%arg0: i32) -> (i32, i32) {
    %c0_i32 = arith.constant 0 : i32
    %c0_i32_0 = arith.constant 0 : i32
    %c0_i32_1 = arith.constant 0 : i32
    return %c0_i32, %c0_i32_0 : i32, i32
  }
  func.func @transform_7(%arg0: i32) -> (i32, i32) {
    %c0_i32 = arith.constant 0 : i32
    %c0_i32_0 = arith.constant 0 : i32
    %c0_i32_1 = arith.constant 0 : i32
    return %c0_i32, %c0_i32_0 : i32, i32
  }
  func.func @transform_8(%arg0: i32) -> (i32, i32) {
    %c0_i32 = arith.constant 0 : i32
    %c0_i32_0 = arith.constant 0 : i32
    %c0_i32_1 = arith.constant 0 : i32
    return %c0_i32, %c0_i32_0 : i32, i32
  }
  func.func @transform_9(%arg0: i32) -> (i32, i32) {
    %c0_i32 = arith.constant 0 : i32
    %c0_i32_0 = arith.constant 0 : i32
    %c0_i32_1 = arith.constant 0 : i32
    return %c0_i32, %c0_i32_0 : i32, i32
  }
  func.func @transform_10(%arg0: i32) -> (i32, i32) {
    %c0_i32 = arith.constant 0 : i32
    %c0_i32_0 = arith.constant 0 : i32
    return %arg0, %c0_i32 : i32, i32
  }
  func.func @transform_11(%arg0: i32) -> (i32, i32) {
    %c0_i32 = arith.constant 0 : i32
    %c0_i32_0 = arith.constant 0 : i32
    return %arg0, %c0_i32 : i32, i32
  }
  func.func @transform_12(%arg0: i32) -> (i32, i32) {
    %c0_i32 = arith.constant 0 : i32
    %c0_i32_0 = arith.constant 0 : i32
    return %arg0, %c0_i32 : i32, i32
  }
  func.func @transform_13(%arg0: i32) -> (i32, i32) {
    %c0_i32 = arith.constant 0 : i32
    %c0_i32_0 = arith.constant 0 : i32
    return %arg0, %c0_i32 : i32, i32
  }
  func.func @transform_14(%arg0: i32) -> (i32, i32) {
    %c0_i32 = arith.constant 0 : i32
    %c0_i32_0 = arith.constant 0 : i32
    return %arg0, %c0_i32 : i32, i32
  }
  func.func @transform_15(%arg0: i32) -> (i32, i32) {
    %c0_i32 = arith.constant 0 : i32
    %c0_i32_0 = arith.constant 0 : i32
    return %arg0, %c0_i32 : i32, i32
  }
  func.func @transform_16(%arg0: i32) -> (i32, i32) {
    %c0_i32 = arith.constant 0 : i32
    %c0_i32_0 = arith.constant 0 : i32
    return %arg0, %c0_i32 : i32, i32
  }
  func.func @transform_17(%arg0: i32) -> (i32, i32) {
    %c0_i32 = arith.constant 0 : i32
    %c0_i32_0 = arith.constant 0 : i32
    return %arg0, %c0_i32 : i32, i32
  }
  func.func @transform_18(%arg0: i32) -> (i32, i32) {
    %c0_i32 = arith.constant 0 : i32
    %c0_i32_0 = arith.constant 0 : i32
    return %arg0, %c0_i32 : i32, i32
  }
}

</mosaic_0001>

<sc_bundles>
// kernel: kernel.11.cloned.1.call-start
scs
__scs_entry_jumppad:
0x0: {  	(pc) =	sbr.rel $0x88, $3  }
0x1: {  	(tag) =	ssettag $0x0;
	lr =	simm.s32 $0x1  }
0x2: {  	[smem:$0x3F8B] =	sst lr;
	_ =	strace $0xD0000000  }
0x3: {  	_ = 	snop  }
0x4: {  	_ = 	snop  }
0x5: {  	_ = 	snop  }
0x6: {  	_ = 	snop  }
0x7: {  	_ = 	snop  }
__scs_overlays_trampoline_lowered:
0x8: {  	[smem:$0x3F9A] =	sst s0  }
0x9: {  	[smem:$0x3F9B] =	sst s1  }
0xa: {  	[smem:$0x3F9C] =	sst s2  }
0xb: {  	[smem:$0x3F9D] =	sst s3  }
0xc: {  	[smem:$0x3F9E] =	sst s4  }
0xd: {  	[smem:$0x3F9F] =	sst s5  }
0xe: {  	[smem:$0x3FA0] =	sst s6  }
0xf: {  	[smem:$0x3FA1] =	sst s7  }
0x10: {  	[smem:$0x3FA2] =	sst s8  }
0x11: {  	[smem:$0x3FA3] =	sst s9;
	s0 =	simm.s32 @!p0 $0x0  }
0x12: {  	s1 =	sld [smem:$0x3F89];
	s0 =	simm.s32 @p0 $0x1  }
0x13: {  	[smem:$0x3FA4] =	sst s0;
	s0 =	simm.s32 @!p1 $0x0  }
0x14: {  	s2 =	sld [smem:$0x3F88];
	s0 =	simm.s32 @p1 $0x1  }
0x15: {  	[smem:$0x3FA5] =	sst s0;
	s0 =	simm.s32 @!p2 $0x0  }
0x16: {  	s3 =	sld [smem:$0x3FDB];
	s0 =	simm.s32 @p2 $0x1  }
0x17: {  	s4 =	simm.s32 $0x1BF5;
	[smem:$0x3FA7] =	sst s0  }
0x18: {  	s0 =	sld [smem:$0x3F8A];
	_ =	swait.ge [sflag:s4], $0x0  }
0x19: {  	s7 =	sld [smem:$0x3F8B]  }
0x1a: {  	s8 =	sadd.s32 $0xFFFFE003, lr  }
0x1b: {  	s9 =	sadd.s32 $0xFFFFFEF7, lr;
	s5 =	simm.s32 $0xFFFFFFFF;
	p2 =	slt.u32 s8, $0xFFFFF086  }
0x1c: {  	p1 =	slt.u32 s9, $0xF7A;
	s5 =	simm.s32 @!p2 $0x0  }
0x1d: {  	s5 =	simm.s32 @p1 $0x1;
	p0 =	seq.s32 s7, s2  }
0x1e: {  	s7 =	smul.u32 @!p0 $0xF7A, s2;
	p2 =	seq.s32 @!p0 s5, $0x0  }
0x1f: {  	s9 =	smul.u32 $0xF7A, s1;
	s8 =	simm.s32 @!p0 $0x1BF5;
	p2 =	por !p2, p0  }
0x20: {  	[sflag:s8] =	ssyncset.s32 @!p0 $0xFFFFF086;
	s6 =	sadd.s32 @!p0 s3, s7;
	s7 =	simm.s32 @!p0 $0x108  }
0x21: {  	s3 =	sadd.s32 s3, s9;
	s6 =	sadd.s32 @!p0 $0x88, s6;
	s7 =	simm.s32 @p2 $0x1082  }
0x22: {  	[simem:s7], [sflag:s8] =	dma.local @!p0 [hbm:s6], $0xF7A  }
0x23: {  	s9 =	sor.u32 $0xD0000000, s2;
	s6 =	simm.s32 $0x108;
	_ =	swait.ge @!p0 [sflag:s8], $0x0  }
0x24: {  	s3 =	sadd.s32 $0x88, s3;
	s6 =	simm.s32 @!p1 $0x1082;
	[sflag:s4] =	ssyncset.s32 $0xFFFFF086  }
0x25: {  	[simem:s6], [sflag:s4] =	dma.local [hbm:s3], $0xF7A  }
0x26: {  	[smem:$0x3F8B] =	sst s1;
	(tag) =	ssettag s2;
	_ =	strace s9  }
0x27: {  	s1 =	sld [smem:$0x3F9B]  }
0x28: {  	s2 =	sld [smem:$0x3F9C]  }
0x29: {  	s4 =	sld [smem:$0x3F9E]  }
0x2a: {  	p0 =	seq.s32 s5, $0x0;
	s5 =	sld [smem:$0x3F9F]  }
0x2b: {  	s6 =	sld [smem:$0x3FA0]  }
0x2c: {  	s7 =	sld [smem:$0x3FA1]  }
0x2d: {  	s3 =	simm.s32 $0x108;
	s8 =	sld [smem:$0x3FA2]  }
0x2e: {  	s3 =	simm.s32 @!p0 $0x1082;
	s9 =	sld [smem:$0x3FA3]  }
0x2f: {  	lr =	sadd.s32 s0, s3;
	s0 =	sld [smem:$0x3F9A]  }
0x30: {  	s3 =	sld [smem:$0x3F9D]  }
0x31: {  	[smem:$0x3FA6] =	sst s10  }
0x32: {  	s10 =	sld [smem:$0x3FA4];
	_ =	sdelay $0x3  }
0x33: {  	p0 =	seq.s32 s10, $0x1;
	s10 =	sld [smem:$0x3FA6];
	_ =	sdelay $0x3  }
0x34: {  	[smem:$0x3FA6] =	sst s10  }
0x35: {  	s10 =	sld [smem:$0x3FA5];
	_ =	sdelay $0x3  }
0x36: {  	p1 =	seq.s32 s10, $0x1;
	s10 =	sld [smem:$0x3FA6];
	_ =	sdelay $0x3  }
0x37: {  	[smem:$0x3FA6] =	sst s10  }
0x38: {  	s10 =	sld [smem:$0x3FA7]  }
0x39: {  	_ = 	snop;
	(pc) =	sbr.ind lr, $3  }
0x3a: {  	_ = 	snop  }
0x3b: {  	_ = 	snop  }
0x3c: {  	p2 =	seq.s32 s10, $0x1;
	s10 =	sld [smem:$0x3FA6]  }
0x3d: {  	_ =	shalt  }
0x3e: {  	_ =	shalt  }
0x3f: {  	_ =	shalt  }
0x40: {  	_ =	shalt  }
0x41: {  	_ =	shalt  }
0x42: {  	_ =	shalt  }
0x43: {  	_ =	shalt  }
0x44: {  	_ =	shalt  }
0x45: {  	_ =	shalt  }
0x46: {  	_ =	shalt  }
0x47: {  	_ =	shalt  }
0x48: {  	_ =	shalt  }
0x49: {  	_ =	shalt  }
0x4a: {  	_ =	shalt  }
0x4b: {  	_ =	shalt  }
0x4c: {  	_ =	shalt  }
0x4d: {  	_ =	shalt  }
0x4e: {  	_ =	shalt  }
0x4f: {  	_ =	shalt  }
0x50: {  	_ =	shalt  }
0x51: {  	_ =	shalt  }
0x52: {  	_ =	shalt  }
0x53: {  	_ =	shalt  }
0x54: {  	_ =	shalt  }
0x55: {  	_ =	shalt  }
0x56: {  	_ =	shalt  }
0x57: {  	_ =	shalt  }
0x58: {  	_ =	shalt  }
0x59: {  	_ =	shalt  }
0x5a: {  	_ =	shalt  }
0x5b: {  	_ =	shalt  }
0x5c: {  	_ =	shalt  }
0x5d: {  	_ =	shalt  }
0x5e: {  	_ =	shalt  }
0x5f: {  	_ =	shalt  }
0x60: {  	_ =	shalt  }
0x61: {  	_ =	shalt  }
0x62: {  	_ =	shalt  }
0x63: {  	_ =	shalt  }
0x64: {  	_ =	shalt  }
0x65: {  	_ =	shalt  }
0x66: {  	_ =	shalt  }
0x67: {  	_ =	shalt  }
0x68: {  	_ =	shalt  }
0x69: {  	_ =	shalt  }
0x6a: {  	_ =	shalt  }
0x6b: {  	_ =	shalt  }
0x6c: {  	_ =	shalt  }
0x6d: {  	_ =	shalt  }
0x6e: {  	_ =	shalt  }
0x6f: {  	_ =	shalt  }
0x70: {  	_ =	shalt  }
0x71: {  	_ =	shalt  }
0x72: {  	_ =	shalt  }
0x73: {  	_ =	shalt  }
0x74: {  	_ =	shalt  }
0x75: {  	_ =	shalt  }
0x76: {  	_ =	shalt  }
0x77: {  	_ =	shalt  }
0x78: {  	_ =	shalt  }
0x79: {  	_ =	shalt  }
0x7a: {  	_ =	shalt  }
0x7b: {  	_ =	shalt  }
0x7c: {  	_ =	shalt  }
0x7d: {  	_ =	shalt  }
0x7e: {  	_ =	shalt  }
0x7f: {  	_ =	shalt  }
0x80: {  	_ =	shalt  }
0x81: {  	_ =	shalt  }
0x82: {  	_ =	shalt  }
0x83: {  	_ =	shalt  }
0x84: {  	_ =	shalt  }
0x85: {  	_ =	shalt  }
0x86: {  	_ =	shalt  }
0x87: {  	_ =	shalt  }
.Lfunc_end0:
.L_simem_size_0:
called_computation.1_lowered:
.L_overlay_start_0:
0x88: {  	s2 =	sld [smem:$0x3FD9]  }
0x89: {  	s3 =	sld [smem:$0x3FFE];
	_ =	sdelay $0x1  }
0x8a: {  	s1 =	srdreg.scid  }
0x8b: {  	s0 =	sand.u32 $0x1, s1  }
0x8c: {  	s16 =	sshll.u32 s0, $0xA;
	s2 =	sadd.s32 s3, s2  }
0x8d: {  	s2 =	sadd.s32 s2, s16  }
0x8e: {  	[smem:$0x3FB2] =	sst s2  }
0x8f: {  	_ = 	snop  }
0x90: {  	(tm) =	ssettm $0x1  }
0x91: {  	s17 =	sld [smem:$0x3FFB];
	_ =	sdelay $0x3  }
0x92: {  	_ =	strace s17  }
0x93: {  	s2 =	sld [smem:$0x3FFC];
	_ =	sdelay $0x3  }
0x94: {  	_ =	strace s2  }
0x95: {  	s2 =	sld [smem:$0x3FFD];
	_ =	sdelay $0x3  }
0x96: {  	_ =	strace s2  }
0x97: {  	_ =	strace $0x8FFFFFFF  }
0x98: {  	s18 =	sld [smem:$0x3FDB];
	_ =	sdelay $0x1  }
0x99: {  	s19 =	simm.s32 $_scs_section_size  }
0x9a: {  	s4 =	simm.s32 $_size__tile_overlayer_lowered;
	s5 =	simm.s32 $_tile_overlayer_lowered  }
0x9b: {  	s22 =	simm.s32 $0x1BFF;
	s21 =	sshll.u32 s5, $0x1;
	s2 =	sadd.s32 s19, s18  }
0x9c: {  	s6 =	simm.s32 $0x0;
	s20 =	sshll.u32 s4, $0x1;
	s4 =	sadd.s32 s21, s2  }
0x9d: {  	[timem:s6], [sflag:s22] =	dma.local [hbm:s4], s20  }
0x9e: {  	_ =	swait.ge [sflag:s22], s20  }
0x9f: {  	s3 =	ssub.s32 $0x0, s20;
	[sflag:s22] =	ssyncset.done $0x0  }
0xa0: {  	[sflag:s22] =	ssyncadd.s32 s3;
	_ =	sdelay $0x1  }
0xa1: {  	s23 =	simm.s32 $0x1B8B  }
0xa2: {  	_ =	swait.ge [sflag:s23], $0x1  }
0xa3: {  	[sflag:s23] =	ssyncset.done $0x0  }
0xa4: {  	s25 =	simm.s32 $0x1B8E;
	s24 =	sld [smem:$0x3FFE];
	[sflag:s23] =	ssyncadd.s32 $0xFFFFFFFF  }
0xa5: {  	s26 =	simm.s32 $execute0_lowered;
	[smem:$0x3FD2] =	sst s25  }
0xa6: {  	s4 =	sshll.u32 s26, $0x1;
	_ =	strace $0x80000049;
	[dreg:$0x1] =	wrdreg $0xFFFFFFFF  }
0xa7: {  	s28 =	simm.s32 $_size_execute0_lowered;
	s2 =	sadd.s32 s2, s4;
	[dreg:$0x0] =	wrdreg $0x0  }
0xa8: {  	s4 =	sshll.u32 s28, $0x1;
	[dreg:$0x2] =	wrdreg s2  }
0xa9: {  	[dreg:$0x3] =	wrdreg s4  }
0xaa: {  	[dreg:$0x4] =	wrdreg $0xC0  }
0xab: {  	_ =	task [dreg:s6], $0x5FFFF  }
0xac: {  	[dreg:$0x1] =	wrdreg $0xFFFFFFFF  }
0xad: {  	[dreg:$0x0] =	wrdreg $0x60  }
0xae: {  	[dreg:$0x2] =	wrdreg s24  }
0xaf: {  	[dreg:$0x3] =	wrdreg $0xEF100  }
0xb0: {  	[dreg:$0x4] =	wrdreg $0x9  }
0xb1: {  	_ =	task.clear_ibuf [dreg:s6], $0x5FFFF;
	_ =	strace $0x90000049  }
0xb2: {  	s29 =	simm.s32 $0x9;
	_ =	strace $0x8000004B  }
0xb3: {  	_ =	swait.ge [sflag:s29], $0x1  }
0xb4: {  	[sflag:s29] =	ssyncadd.s32 $0xFFFFFFFF  }
0xb5: {  	_ =	strace $0x9000004B  }
0xb6: {  	_ =	sfence  }
0xb7: {  	s30 =	sld [smem:$0x0];
	_ =	sdelay $0x2  }
0xb8: {  	s31 =	sshll.u32 s1, $0xD;
	s1 =	sshrl.u32 s1, $0x2  }
0xb9: {  	s3 =	sand.u32 $0x4000, s31;
	s1 =	sadd.s32 s1, s30  }
0xba: {  	s0 =	sor.u32 s3, s0;
	s1 =	sshll.u32 s1, $0x11  }
0xbb: {  	s0 =	sor.u32 s1, s0  }
0xbc: {  	s0 =	sadd.s32 $0x8F2B, s0  }
0xbd: {  	[sflag:s0] =	ssyncadd.remote.s32 $0x1  }
0xbe: {  	_ =	sfence.sel $0xFFFF  }
0xbf: {  	[dreg:$0x0] =	wrdreg $0xFFFFFFFF;
	(pc) =	sbr.abs _section_cstart, $3  }
0xc0: {  	[dreg:$0x1] =	wrdreg $0xFFFFFFFF  }
0xc1: {  	_ =	task.clear_ibuf [dreg:s6], $0x2FFFF;
	_ =	strace $0x9FFFFFFF  }
0xc2: {  	(tm) =	ssettm $0x7FFFFFFF  }
0xc3: {  	_ =	shalt  }
tec
execute0_lowered:
.L_overlay_start_1:
0x0: {  	(tag) =	ssettag $0x1  }
0x1: {  	s0 =	srdreg.scid;
	s4 =	rddreg [dreg:$0x0]  }
0x2: {  	s25 =	stileid.u32;
	s1 =	rddreg [dreg:$0x1];
	s26 =	simm.s32 $0x0  }
0x3: {  	s28 =	simm.s32 $0xA000;
	s29 =	simm.s32 $0x1;
	s5 =	smul.u32 $0x640000, s25  }
0x4: {  	s30 =	simm.s32 $0x80;
	s0 =	sand.u32 $0x1, s0;
	s9 =	smul.u32 $0x61A80, s25  }
0x5: {  	s31 =	simm.s32 $0x3;
	s3 =	smul.u32 $0x140, s0;
	s0 =	ssub.s32 $0x2, s0  }
0x6: {  	[smem:$0x7FF] =	sst s26;
	s26 =	smul.u32 $0x500, s25;
	s2 =	sshrl.u32 s0, $0x1  }
0x7: {  	s6 =	sor.u32 $0x14000, s5;
	s8 =	sor.u32 $0x28000, s5;
	s11 =	sor.u32 $0x3C000, s5  }
0x8: {  	s2 =	ssub.s32 s0, s2;
	s0 =	sor.u32 s3, s5;
	s7 =	sor.u32 s3, s6  }
0x9: {  	s10 =	sor.u32 s3, s8;
	s12 =	sadd.s32 $0x50, s3;
	s13 =	sor.u32 s3, s11  }
0xa: {  	s14 =	sadd.s32 s3, s9;
	s18 =	sadd.s32 $0xA0, s3;
	s3 =	sadd.s32 $0xF0, s3  }
0xb: {  	s15 =	sor.u32 s5, s12;
	s16 =	sor.u32 s12, s6;
	s17 =	sor.u32 s12, s8  }
0xc: {  	s19 =	sor.u32 s12, s11;
	s12 =	sadd.s32 s9, s12;
	s20 =	sor.u32 s5, s18  }
0xd: {  	s21 =	sor.u32 s18, s6;
	s22 =	sor.u32 s18, s8;
	s23 =	sor.u32 s18, s11  }
0xe: {  	s18 =	sadd.s32 s9, s18;
	s5 =	sor.u32 s5, s3;
	s6 =	sor.u32 s3, s6  }
0xf: {  	s24 =	sor.u32 s3, s8;
	s11 =	sor.u32 s3, s11;
	s3 =	sadd.s32 s9, s3  }
0x10: {  	s8 =	sadd.s32 $0x28B200, s4;
	s14 =	sshrl.u32 s14, $0x3;
	s2 =	smax.u32 s2, $0x1  }
0x11: {  	s9 =	sadd.s32 s8, s14;
	s14 =	sshrl.u32 s12, $0x3;
	s18 =	sshrl.u32 s18, $0x3  }
0x12: {  	s3 =	sshrl.u32 s3, $0x3;
	s12 =	sadd.s32 s26, s4;
	s26 =	smul.u32 $0x30D40, s25  }
0x13: {  	s19 =	sshrl.u32 s19, $0x3;
	s25 =	sshrl.u32 s20, $0x3;
	s20 =	sadd.s32 $0x64000, s0  }
0x14: {  	[dreg:$0x3] =	wrdreg s9;
	s9 =	sadd.s32 s8, s14;
	s3 =	sadd.s32 s8, s3  }
0x15: {  	s14 =	sshrl.u32 s0, $0x3;
	[dreg:$0x4] =	wrdreg s9;
	s9 =	sadd.s32 s8, s18  }
0x16: {  	[dreg:$0x6] =	wrdreg s3;
	s8 =	sadd.s32 $0x1410200, s4;
	s3 =	sadd.s32 $0x6200, s12  }
0x17: {  	s18 =	sshrl.u32 s7, $0x3;
	s7 =	sshrl.u32 s10, $0x3;
	s12 =	sshrl.u32 s26, $0x2  }
0x18: {  	s4 =	sshrl.u32 s21, $0x3;
	[dreg:$0x5] =	wrdreg s9;
	s9 =	sshrl.u32 s13, $0x3  }
0x19: {  	s13 =	sshrl.u32 s15, $0x3;
	s15 =	sshrl.u32 s16, $0x3;
	s26 =	sadd.s32 s8, s25  }
0x1a: {  	s25 =	sadd.s32 $0x78050, s0;
	_ =	strace $0x8000004A;
	[dreg:$0x7] =	wrdreg s3  }
0x1b: {  	s3 =	sadd.s32 s8, s14;
	s10 =	sadd.s32 s8, s9;
	s14 =	sadd.s32 s12, s1  }
0x1c: {  	s16 =	sadd.s32 s8, s15;
	[dreg:$0x10] =	wrdreg s26;
	s9 =	sshrl.u32 s23, $0x3  }
0x1d: {  	s12 =	sshrl.u32 s5, $0x3;
	s15 =	sshrl.u32 s24, $0x3;
	[dreg:$0x18] =	wrdreg s2  }
0x1e: {  	s24 =	sadd.s32 $0x8C050, s0;
	s26 =	sadd.s32 $0x64050, s0;
	[dreg:$0x8] =	wrdreg s3  }
0x1f: {  	s5 =	sshrl.u32 s25, $0x3;
	s3 =	sadd.s32 s8, s18;
	[dreg:$0xb] =	wrdreg s10  }
0x20: {  	[dreg:$0xd] =	wrdreg s16;
	s18 =	sshrl.u32 s17, $0x3;
	s10 =	sadd.s32 s8, s9  }
0x21: {  	s16 =	sadd.s32 s8, s15;
	s17 =	sshrl.u32 s11, $0x3;
	[dreg:$0x9] =	wrdreg s3  }
0x22: {  	s9 =	sadd.s32 $0x50050, s0;
	s11 =	sadd.s32 $0x780A0, s0;
	[dreg:$0x13] =	wrdreg s10  }
0x23: {  	s3 =	sadd.s32 s8, s7;
	s7 =	sshrl.u32 s22, $0x3;
	[dreg:$0x16] =	wrdreg s16  }
0x24: {  	s22 =	sshrl.u32 s20, $0x3;
	s10 =	sadd.s32 $0x8C0A0, s0;
	s16 =	sadd.s32 $0x640A0, s0  }
0x25: {  	[dreg:$0xa] =	wrdreg s3;
	s3 =	sadd.s32 s8, s13;
	s13 =	sshrl.u32 s6, $0x3  }
0x26: {  	s23 =	sadd.s32 s22, s8;
	s6 =	sshrl.u32 s26, $0x3;
	[dreg:$0xc] =	wrdreg s3  }
0x27: {  	s22 =	sadd.s32 $0x50000, s0;
	s26 =	sadd.s32 $0x2710, s14;
	[dreg:$0x1b] =	wrdreg s23  }
0x28: {  	s3 =	sadd.s32 s8, s18;
	s18 =	sadd.s32 $0x8C000, s0;
	[smem:$0x7F9] =	sst s22  }
0x29: {  	s23 =	sadd.s32 $0x780F0, s0;
	[smem:$0x7FD] =	sst s26;
	s22 =	simm.s32 $0x50  }
0x2a: {  	s26 =	simm.s32 $0x7800;
	[dreg:$0xe] =	wrdreg s3;
	s3 =	sadd.s32 s8, s19  }
0x2b: {  	s2 =	sshrl.u32 s18, $0x3;
	s19 =	sadd.s32 $0x78000, s0;
	s18 =	sadd.s32 $0x8C0F0, s0  }
0x2c: {  	[dreg:$0xf] =	wrdreg s3;
	s3 =	sadd.s32 s8, s4;
	s2 =	sadd.s32 s2, s8  }
0x2d: {  	s21 =	sshrl.u32 s19, $0x3;
	s20 =	sshrl.u32 s18, $0x3;
	[dreg:$0x11] =	wrdreg s3  }
0x2e: {  	s18 =	sadd.s32 $0x7530, s14;
	s3 =	sadd.s32 s8, s7;
	[dreg:$0x19] =	wrdreg s2  }
0x2f: {  	s4 =	simm.s32 $0x4;
	s2 =	sadd.s32 s21, s8;
	[dreg:$0x12] =	wrdreg s3  }
0x30: {  	s7 =	sadd.s32 s6, s8;
	s21 =	sadd.s32 s20, s8;
	[dreg:$0x1a] =	wrdreg s2  }
0x31: {  	s20 =	simm.s32 $0x5;
	s3 =	sadd.s32 s8, s12;
	[dreg:$0x1e] =	wrdreg s7  }
0x32: {  	s2 =	sshrl.u32 s24, $0x3;
	s12 =	sshrl.u32 s10, $0x3;
	[smem:$0x7F8] =	sst s21  }
0x33: {  	s24 =	sadd.s32 $0x640F0, s0;
	[dreg:$0x14] =	wrdreg s3;
	s3 =	sadd.s32 s8, s13  }
0x34: {  	s21 =	simm.s32 $0xC800;
	s2 =	sadd.s32 s2, s8;
	[dreg:$0x15] =	wrdreg s3  }
0x35: {  	s13 =	sshrl.u32 s11, $0x3;
	s3 =	sadd.s32 s8, s17;
	[dreg:$0x1c] =	wrdreg s2  }
0x36: {  	s2 =	sadd.s32 s5, s8;
	s15 =	sadd.s32 s13, s8;
	[dreg:$0x17] =	wrdreg s3  }
0x37: {  	s17 =	sadd.s32 $0x500A0, s0;
	s0 =	sadd.s32 $0x500F0, s0;
	[dreg:$0x1d] =	wrdreg s2  }
0x38: {  	s2 =	sshrl.u32 s9, $0x3;
	[smem:$0x7F5] =	sst s15;
	s19 =	sshrl.u32 s17, $0x3  }
0x39: {  	s3 =	sshrl.u32 s24, $0x3;
	s0 =	sshrl.u32 s0, $0x3;
	s2 =	sadd.s32 s2, s8  }
0x3a: {  	s17 =	sadd.s32 $0x4E20, s14;
	[dreg:$0x1f] =	wrdreg s2;
	s2 =	sadd.s32 s12, s8  }
0x3b: {  	s25 =	sadd.s32 s3, s8;
	[smem:$0x7F4] =	sst s2;
	s2 =	sshrl.u32 s16, $0x3  }
.Ltmp0:
0x3c: {  	[smem:$0x7FB] =	sst s25;
	s2 =	sadd.s32 s2, s8;
	(pc) =	sbr.rel .LBB2_1-.Ltmp0, $4  }
0x3d: {  	s24 =	simm.s32 $0x2800;
	[smem:$0x7F6] =	sst s2;
	s2 =	sadd.s32 s19, s8  }
0x3e: {  	s0 =	sadd.s32 s0, s8;
	[smem:$0x7F7] =	sst s2;
	s2 =	sshrl.u32 s23, $0x3  }
0x3f: {  	[smem:$0x7FC] =	sst s0;
	s0 =	simm.s32 $0x0;
	s2 =	sadd.s32 s2, s8  }
0x40: {  	v0 =	vimm.f32 $0.0e+00;
	s19 =	sadd.s32 $0x9C40, s14;
	s23 =	simm.s32 $0x280;
	[smem:$0x7FA] =	sst s2  }
.LBB2_15:
0x41: {  	_ =	swait.ge [sflag:s4], $0x2800  }
0x42: {  	[sflag:s4] =	ssyncset.done $0x0  }
0x43: {  	[sflag:s4] =	ssyncadd.s32 $0xFFFFD800  }
0x44: {  	[spmem:s1] =	stream.indirect.scatter.add.f32 [tilespmem:s28], [sflag:$0x5], $0x50, s12, s30, $0xb8;
	[tilespmem:$0x1B260] =	vst v63  }
0x45: {  	_ =	swait.ge [sflag:s20], $0x2800  }
0x46: {  	[sflag:s20] =	ssyncset.done $0x0  }
0x47: {  	[sflag:s20] =	ssyncadd.s32 $0xFFFFD800  }
0x48: {  	[bflag:$0x0] =	sbarrier.arrive $0xFFFF  }
0x49: {  	s6 =	simm.s32 $0xA;
	s2 =	rddreg [dreg:$0x6]  }
0x4a: {  	[hbm:s2@s22], [sflag:s3] =	dma.strided [spmem:s5@s6], $0x186A, s29, $0xa   }
0x4b: {  	_ =	swait.ge [sflag:s20], $0x186A  }
0x4c: {  	s0 =	sadd.s32 $0x1, s0;
	s25 =	rddreg [dreg:$0x18]  }
0x4d: {  	p0 =	sne.s32 s0, s25  }
.Ltmp1:
0x4e: {  	_ = 	snop;
	(pc) =	sbr.rel @!p0 .LBB2_16-.Ltmp1, $3  }
0x4f: {  	[sflag:s20] =	ssyncset.done $0x0  }
0x50: {  	[sflag:s20] =	ssyncadd.s32 $0xFFFFE796  }
0x51: {  	[bflag:$0x0] =	sbarrier.arrive $0xFFFF;
	_ =	sdelay $0x1  }
.LBB2_1:
0x52: {  	s2 =	simm.s32 $0x0;
	s3 =	rddreg [dreg:$0x7]  }
0x53: {  	[tilespmem:s2], [sflag:$0x5] =	stream.linear.gather [hbm4b:s3+s2], $0x2800, $0x38;
	[tilespmem:$0x1B260] =	vst v63  }
0x54: {  	_ =	swait.ge [sflag:s20], $0x2800  }
0x55: {  	[sflag:s20] =	ssyncset.done $0x0  }
0x56: {  	s5 =	simm.s32 $0x240;
	s3 =	simm.s32 $0x40;
	[sflag:s20] =	ssyncadd.s32 $0xFFFFD800  }
.LBB2_2:
0x57: {  	p0 =	sne.s32 s5, $0x9C00;
	[tilespmem:s3+$0xC800] =	vst v0;
	s6 =	smov.u32 s5;
	s5 =	sadd.s32 $0x140, s5  }
.Ltmp2:
0x58: {  	[tilespmem:s3+$0xC7F0] =	vst v0;
	(pc) =	sbr.rel @p0 .LBB2_2-.Ltmp2, $4  }
0x59: {  	[tilespmem:s3+$0xC7E0] =	vst v0  }
0x5a: {  	[tilespmem:s3+$0xC7C0] =	vst v0  }
0x5b: {  	[tilespmem:s3+$0xC7D0] =	vst v0  }
0x5c: {  	s3 =	sshra.s32 s6, $0x2  }
0x5d: {  	[tilespmem:s3+$0xC800] =	vst v0  }
0x5e: {  	[tilespmem:s3+$0xC7F0] =	vst v0  }
0x5f: {  	[tilespmem:s3+$0xC7E0] =	vst v0  }
0x60: {  	[tilespmem:s3+$0xC7C0] =	vst v0  }
0x61: {  	[tilespmem:s3+$0xC7D0] =	vst v0  }
0x62: {  	[spmem:s14] =	stream.linear.scatter [tilespmem:s21], [sflag:$0x5], $0x2710, $0x38;
	[tilespmem:$0x1B260] =	vst v63  }
0x63: {  	_ =	swait.ge [sflag:s20], $0x2710  }
0x64: {  	s2 =	sld [smem:$0x7FD]  }
0x65: {  	[sflag:s20] =	ssyncset.done $0x0  }
0x66: {  	[sflag:s20] =	ssyncadd.s32 $0xFFFFD8F0  }
0x67: {  	[spmem:s2] =	stream.linear.scatter [tilespmem:s21], [sflag:$0x5], $0x2710, $0x38;
	[tilespmem:$0x1B260] =	vst v63  }
0x68: {  	_ =	swait.ge [sflag:s20], $0x2710  }
0x69: {  	[sflag:s20] =	ssyncset.done $0x0  }
0x6a: {  	[sflag:s20] =	ssyncadd.s32 $0xFFFFD8F0  }
0x6b: {  	[spmem:s17] =	stream.linear.scatter [tilespmem:s21], [sflag:$0x5], $0x2710, $0x38;
	[tilespmem:$0x1B260] =	vst v63  }
0x6c: {  	_ =	swait.ge [sflag:s20], $0x2710  }
0x6d: {  	[sflag:s20] =	ssyncset.done $0x0  }
0x6e: {  	[sflag:s20] =	ssyncadd.s32 $0xFFFFD8F0  }
0x6f: {  	[spmem:s18] =	stream.linear.scatter [tilespmem:s21], [sflag:$0x5], $0x2710, $0x38;
	[tilespmem:$0x1B260] =	vst v63  }
0x70: {  	_ =	swait.ge [sflag:s20], $0x2710  }
0x71: {  	[sflag:s20] =	ssyncset.done $0x0  }
0x72: {  	[sflag:s20] =	ssyncadd.s32 $0xFFFFD8F0  }
0x73: {  	[spmem:s19] =	stream.linear.scatter [tilespmem:s21], [sflag:$0x5], $0x2710, $0x38;
	[tilespmem:$0x1B260] =	vst v63  }
0x74: {  	_ =	swait.ge [sflag:s20], $0x2710  }
0x75: {  	[sflag:s20] =	ssyncset.done $0x0  }
0x76: {  	[sflag:s20] =	ssyncadd.s32 $0xFFFFD8F0  }
0x77: {  	[bflag:$0x0] =	sbarrier.arrive $0xFFFF  }
0x78: {  	s12 =	rddreg [dreg:$0x8]  }
0x79: {  	s13 =	rddreg [dreg:$0x9]  }
0x7a: {  	s16 =	rddreg [dreg:$0xa]  }
0x7b: {  	s25 =	rddreg [dreg:$0xb]  }
0x7c: {  	s5 =	sld [smem:$0x7F9]  }
0x7d: {  	[tilespmem:s24], [sflag:$0x1] =	stream.strided.gather [hbm4b:s12+s22], $0x2800, s23, s22, $0x38;
	[tilespmem:$0x1B260] =	vst v63  }
0x7e: {  	s15 =	simm.s32 $0x5000;
	s6 =	rddreg [dreg:$0x1b]  }
0x7f: {  	[tilespmem:s15], [sflag:$0x2] =	stream.strided.gather [hbm4b:s13+s22], $0x2800, s23, s22, $0x38;
	[tilespmem:$0x1B260] =	vst v63  }
0x80: {  	s7 =	rddreg [dreg:$0x1a]  }
0x81: {  	[tilespmem:s26], [sflag:$0x3] =	stream.strided.gather [hbm4b:s16+s22], $0x2800, s23, s22, $0x38;
	[tilespmem:$0x1B260] =	vst v63  }
0x82: {  	s3 =	simm.s32 $0x0;
	s9 =	rddreg [dreg:$0x19]  }
0x83: {  	[tilespmem:s28], [sflag:$0x4] =	stream.strided.gather [hbm4b:s25+s22], $0x2800, s23, s22, $0x38;
	[tilespmem:$0x1B260] =	vst v63  }
.LBB2_4:
0x84: {  	_ =	swait.ge [sflag:s29], $0x2800  }
0x85: {  	[sflag:s29] =	ssyncset.done $0x0  }
0x86: {  	s10 =	sshra.s32 s3, $0x2;
	[sflag:s29] =	ssyncadd.s32 $0xFFFFD800  }
0x87: {  	[spmem:s1] =	stream.indirect.scatter.add.f32 [tilespmem:s24], [sflag:$0x5], $0x50, s10, s30, $0xb8;
	[tilespmem:$0x1B260] =	vst v63  }
0x88: {  	_ =	swait.ge [sflag:s20], $0x2800  }
0x89: {  	p0 =	seq.s32 s3, $0x9800;
	[sflag:s20] =	ssyncset.done $0x0  }
0x8a: {  	s11 =	simm.s32 @p0 $0x2;
	[sflag:s20] =	ssyncadd.s32 $0xFFFFD800  }
0x8b: {  	_ =	swait.ge @p0 [sflag:s11], $0x2800  }
0x8c: {  	[sflag:s11] =	ssyncset.done @p0 $0x0  }
0x8d: {  	[sflag:s11] =	ssyncadd.s32 @p0 $0xFFFFD800;
	s11 =	sshra.s32 @p0 s3, $0x2  }
0x8e: {  	s12 =	simm.s32 @p0 $0x80;
	s13 =	simm.s32 @p0 $0x5000;
	s11 =	sadd.s32 @p0 $0x80, s11  }
0x8f: {  	[spmem:s1] =	stream.indirect.scatter.add.f32 @p0 [tilespmem:s13], [sflag:$0x5], $0x50, s11, s12, $0xb8;
	[tilespmem:$0x1B260] =	vst v63  }
0x90: {  	s11 =	simm.s32 @p0 $0x5  }
0x91: {  	s15 =	simm.s32 @!p0 $0x2800;
	_ =	swait.ge @p0 [sflag:s11], $0x2800  }
0x92: {  	s12 =	sshrl.u32 @!p0 s5, $0x3;
	s13 =	simm.s32 @!p0 $0x280;
	[sflag:s11] =	ssyncset.done @p0 $0x0  }
0x93: {  	[sflag:s11] =	ssyncadd.s32 @p0 $0xFFFFD800;
	s11 =	sadd.s32 @!p0 s8, s12;
	s12 =	simm.s32 @!p0 $0x50  }
0x94: {  	[tilespmem:s15], [sflag:$0x1] =	stream.strided.gather @!p0 [hbm4b:s11+s12], $0x2800, s13, s12, $0x38;
	[tilespmem:$0x1B260] =	vst v63  }
0x95: {  	s11 =	simm.s32 @!p0 $0x2  }
0x96: {  	_ =	swait.ge @!p0 [sflag:s11], $0x2800  }
0x97: {  	[sflag:s11] =	ssyncset.done @!p0 $0x0  }
0x98: {  	[sflag:s11] =	ssyncadd.s32 @!p0 $0xFFFFD800;
	s11 =	sshra.s32 @!p0 s3, $0x2  }
0x99: {  	s25 =	simm.s32 @!p0 $0x5000;
	s15 =	simm.s32 @!p0 $0x80;
	s11 =	sadd.s32 @!p0 $0x80, s11  }
0x9a: {  	[spmem:s1] =	stream.indirect.scatter.add.f32 @!p0 [tilespmem:s25], [sflag:$0x5], $0x50, s11, s15, $0xb8;
	[tilespmem:$0x1B260] =	vst v63  }
0x9b: {  	s11 =	simm.s32 @!p0 $0x5  }
0x9c: {  	_ =	swait.ge @!p0 [sflag:s11], $0x2800  }
0x9d: {  	[sflag:s11] =	ssyncset.done @!p0 $0x0  }
0x9e: {  	[sflag:s11] =	ssyncadd.s32 @!p0 $0xFFFFD800  }
0x9f: {  	[tilespmem:s25], [sflag:$0x2] =	stream.strided.gather @!p0 [hbm4b:s6+s12], $0x2800, s13, s12, $0x38;
	[tilespmem:$0x1B260] =	vst v63  }
0xa0: {  	_ =	swait.ge [sflag:s31], $0x2800  }
0xa1: {  	[sflag:s31] =	ssyncset.done $0x0  }
.Ltmp3:
0xa2: {  	s25 =	sadd.s32 $0x100, s10;
	[sflag:s31] =	ssyncadd.s32 $0xFFFFD800;
	(pc) =	sbr.rel @p0 .LBB2_6-.Ltmp3, $4  }
0xa3: {  	[spmem:s1] =	stream.indirect.scatter.add.f32 [tilespmem:s26], [sflag:$0x5], $0x50, s25, s30, $0xb8;
	[tilespmem:$0x1B260] =	vst v63  }
0xa4: {  	_ =	swait.ge [sflag:s20], $0x2800  }
0xa5: {  	[sflag:s20] =	ssyncset.done $0x0  }
0xa6: {  	s10 =	sadd.s32 $0x180, s10;
	[sflag:s20] =	ssyncadd.s32 $0xFFFFD800  }
0xa7: {  	[tilespmem:s26], [sflag:$0x3] =	stream.strided.gather [hbm4b:s7+s22], $0x2800, s23, s22, $0x38;
	[tilespmem:$0x1B260] =	vst v63  }
0xa8: {  	_ =	swait.ge [sflag:s4], $0x2800  }
0xa9: {  	[sflag:s4] =	ssyncset.done $0x0  }
0xaa: {  	[sflag:s4] =	ssyncadd.s32 $0xFFFFD800  }
0xab: {  	[spmem:s1] =	stream.indirect.scatter.add.f32 [tilespmem:s28], [sflag:$0x5], $0x50, s10, s30, $0xb8;
	[tilespmem:$0x1B260] =	vst v63  }
.Ltmp4:
0xac: {  	_ =	swait.ge [sflag:s20], $0x2800;
	(pc) =	sbr.rel .LBB2_4-.Ltmp4, $4  }
0xad: {  	[sflag:s20] =	ssyncset.done $0x0  }
0xae: {  	s3 =	sadd.s32 $0x800, s3;
	s7 =	sadd.s32 $0xA000, s7;
	[sflag:s20] =	ssyncadd.s32 $0xFFFFD800  }
0xaf: {  	[tilespmem:s28], [sflag:$0x4] =	stream.strided.gather [hbm4b:s9+s22], $0x2800, s23, s22, $0x38;
	[tilespmem:$0x1B260] =	vst v63  }
0xb0: {  	s6 =	sadd.s32 $0xA000, s6;
	s5 =	sadd.s32 $0x50000, s5;
	s9 =	sadd.s32 $0xA000, s9  }
.LBB2_6:
0xb1: {  	_ =	swait.ge [sflag:s4], $0x2800  }
0xb2: {  	[sflag:s4] =	ssyncset.done $0x0  }
0xb3: {  	[sflag:s4] =	ssyncadd.s32 $0xFFFFD800  }
0xb4: {  	[spmem:s1] =	stream.indirect.scatter.add.f32 [tilespmem:s28], [sflag:$0x5], $0x50, s10, s30, $0xb8;
	[tilespmem:$0x1B260] =	vst v63  }
0xb5: {  	_ =	swait.ge [sflag:s20], $0x2800  }
0xb6: {  	[sflag:s20] =	ssyncset.done $0x0  }
0xb7: {  	s2 =	stileid.u32;
	[sflag:s20] =	ssyncadd.s32 $0xFFFFD800  }
0xb8: {  	s5 =	sshrl.u32 s14, $0x3;
	s3 =	sshll.u32 s2, $0x6;
	[bflag:$0x0] =	sbarrier.arrive $0xFFFF  }
0xb9: {  	s6 =	simm.s32 $0xA;
	s3 =	sor.u32 $0x1C05, s3;
	s10 =	rddreg [dreg:$0x3]  }
0xba: {  	[hbm:s10@s22], [sflag:s3] =	dma.strided [spmem:s5@s6], $0x186A, s29, $0xa   }
0xbb: {  	_ =	swait.ge [sflag:s20], $0x186A  }
0xbc: {  	[sflag:s20] =	ssyncset.done $0x0  }
0xbd: {  	[sflag:s20] =	ssyncadd.s32 $0xFFFFE796  }
0xbe: {  	[bflag:$0x0] =	sbarrier.arrive $0xFFFF  }
0xbf: {  	[spmem:s14] =	stream.linear.scatter [tilespmem:s21], [sflag:$0x5], $0x2710, $0x38;
	[tilespmem:$0x1B260] =	vst v63  }
0xc0: {  	_ =	swait.ge [sflag:s20], $0x2710  }
0xc1: {  	s11 =	sld [smem:$0x7FD]  }
0xc2: {  	[sflag:s20] =	ssyncset.done $0x0  }
0xc3: {  	[sflag:s20] =	ssyncadd.s32 $0xFFFFD8F0  }
0xc4: {  	[spmem:s11] =	stream.linear.scatter [tilespmem:s21], [sflag:$0x5], $0x2710, $0x38;
	[tilespmem:$0x1B260] =	vst v63  }
0xc5: {  	_ =	swait.ge [sflag:s20], $0x2710  }
0xc6: {  	[sflag:s20] =	ssyncset.done $0x0  }
0xc7: {  	[sflag:s20] =	ssyncadd.s32 $0xFFFFD8F0  }
0xc8: {  	[spmem:s17] =	stream.linear.scatter [tilespmem:s21], [sflag:$0x5], $0x2710, $0x38;
	[tilespmem:$0x1B260] =	vst v63  }
0xc9: {  	_ =	swait.ge [sflag:s20], $0x2710  }
0xca: {  	[sflag:s20] =	ssyncset.done $0x0  }
0xcb: {  	[sflag:s20] =	ssyncadd.s32 $0xFFFFD8F0  }
0xcc: {  	[spmem:s18] =	stream.linear.scatter [tilespmem:s21], [sflag:$0x5], $0x2710, $0x38;
	[tilespmem:$0x1B260] =	vst v63  }
0xcd: {  	_ =	swait.ge [sflag:s20], $0x2710  }
0xce: {  	[sflag:s20] =	ssyncset.done $0x0  }
0xcf: {  	[sflag:s20] =	ssyncadd.s32 $0xFFFFD8F0  }
0xd0: {  	[spmem:s19] =	stream.linear.scatter [tilespmem:s21], [sflag:$0x5], $0x2710, $0x38;
	[tilespmem:$0x1B260] =	vst v63  }
0xd1: {  	_ =	swait.ge [sflag:s20], $0x2710  }
0xd2: {  	[sflag:s20] =	ssyncset.done $0x0  }
0xd3: {  	[sflag:s20] =	ssyncadd.s32 $0xFFFFD8F0  }
0xd4: {  	[bflag:$0x0] =	sbarrier.arrive $0xFFFF  }
0xd5: {  	s12 =	rddreg [dreg:$0xc]  }
0xd6: {  	s13 =	rddreg [dreg:$0xd]  }
0xd7: {  	s16 =	rddreg [dreg:$0xe]  }
0xd8: {  	s25 =	rddreg [dreg:$0xf]  }
0xd9: {  	s7 =	rddreg [dreg:$0x1f]  }
0xda: {  	[tilespmem:s24], [sflag:$0x1] =	stream.strided.gather [hbm4b:s12+s22], $0x2800, s23, s22, $0x38;
	[tilespmem:$0x1B260] =	vst v63  }
0xdb: {  	s15 =	simm.s32 $0x5000;
	s9 =	rddreg [dreg:$0x1e]  }
0xdc: {  	[tilespmem:s15], [sflag:$0x2] =	stream.strided.gather [hbm4b:s13+s22], $0x2800, s23, s22, $0x38;
	[tilespmem:$0x1B260] =	vst v63  }
0xdd: {  	s10 =	rddreg [dreg:$0x1d]  }
0xde: {  	[tilespmem:s26], [sflag:$0x3] =	stream.strided.gather [hbm4b:s16+s22], $0x2800, s23, s22, $0x38;
	[tilespmem:$0x1B260] =	vst v63  }
0xdf: {  	s6 =	simm.s32 $0x0;
	s11 =	rddreg [dreg:$0x1c]  }
0xe0: {  	[tilespmem:s28], [sflag:$0x4] =	stream.strided.gather [hbm4b:s25+s22], $0x2800, s23, s22, $0x38;
	[tilespmem:$0x1B260] =	vst v63  }
.LBB2_7:
0xe1: {  	_ =	swait.ge [sflag:s29], $0x2800  }
0xe2: {  	[sflag:s29] =	ssyncset.done $0x0  }
0xe3: {  	s12 =	sshra.s32 s6, $0x2;
	[sflag:s29] =	ssyncadd.s32 $0xFFFFD800  }
0xe4: {  	[spmem:s1] =	stream.indirect.scatter.add.f32 [tilespmem:s24], [sflag:$0x5], $0x50, s12, s30, $0xb8;
	[tilespmem:$0x1B260] =	vst v63  }
0xe5: {  	_ =	swait.ge [sflag:s20], $0x2800  }
0xe6: {  	p0 =	seq.s32 s6, $0x9800;
	[sflag:s20] =	ssyncset.done $0x0  }
0xe7: {  	s13 =	simm.s32 @p0 $0x2;
	[sflag:s20] =	ssyncadd.s32 $0xFFFFD800  }
0xe8: {  	_ =	swait.ge @p0 [sflag:s13], $0x2800  }
0xe9: {  	[sflag:s13] =	ssyncset.done @p0 $0x0  }
0xea: {  	[sflag:s13] =	ssyncadd.s32 @p0 $0xFFFFD800;
	s13 =	sshra.s32 @p0 s6, $0x2  }
0xeb: {  	s15 =	simm.s32 @p0 $0x80;
	s25 =	simm.s32 @p0 $0x5000;
	s13 =	sadd.s32 @p0 $0x80, s13  }
0xec: {  	[spmem:s1] =	stream.indirect.scatter.add.f32 @p0 [tilespmem:s25], [sflag:$0x5], $0x50, s13, s15, $0xb8;
	[tilespmem:$0x1B260] =	vst v63  }
0xed: {  	s13 =	simm.s32 @p0 $0x5  }
0xee: {  	_ =	swait.ge @p0 [sflag:s13], $0x2800  }
0xef: {  	s15 =	simm.s32 @!p0 $0x280;
	[sflag:s13] =	ssyncset.done @p0 $0x0  }
0xf0: {  	s25 =	simm.s32 @!p0 $0x2800;
	[sflag:s13] =	ssyncadd.s32 @p0 $0xFFFFD800;
	s13 =	simm.s32 @!p0 $0x50  }
0xf1: {  	[tilespmem:s25], [sflag:$0x1] =	stream.strided.gather @!p0 [hbm4b:s7+s13], $0x2800, s15, s13, $0x38;
	[tilespmem:$0x1B260] =	vst v63  }
0xf2: {  	s25 =	simm.s32 @!p0 $0x2  }
0xf3: {  	_ =	swait.ge @!p0 [sflag:s25], $0x2800  }
0xf4: {  	[sflag:s25] =	ssyncset.done @!p0 $0x0  }
0xf5: {  	[sflag:s25] =	ssyncadd.s32 @!p0 $0xFFFFD800;
	s25 =	sshra.s32 @!p0 s6, $0x2  }
0xf6: {  	s2 =	simm.s32 @!p0 $0x80;
	s16 =	simm.s32 @!p0 $0x5000;
	s25 =	sadd.s32 @!p0 $0x80, s25  }
0xf7: {  	[spmem:s1] =	stream.indirect.scatter.add.f32 @!p0 [tilespmem:s16], [sflag:$0x5], $0x50, s25, s2, $0xb8;
	[tilespmem:$0x1B260] =	vst v63  }
0xf8: {  	s2 =	simm.s32 @!p0 $0x5  }
0xf9: {  	_ =	swait.ge @!p0 [sflag:s2], $0x2800  }
0xfa: {  	[sflag:s2] =	ssyncset.done @!p0 $0x0  }
0xfb: {  	[sflag:s2] =	ssyncadd.s32 @!p0 $0xFFFFD800  }
0xfc: {  	[tilespmem:s16], [sflag:$0x2] =	stream.strided.gather @!p0 [hbm4b:s9+s13], $0x2800, s15, s13, $0x38;
	[tilespmem:$0x1B260] =	vst v63  }
0xfd: {  	_ =	swait.ge [sflag:s31], $0x2800  }
0xfe: {  	[sflag:s31] =	ssyncset.done $0x0  }
.Ltmp5:
0xff: {  	s25 =	sadd.s32 $0x100, s12;
	[sflag:s31] =	ssyncadd.s32 $0xFFFFD800;
	(pc) =	sbr.rel @p0 .LBB2_9-.Ltmp5, $4  }
0x100: {  	[spmem:s1] =	stream.indirect.scatter.add.f32 [tilespmem:s26], [sflag:$0x5], $0x50, s25, s30, $0xb8;
	[tilespmem:$0x1B260] =	vst v63  }
0x101: {  	_ =	swait.ge [sflag:s20], $0x2800  }
0x102: {  	[sflag:s20] =	ssyncset.done $0x0  }
0x103: {  	s12 =	sadd.s32 $0x180, s12;
	[sflag:s20] =	ssyncadd.s32 $0xFFFFD800  }
0x104: {  	[tilespmem:s26], [sflag:$0x3] =	stream.strided.gather [hbm4b:s10+s22], $0x2800, s23, s22, $0x38;
	[tilespmem:$0x1B260] =	vst v63  }
0x105: {  	_ =	swait.ge [sflag:s4], $0x2800  }
0x106: {  	[sflag:s4] =	ssyncset.done $0x0  }
0x107: {  	[sflag:s4] =	ssyncadd.s32 $0xFFFFD800  }
0x108: {  	[spmem:s1] =	stream.indirect.scatter.add.f32 [tilespmem:s28], [sflag:$0x5], $0x50, s12, s30, $0xb8;
	[tilespmem:$0x1B260] =	vst v63  }
.Ltmp6:
0x109: {  	_ =	swait.ge [sflag:s20], $0x2800;
	(pc) =	sbr.rel .LBB2_7-.Ltmp6, $4  }
0x10a: {  	[sflag:s20] =	ssyncset.done $0x0  }
0x10b: {  	s6 =	sadd.s32 $0x800, s6;
	s10 =	sadd.s32 $0xA000, s10;
	[sflag:s20] =	ssyncadd.s32 $0xFFFFD800  }
0x10c: {  	[tilespmem:s28], [sflag:$0x4] =	stream.strided.gather [hbm4b:s11+s22], $0x2800, s23, s22, $0x38;
	[tilespmem:$0x1B260] =	vst v63  }
0x10d: {  	s9 =	sadd.s32 $0xA000, s9;
	s7 =	sadd.s32 $0xA000, s7;
	s11 =	sadd.s32 $0xA000, s11  }
.LBB2_9:
0x10e: {  	_ =	swait.ge [sflag:s4], $0x2800  }
0x10f: {  	[sflag:s4] =	ssyncset.done $0x0  }
0x110: {  	[sflag:s4] =	ssyncadd.s32 $0xFFFFD800  }
0x111: {  	[spmem:s1] =	stream.indirect.scatter.add.f32 [tilespmem:s28], [sflag:$0x5], $0x50, s12, s30, $0xb8;
	[tilespmem:$0x1B260] =	vst v63  }
0x112: {  	_ =	swait.ge [sflag:s20], $0x2800  }
0x113: {  	[sflag:s20] =	ssyncset.done $0x0  }
0x114: {  	[sflag:s20] =	ssyncadd.s32 $0xFFFFD800  }
0x115: {  	[bflag:$0x0] =	sbarrier.arrive $0xFFFF  }
0x116: {  	s6 =	simm.s32 $0xA;
	s2 =	rddreg [dreg:$0x4]  }
0x117: {  	[hbm:s2@s22], [sflag:s3] =	dma.strided [spmem:s5@s6], $0x186A, s29, $0xa   }
0x118: {  	_ =	swait.ge [sflag:s20], $0x186A  }
0x119: {  	[sflag:s20] =	ssyncset.done $0x0  }
0x11a: {  	[sflag:s20] =	ssyncadd.s32 $0xFFFFE796  }
0x11b: {  	[bflag:$0x0] =	sbarrier.arrive $0xFFFF  }
0x11c: {  	[spmem:s14] =	stream.linear.scatter [tilespmem:s21], [sflag:$0x5], $0x2710, $0x38;
	[tilespmem:$0x1B260] =	vst v63  }
0x11d: {  	_ =	swait.ge [sflag:s20], $0x2710  }
0x11e: {  	s11 =	sld [smem:$0x7FD]  }
0x11f: {  	[sflag:s20] =	ssyncset.done $0x0  }
0x120: {  	[sflag:s20] =	ssyncadd.s32 $0xFFFFD8F0  }
0x121: {  	[spmem:s11] =	stream.linear.scatter [tilespmem:s21], [sflag:$0x5], $0x2710, $0x38;
	[tilespmem:$0x1B260] =	vst v63  }
0x122: {  	_ =	swait.ge [sflag:s20], $0x2710  }
0x123: {  	[sflag:s20] =	ssyncset.done $0x0  }
0x124: {  	[sflag:s20] =	ssyncadd.s32 $0xFFFFD8F0  }
0x125: {  	[spmem:s17] =	stream.linear.scatter [tilespmem:s21], [sflag:$0x5], $0x2710, $0x38;
	[tilespmem:$0x1B260] =	vst v63  }
0x126: {  	_ =	swait.ge [sflag:s20], $0x2710  }
0x127: {  	[sflag:s20] =	ssyncset.done $0x0  }
0x128: {  	[sflag:s20] =	ssyncadd.s32 $0xFFFFD8F0  }
0x129: {  	[spmem:s18] =	stream.linear.scatter [tilespmem:s21], [sflag:$0x5], $0x2710, $0x38;
	[tilespmem:$0x1B260] =	vst v63  }
0x12a: {  	_ =	swait.ge [sflag:s20], $0x2710  }
0x12b: {  	[sflag:s20] =	ssyncset.done $0x0  }
0x12c: {  	[sflag:s20] =	ssyncadd.s32 $0xFFFFD8F0  }
0x12d: {  	[spmem:s19] =	stream.linear.scatter [tilespmem:s21], [sflag:$0x5], $0x2710, $0x38;
	[tilespmem:$0x1B260] =	vst v63  }
0x12e: {  	_ =	swait.ge [sflag:s20], $0x2710  }
0x12f: {  	[sflag:s20] =	ssyncset.done $0x0  }
0x130: {  	[sflag:s20] =	ssyncadd.s32 $0xFFFFD8F0  }
0x131: {  	[bflag:$0x0] =	sbarrier.arrive $0xFFFF  }
0x132: {  	s12 =	rddreg [dreg:$0x10]  }
0x133: {  	s13 =	rddreg [dreg:$0x11]  }
0x134: {  	s16 =	rddreg [dreg:$0x12]  }
0x135: {  	s25 =	rddreg [dreg:$0x13]  }
0x136: {  	s7 =	sld [smem:$0x7F7]  }
0x137: {  	[tilespmem:s24], [sflag:$0x1] =	stream.strided.gather [hbm4b:s12+s22], $0x2800, s23, s22, $0x38;
	[tilespmem:$0x1B260] =	vst v63  }
0x138: {  	s15 =	simm.s32 $0x5000;
	s9 =	sld [smem:$0x7F6]  }
0x139: {  	[tilespmem:s15], [sflag:$0x2] =	stream.strided.gather [hbm4b:s13+s22], $0x2800, s23, s22, $0x38;
	[tilespmem:$0x1B260] =	vst v63  }
0x13a: {  	s10 =	sld [smem:$0x7F5]  }
0x13b: {  	[tilespmem:s26], [sflag:$0x3] =	stream.strided.gather [hbm4b:s16+s22], $0x2800, s23, s22, $0x38;
	[tilespmem:$0x1B260] =	vst v63  }
0x13c: {  	s6 =	simm.s32 $0x0;
	s11 =	sld [smem:$0x7F4]  }
0x13d: {  	[tilespmem:s28], [sflag:$0x4] =	stream.strided.gather [hbm4b:s25+s22], $0x2800, s23, s22, $0x38;
	[tilespmem:$0x1B260] =	vst v63  }
.LBB2_10:
0x13e: {  	_ =	swait.ge [sflag:s29], $0x2800  }
0x13f: {  	[sflag:s29] =	ssyncset.done $0x0  }
0x140: {  	s2 =	sshra.s32 s6, $0x2;
	[sflag:s29] =	ssyncadd.s32 $0xFFFFD800  }
0x141: {  	[spmem:s1] =	stream.indirect.scatter.add.f32 [tilespmem:s24], [sflag:$0x5], $0x50, s2, s30, $0xb8;
	[tilespmem:$0x1B260] =	vst v63  }
0x142: {  	_ =	swait.ge [sflag:s20], $0x2800  }
0x143: {  	p0 =	seq.s32 s6, $0x9800;
	[sflag:s20] =	ssyncset.done $0x0  }
0x144: {  	s12 =	simm.s32 @p0 $0x2;
	[sflag:s20] =	ssyncadd.s32 $0xFFFFD800  }
0x145: {  	_ =	swait.ge @p0 [sflag:s12], $0x2800  }
0x146: {  	[sflag:s12] =	ssyncset.done @p0 $0x0  }
0x147: {  	[sflag:s12] =	ssyncadd.s32 @p0 $0xFFFFD800;
	s12 =	sshra.s32 @p0 s6, $0x2  }
0x148: {  	s13 =	simm.s32 @p0 $0x80;
	s15 =	simm.s32 @p0 $0x5000;
	s12 =	sadd.s32 @p0 $0x80, s12  }
0x149: {  	[spmem:s1] =	stream.indirect.scatter.add.f32 @p0 [tilespmem:s15], [sflag:$0x5], $0x50, s12, s13, $0xb8;
	[tilespmem:$0x1B260] =	vst v63  }
0x14a: {  	s12 =	simm.s32 @p0 $0x5  }
0x14b: {  	_ =	swait.ge @p0 [sflag:s12], $0x2800  }
0x14c: {  	s13 =	simm.s32 @!p0 $0x280;
	[sflag:s12] =	ssyncset.done @p0 $0x0  }
0x14d: {  	s15 =	simm.s32 @!p0 $0x2800;
	[sflag:s12] =	ssyncadd.s32 @p0 $0xFFFFD800;
	s12 =	simm.s32 @!p0 $0x50  }
0x14e: {  	[tilespmem:s15], [sflag:$0x1] =	stream.strided.gather @!p0 [hbm4b:s7+s12], $0x2800, s13, s12, $0x38;
	[tilespmem:$0x1B260] =	vst v63  }
0x14f: {  	s15 =	simm.s32 @!p0 $0x2  }
0x150: {  	_ =	swait.ge @!p0 [sflag:s15], $0x2800  }
0x151: {  	[sflag:s15] =	ssyncset.done @!p0 $0x0  }
0x152: {  	[sflag:s15] =	ssyncadd.s32 @!p0 $0xFFFFD800;
	s15 =	sshra.s32 @!p0 s6, $0x2  }
0x153: {  	s16 =	simm.s32 @!p0 $0x80;
	s25 =	simm.s32 @!p0 $0x5000;
	s15 =	sadd.s32 @!p0 $0x80, s15  }
0x154: {  	[spmem:s1] =	stream.indirect.scatter.add.f32 @!p0 [tilespmem:s25], [sflag:$0x5], $0x50, s15, s16, $0xb8;
	[tilespmem:$0x1B260] =	vst v63  }
0x155: {  	s15 =	simm.s32 @!p0 $0x5  }
0x156: {  	_ =	swait.ge @!p0 [sflag:s15], $0x2800  }
0x157: {  	[sflag:s15] =	ssyncset.done @!p0 $0x0  }
0x158: {  	[sflag:s15] =	ssyncadd.s32 @!p0 $0xFFFFD800  }
0x159: {  	[tilespmem:s25], [sflag:$0x2] =	stream.strided.gather @!p0 [hbm4b:s9+s12], $0x2800, s13, s12, $0x38;
	[tilespmem:$0x1B260] =	vst v63  }
0x15a: {  	_ =	swait.ge [sflag:s31], $0x2800  }
0x15b: {  	[sflag:s31] =	ssyncset.done $0x0  }
.Ltmp7:
0x15c: {  	s25 =	sadd.s32 $0x100, s2;
	[sflag:s31] =	ssyncadd.s32 $0xFFFFD800;
	(pc) =	sbr.rel @p0 .LBB2_12-.Ltmp7, $4  }
0x15d: {  	[spmem:s1] =	stream.indirect.scatter.add.f32 [tilespmem:s26], [sflag:$0x5], $0x50, s25, s30, $0xb8;
	[tilespmem:$0x1B260] =	vst v63  }
0x15e: {  	_ =	swait.ge [sflag:s20], $0x2800  }
0x15f: {  	[sflag:s20] =	ssyncset.done $0x0  }
0x160: {  	s12 =	sadd.s32 $0x180, s2;
	[sflag:s20] =	ssyncadd.s32 $0xFFFFD800  }
0x161: {  	[tilespmem:s26], [sflag:$0x3] =	stream.strided.gather [hbm4b:s10+s22], $0x2800, s23, s22, $0x38;
	[tilespmem:$0x1B260] =	vst v63  }
0x162: {  	_ =	swait.ge [sflag:s4], $0x2800  }
0x163: {  	[sflag:s4] =	ssyncset.done $0x0  }
0x164: {  	[sflag:s4] =	ssyncadd.s32 $0xFFFFD800  }
0x165: {  	[spmem:s1] =	stream.indirect.scatter.add.f32 [tilespmem:s28], [sflag:$0x5], $0x50, s12, s30, $0xb8;
	[tilespmem:$0x1B260] =	vst v63  }
.Ltmp8:
0x166: {  	_ =	swait.ge [sflag:s20], $0x2800;
	(pc) =	sbr.rel .LBB2_10-.Ltmp8, $4  }
0x167: {  	[sflag:s20] =	ssyncset.done $0x0  }
0x168: {  	s6 =	sadd.s32 $0x800, s6;
	s10 =	sadd.s32 $0xA000, s10;
	[sflag:s20] =	ssyncadd.s32 $0xFFFFD800  }
0x169: {  	[tilespmem:s28], [sflag:$0x4] =	stream.strided.gather [hbm4b:s11+s22], $0x2800, s23, s22, $0x38;
	[tilespmem:$0x1B260] =	vst v63  }
0x16a: {  	s9 =	sadd.s32 $0xA000, s9;
	s7 =	sadd.s32 $0xA000, s7;
	s11 =	sadd.s32 $0xA000, s11  }
.LBB2_12:
0x16b: {  	_ =	swait.ge [sflag:s4], $0x2800  }
0x16c: {  	[sflag:s4] =	ssyncset.done $0x0  }
0x16d: {  	[sflag:s4] =	ssyncadd.s32 $0xFFFFD800  }
0x16e: {  	[spmem:s1] =	stream.indirect.scatter.add.f32 [tilespmem:s28], [sflag:$0x5], $0x50, s12, s30, $0xb8;
	[tilespmem:$0x1B260] =	vst v63  }
0x16f: {  	_ =	swait.ge [sflag:s20], $0x2800  }
0x170: {  	[sflag:s20] =	ssyncset.done $0x0  }
0x171: {  	[sflag:s20] =	ssyncadd.s32 $0xFFFFD800  }
0x172: {  	[bflag:$0x0] =	sbarrier.arrive $0xFFFF  }
0x173: {  	s6 =	simm.s32 $0xA;
	s2 =	rddreg [dreg:$0x5]  }
0x174: {  	[hbm:s2@s22], [sflag:s3] =	dma.strided [spmem:s5@s6], $0x186A, s29, $0xa   }
0x175: {  	_ =	swait.ge [sflag:s20], $0x186A  }
0x176: {  	[sflag:s20] =	ssyncset.done $0x0  }
0x177: {  	[sflag:s20] =	ssyncadd.s32 $0xFFFFE796  }
0x178: {  	[bflag:$0x0] =	sbarrier.arrive $0xFFFF  }
0x179: {  	[spmem:s14] =	stream.linear.scatter [tilespmem:s21], [sflag:$0x5], $0x2710, $0x38;
	[tilespmem:$0x1B260] =	vst v63  }
0x17a: {  	_ =	swait.ge [sflag:s20], $0x2710  }
0x17b: {  	s11 =	sld [smem:$0x7FD]  }
0x17c: {  	[sflag:s20] =	ssyncset.done $0x0  }
0x17d: {  	[sflag:s20] =	ssyncadd.s32 $0xFFFFD8F0  }
0x17e: {  	[spmem:s11] =	stream.linear.scatter [tilespmem:s21], [sflag:$0x5], $0x2710, $0x38;
	[tilespmem:$0x1B260] =	vst v63  }
0x17f: {  	_ =	swait.ge [sflag:s20], $0x2710  }
0x180: {  	[sflag:s20] =	ssyncset.done $0x0  }
0x181: {  	[sflag:s20] =	ssyncadd.s32 $0xFFFFD8F0  }
0x182: {  	[spmem:s17] =	stream.linear.scatter [tilespmem:s21], [sflag:$0x5], $0x2710, $0x38;
	[tilespmem:$0x1B260] =	vst v63  }
0x183: {  	_ =	swait.ge [sflag:s20], $0x2710  }
0x184: {  	[sflag:s20] =	ssyncset.done $0x0  }
0x185: {  	[sflag:s20] =	ssyncadd.s32 $0xFFFFD8F0  }
0x186: {  	[spmem:s18] =	stream.linear.scatter [tilespmem:s21], [sflag:$0x5], $0x2710, $0x38;
	[tilespmem:$0x1B260] =	vst v63  }
0x187: {  	_ =	swait.ge [sflag:s20], $0x2710  }
0x188: {  	[sflag:s20] =	ssyncset.done $0x0  }
0x189: {  	[sflag:s20] =	ssyncadd.s32 $0xFFFFD8F0  }
0x18a: {  	[spmem:s19] =	stream.linear.scatter [tilespmem:s21], [sflag:$0x5], $0x2710, $0x38;
	[tilespmem:$0x1B260] =	vst v63  }
0x18b: {  	_ =	swait.ge [sflag:s20], $0x2710  }
0x18c: {  	[sflag:s20] =	ssyncset.done $0x0  }
0x18d: {  	[sflag:s20] =	ssyncadd.s32 $0xFFFFD8F0  }
0x18e: {  	[bflag:$0x0] =	sbarrier.arrive $0xFFFF  }
0x18f: {  	s12 =	rddreg [dreg:$0x14]  }
0x190: {  	s13 =	rddreg [dreg:$0x15]  }
0x191: {  	s16 =	rddreg [dreg:$0x16]  }
0x192: {  	s25 =	rddreg [dreg:$0x17]  }
0x193: {  	s7 =	sld [smem:$0x7FC]  }
0x194: {  	[tilespmem:s24], [sflag:$0x1] =	stream.strided.gather [hbm4b:s12+s22], $0x2800, s23, s22, $0x38;
	[tilespmem:$0x1B260] =	vst v63  }
0x195: {  	s15 =	simm.s32 $0x5000;
	s9 =	sld [smem:$0x7FB]  }
0x196: {  	[tilespmem:s15], [sflag:$0x2] =	stream.strided.gather [hbm4b:s13+s22], $0x2800, s23, s22, $0x38;
	[tilespmem:$0x1B260] =	vst v63  }
0x197: {  	s10 =	sld [smem:$0x7FA]  }
0x198: {  	[tilespmem:s26], [sflag:$0x3] =	stream.strided.gather [hbm4b:s16+s22], $0x2800, s23, s22, $0x38;
	[tilespmem:$0x1B260] =	vst v63  }
0x199: {  	s6 =	simm.s32 $0x0;
	s11 =	sld [smem:$0x7F8]  }
0x19a: {  	[tilespmem:s28], [sflag:$0x4] =	stream.strided.gather [hbm4b:s25+s22], $0x2800, s23, s22, $0x38;
	[tilespmem:$0x1B260] =	vst v63  }
.LBB2_13:
0x19b: {  	_ =	swait.ge [sflag:s29], $0x2800  }
0x19c: {  	[sflag:s29] =	ssyncset.done $0x0  }
0x19d: {  	s2 =	sshra.s32 s6, $0x2;
	[sflag:s29] =	ssyncadd.s32 $0xFFFFD800  }
0x19e: {  	[spmem:s1] =	stream.indirect.scatter.add.f32 [tilespmem:s24], [sflag:$0x5], $0x50, s2, s30, $0xb8;
	[tilespmem:$0x1B260] =	vst v63  }
0x19f: {  	_ =	swait.ge [sflag:s20], $0x2800  }
0x1a0: {  	p0 =	seq.s32 s6, $0x9800;
	[sflag:s20] =	ssyncset.done $0x0  }
0x1a1: {  	s12 =	simm.s32 @p0 $0x2;
	[sflag:s20] =	ssyncadd.s32 $0xFFFFD800  }
0x1a2: {  	_ =	swait.ge @p0 [sflag:s12], $0x2800  }
0x1a3: {  	[sflag:s12] =	ssyncset.done @p0 $0x0  }
0x1a4: {  	[sflag:s12] =	ssyncadd.s32 @p0 $0xFFFFD800;
	s12 =	sshra.s32 @p0 s6, $0x2  }
0x1a5: {  	s13 =	simm.s32 @p0 $0x80;
	s15 =	simm.s32 @p0 $0x5000;
	s12 =	sadd.s32 @p0 $0x80, s12  }
0x1a6: {  	[spmem:s1] =	stream.indirect.scatter.add.f32 @p0 [tilespmem:s15], [sflag:$0x5], $0x50, s12, s13, $0xb8;
	[tilespmem:$0x1B260] =	vst v63  }
0x1a7: {  	s12 =	simm.s32 @p0 $0x5  }
0x1a8: {  	_ =	swait.ge @p0 [sflag:s12], $0x2800  }
0x1a9: {  	s13 =	simm.s32 @!p0 $0x280;
	[sflag:s12] =	ssyncset.done @p0 $0x0  }
0x1aa: {  	s15 =	simm.s32 @!p0 $0x2800;
	[sflag:s12] =	ssyncadd.s32 @p0 $0xFFFFD800;
	s12 =	simm.s32 @!p0 $0x50  }
0x1ab: {  	[tilespmem:s15], [sflag:$0x1] =	stream.strided.gather @!p0 [hbm4b:s7+s12], $0x2800, s13, s12, $0x38;
	[tilespmem:$0x1B260] =	vst v63  }
0x1ac: {  	s15 =	simm.s32 @!p0 $0x2  }
0x1ad: {  	_ =	swait.ge @!p0 [sflag:s15], $0x2800  }
0x1ae: {  	[sflag:s15] =	ssyncset.done @!p0 $0x0  }
0x1af: {  	[sflag:s15] =	ssyncadd.s32 @!p0 $0xFFFFD800;
	s15 =	sshra.s32 @!p0 s6, $0x2  }
0x1b0: {  	s16 =	simm.s32 @!p0 $0x80;
	s25 =	simm.s32 @!p0 $0x5000;
	s15 =	sadd.s32 @!p0 $0x80, s15  }
0x1b1: {  	[spmem:s1] =	stream.indirect.scatter.add.f32 @!p0 [tilespmem:s25], [sflag:$0x5], $0x50, s15, s16, $0xb8;
	[tilespmem:$0x1B260] =	vst v63  }
0x1b2: {  	s15 =	simm.s32 @!p0 $0x5  }
0x1b3: {  	_ =	swait.ge @!p0 [sflag:s15], $0x2800  }
0x1b4: {  	[sflag:s15] =	ssyncset.done @!p0 $0x0  }
0x1b5: {  	[sflag:s15] =	ssyncadd.s32 @!p0 $0xFFFFD800  }
0x1b6: {  	[tilespmem:s25], [sflag:$0x2] =	stream.strided.gather @!p0 [hbm4b:s9+s12], $0x2800, s13, s12, $0x38;
	[tilespmem:$0x1B260] =	vst v63  }
0x1b7: {  	_ =	swait.ge [sflag:s31], $0x2800  }
0x1b8: {  	[sflag:s31] =	ssyncset.done $0x0  }
.Ltmp9:
0x1b9: {  	s25 =	sadd.s32 $0x100, s2;
	[sflag:s31] =	ssyncadd.s32 $0xFFFFD800;
	(pc) =	sbr.rel @p0 .LBB2_15-.Ltmp9, $4  }
0x1ba: {  	[spmem:s1] =	stream.indirect.scatter.add.f32 [tilespmem:s26], [sflag:$0x5], $0x50, s25, s30, $0xb8;
	[tilespmem:$0x1B260] =	vst v63  }
0x1bb: {  	_ =	swait.ge [sflag:s20], $0x2800  }
0x1bc: {  	[sflag:s20] =	ssyncset.done $0x0  }
0x1bd: {  	s12 =	sadd.s32 $0x180, s2;
	[sflag:s20] =	ssyncadd.s32 $0xFFFFD800  }
0x1be: {  	[tilespmem:s26], [sflag:$0x3] =	stream.strided.gather [hbm4b:s10+s22], $0x2800, s23, s22, $0x38;
	[tilespmem:$0x1B260] =	vst v63  }
0x1bf: {  	_ =	swait.ge [sflag:s4], $0x2800  }
0x1c0: {  	[sflag:s4] =	ssyncset.done $0x0  }
0x1c1: {  	[sflag:s4] =	ssyncadd.s32 $0xFFFFD800  }
0x1c2: {  	[spmem:s1] =	stream.indirect.scatter.add.f32 [tilespmem:s28], [sflag:$0x5], $0x50, s12, s30, $0xb8;
	[tilespmem:$0x1B260] =	vst v63  }
.Ltmp10:
0x1c3: {  	_ =	swait.ge [sflag:s20], $0x2800;
	(pc) =	sbr.rel .LBB2_13-.Ltmp10, $4  }
0x1c4: {  	[sflag:s20] =	ssyncset.done $0x0  }
0x1c5: {  	s6 =	sadd.s32 $0x800, s6;
	s10 =	sadd.s32 $0xA000, s10;
	[sflag:s20] =	ssyncadd.s32 $0xFFFFD800  }
0x1c6: {  	[tilespmem:s28], [sflag:$0x4] =	stream.strided.gather [hbm4b:s11+s22], $0x2800, s23, s22, $0x38;
	[tilespmem:$0x1B260] =	vst v63  }
0x1c7: {  	s9 =	sadd.s32 $0xA000, s9;
	s7 =	sadd.s32 $0xA000, s7;
	s11 =	sadd.s32 $0xA000, s11  }
.LBB2_16:
0x1c8: {  	_ =	sfence.sel $0x180000  }
0x1c9: {  	[bflag:$0x0] =	sbarrier.arrive $0xFFFF  }
0x1ca: {  	_ =	strace $0x9000004A  }
0x1cb: {  	s0 =	stileid.u32;
	[bflag:$0x2] =	sbarrier.arrive $0xFFFF  }
0x1cc: {  	p0 =	sne.s32 s0, $0x0;
	s0 =	rddreg [dreg:$0x2]  }
0x1cd: {  	s0 =	sadd.s32 @!p0 $0x100000, s0  }
0x1ce: {  	[sflag:s0] =	ssyncadd.tile.s32 @!p0 $0x1;
	_ =	shalt  }
.Lfunc_end2:
_tile_overlayer_lowered:
.L_overlay_start_2:
0x1cf: {  	(tag) =	ssettag $0x2  }
0x1d0: {  	s0 =	rddreg [dreg:$0x0];
	s2 =	stileid.u32  }
0x1d1: {  	s1 =	rddreg [dreg:$0x1];
	p0 =	sne.s32 s2, $0x0  }
0x1d2: {  	s3 =	rddreg [dreg:$0x2];
	[bflag:$0x3] =	sbarrier.arrive $0xFFFF;
	s2 =	simm.s32 @!p0 $0x1C05  }
0x1d3: {  	[timem:s3], [sflag:s2] =	dma.local @!p0 [hbm:s0], s1  }
0x1d4: {  	s0 =	simm.s32 @!p0 $0x5  }
0x1d5: {  	_ =	swait.ge @!p0 [sflag:s0], s1  }
0x1d6: {  	s1 =	ssub.s32 @!p0 $0x0, s1;
	[sflag:s0] =	ssyncset.done @!p0 $0x0  }
0x1d7: {  	[sflag:s0] =	ssyncadd.s32 @!p0 s1  }
0x1d8: {  	[bflag:$0x3] =	sbarrier.arrive $0xFFFF  }
0x1d9: {  	_ =	shalt  }

// kernel: kernel.8.cloned.1.call-start
scs
__scs_entry_jumppad:
0x0: {  	(pc) =	sbr.rel $0x88, $3  }
0x1: {  	(tag) =	ssettag $0x0;
	lr =	simm.s32 $0x1  }
0x2: {  	[smem:$0x3F8B] =	sst lr;
	_ =	strace $0xD0000000  }
0x3: {  	_ = 	snop  }
0x4: {  	_ = 	snop  }
0x5: {  	_ = 	snop  }
0x6: {  	_ = 	snop  }
0x7: {  	_ = 	snop  }
__scs_overlays_trampoline_lowered:
0x8: {  	[smem:$0x3F9A] =	sst s0  }
0x9: {  	[smem:$0x3F9B] =	sst s1  }
0xa: {  	[smem:$0x3F9C] =	sst s2  }
0xb: {  	[smem:$0x3F9D] =	sst s3  }
0xc: {  	[smem:$0x3F9E] =	sst s4  }
0xd: {  	[smem:$0x3F9F] =	sst s5  }
0xe: {  	[smem:$0x3FA0] =	sst s6  }
0xf: {  	[smem:$0x3FA1] =	sst s7  }
0x10: {  	[smem:$0x3FA2] =	sst s8  }
0x11: {  	[smem:$0x3FA3] =	sst s9;
	s0 =	simm.s32 @!p0 $0x0  }
0x12: {  	s1 =	sld [smem:$0x3F89];
	s0 =	simm.s32 @p0 $0x1  }
0x13: {  	[smem:$0x3FA4] =	sst s0;
	s0 =	simm.s32 @!p1 $0x0  }
0x14: {  	s2 =	sld [smem:$0x3F88];
	s0 =	simm.s32 @p1 $0x1  }
0x15: {  	[smem:$0x3FA5] =	sst s0;
	s0 =	simm.s32 @!p2 $0x0  }
0x16: {  	s3 =	sld [smem:$0x3FDB];
	s0 =	simm.s32 @p2 $0x1  }
0x17: {  	s4 =	simm.s32 $0x1BF5;
	[smem:$0x3FA7] =	sst s0  }
0x18: {  	s0 =	sld [smem:$0x3F8A];
	_ =	swait.ge [sflag:s4], $0x0  }
0x19: {  	s7 =	sld [smem:$0x3F8B]  }
0x1a: {  	s8 =	sadd.s32 $0xFFFFE003, lr  }
0x1b: {  	s9 =	sadd.s32 $0xFFFFFEF7, lr;
	s5 =	simm.s32 $0xFFFFFFFF;
	p2 =	slt.u32 s8, $0xFFFFF086  }
0x1c: {  	p1 =	slt.u32 s9, $0xF7A;
	s5 =	simm.s32 @!p2 $0x0  }
0x1d: {  	s5 =	simm.s32 @p1 $0x1;
	p0 =	seq.s32 s7, s2  }
0x1e: {  	s7 =	smul.u32 @!p0 $0xF7A, s2;
	p2 =	seq.s32 @!p0 s5, $0x0  }
0x1f: {  	s9 =	smul.u32 $0xF7A, s1;
	s8 =	simm.s32 @!p0 $0x1BF5;
	p2 =	por !p2, p0  }
0x20: {  	[sflag:s8] =	ssyncset.s32 @!p0 $0xFFFFF086;
	s6 =	sadd.s32 @!p0 s3, s7;
	s7 =	simm.s32 @!p0 $0x108  }
0x21: {  	s3 =	sadd.s32 s3, s9;
	s6 =	sadd.s32 @!p0 $0x88, s6;
	s7 =	simm.s32 @p2 $0x1082  }
0x22: {  	[simem:s7], [sflag:s8] =	dma.local @!p0 [hbm:s6], $0xF7A  }
0x23: {  	s9 =	sor.u32 $0xD0000000, s2;
	s6 =	simm.s32 $0x108;
	_ =	swait.ge @!p0 [sflag:s8], $0x0  }
0x24: {  	s3 =	sadd.s32 $0x88, s3;
	s6 =	simm.s32 @!p1 $0x1082;
	[sflag:s4] =	ssyncset.s32 $0xFFFFF086  }
0x25: {  	[simem:s6], [sflag:s4] =	dma.local [hbm:s3], $0xF7A  }
0x26: {  	[smem:$0x3F8B] =	sst s1;
	(tag) =	ssettag s2;
	_ =	strace s9  }
0x27: {  	s1 =	sld [smem:$0x3F9B]  }
0x28: {  	s2 =	sld [smem:$0x3F9C]  }
0x29: {  	s4 =	sld [smem:$0x3F9E]  }
0x2a: {  	p0 =	seq.s32 s5, $0x0;
	s5 =	sld [smem:$0x3F9F]  }
0x2b: {  	s6 =	sld [smem:$0x3FA0]  }
0x2c: {  	s7 =	sld [smem:$0x3FA1]  }
0x2d: {  	s3 =	simm.s32 $0x108;
	s8 =	sld [smem:$0x3FA2]  }
0x2e: {  	s3 =	simm.s32 @!p0 $0x1082;
	s9 =	sld [smem:$0x3FA3]  }
0x2f: {  	lr =	sadd.s32 s0, s3;
	s0 =	sld [smem:$0x3F9A]  }
0x30: {  	s3 =	sld [smem:$0x3F9D]  }
0x31: {  	[smem:$0x3FA6] =	sst s10  }
0x32: {  	s10 =	sld [smem:$0x3FA4];
	_ =	sdelay $0x3  }
0x33: {  	p0 =	seq.s32 s10, $0x1;
	s10 =	sld [smem:$0x3FA6];
	_ =	sdelay $0x3  }
0x34: {  	[smem:$0x3FA6] =	sst s10  }
0x35: {  	s10 =	sld [smem:$0x3FA5];
	_ =	sdelay $0x3  }
0x36: {  	p1 =	seq.s32 s10, $0x1;
	s10 =	sld [smem:$0x3FA6];
	_ =	sdelay $0x3  }
0x37: {  	[smem:$0x3FA6] =	sst s10  }
0x38: {  	s10 =	sld [smem:$0x3FA7]  }
0x39: {  	_ = 	snop;
	(pc) =	sbr.ind lr, $3  }
0x3a: {  	_ = 	snop  }
0x3b: {  	_ = 	snop  }
0x3c: {  	p2 =	seq.s32 s10, $0x1;
	s10 =	sld [smem:$0x3FA6]  }
0x3d: {  	_ =	shalt  }
0x3e: {  	_ =	shalt  }
0x3f: {  	_ =	shalt  }
0x40: {  	_ =	shalt  }
0x41: {  	_ =	shalt  }
0x42: {  	_ =	shalt  }
0x43: {  	_ =	shalt  }
0x44: {  	_ =	shalt  }
0x45: {  	_ =	shalt  }
0x46: {  	_ =	shalt  }
0x47: {  	_ =	shalt  }
0x48: {  	_ =	shalt  }
0x49: {  	_ =	shalt  }
0x4a: {  	_ =	shalt  }
0x4b: {  	_ =	shalt  }
0x4c: {  	_ =	shalt  }
0x4d: {  	_ =	shalt  }
0x4e: {  	_ =	shalt  }
0x4f: {  	_ =	shalt  }
0x50: {  	_ =	shalt  }
0x51: {  	_ =	shalt  }
0x52: {  	_ =	shalt  }
0x53: {  	_ =	shalt  }
0x54: {  	_ =	shalt  }
0x55: {  	_ =	shalt  }
0x56: {  	_ =	shalt  }
0x57: {  	_ =	shalt  }
0x58: {  	_ =	shalt  }
0x59: {  	_ =	shalt  }
0x5a: {  	_ =	shalt  }
0x5b: {  	_ =	shalt  }
0x5c: {  	_ =	shalt  }
0x5d: {  	_ =	shalt  }
0x5e: {  	_ =	shalt  }
0x5f: {  	_ =	shalt  }
0x60: {  	_ =	shalt  }
0x61: {  	_ =	shalt  }
0x62: {  	_ =	shalt  }
0x63: {  	_ =	shalt  }
0x64: {  	_ =	shalt  }
0x65: {  	_ =	shalt  }
0x66: {  	_ =	shalt  }
0x67: {  	_ =	shalt  }
0x68: {  	_ =	shalt  }
0x69: {  	_ =	shalt  }
0x6a: {  	_ =	shalt  }
0x6b: {  	_ =	shalt  }
0x6c: {  	_ =	shalt  }
0x6d: {  	_ =	shalt  }
0x6e: {  	_ =	shalt  }
0x6f: {  	_ =	shalt  }
0x70: {  	_ =	shalt  }
0x71: {  	_ =	shalt  }
0x72: {  	_ =	shalt  }
0x73: {  	_ =	shalt  }
0x74: {  	_ =	shalt  }
0x75: {  	_ =	shalt  }
0x76: {  	_ =	shalt  }
0x77: {  	_ =	shalt  }
0x78: {  	_ =	shalt  }
0x79: {  	_ =	shalt  }
0x7a: {  	_ =	shalt  }
0x7b: {  	_ =	shalt  }
0x7c: {  	_ =	shalt  }
0x7d: {  	_ =	shalt  }
0x7e: {  	_ =	shalt  }
0x7f: {  	_ =	shalt  }
0x80: {  	_ =	shalt  }
0x81: {  	_ =	shalt  }
0x82: {  	_ =	shalt  }
0x83: {  	_ =	shalt  }
0x84: {  	_ =	shalt  }
0x85: {  	_ =	shalt  }
0x86: {  	_ =	shalt  }
0x87: {  	_ =	shalt  }
.Lfunc_end0:
.L_simem_size_0:
called_computation_lowered:
.L_overlay_start_0:
0x88: {  	s2 =	sld [smem:$0x3FD9]  }
0x89: {  	s3 =	sld [smem:$0x3FFE];
	_ =	sdelay $0x1  }
0x8a: {  	s1 =	srdreg.scid  }
0x8b: {  	s0 =	sand.u32 $0x1, s1  }
0x8c: {  	s14 =	sshll.u32 s0, $0xA;
	s2 =	sadd.s32 s3, s2  }
0x8d: {  	s2 =	sadd.s32 s2, s14  }
0x8e: {  	[smem:$0x3FB2] =	sst s2  }
0x8f: {  	_ = 	snop  }
0x90: {  	s2 =	sld [smem:$0x3FD0];
	_ =	sdelay $0x2  }
0x91: {  	s15 =	simm.s32 $0xA;
	s4 =	simm.s32 $0x10  }
0x92: {  	[smem:s4], [sflag:s15] =	dma.local [hbm:s2], $0x1  }
0x93: {  	_ =	swait.eq [sflag:s15], $0x1  }
0x94: {  	[sflag:s15] =	ssyncset.done $0x0  }
0x95: {  	s16 =	sld [smem:$0x10];
	[sflag:s15] =	ssyncadd.s32 $0xFFFFFFFF  }
0x96: {  	s17 =	sld [smem:$0x11];
	(tm) =	ssettm $0x1  }
0x97: {  	s18 =	sld [smem:$0x3FFB];
	_ =	sdelay $0x3  }
0x98: {  	_ =	strace s18  }
0x99: {  	s4 =	sld [smem:$0x3FFC];
	_ =	sdelay $0x3  }
0x9a: {  	_ =	strace s4  }
0x9b: {  	s4 =	sld [smem:$0x3FFD];
	_ =	sdelay $0x3  }
0x9c: {  	_ =	strace s4  }
0x9d: {  	_ =	strace $0x8FFFFFFF  }
0x9e: {  	s19 =	sld [smem:$0x3FDB];
	_ =	sdelay $0x1  }
0x9f: {  	s5 =	simm.s32 $_scs_section_size  }
0xa0: {  	s6 =	simm.s32 $_size__tile_overlayer_lowered;
	s7 =	simm.s32 $_tile_overlayer_lowered  }
0xa1: {  	s22 =	simm.s32 $0x1BFF;
	s21 =	sshll.u32 s7, $0x1;
	s4 =	sadd.s32 s5, s19  }
0xa2: {  	s8 =	simm.s32 $0x0;
	s20 =	sshll.u32 s6, $0x1;
	s6 =	sadd.s32 s21, s4  }
0xa3: {  	[timem:s8], [sflag:s22] =	dma.local [hbm:s6], s20  }
0xa4: {  	_ =	swait.ge [sflag:s22], s20  }
0xa5: {  	s5 =	ssub.s32 $0x0, s20;
	[sflag:s22] =	ssyncset.done $0x0  }
0xa6: {  	[sflag:s22] =	ssyncadd.s32 s5;
	_ =	sdelay $0x1  }
0xa7: {  	s23 =	simm.s32 $0x1B8B  }
0xa8: {  	_ =	swait.ge [sflag:s23], $0x1  }
0xa9: {  	[sflag:s23] =	ssyncset.done $0x0  }
0xaa: {  	s25 =	simm.s32 $0x1B8E;
	s24 =	sld [smem:$0x3FFE];
	[sflag:s23] =	ssyncadd.s32 $0xFFFFFFFF  }
0xab: {  	s26 =	simm.s32 $execute0_lowered;
	[smem:$0x3FD2] =	sst s25  }
0xac: {  	s6 =	sshll.u32 s26, $0x1;
	_ =	strace $0x80000046;
	[dreg:$0x1] =	wrdreg $0xFFFFFFFF  }
0xad: {  	s28 =	simm.s32 $_size_execute0_lowered;
	s4 =	sadd.s32 s4, s6;
	[dreg:$0x0] =	wrdreg $0x0  }
0xae: {  	s6 =	sshll.u32 s28, $0x1;
	[dreg:$0x2] =	wrdreg s4  }
0xaf: {  	[dreg:$0x3] =	wrdreg s6  }
0xb0: {  	[dreg:$0x4] =	wrdreg $0xC0  }
0xb1: {  	_ =	task [dreg:s8], $0x5FFFF  }
0xb2: {  	[dreg:$0x1] =	wrdreg $0xFFFFFFFF  }
0xb3: {  	[dreg:$0x0] =	wrdreg $0x60  }
0xb4: {  	[dreg:$0x2] =	wrdreg s17  }
0xb5: {  	[dreg:$0x3] =	wrdreg s16  }
0xb6: {  	[dreg:$0x4] =	wrdreg s24  }
0xb7: {  	[dreg:$0x5] =	wrdreg $0x9  }
0xb8: {  	_ =	task.clear_ibuf [dreg:s8], $0x6FFFF;
	_ =	strace $0x90000046  }
0xb9: {  	s29 =	simm.s32 $0x9;
	_ =	strace $0x80000048  }
0xba: {  	_ =	swait.ge [sflag:s29], $0x1  }
0xbb: {  	[sflag:s29] =	ssyncadd.s32 $0xFFFFFFFF  }
0xbc: {  	_ =	strace $0x90000048  }
0xbd: {  	_ =	sfence  }
0xbe: {  	s30 =	sld [smem:$0x0];
	_ =	sdelay $0x2  }
0xbf: {  	s31 =	sshll.u32 s1, $0xD;
	s1 =	sshrl.u32 s1, $0x2  }
0xc0: {  	s3 =	sand.u32 $0x4000, s31;
	s1 =	sadd.s32 s1, s30  }
0xc1: {  	s0 =	sor.u32 s3, s0;
	s1 =	sshll.u32 s1, $0x11  }
0xc2: {  	s0 =	sor.u32 s1, s0  }
0xc3: {  	s0 =	sadd.s32 $0x8F2B, s0  }
0xc4: {  	[sflag:s0] =	ssyncadd.remote.s32 $0x1  }
0xc5: {  	_ =	sfence.sel $0xFFFF  }
0xc6: {  	[dreg:$0x0] =	wrdreg $0xFFFFFFFF;
	(pc) =	sbr.abs _section_cstart, $3  }
0xc7: {  	[dreg:$0x1] =	wrdreg $0xFFFFFFFF  }
0xc8: {  	_ =	task.clear_ibuf [dreg:s8], $0x2FFFF;
	_ =	strace $0x9FFFFFFF  }
0xc9: {  	(tm) =	ssettm $0x7FFFFFFF  }
tec
execute0_lowered:
.L_overlay_start_1:
0x0: {  	(tag) =	ssettag $0x1  }
0x1: {  	s1 =	rddreg [dreg:$0x0]  }
0x2: {  	s0 =	srdreg.scid;
	s3 =	rddreg [dreg:$0x1]  }
0x3: {  	s9 =	stileid.u32;
	s5 =	rddreg [dreg:$0x2];
	s4 =	simm.s32 $0x0  }
0x4: {  	s18 =	simm.s32 $0x80;
	s30 =	simm.s32 $0x8800;
	s29 =	simm.s32 $0x2  }
0x5: {  	s31 =	simm.s32 $0x6;
	s17 =	simm.s32 $0x7;
	s16 =	simm.s32 $0xB  }
0x6: {  	s19 =	simm.s32 $0xF;
	s0 =	sand.u32 $0x1, s0;
	s6 =	smul.u32 $0xA0000, s9  }
0x7: {  	s2 =	sshll.u32 s9, $0x1;
	[smem:$0x7FF] =	sst s4;
	s9 =	smul.u32 $0x2800, s9  }
0x8: {  	s14 =	sadd.s32 $0x150200, s5;
	s7 =	smul.u32 $0x50000, s0;
	s8 =	ssub.s32 $0x2, s0  }
0x9: {  	s2 =	sor.u32 s0, s2;
	s0 =	smul.u32 $0x1400, s0;
	s10 =	sshrl.u32 s8, $0x1  }
0xa: {  	_ =	strace $0x80000047;
	s2 =	smul.u32 $0x280, s2;
	s8 =	ssub.s32 s8, s10  }
0xb: {  	s6 =	sadd.s32 s7, s6;
	s0 =	sadd.s32 s0, s9;
	s7 =	simm.s32 $0x3  }
0xc: {  	s9 =	simm.s32 $0x0;
	s2 =	sadd.s32 s2, s5;
	s5 =	sadd.s32 $0x10200, s5  }
0xd: {  	s21 =	sshrl.u32 s6, $0x3;
	s0 =	sshll.u32 s0, $0x3;
	s22 =	smax.u32 s8, $0x1  }
0xe: {  	s20 =	sadd.s32 $0x6200, s2;
	s2 =	sadd.s32 $0xB200, s2;
	[dreg:$0x6] =	wrdreg s22  }
0xf: {  	s23 =	sadd.s32 s21, s5;
	s24 =	sor.u32 $0xC00, s0;
	[dreg:$0x4] =	wrdreg s20  }
0x10: {  	s26 =	sor.u32 $0x800, s0;
	s0 =	sor.u32 $0x400, s0;
	[dreg:$0x5] =	wrdreg s2  }
0x11: {  	s22 =	simm.s32 $0x5;
	[dreg:$0x7] =	wrdreg s23;
	s2 =	sadd.s32 s21, s14  }
0x12: {  	s25 =	sadd.s32 s24, s14;
	s6 =	sadd.s32 s24, s5;
	s28 =	sadd.s32 s26, s14  }
0x13: {  	s13 =	sadd.s32 s26, s5;
	s14 =	sadd.s32 s0, s14;
	s15 =	sadd.s32 s0, s5  }
.Ltmp0:
0x14: {  	s0 =	simm.s32 $0x1;
	[dreg:$0x8] =	wrdreg s2;
	(pc) =	sbr.rel .LBB2_1-.Ltmp0, $4  }
0x15: {  	s24 =	simm.s32 $0x9;
	s26 =	simm.s32 $0xD;
	[dreg:$0x9] =	wrdreg s25  }
0x16: {  	s5 =	simm.s32 $0xA;
	s20 =	simm.s32 $0x4;
	[dreg:$0xa] =	wrdreg s6  }
0x17: {  	s21 =	simm.s32 $0x8;
	s23 =	simm.s32 $0xC;
	[dreg:$0xb] =	wrdreg s28  }
0x18: {  	s2 =	simm.s32 $0x10800;
	s6 =	simm.s32 $0xE;
	s25 =	simm.s32 $0x10  }
.LBB2_4:
0x19: {  	s9 =	rddreg [dreg:$0xc]  }
0x1a: {  	s8 =	rddreg [dreg:$0x6];
	s9 =	sadd.s32 $0x1, s9  }
0x1b: {  	p0 =	sne.s32 s9, s8  }
.Ltmp1:
0x1c: {  	_ = 	snop;
	(pc) =	sbr.rel @!p0 .LBB2_5-.Ltmp1, $1  }
0x1d: {  	_ =	sdelay $0x3  }
.LBB2_1:
0x1e: {  	[dreg:$0xc] =	wrdreg s9  }
0x1f: {  	s8 =	rddreg [dreg:$0x4];
	s11 =	simm.s32 $0x11  }
0x20: {  	[tilespmem:s4], [sflag:$0x11] =	stream.linear.gather [hbm4b:s8+s4], $0x1400, $0x38;
	[tilespmem:$0x12800] =	vst v63  }
0x21: {  	_ =	swait.ge [sflag:s11], $0x1400  }
0x22: {  	[sflag:s11] =	ssyncset.done $0x0  }
0x23: {  	s10 =	simm.s32 $0x1400;
	s12 =	rddreg [dreg:$0x5];
	[sflag:s11] =	ssyncadd.s32 $0xFFFFEC00  }
0x24: {  	[tilespmem:s10], [sflag:$0x11] =	stream.linear.gather [hbm4b:s12+s4], $0x1400, $0x38;
	[tilespmem:$0x12800] =	vst v63  }
0x25: {  	_ =	swait.ge [sflag:s11], $0x1400  }
0x26: {  	[sflag:s11] =	ssyncset.done $0x0  }
0x27: {  	s9 =	simm.s32 $0x2800;
	[sflag:s11] =	ssyncadd.s32 $0xFFFFEC00  }
0x28: {  	[tilespmem:s9], [sflag:$0x1] =	stream.indirect.gather [hbm4b:s1+s18], $0x40, s4, s18, $0xb8;
	[tilespmem:$0x12800] =	vst v63  }
0x29: {  	s11 =	simm.s32 $0xA800  }
0x2a: {  	[tilespmem:s11], [sflag:$0x5] =	stream.indirect.gather [hbm4b:s3+s18], $0x40, s10, s18, $0xb8;
	[tilespmem:$0x12800] =	vst v63  }
0x2b: {  	s12 =	simm.s32 $0x4800  }
0x2c: {  	[tilespmem:s12], [sflag:$0x2] =	stream.indirect.gather [hbm4b:s1+s18], $0x40, s18, s18, $0xb8;
	[tilespmem:$0x12800] =	vst v63  }
0x2d: {  	s9 =	simm.s32 $0x1480;
	s10 =	simm.s32 $0xC800  }
0x2e: {  	[tilespmem:s10], [sflag:$0x6] =	stream.indirect.gather [hbm4b:s3+s18], $0x40, s9, s18, $0xb8;
	[tilespmem:$0x12800] =	vst v63  }
0x2f: {  	s11 =	simm.s32 $0x100;
	s12 =	simm.s32 $0x6800  }
0x30: {  	[tilespmem:s12], [sflag:$0x3] =	stream.indirect.gather [hbm4b:s1+s18], $0x40, s11, s18, $0xb8;
	[tilespmem:$0x12800] =	vst v63  }
0x31: {  	s9 =	simm.s32 $0x1500;
	s10 =	simm.s32 $0xE800  }
0x32: {  	[tilespmem:s10], [sflag:$0x7] =	stream.indirect.gather [hbm4b:s3+s18], $0x40, s9, s18, $0xb8;
	[tilespmem:$0x12800] =	vst v63  }
0x33: {  	s11 =	simm.s32 $0x180  }
0x34: {  	[tilespmem:s30], [sflag:$0x4] =	stream.indirect.gather [hbm4b:s1+s18], $0x40, s11, s18, $0xb8;
	[tilespmem:$0x12800] =	vst v63  }
0x35: {  	s28 =	simm.s32 $0x0;
	s8 =	simm.s32 $0x0;
	s12 =	simm.s32 $0x1580  }
0x36: {  	[tilespmem:s2], [sflag:$0x8] =	stream.indirect.gather [hbm4b:s3+s18], $0x40, s12, s18, $0xb8;
	[tilespmem:$0x12800] =	vst v63  }
.LBB2_2:
0x37: {  	_ =	swait.ge [sflag:s0], $0x2000  }
0x38: {  	[sflag:s0] =	ssyncset.done $0x0  }
0x39: {  	[sflag:s0] =	ssyncadd.s32 $0xFFFFE000  }
0x3a: {  	_ =	swait.ge [sflag:s22], $0x2000  }
0x3b: {  	[sflag:s22] =	ssyncset.done $0x0;
	s9 =	rddreg [dreg:$0x8]  }
0x3c: {  	s10 =	simm.s32 $0x2800;
	[sflag:s22] =	ssyncadd.s32 $0xFFFFE000;
	s9 =	sadd.s32 s8, s9  }
0x3d: {  	[hbm4b:s9+s4] =	stream.linear.scatter [tilespmem:s10], [sflag:$0x9], $0x2000, $0x38;
	[tilespmem:$0x12800] =	vst v63  }
0x3e: {  	s10 =	rddreg [dreg:$0x7]  }
0x3f: {  	s11 =	simm.s32 $0xA800;
	s9 =	sadd.s32 s8, s10  }
0x40: {  	[hbm4b:s9+s4] =	stream.linear.scatter [tilespmem:s11], [sflag:$0xD], $0x2000, $0x38;
	[tilespmem:$0x12800] =	vst v63  }
0x41: {  	_ =	swait.ge [sflag:s24], $0x2000  }
0x42: {  	[sflag:s24] =	ssyncset.done $0x0  }
0x43: {  	[sflag:s24] =	ssyncadd.s32 $0xFFFFE000  }
0x44: {  	p0 =	seq.s32 s8, $0x9000;
	_ =	swait.ge [sflag:s26], $0x2000  }
0x45: {  	s12 =	simm.s32 @!p0 $0x2800;
	s9 =	sshra.s32 @!p0 s28, $0x2;
	[sflag:s26] =	ssyncset.done $0x0  }
0x46: {  	s11 =	simm.s32 @!p0 $0x80;
	s10 =	sadd.s32 @!p0 $0x200, s9;
	[sflag:s26] =	ssyncadd.s32 $0xFFFFE000  }
0x47: {  	[tilespmem:s12], [sflag:$0x1] =	stream.indirect.gather @!p0 [hbm4b:s1+s11], $0x40, s10, s11, $0xb8;
	[tilespmem:$0x12800] =	vst v63  }
0x48: {  	s10 =	sadd.s32 @!p0 $0x1600, s9;
	s12 =	simm.s32 @!p0 $0xA800  }
0x49: {  	[tilespmem:s12], [sflag:$0x5] =	stream.indirect.gather @!p0 [hbm4b:s3+s11], $0x40, s10, s11, $0xb8;
	[tilespmem:$0x12800] =	vst v63  }
0x4a: {  	_ =	swait.ge [sflag:s29], $0x2000  }
0x4b: {  	[sflag:s29] =	ssyncset.done $0x0  }
0x4c: {  	[sflag:s29] =	ssyncadd.s32 $0xFFFFE000  }
0x4d: {  	_ =	swait.ge [sflag:s31], $0x2000  }
0x4e: {  	[sflag:s31] =	ssyncset.done $0x0  }
0x4f: {  	s10 =	sadd.s32 s8, s14;
	s12 =	simm.s32 $0x4800;
	[sflag:s31] =	ssyncadd.s32 $0xFFFFE000  }
0x50: {  	[hbm4b:s10+s4] =	stream.linear.scatter [tilespmem:s12], [sflag:$0xA], $0x2000, $0x38;
	[tilespmem:$0x12800] =	vst v63  }
0x51: {  	s10 =	sadd.s32 s8, s15;
	s12 =	simm.s32 $0xC800  }
0x52: {  	[hbm4b:s10+s4] =	stream.linear.scatter [tilespmem:s12], [sflag:$0xE], $0x2000, $0x38;
	[tilespmem:$0x12800] =	vst v63  }
0x53: {  	_ =	swait.ge [sflag:s5], $0x2000  }
0x54: {  	[sflag:s5] =	ssyncset.done $0x0  }
0x55: {  	[sflag:s5] =	ssyncadd.s32 $0xFFFFE000  }
0x56: {  	_ =	swait.ge [sflag:s6], $0x2000  }
0x57: {  	[sflag:s6] =	ssyncset.done $0x0  }
0x58: {  	s10 =	sadd.s32 @!p0 $0x280, s9;
	s12 =	simm.s32 @!p0 $0x4800;
	[sflag:s6] =	ssyncadd.s32 $0xFFFFE000  }
0x59: {  	[tilespmem:s12], [sflag:$0x2] =	stream.indirect.gather @!p0 [hbm4b:s1+s11], $0x40, s10, s11, $0xb8;
	[tilespmem:$0x12800] =	vst v63  }
0x5a: {  	s10 =	sadd.s32 @!p0 $0x1680, s9;
	s12 =	simm.s32 @!p0 $0xC800  }
0x5b: {  	[tilespmem:s12], [sflag:$0x6] =	stream.indirect.gather @!p0 [hbm4b:s3+s11], $0x40, s10, s11, $0xb8;
	[tilespmem:$0x12800] =	vst v63  }
0x5c: {  	_ =	swait.ge [sflag:s7], $0x2000  }
0x5d: {  	[sflag:s7] =	ssyncset.done $0x0  }
0x5e: {  	[sflag:s7] =	ssyncadd.s32 $0xFFFFE000  }
0x5f: {  	_ =	swait.ge [sflag:s17], $0x2000  }
0x60: {  	[sflag:s17] =	ssyncset.done $0x0;
	s12 =	rddreg [dreg:$0xb]  }
0x61: {  	[sflag:s17] =	ssyncadd.s32 $0xFFFFE000;
	s10 =	sadd.s32 s8, s12;
	s12 =	simm.s32 $0x6800  }
0x62: {  	[hbm4b:s10+s4] =	stream.linear.scatter [tilespmem:s12], [sflag:$0xB], $0x2000, $0x38;
	[tilespmem:$0x12800] =	vst v63  }
0x63: {  	s10 =	sadd.s32 s8, s13;
	s12 =	simm.s32 $0xE800  }
0x64: {  	[hbm4b:s10+s4] =	stream.linear.scatter [tilespmem:s12], [sflag:$0xF], $0x2000, $0x38;
	[tilespmem:$0x12800] =	vst v63  }
0x65: {  	_ =	swait.ge [sflag:s16], $0x2000  }
0x66: {  	[sflag:s16] =	ssyncset.done $0x0  }
0x67: {  	[sflag:s16] =	ssyncadd.s32 $0xFFFFE000  }
0x68: {  	_ =	swait.ge [sflag:s19], $0x2000  }
0x69: {  	[sflag:s19] =	ssyncset.done $0x0  }
0x6a: {  	s10 =	sadd.s32 @!p0 $0x300, s9;
	s12 =	simm.s32 @!p0 $0x6800;
	[sflag:s19] =	ssyncadd.s32 $0xFFFFE000  }
0x6b: {  	[tilespmem:s12], [sflag:$0x3] =	stream.indirect.gather @!p0 [hbm4b:s1+s11], $0x40, s10, s11, $0xb8;
	[tilespmem:$0x12800] =	vst v63  }
0x6c: {  	s9 =	sadd.s32 @!p0 $0x1700, s9;
	s10 =	simm.s32 @!p0 $0xE800  }
0x6d: {  	[tilespmem:s10], [sflag:$0x7] =	stream.indirect.gather @!p0 [hbm4b:s3+s11], $0x40, s9, s11, $0xb8;
	[tilespmem:$0x12800] =	vst v63  }
0x6e: {  	_ =	swait.ge [sflag:s20], $0x2000  }
0x6f: {  	[sflag:s20] =	ssyncset.done $0x0  }
0x70: {  	[sflag:s20] =	ssyncadd.s32 $0xFFFFE000  }
0x71: {  	_ =	swait.ge [sflag:s21], $0x2000  }
0x72: {  	[sflag:s21] =	ssyncset.done $0x0;
	s11 =	rddreg [dreg:$0x9]  }
0x73: {  	s12 =	rddreg [dreg:$0xa];
	[sflag:s21] =	ssyncadd.s32 $0xFFFFE000;
	s9 =	sadd.s32 s8, s11  }
0x74: {  	[hbm4b:s9+s4] =	stream.linear.scatter [tilespmem:s30], [sflag:$0xC], $0x2000, $0x38;
	[tilespmem:$0x12800] =	vst v63  }
0x75: {  	s9 =	sadd.s32 s8, s12  }
0x76: {  	[hbm4b:s9+s4] =	stream.linear.scatter [tilespmem:s2], [sflag:$0x10], $0x2000, $0x38;
	[tilespmem:$0x12800] =	vst v63  }
0x77: {  	_ =	swait.ge [sflag:s23], $0x2000  }
.Ltmp2:
0x78: {  	[sflag:s23] =	ssyncset.done $0x0;
	(pc) =	sbr.rel @p0 .LBB2_4-.Ltmp2, $4  }
0x79: {  	[sflag:s23] =	ssyncadd.s32 $0xFFFFE000  }
0x7a: {  	_ =	swait.ge [sflag:s25], $0x2000  }
0x7b: {  	[sflag:s25] =	ssyncset.done $0x0  }
0x7c: {  	[sflag:s25] =	ssyncadd.s32 $0xFFFFE000  }
.Ltmp3:
0x7d: {  	s9 =	sshra.s32 s28, $0x2;
	(pc) =	sbr.rel .LBB2_2-.Ltmp3, $4  }
0x7e: {  	s10 =	sadd.s32 $0x380, s9  }
0x7f: {  	[tilespmem:s30], [sflag:$0x4] =	stream.indirect.gather [hbm4b:s1+s18], $0x40, s10, s18, $0xb8;
	[tilespmem:$0x12800] =	vst v63  }
0x80: {  	s8 =	sadd.s32 $0x1000, s8;
	s28 =	sadd.s32 $0x800, s28;
	s9 =	sadd.s32 $0x1780, s9  }
0x81: {  	[tilespmem:s2], [sflag:$0x8] =	stream.indirect.gather [hbm4b:s3+s18], $0x40, s9, s18, $0xb8;
	[tilespmem:$0x12800] =	vst v63  }
.LBB2_5:
0x82: {  	_ =	sfence.sel $0x180000  }
0x83: {  	[bflag:$0x0] =	sbarrier.arrive $0xFFFF  }
0x84: {  	_ =	strace $0x90000047  }
0x85: {  	s0 =	stileid.u32;
	[bflag:$0x2] =	sbarrier.arrive $0xFFFF  }
0x86: {  	p0 =	sne.s32 s0, $0x0;
	s0 =	rddreg [dreg:$0x3]  }
0x87: {  	s0 =	sadd.s32 @!p0 $0x100000, s0  }
0x88: {  	[sflag:s0] =	ssyncadd.tile.s32 @!p0 $0x1;
	_ =	shalt  }
.Lfunc_end2:
_tile_overlayer_lowered:
.L_overlay_start_2:
0x89: {  	(tag) =	ssettag $0x2  }
0x8a: {  	s0 =	rddreg [dreg:$0x0];
	s2 =	stileid.u32  }
0x8b: {  	s1 =	rddreg [dreg:$0x1];
	p0 =	sne.s32 s2, $0x0  }
0x8c: {  	s3 =	rddreg [dreg:$0x2];
	[bflag:$0x3] =	sbarrier.arrive $0xFFFF;
	s2 =	simm.s32 @!p0 $0x1C11  }
0x8d: {  	[timem:s3], [sflag:s2] =	dma.local @!p0 [hbm:s0], s1  }
0x8e: {  	s0 =	simm.s32 @!p0 $0x11  }
0x8f: {  	_ =	swait.ge @!p0 [sflag:s0], s1  }
0x90: {  	s1 =	ssub.s32 @!p0 $0x0, s1;
	[sflag:s0] =	ssyncset.done @!p0 $0x0  }
0x91: {  	[sflag:s0] =	ssyncadd.s32 @!p0 s1  }
0x92: {  	[bflag:$0x3] =	sbarrier.arrive $0xFFFF  }
0x93: {  	_ =	shalt  }

</sc_bundles>
